<compile_context>
chip_gen: v7x
topology: tpu7x:2x2x1
jax: 0.10.2.dev20260603
libtpu: 0.0.44.dev20260713+nightly
codegen_flags: <defaults>
</compile_context>

<pallas_src>
import functools

import numpy as np
import jax
import jax.numpy as jnp
from jax import lax
from jax.experimental import pallas as pl
from jax.experimental.pallas import tpu as pltpu
from jax.experimental.pallas import tpu_sc as plsc

NC = 2
NS = 16
NW = NC * NS
LANES = 16
K = 128


def _tc1_body(x_ref, w_ref, al_ref, ar_ref, feat_ref, el_ref, er_ref):
    y = jnp.dot(x_ref[...], w_ref[...], preferred_element_type=jnp.float32)
    feat_ref[...] = y
    el_ref[...] = jnp.dot(y, al_ref[...], preferred_element_type=jnp.float32)
    er_ref[...] = jnp.dot(y, ar_ref[...], preferred_element_type=jnp.float32)


def _tc_transform(x, w2, al, ar, bm):
    n, in_feat = x.shape
    kdim = w2.shape[1]
    rh = al.shape[1]
    return pl.pallas_call(
        _tc1_body,
        grid=(n // bm,),
        in_specs=[
            pl.BlockSpec((bm, in_feat), lambda i: (i, 0)),
            pl.BlockSpec((in_feat, kdim), lambda i: (0, 0)),
            pl.BlockSpec((kdim, rh), lambda i: (0, 0)),
            pl.BlockSpec((kdim, rh), lambda i: (0, 0)),
        ],
        out_specs=[
            pl.BlockSpec((bm, kdim), lambda i: (i, 0)),
            pl.BlockSpec((bm, rh), lambda i: (i, 0)),
            pl.BlockSpec((bm, rh), lambda i: (i, 0)),
        ],
        out_shape=[
            jax.ShapeDtypeStruct((n, kdim), jnp.float32),
            jax.ShapeDtypeStruct((n, rh), jnp.float32),
            jax.ShapeDtypeStruct((n, rh), jnp.float32),
        ],
    )(x, w2, al, ar)


def _sc_edge_softmax_stats(src, dst, et, el16, er16, rmap, zeros_a, e_total,
                           npad):
    nchunks = e_total // K
    full_iters = nchunks // NW
    rem = nchunks - full_iters * NW
    stripe = npad // NS
    mesh = plsc.VectorSubcoreMesh(core_axis_name="c", subcore_axis_name="s")

    @functools.partial(
        pl.kernel,
        mesh=mesh,
        compiler_params=pltpu.CompilerParams(use_tc_tiling_on_sc=False, needs_layout_passes=False),
        out_type=[
            jax.ShapeDtypeStruct((e_total, 16), jnp.float32),
            jax.ShapeDtypeStruct((NC, npad, 16), jnp.float32),
        ],
        scratch_types=[
            pltpu.VMEM((2, K), jnp.int32),
            pltpu.VMEM((2, K), jnp.int32),
            pltpu.VMEM((2, K + LANES), jnp.int32),
            pltpu.VMEM((2, K, 16), jnp.float32),
            pltpu.VMEM((2, K, 16), jnp.float32),
            pltpu.VMEM((2, K, 16), jnp.float32),
            pltpu.VMEM((LANES,), jnp.int32),
            pltpu.VMEM_SHARED((npad, 16), jnp.float32),
            pltpu.SemaphoreType.DMA,
            pltpu.SemaphoreType.DMA,
        ],
    )
    def k(src_h, dst_h, et_h, el_h, er_h, rmap_h, zero_h, ex_h, dpart_h,
          src_db, dst_db, et_db, el_db, er_db, ex_db, rmap_v, denom_sh,
          sem0, sem1):
        c = lax.axis_index("c")
        s = lax.axis_index("s")
        w = c * NS + s
        sems = (sem0, sem1)

        pltpu.sync_copy(rmap_h, rmap_v)
        pltpu.sync_copy(zero_h, denom_sh.at[pl.ds(s * stripe, stripe)])
        plsc.subcore_barrier()

        def issue(i, b):
            base = (i * NW + w) * K
            pltpu.sync_copy(src_h.at[pl.ds(base, K)], src_db.at[b])
            pltpu.sync_copy(dst_h.at[pl.ds(base, K)], dst_db.at[b])
            pltpu.sync_copy(et_h.at[pl.ds(base, K)],
                            et_db.at[b].at[pl.ds(0, K)])
            pltpu.async_copy(el_h.at[src_db.at[b]], el_db.at[b], sems[b])
            pltpu.async_copy(er_h.at[dst_db.at[b]], er_db.at[b], sems[b])

        def compute_core(i, b):
            base = (i * NW + w) * K
            rmap = rmap_v[...]

            def edge_body(j, carry):
                e16 = el_db[b, j, :] + er_db[b, j, :]
                ex16 = jnp.exp(jnp.maximum(e16, 0.2 * e16))
                et_j = et_db.at[b][pl.ds(j, LANES)][0]
                mask = rmap == jnp.full((LANES,), et_j, jnp.int32)
                ex_db[b, j, :] = jnp.where(mask, ex16, 0.0)
                return carry

            lax.fori_loop(0, K, edge_body, 0)
            pltpu.sync_copy(ex_db.at[b], ex_h.at[pl.ds(base, K)])
            pltpu.sync_copy(ex_db.at[b], denom_sh.at[dst_db.at[b]],
                            add=True)

        def compute(i, b):
            pltpu.make_async_copy(el_h.at[src_db.at[b]], el_db.at[b],
                                  sems[b]).wait()
            pltpu.make_async_copy(er_h.at[dst_db.at[b]], er_db.at[b],
                                  sems[b]).wait()
            compute_core(i, b)

        issue(0, 0)

        def loop_body(it2, carry):
            for b in range(2):
                i = it2 * 2 + b

                @pl.when(i + 1 < full_iters)
                def _():
                    issue(i + 1, 1 - b)

                compute(i, b)
            return carry

        assert full_iters % 2 == 0
        lax.fori_loop(0, full_iters // 2, loop_body, 0)

        if rem:
            @pl.when(w < rem)
            def _():
                i = full_iters
                base = (i * NW + w) * K
                pltpu.sync_copy(src_h.at[pl.ds(base, K)], src_db.at[0])
                pltpu.sync_copy(dst_h.at[pl.ds(base, K)], dst_db.at[0])
                pltpu.sync_copy(et_h.at[pl.ds(base, K)],
                                et_db.at[0].at[pl.ds(0, K)])
                pltpu.sync_copy(el_h.at[src_db.at[0]], el_db.at[0])
                pltpu.sync_copy(er_h.at[dst_db.at[0]], er_db.at[0])
                compute_core(i, 0)

        plsc.subcore_barrier()
        pltpu.sync_copy(denom_sh.at[pl.ds(s * stripe, stripe)],
                        dpart_h.at[c, pl.ds(s * stripe, stripe)])

    return k(src, dst, et, el16, er16, rmap, zeros_a)


def _sc_inv_table(dpart, npad):
    cn = npad // NW
    mesh = plsc.VectorSubcoreMesh(core_axis_name="c", subcore_axis_name="s")

    @functools.partial(
        pl.kernel,
        mesh=mesh,
        compiler_params=pltpu.CompilerParams(use_tc_tiling_on_sc=False, needs_layout_passes=False),
        out_type=jax.ShapeDtypeStruct((npad, 16), jnp.float32),
        scratch_types=[
            pltpu.VMEM((cn, 16), jnp.float32),
            pltpu.VMEM((cn, 16), jnp.float32),
            pltpu.VMEM((cn, 16), jnp.float32),
            pltpu.VMEM((LANES,), jnp.float32),
        ],
    )
    def k(dp_h, inv_h, d0_v, d1_v, inv_v, frow):
        c = lax.axis_index("c")
        s = lax.axis_index("s")
        w = c * NS + s
        start = w * cn
        pltpu.sync_copy(dp_h.at[0, pl.ds(start, cn)], d0_v)
        pltpu.sync_copy(dp_h.at[1, pl.ds(start, cn)], d1_v)

        def body(i, carry):
            v = d0_v[i, :] + d1_v[i, :]
            frow[...] = jnp.where(v > 0.0, 1.0, 0.0)
            dr = plsc.load_gather(frow, [jnp.full((LANES,), 0, jnp.int32)])
            for kk in range(1, 4):
                dr = dr + plsc.load_gather(
                    frow, [jnp.full((LANES,), 4 * kk, jnp.int32)])
            dr = jnp.maximum(dr, 1.0)
            inv_v[i, :] = 1.0 / ((v + 1e-9) * dr)
            return carry

        lax.fori_loop(0, cn, body, 0)
        pltpu.sync_copy(inv_v, inv_h.at[pl.ds(start, cn)])

    return k(dpart)


def _sc_scatter_out(idxf, dst, ex16, inv16, feat4, cmap, zeros_c, e_total,
                    npad, out_feat):
    nchunks = e_total // K
    full_iters = nchunks // NW
    rem = nchunks - full_iters * NW
    assert full_iters % 2 == 0
    stripe = npad // NS
    mesh = plsc.VectorSubcoreMesh(core_axis_name="c", subcore_axis_name="s")

    @functools.partial(
        pl.kernel,
        mesh=mesh,
        compiler_params=pltpu.CompilerParams(use_tc_tiling_on_sc=False, needs_layout_passes=False),
        out_type=jax.ShapeDtypeStruct((NC, npad, out_feat), jnp.float32),
        scratch_types=[
            pltpu.VMEM((2, K), jnp.int32),
            pltpu.VMEM((2, K), jnp.int32),
            pltpu.VMEM((2, K, 16), jnp.float32),
            pltpu.VMEM((2, K, 16), jnp.float32),
            pltpu.VMEM((LANES,), jnp.float32),
            pltpu.VMEM((K * LANES,), jnp.float32),
            pltpu.VMEM((LANES,), jnp.int32),
            pltpu.VMEM((2, K, out_feat), jnp.float32),
            pltpu.VMEM_SHARED((npad, out_feat), jnp.float32),
            pltpu.SemaphoreType.DMA,
            pltpu.SemaphoreType.DMA,
        ],
    )
    def k(idxf_h, dst_h, ex_h, inv_h, feat_h, cmap_h, zero_h, opart_h,
          idxf_db, dst_db, ex_db, inv_db, wrow, wf1d, cmap_v, rows_db,
          out_sh, sem0, sem1):
        c = lax.axis_index("c")
        s = lax.axis_index("s")
        w = c * NS + s
        sems = (sem0, sem1)

        pltpu.sync_copy(cmap_h, cmap_v)
        pltpu.sync_copy(zero_h, out_sh.at[pl.ds(s * stripe, stripe)])
        plsc.subcore_barrier()

        def issue(i, b):
            base = (i * NW + w) * K
            pltpu.sync_copy(idxf_h.at[pl.ds(base, K)], idxf_db.at[b])
            pltpu.sync_copy(dst_h.at[pl.ds(base, K)], dst_db.at[b])
            pltpu.sync_copy(ex_h.at[pl.ds(base, K)], ex_db.at[b])
            pltpu.sync_copy(inv_h.at[dst_db.at[b]], inv_db.at[b])
            pltpu.async_copy(feat_h.at[idxf_db.at[b]], rows_db.at[b],
                             sems[b])

        def compute_core(b):
            def w_body(j, carry):
                w16 = ex_db[b, j, :] * inv_db[b, j, :]
                wrow[...] = w16
                cmap = cmap_v[...]
                acc = plsc.load_gather(wrow, [cmap])
                for kk in range(1, 4):
                    acc = acc + plsc.load_gather(wrow, [cmap + (4 * kk)])
                wf1d[pl.ds(j * LANES, LANES)] = acc
                return carry

            lax.fori_loop(0, K, w_body, 0)

            def scale_body(j, carry):
                for h in range(4):
                    idx = jnp.full((LANES,), j * LANES + h, jnp.int32)
                    wv = plsc.load_gather(wf1d, [idx])
                    for k2 in range(2):
                        csl = pl.ds(h * 32 + k2 * LANES, LANES)
                        rows_db[b, j, csl] = rows_db[b, j, csl] * wv
                return carry

            lax.fori_loop(0, K, scale_body, 0)
            pltpu.sync_copy(rows_db.at[b], out_sh.at[dst_db.at[b]],
                            add=True)

        def compute(b):
            pltpu.make_async_copy(feat_h.at[idxf_db.at[b]], rows_db.at[b],
                                  sems[b]).wait()
            compute_core(b)

        issue(0, 0)

        def loop_body(it2, carry):
            for b in range(2):
                i = it2 * 2 + b

                @pl.when(i + 1 < full_iters)
                def _():
                    issue(i + 1, 1 - b)

                compute(b)
            return carry

        lax.fori_loop(0, full_iters // 2, loop_body, 0)

        if rem:
            @pl.when(w < rem)
            def _():
                base = (full_iters * NW + w) * K
                pltpu.sync_copy(idxf_h.at[pl.ds(base, K)], idxf_db.at[0])
                pltpu.sync_copy(dst_h.at[pl.ds(base, K)], dst_db.at[0])
                pltpu.sync_copy(ex_h.at[pl.ds(base, K)], ex_db.at[0])
                pltpu.sync_copy(inv_h.at[dst_db.at[0]], inv_db.at[0])
                pltpu.sync_copy(feat_h.at[idxf_db.at[0]], rows_db.at[0])
                compute_core(0)

        plsc.subcore_barrier()
        pltpu.sync_copy(out_sh.at[pl.ds(s * stripe, stripe)],
                        opart_h.at[c, pl.ds(s * stripe, stripe)])

    return k(idxf, dst, ex16, inv16, feat4, cmap, zeros_c)


def _tc2_body(op_ref, b_ref, o_ref):
    o_ref[...] = op_ref[0] + op_ref[1] + b_ref[...]


def _tc_combine(opart, bias2d, n, bm):
    _, _, d = opart.shape
    return pl.pallas_call(
        _tc2_body,
        grid=(n // bm,),
        in_specs=[
            pl.BlockSpec((2, bm, d), lambda i: (0, i, 0)),
            pl.BlockSpec((1, d), lambda i: (0, 0)),
        ],
        out_specs=pl.BlockSpec((bm, d), lambda i: (i, 0)),
        out_shape=jax.ShapeDtypeStruct((n, d), jnp.float32),
    )(opart, bias2d)


def kernel(x, edge_index, edge_type, conv_weights, attn_l, attn_r, h_bias):
    n, in_feat = x.shape
    r, h, _, dh = conv_weights.shape
    e_total = edge_type.shape[0]
    out_feat = h * dh
    rh = r * h
    nseg = n * r

    w2 = conv_weights.transpose(2, 0, 1, 3).reshape(in_feat, rh * dh)
    eye = jnp.eye(rh, dtype=jnp.float32)
    al = (attn_l.reshape(rh, dh)[:, :, None] * eye[:, None, :]).reshape(
        rh * dh, rh)
    ar = (attn_r.reshape(rh, dh)[:, :, None] * eye[:, None, :]).reshape(
        rh * dh, rh)

    feat, el16, er16 = _tc_transform(x, w2, al, ar, bm=400)
    feat4 = feat.reshape(nseg, out_feat)

    src = edge_index[0]
    dst = edge_index[1]
    idxf = src * r + edge_type

    rmap = jnp.asarray(np.arange(LANES) // 4, jnp.int32)
    cmap = jnp.asarray(np.arange(LANES) % 4, jnp.int32)

    npad = ((n + 8 * NS - 1) // (8 * NS)) * 8 * NS
    zeros_a = jnp.zeros((npad // NS, 16), jnp.float32)
    zeros_c = jnp.zeros((npad // NS, out_feat), jnp.float32)

    ex16, dpart = _sc_edge_softmax_stats(src, dst, edge_type, el16, er16,
                                         rmap, zeros_a, e_total, npad)
    inv16 = _sc_inv_table(dpart, npad)
    opart = _sc_scatter_out(idxf, dst, ex16, inv16, feat4, cmap, zeros_c,
                            e_total, npad, out_feat)
    return _tc_combine(opart, h_bias.reshape(1, out_feat), n, bm=400)

# --- scband reference (transcript-rebuilt; emitter-appended) ---
"""Pipeline reference for scband-het-relational-att-layer-32744830665256 (READ-ONLY COPY).

The authoritative reference and input builder live on the scoring server;
editing this copy changes nothing except your own understanding.
"""

import jax, jax.numpy as jnp
import numpy as np

N = 10000
E = 320000
R = 4
H = 4
IN_FEAT = 128
OUT_FEAT = 128
DH = OUT_FEAT // H
NEG_SLOPE = 0.2


def setup_inputs(seed: int = 0) -> dict:
    key = jax.random.key(seed)
    ks = jax.random.split(key, 8)
    x = jax.random.normal(ks[0], (N, IN_FEAT), dtype=jnp.float32)
    edge_index = jax.random.randint(ks[1], (2, E), 0, N, dtype=jnp.int32)
    edge_type = jnp.sort(jax.random.randint(ks[2], (E,), 0, R, dtype=jnp.int32))
    conv_weights = jax.random.normal(ks[3], (R, H, IN_FEAT, DH), dtype=jnp.float32) * 0.05
    attn_l = jax.random.normal(ks[4], (R, H, DH), dtype=jnp.float32) * 0.05
    attn_r = jax.random.normal(ks[5], (R, H, DH), dtype=jnp.float32) * 0.05
    h_bias = jnp.zeros((OUT_FEAT,), dtype=jnp.float32)
    return {
        "x": x,
        "edge_index": edge_index,
        "edge_type": edge_type,
        "conv_weights": conv_weights,
        "attn_l": attn_l,
        "attn_r": attn_r,
        "h_bias": h_bias,
    }


def reference(x, edge_index, edge_type, conv_weights, attn_l, attn_r, h_bias):
    src = edge_index[0]
    dst = edge_index[1]
    # Per-relation linear transform of all node features: [R, N, H, DH]
    feat_all = jnp.einsum("ni,rhio->rnho", x, conv_weights)
    # rgat_relational_matmul: gather transformed feature per edge under its relation
    feat_src = feat_all[edge_type, src]  # [E, H, DH]
    feat_dst = feat_all[edge_type, dst]  # [E, H, DH]
    # attention logits (el from src side, er from dst side), per relation params
    el = jnp.sum(feat_src * attn_l[edge_type], axis=-1)  # [E, H]
    er = jnp.sum(feat_dst * attn_r[edge_type], axis=-1)  # [E, H]
    e = jax.nn.leaky_relu(el + er, negative_slope=NEG_SLOPE)  # [E, H]
    # relational_fused_gat: softmax over incoming edges per (dst node, relation)
    seg = dst * R + edge_type  # [E]
    num_seg = N * R
    m = jax.ops.segment_max(e, seg, num_segments=num_seg)  # [N*R, H]
    m = jnp.where(jnp.isfinite(m), m, 0.0)
    m = jax.lax.stop_gradient(m)
    ex = jnp.exp(e - m[seg])
    denom = jax.ops.segment_sum(ex, seg, num_segments=num_seg)  # [N*R, H]
    alpha = ex / (denom[seg] + 1e-9)  # [E, H]
    msg = (feat_src * alpha[..., None]).reshape(E, OUT_FEAT)  # [E, OUT]
    out_rel = jax.ops.segment_sum(msg, seg, num_segments=num_seg).reshape(N, R, OUT_FEAT)
    # cross-relation aggregation: average over relations with incoming edges
    counts = jax.ops.segment_sum(jnp.ones((E,), jnp.float32), seg, num_segments=num_seg).reshape(N, R)
    present = (counts > 0).astype(jnp.float32)  # [N, R]
    denom_rel = jnp.maximum(present.sum(axis=1, keepdims=True), 1.0)
    h = (out_rel * present[..., None]).sum(axis=1) / denom_rel  # [N, OUT]
    # bias; self_loop=False, activation=None, dropout=0.0 (identity)
    h = h + h_bias
    return h

if __name__ == "__main__":
    import jax
    _d = setup_inputs()
    print(jax.jit(kernel)(*tuple(_d.values())))

</pallas_src>

<mosaic_0001>
#map = affine_map<(d0, d1) -> (0)>
#map1 = affine_map<(d0, d1) -> (0, 0)>
#map2 = affine_map<(d0, d1) -> (0, 0, 0)>
module attributes {stable_mosaic.version = 14 : i64} {
  func.func @k(%arg0: i32, %arg1: i32, %arg2: memref<320000xi32, #tpu.memory_space<hbm>>, %arg3: memref<320000xi32, #tpu.memory_space<hbm>>, %arg4: memref<320000x16xf32, #tpu.memory_space<hbm>>, %arg5: memref<10112x16xf32, #tpu.memory_space<hbm>>, %arg6: memref<40000x128xf32, #tpu.memory_space<hbm>>, %arg7: memref<16xi32, #tpu.memory_space<hbm>>, %arg8: memref<632x128xf32, #tpu.memory_space<hbm>>, %arg9: memref<2x10112x128xf32, #tpu.memory_space<hbm>>, %arg10: memref<2x128xi32, #tpu.memory_space<vmem>>, %arg11: memref<2x128xi32, #tpu.memory_space<vmem>>, %arg12: memref<2x128x16xf32, #tpu.memory_space<vmem>>, %arg13: memref<2x128x16xf32, #tpu.memory_space<vmem>>, %arg14: memref<16xf32, #tpu.memory_space<vmem>>, %arg15: memref<2048xf32, #tpu.memory_space<vmem>>, %arg16: memref<16xi32, #tpu.memory_space<vmem>>, %arg17: memref<2x128x128xf32, #tpu.memory_space<vmem>>, %arg18: memref<10112x128xf32, #tpu.memory_space<vmem_shared>>, %arg19: memref<!tpu.dma_semaphore, #tpu.memory_space<semaphore_mem>>, %arg20: memref<!tpu.dma_semaphore, #tpu.memory_space<semaphore_mem>>) attributes {dimension_semantics = [#tpu.dimension_semantics<core_parallel>, #tpu.dimension_semantics<subcore_parallel>], iteration_bounds = array<i64: 2, 16>, scalar_prefetch = 0 : i64, scratch_operands = 11 : i64, tpu.core_type = #tpu.core_type<sc_vector_subcore>, window_params = [{transform_indices = #map}, {transform_indices = #map}, {transform_indices = #map1}, {transform_indices = #map1}, {transform_indices = #map1}, {transform_indices = #map}, {transform_indices = #map1}, {transform_indices = #map2}]} {
    %mul3A = arith.constant 16 : i32
    %mul3A_0 = arith.muli %arg0, %mul3A : i32
    %add3A = arith.addi %mul3A_0, %arg1 : i32
    "tpu.region"() ({
      %run_scoped3A_34 = tpu.sem_alloc : memref<!tpu.dma_semaphore, #tpu.memory_space<semaphore_mem>>
      tpu.enqueue_dma source(%arg7 : memref<16xi32, #tpu.memory_space<hbm>>) target(%arg16 : memref<16xi32, #tpu.memory_space<vmem>>) target_semaphore(%run_scoped3A_34 : memref<!tpu.dma_semaphore, #tpu.memory_space<semaphore_mem>>)
      tpu.wait_dma2 semaphore(%run_scoped3A_34 : memref<!tpu.dma_semaphore, #tpu.memory_space<semaphore_mem>>) src(%arg7 : memref<16xi32, #tpu.memory_space<hbm>>) dst(%arg16 : memref<16xi32, #tpu.memory_space<vmem>>)
      tpu.yield
    }) : () -> ()
    %mul3A_1 = arith.constant 632 : i32
    %mul3A_2 = arith.muli %arg1, %mul3A_1 : i32
    "tpu.region"() ({
      %run_scoped3A_34 = tpu.sem_alloc : memref<!tpu.dma_semaphore, #tpu.memory_space<semaphore_mem>>
      %dma_start3A_35 = arith.constant 0 : i32
      %dma_start3A_36 = tpu.memref_slice %arg18[%mul3A_2, %dma_start3A_35] : memref<10112x128xf32, #tpu.memory_space<vmem_shared>> -> memref<632x128xf32, #tpu.memory_space<vmem_shared>>
      tpu.enqueue_dma source(%arg8 : memref<632x128xf32, #tpu.memory_space<hbm>>) target(%dma_start3A_36 : memref<632x128xf32, #tpu.memory_space<vmem_shared>>) target_semaphore(%run_scoped3A_34 : memref<!tpu.dma_semaphore, #tpu.memory_space<semaphore_mem>>)
      %dma_wait3A = arith.constant 0 : i32
      %dma_wait3A_37 = tpu.memref_slice %arg18[%mul3A_2, %dma_wait3A] : memref<10112x128xf32, #tpu.memory_space<vmem_shared>> -> memref<632x128xf32, #tpu.memory_space<vmem_shared>>
      tpu.wait_dma2 semaphore(%run_scoped3A_34 : memref<!tpu.dma_semaphore, #tpu.memory_space<semaphore_mem>>) src(%arg8 : memref<632x128xf32, #tpu.memory_space<hbm>>) dst(%dma_wait3A_37 : memref<632x128xf32, #tpu.memory_space<vmem_shared>>)
      tpu.yield
    }) : () -> ()
    %barrier3A = arith.constant 0 : index
    tpu.barrier barrier_id(%barrier3A)
    %add3A_3 = arith.constant 0 : i32
    %add3A_4 = arith.addi %add3A_3, %add3A : i32
    %mul3A_5 = arith.constant 128 : i32
    %mul3A_6 = arith.muli %add3A_4, %mul3A_5 : i32
    %run_scoped3A = arith.constant 0 : i32
    "tpu.region"() ({
      %run_scoped3A_34 = tpu.sem_alloc : memref<!tpu.dma_semaphore, #tpu.memory_space<semaphore_mem>>
      %dma_start3A_35 = arith.constant 0 : i32
      %dma_start3A_36 = tpu.memref_slice %arg10[%run_scoped3A, %dma_start3A_35] : memref<2x128xi32, #tpu.memory_space<vmem>> -> memref<1x128xi32, #tpu.memory_space<vmem>>
      %dma_start3A_37 = tpu.memref_squeeze %dma_start3A_36 : memref<1x128xi32, #tpu.memory_space<vmem>> -> memref<128xi32, #tpu.memory_space<vmem>>
      %dma_start3A_38 = tpu.memref_slice %arg2[%mul3A_6] : memref<320000xi32, #tpu.memory_space<hbm>> -> memref<128xi32, #tpu.memory_space<hbm>>
      %dma_start3A_39 = arith.constant 0 : i32
      %dma_start3A_40 = tpu.memref_slice %arg10[%run_scoped3A, %dma_start3A_39] : memref<2x128xi32, #tpu.memory_space<vmem>> -> memref<1x128xi32, #tpu.memory_space<vmem>>
      %dma_start3A_41 = tpu.memref_squeeze %dma_start3A_40 : memref<1x128xi32, #tpu.memory_space<vmem>> -> memref<128xi32, #tpu.memory_space<vmem>>
      %dma_start3A_42 = tpu.memref_slice %arg2[%mul3A_6] : memref<320000xi32, #tpu.memory_space<hbm>> -> memref<128xi32, #tpu.memory_space<hbm>>
      tpu.enqueue_dma source(%dma_start3A_42 : memref<128xi32, #tpu.memory_space<hbm>>) target(%dma_start3A_41 : memref<128xi32, #tpu.memory_space<vmem>>) target_semaphore(%run_scoped3A_34 : memref<!tpu.dma_semaphore, #tpu.memory_space<semaphore_mem>>)
      %dma_wait3A = arith.constant 0 : i32
      %dma_wait3A_43 = tpu.memref_slice %arg10[%run_scoped3A, %dma_wait3A] : memref<2x128xi32, #tpu.memory_space<vmem>> -> memref<1x128xi32, #tpu.memory_space<vmem>>
      %dma_wait3A_44 = tpu.memref_squeeze %dma_wait3A_43 : memref<1x128xi32, #tpu.memory_space<vmem>> -> memref<128xi32, #tpu.memory_space<vmem>>
      %dma_wait3A_45 = tpu.memref_slice %arg2[%mul3A_6] : memref<320000xi32, #tpu.memory_space<hbm>> -> memref<128xi32, #tpu.memory_space<hbm>>
      %dma_wait3A_46 = arith.constant 0 : i32
      %dma_wait3A_47 = tpu.memref_slice %arg10[%run_scoped3A, %dma_wait3A_46] : memref<2x128xi32, #tpu.memory_space<vmem>> -> memref<1x128xi32, #tpu.memory_space<vmem>>
      %dma_wait3A_48 = tpu.memref_squeeze %dma_wait3A_47 : memref<1x128xi32, #tpu.memory_space<vmem>> -> memref<128xi32, #tpu.memory_space<vmem>>
      %dma_wait3A_49 = tpu.memref_slice %arg2[%mul3A_6] : memref<320000xi32, #tpu.memory_space<hbm>> -> memref<128xi32, #tpu.memory_space<hbm>>
      tpu.wait_dma2 semaphore(%run_scoped3A_34 : memref<!tpu.dma_semaphore, #tpu.memory_space<semaphore_mem>>) src(%dma_wait3A_49 : memref<128xi32, #tpu.memory_space<hbm>>) dst(%dma_wait3A_48 : memref<128xi32, #tpu.memory_space<vmem>>)
      tpu.yield
    }) : () -> ()
    %run_scoped3A_7 = arith.constant 0 : i32
    "tpu.region"() ({
      %run_scoped3A_34 = tpu.sem_alloc : memref<!tpu.dma_semaphore, #tpu.memory_space<semaphore_mem>>
      %dma_start3A_35 = arith.constant 0 : i32
      %dma_start3A_36 = tpu.memref_slice %arg11[%run_scoped3A_7, %dma_start3A_35] : memref<2x128xi32, #tpu.memory_space<vmem>> -> memref<1x128xi32, #tpu.memory_space<vmem>>
      %dma_start3A_37 = tpu.memref_squeeze %dma_start3A_36 : memref<1x128xi32, #tpu.memory_space<vmem>> -> memref<128xi32, #tpu.memory_space<vmem>>
      %dma_start3A_38 = tpu.memref_slice %arg3[%mul3A_6] : memref<320000xi32, #tpu.memory_space<hbm>> -> memref<128xi32, #tpu.memory_space<hbm>>
      %dma_start3A_39 = arith.constant 0 : i32
      %dma_start3A_40 = tpu.memref_slice %arg11[%run_scoped3A_7, %dma_start3A_39] : memref<2x128xi32, #tpu.memory_space<vmem>> -> memref<1x128xi32, #tpu.memory_space<vmem>>
      %dma_start3A_41 = tpu.memref_squeeze %dma_start3A_40 : memref<1x128xi32, #tpu.memory_space<vmem>> -> memref<128xi32, #tpu.memory_space<vmem>>
      %dma_start3A_42 = tpu.memref_slice %arg3[%mul3A_6] : memref<320000xi32, #tpu.memory_space<hbm>> -> memref<128xi32, #tpu.memory_space<hbm>>
      tpu.enqueue_dma source(%dma_start3A_42 : memref<128xi32, #tpu.memory_space<hbm>>) target(%dma_start3A_41 : memref<128xi32, #tpu.memory_space<vmem>>) target_semaphore(%run_scoped3A_34 : memref<!tpu.dma_semaphore, #tpu.memory_space<semaphore_mem>>)
      %dma_wait3A = arith.constant 0 : i32
      %dma_wait3A_43 = tpu.memref_slice %arg11[%run_scoped3A_7, %dma_wait3A] : memref<2x128xi32, #tpu.memory_space<vmem>> -> memref<1x128xi32, #tpu.memory_space<vmem>>
      %dma_wait3A_44 = tpu.memref_squeeze %dma_wait3A_43 : memref<1x128xi32, #tpu.memory_space<vmem>> -> memref<128xi32, #tpu.memory_space<vmem>>
      %dma_wait3A_45 = tpu.memref_slice %arg3[%mul3A_6] : memref<320000xi32, #tpu.memory_space<hbm>> -> memref<128xi32, #tpu.memory_space<hbm>>
      %dma_wait3A_46 = arith.constant 0 : i32
      %dma_wait3A_47 = tpu.memref_slice %arg11[%run_scoped3A_7, %dma_wait3A_46] : memref<2x128xi32, #tpu.memory_space<vmem>> -> memref<1x128xi32, #tpu.memory_space<vmem>>
      %dma_wait3A_48 = tpu.memref_squeeze %dma_wait3A_47 : memref<1x128xi32, #tpu.memory_space<vmem>> -> memref<128xi32, #tpu.memory_space<vmem>>
      %dma_wait3A_49 = tpu.memref_slice %arg3[%mul3A_6] : memref<320000xi32, #tpu.memory_space<hbm>> -> memref<128xi32, #tpu.memory_space<hbm>>
      tpu.wait_dma2 semaphore(%run_scoped3A_34 : memref<!tpu.dma_semaphore, #tpu.memory_space<semaphore_mem>>) src(%dma_wait3A_49 : memref<128xi32, #tpu.memory_space<hbm>>) dst(%dma_wait3A_48 : memref<128xi32, #tpu.memory_space<vmem>>)
      tpu.yield
    }) : () -> ()
    %run_scoped3A_8 = arith.constant 0 : i32
    "tpu.region"() ({
      %run_scoped3A_34 = tpu.sem_alloc : memref<!tpu.dma_semaphore, #tpu.memory_space<semaphore_mem>>
      %dma_start3A_35 = arith.constant 0 : i32
      %dma_start3A_36 = arith.constant 0 : i32
      %dma_start3A_37 = tpu.memref_slice %arg12[%run_scoped3A_8, %dma_start3A_35, %dma_start3A_36] : memref<2x128x16xf32, #tpu.memory_space<vmem>> -> memref<1x128x16xf32, #tpu.memory_space<vmem>>
      %dma_start3A_38 = tpu.memref_squeeze %dma_start3A_37 : memref<1x128x16xf32, #tpu.memory_space<vmem>> -> memref<128x16xf32, #tpu.memory_space<vmem>>
      %dma_start3A_39 = arith.constant 0 : i32
      %dma_start3A_40 = tpu.memref_slice %arg4[%mul3A_6, %dma_start3A_39] : memref<320000x16xf32, #tpu.memory_space<hbm>> -> memref<128x16xf32, #tpu.memory_space<hbm>>
      %dma_start3A_41 = arith.constant 0 : i32
      %dma_start3A_42 = arith.constant 0 : i32
      %dma_start3A_43 = tpu.memref_slice %arg12[%run_scoped3A_8, %dma_start3A_41, %dma_start3A_42] : memref<2x128x16xf32, #tpu.memory_space<vmem>> -> memref<1x128x16xf32, #tpu.memory_space<vmem>>
      %dma_start3A_44 = tpu.memref_squeeze %dma_start3A_43 : memref<1x128x16xf32, #tpu.memory_space<vmem>> -> memref<128x16xf32, #tpu.memory_space<vmem>>
      %dma_start3A_45 = arith.constant 0 : i32
      %dma_start3A_46 = tpu.memref_slice %arg4[%mul3A_6, %dma_start3A_45] : memref<320000x16xf32, #tpu.memory_space<hbm>> -> memref<128x16xf32, #tpu.memory_space<hbm>>
      tpu.enqueue_dma source(%dma_start3A_46 : memref<128x16xf32, #tpu.memory_space<hbm>>) target(%dma_start3A_44 : memref<128x16xf32, #tpu.memory_space<vmem>>) target_semaphore(%run_scoped3A_34 : memref<!tpu.dma_semaphore, #tpu.memory_space<semaphore_mem>>)
      %dma_wait3A = arith.constant 0 : i32
      %dma_wait3A_47 = arith.constant 0 : i32
      %dma_wait3A_48 = tpu.memref_slice %arg12[%run_scoped3A_8, %dma_wait3A, %dma_wait3A_47] : memref<2x128x16xf32, #tpu.memory_space<vmem>> -> memref<1x128x16xf32, #tpu.memory_space<vmem>>
      %dma_wait3A_49 = tpu.memref_squeeze %dma_wait3A_48 : memref<1x128x16xf32, #tpu.memory_space<vmem>> -> memref<128x16xf32, #tpu.memory_space<vmem>>
      %dma_wait3A_50 = arith.constant 0 : i32
      %dma_wait3A_51 = tpu.memref_slice %arg4[%mul3A_6, %dma_wait3A_50] : memref<320000x16xf32, #tpu.memory_space<hbm>> -> memref<128x16xf32, #tpu.memory_space<hbm>>
      %dma_wait3A_52 = arith.constant 0 : i32
      %dma_wait3A_53 = arith.constant 0 : i32
      %dma_wait3A_54 = tpu.memref_slice %arg12[%run_scoped3A_8, %dma_wait3A_52, %dma_wait3A_53] : memref<2x128x16xf32, #tpu.memory_space<vmem>> -> memref<1x128x16xf32, #tpu.memory_space<vmem>>
      %dma_wait3A_55 = tpu.memref_squeeze %dma_wait3A_54 : memref<1x128x16xf32, #tpu.memory_space<vmem>> -> memref<128x16xf32, #tpu.memory_space<vmem>>
      %dma_wait3A_56 = arith.constant 0 : i32
      %dma_wait3A_57 = tpu.memref_slice %arg4[%mul3A_6, %dma_wait3A_56] : memref<320000x16xf32, #tpu.memory_space<hbm>> -> memref<128x16xf32, #tpu.memory_space<hbm>>
      tpu.wait_dma2 semaphore(%run_scoped3A_34 : memref<!tpu.dma_semaphore, #tpu.memory_space<semaphore_mem>>) src(%dma_wait3A_57 : memref<128x16xf32, #tpu.memory_space<hbm>>) dst(%dma_wait3A_55 : memref<128x16xf32, #tpu.memory_space<vmem>>)
      tpu.yield
    }) : () -> ()
    %run_scoped3A_9 = arith.constant 0 : i32
    %run_scoped3A_10 = arith.constant 0 : i32
    "tpu.region"() ({
      %run_scoped3A_34 = tpu.sem_alloc : memref<!tpu.dma_semaphore, #tpu.memory_space<semaphore_mem>>
      %dma_start3A_35 = arith.constant 0 : i32
      %dma_start3A_36 = arith.constant 0 : i32
      %dma_start3A_37 = tpu.memref_slice %arg13[%run_scoped3A_10, %dma_start3A_35, %dma_start3A_36] : memref<2x128x16xf32, #tpu.memory_space<vmem>> -> memref<1x128x16xf32, #tpu.memory_space<vmem>>
      %dma_start3A_38 = tpu.memref_squeeze %dma_start3A_37 : memref<1x128x16xf32, #tpu.memory_space<vmem>> -> memref<128x16xf32, #tpu.memory_space<vmem>>
      %dma_start3A_39 = arith.constant 0 : i32
      %dma_start3A_40 = tpu.memref_slice %arg11[%run_scoped3A_9, %dma_start3A_39] : memref<2x128xi32, #tpu.memory_space<vmem>> -> memref<1x128xi32, #tpu.memory_space<vmem>>
      %dma_start3A_41 = tpu.memref_squeeze %dma_start3A_40 : memref<1x128xi32, #tpu.memory_space<vmem>> -> memref<128xi32, #tpu.memory_space<vmem>>
      %dma_start3A_42 = arith.constant 0 : i32
      %dma_start3A_43 = arith.constant 0 : i32
      %dma_start3A_44 = tpu.memref_slice %arg5[%dma_start3A_42, %dma_start3A_43] : memref<10112x16xf32, #tpu.memory_space<hbm>> -> memref<10112x16xf32, #tpu.memory_space<hbm>>
      tpu.enqueue_indirect_dma source(%dma_start3A_44 : memref<10112x16xf32, #tpu.memory_space<hbm>>) target(%dma_start3A_38 : memref<128x16xf32, #tpu.memory_space<vmem>>) offsets(%dma_start3A_41 : memref<128xi32, #tpu.memory_space<vmem>>) semaphore(%run_scoped3A_34 : memref<!tpu.dma_semaphore, #tpu.memory_space<semaphore_mem>>)
      %dma_wait3A = arith.constant 0 : i32
      %dma_wait3A_45 = arith.constant 0 : i32
      %dma_wait3A_46 = tpu.memref_slice %arg13[%run_scoped3A_10, %dma_wait3A, %dma_wait3A_45] : memref<2x128x16xf32, #tpu.memory_space<vmem>> -> memref<1x128x16xf32, #tpu.memory_space<vmem>>
      %dma_wait3A_47 = tpu.memref_squeeze %dma_wait3A_46 : memref<1x128x16xf32, #tpu.memory_space<vmem>> -> memref<128x16xf32, #tpu.memory_space<vmem>>
      %dma_wait3A_48 = arith.constant 0 : i32
      %dma_wait3A_49 = tpu.memref_slice %arg11[%run_scoped3A_9, %dma_wait3A_48] : memref<2x128xi32, #tpu.memory_space<vmem>> -> memref<1x128xi32, #tpu.memory_space<vmem>>
      %dma_wait3A_50 = tpu.memref_squeeze %dma_wait3A_49 : memref<1x128xi32, #tpu.memory_space<vmem>> -> memref<128xi32, #tpu.memory_space<vmem>>
      %dma_wait3A_51 = arith.constant 0 : i32
      %dma_wait3A_52 = arith.constant 0 : i32
      %dma_wait3A_53 = tpu.memref_slice %arg5[%dma_wait3A_51, %dma_wait3A_52] : memref<10112x16xf32, #tpu.memory_space<hbm>> -> memref<10112x16xf32, #tpu.memory_space<hbm>>
      tpu.wait_indirect_dma semaphore(%run_scoped3A_34 : memref<!tpu.dma_semaphore, #tpu.memory_space<semaphore_mem>>) src(%dma_wait3A_53 : memref<10112x16xf32, #tpu.memory_space<hbm>>) dst(%dma_wait3A_47 : memref<128x16xf32, #tpu.memory_space<vmem>>)
      tpu.yield
    }) : () -> ()
    %dma_start3A = arith.constant 0 : i32
    %dma_start3A_11 = arith.constant 0 : i32
    %dma_start3A_12 = arith.constant 0 : i32
    %dma_start3A_13 = arith.constant 0 : i32
    %dma_start3A_14 = tpu.memref_slice %arg17[%dma_start3A_11, %dma_start3A_12, %dma_start3A_13] : memref<2x128x128xf32, #tpu.memory_space<vmem>> -> memref<1x128x128xf32, #tpu.memory_space<vmem>>
    %dma_start3A_15 = tpu.memref_squeeze %dma_start3A_14 : memref<1x128x128xf32, #tpu.memory_space<vmem>> -> memref<128x128xf32, #tpu.memory_space<vmem>>
    %dma_start3A_16 = arith.constant 0 : i32
    %dma_start3A_17 = tpu.memref_slice %arg10[%dma_start3A, %dma_start3A_16] : memref<2x128xi32, #tpu.memory_space<vmem>> -> memref<1x128xi32, #tpu.memory_space<vmem>>
    %dma_start3A_18 = tpu.memref_squeeze %dma_start3A_17 : memref<1x128xi32, #tpu.memory_space<vmem>> -> memref<128xi32, #tpu.memory_space<vmem>>
    %dma_start3A_19 = arith.constant 0 : i32
    %dma_start3A_20 = arith.constant 0 : i32
    %dma_start3A_21 = tpu.memref_slice %arg6[%dma_start3A_19, %dma_start3A_20] : memref<40000x128xf32, #tpu.memory_space<hbm>> -> memref<40000x128xf32, #tpu.memory_space<hbm>>
    tpu.enqueue_indirect_dma source(%dma_start3A_21 : memref<40000x128xf32, #tpu.memory_space<hbm>>) target(%dma_start3A_15 : memref<128x128xf32, #tpu.memory_space<vmem>>) offsets(%dma_start3A_18 : memref<128xi32, #tpu.memory_space<vmem>>) semaphore(%arg19 : memref<!tpu.dma_semaphore, #tpu.memory_space<semaphore_mem>>)
    %scan3A = arith.constant 0 : i32
    %scan3A_22 = arith.constant 0 : i32
    %scan3A_23 = arith.constant 39 : i32
    %scan3A_24 = arith.addi %scan3A_22, %scan3A_23 : i32
    %scan3A_25 = arith.constant 1 : i32
    scf.for %scan3A_34 = %scan3A_22 to %scan3A_24 step %scan3A_25  : i32 {
      %mul3A_35 = arith.constant 2 : i32
      %mul3A_36 = arith.muli %scan3A_34, %mul3A_35 : i32
      %add3A_37 = arith.constant 0 : i32
      %add3A_38 = arith.addi %mul3A_36, %add3A_37 : i32
      %add3A_39 = arith.constant 1 : i32
      %add3A_40 = arith.addi %add3A_38, %add3A_39 : i32
      %lt3A_41 = arith.constant 78 : i32
      %lt3A_42 = arith.cmpi slt, %add3A_40, %lt3A_41 : i32
      %convert_element_type3A_43 = arith.extui %lt3A_42 : i1 to i32
      %cond3A_44 = arith.constant 0 : i32
      %cond3A_45 = arith.cmpi ne, %convert_element_type3A_43, %cond3A_44 : i32
      scf.if %cond3A_45 {
        %add3A_108 = arith.constant 1 : i32
        %add3A_109 = arith.addi %add3A_38, %add3A_108 : i32
        %mul3A_110 = arith.constant 32 : i32
        %mul3A_111 = arith.muli %add3A_109, %mul3A_110 : i32
        %add3A_112 = arith.addi %mul3A_111, %add3A : i32
        %mul3A_113 = arith.constant 128 : i32
        %mul3A_114 = arith.muli %add3A_112, %mul3A_113 : i32
        %run_scoped3A_115 = arith.constant 1 : i32
        "tpu.region"() ({
          %run_scoped3A_132 = tpu.sem_alloc : memref<!tpu.dma_semaphore, #tpu.memory_space<semaphore_mem>>
          %dma_start3A_133 = arith.constant 0 : i32
          %dma_start3A_134 = tpu.memref_slice %arg10[%run_scoped3A_115, %dma_start3A_133] : memref<2x128xi32, #tpu.memory_space<vmem>> -> memref<1x128xi32, #tpu.memory_space<vmem>>
          %dma_start3A_135 = tpu.memref_squeeze %dma_start3A_134 : memref<1x128xi32, #tpu.memory_space<vmem>> -> memref<128xi32, #tpu.memory_space<vmem>>
          %dma_start3A_136 = tpu.memref_slice %arg2[%mul3A_114] : memref<320000xi32, #tpu.memory_space<hbm>> -> memref<128xi32, #tpu.memory_space<hbm>>
          %dma_start3A_137 = arith.constant 0 : i32
          %dma_start3A_138 = tpu.memref_slice %arg10[%run_scoped3A_115, %dma_start3A_137] : memref<2x128xi32, #tpu.memory_space<vmem>> -> memref<1x128xi32, #tpu.memory_space<vmem>>
          %dma_start3A_139 = tpu.memref_squeeze %dma_start3A_138 : memref<1x128xi32, #tpu.memory_space<vmem>> -> memref<128xi32, #tpu.memory_space<vmem>>
          %dma_start3A_140 = tpu.memref_slice %arg2[%mul3A_114] : memref<320000xi32, #tpu.memory_space<hbm>> -> memref<128xi32, #tpu.memory_space<hbm>>
          tpu.enqueue_dma source(%dma_start3A_140 : memref<128xi32, #tpu.memory_space<hbm>>) target(%dma_start3A_139 : memref<128xi32, #tpu.memory_space<vmem>>) target_semaphore(%run_scoped3A_132 : memref<!tpu.dma_semaphore, #tpu.memory_space<semaphore_mem>>)
          %dma_wait3A_141 = arith.constant 0 : i32
          %dma_wait3A_142 = tpu.memref_slice %arg10[%run_scoped3A_115, %dma_wait3A_141] : memref<2x128xi32, #tpu.memory_space<vmem>> -> memref<1x128xi32, #tpu.memory_space<vmem>>
          %dma_wait3A_143 = tpu.memref_squeeze %dma_wait3A_142 : memref<1x128xi32, #tpu.memory_space<vmem>> -> memref<128xi32, #tpu.memory_space<vmem>>
          %dma_wait3A_144 = tpu.memref_slice %arg2[%mul3A_114] : memref<320000xi32, #tpu.memory_space<hbm>> -> memref<128xi32, #tpu.memory_space<hbm>>
          %dma_wait3A_145 = arith.constant 0 : i32
          %dma_wait3A_146 = tpu.memref_slice %arg10[%run_scoped3A_115, %dma_wait3A_145] : memref<2x128xi32, #tpu.memory_space<vmem>> -> memref<1x128xi32, #tpu.memory_space<vmem>>
          %dma_wait3A_147 = tpu.memref_squeeze %dma_wait3A_146 : memref<1x128xi32, #tpu.memory_space<vmem>> -> memref<128xi32, #tpu.memory_space<vmem>>
          %dma_wait3A_148 = tpu.memref_slice %arg2[%mul3A_114] : memref<320000xi32, #tpu.memory_space<hbm>> -> memref<128xi32, #tpu.memory_space<hbm>>
          tpu.wait_dma2 semaphore(%run_scoped3A_132 : memref<!tpu.dma_semaphore, #tpu.memory_space<semaphore_mem>>) src(%dma_wait3A_148 : memref<128xi32, #tpu.memory_space<hbm>>) dst(%dma_wait3A_147 : memref<128xi32, #tpu.memory_space<vmem>>)
          tpu.yield
        }) : () -> ()
        %run_scoped3A_116 = arith.constant 1 : i32
        "tpu.region"() ({
          %run_scoped3A_132 = tpu.sem_alloc : memref<!tpu.dma_semaphore, #tpu.memory_space<semaphore_mem>>
          %dma_start3A_133 = arith.constant 0 : i32
          %dma_start3A_134 = tpu.memref_slice %arg11[%run_scoped3A_116, %dma_start3A_133] : memref<2x128xi32, #tpu.memory_space<vmem>> -> memref<1x128xi32, #tpu.memory_space<vmem>>
          %dma_start3A_135 = tpu.memref_squeeze %dma_start3A_134 : memref<1x128xi32, #tpu.memory_space<vmem>> -> memref<128xi32, #tpu.memory_space<vmem>>
          %dma_start3A_136 = tpu.memref_slice %arg3[%mul3A_114] : memref<320000xi32, #tpu.memory_space<hbm>> -> memref<128xi32, #tpu.memory_space<hbm>>
          %dma_start3A_137 = arith.constant 0 : i32
          %dma_start3A_138 = tpu.memref_slice %arg11[%run_scoped3A_116, %dma_start3A_137] : memref<2x128xi32, #tpu.memory_space<vmem>> -> memref<1x128xi32, #tpu.memory_space<vmem>>
          %dma_start3A_139 = tpu.memref_squeeze %dma_start3A_138 : memref<1x128xi32, #tpu.memory_space<vmem>> -> memref<128xi32, #tpu.memory_space<vmem>>
          %dma_start3A_140 = tpu.memref_slice %arg3[%mul3A_114] : memref<320000xi32, #tpu.memory_space<hbm>> -> memref<128xi32, #tpu.memory_space<hbm>>
          tpu.enqueue_dma source(%dma_start3A_140 : memref<128xi32, #tpu.memory_space<hbm>>) target(%dma_start3A_139 : memref<128xi32, #tpu.memory_space<vmem>>) target_semaphore(%run_scoped3A_132 : memref<!tpu.dma_semaphore, #tpu.memory_space<semaphore_mem>>)
          %dma_wait3A_141 = arith.constant 0 : i32
          %dma_wait3A_142 = tpu.memref_slice %arg11[%run_scoped3A_116, %dma_wait3A_141] : memref<2x128xi32, #tpu.memory_space<vmem>> -> memref<1x128xi32, #tpu.memory_space<vmem>>
          %dma_wait3A_143 = tpu.memref_squeeze %dma_wait3A_142 : memref<1x128xi32, #tpu.memory_space<vmem>> -> memref<128xi32, #tpu.memory_space<vmem>>
          %dma_wait3A_144 = tpu.memref_slice %arg3[%mul3A_114] : memref<320000xi32, #tpu.memory_space<hbm>> -> memref<128xi32, #tpu.memory_space<hbm>>
          %dma_wait3A_145 = arith.constant 0 : i32
          %dma_wait3A_146 = tpu.memref_slice %arg11[%run_scoped3A_116, %dma_wait3A_145] : memref<2x128xi32, #tpu.memory_space<vmem>> -> memref<1x128xi32, #tpu.memory_space<vmem>>
          %dma_wait3A_147 = tpu.memref_squeeze %dma_wait3A_146 : memref<1x128xi32, #tpu.memory_space<vmem>> -> memref<128xi32, #tpu.memory_space<vmem>>
          %dma_wait3A_148 = tpu.memref_slice %arg3[%mul3A_114] : memref<320000xi32, #tpu.memory_space<hbm>> -> memref<128xi32, #tpu.memory_space<hbm>>
          tpu.wait_dma2 semaphore(%run_scoped3A_132 : memref<!tpu.dma_semaphore, #tpu.memory_space<semaphore_mem>>) src(%dma_wait3A_148 : memref<128xi32, #tpu.memory_space<hbm>>) dst(%dma_wait3A_147 : memref<128xi32, #tpu.memory_space<vmem>>)
          tpu.yield
        }) : () -> ()
        %run_scoped3A_117 = arith.constant 1 : i32
        "tpu.region"() ({
          %run_scoped3A_132 = tpu.sem_alloc : memref<!tpu.dma_semaphore, #tpu.memory_space<semaphore_mem>>
          %dma_start3A_133 = arith.constant 0 : i32
          %dma_start3A_134 = arith.constant 0 : i32
          %dma_start3A_135 = tpu.memref_slice %arg12[%run_scoped3A_117, %dma_start3A_133, %dma_start3A_134] : memref<2x128x16xf32, #tpu.memory_space<vmem>> -> memref<1x128x16xf32, #tpu.memory_space<vmem>>
          %dma_start3A_136 = tpu.memref_squeeze %dma_start3A_135 : memref<1x128x16xf32, #tpu.memory_space<vmem>> -> memref<128x16xf32, #tpu.memory_space<vmem>>
          %dma_start3A_137 = arith.constant 0 : i32
          %dma_start3A_138 = tpu.memref_slice %arg4[%mul3A_114, %dma_start3A_137] : memref<320000x16xf32, #tpu.memory_space<hbm>> -> memref<128x16xf32, #tpu.memory_space<hbm>>
          %dma_start3A_139 = arith.constant 0 : i32
          %dma_start3A_140 = arith.constant 0 : i32
          %dma_start3A_141 = tpu.memref_slice %arg12[%run_scoped3A_117, %dma_start3A_139, %dma_start3A_140] : memref<2x128x16xf32, #tpu.memory_space<vmem>> -> memref<1x128x16xf32, #tpu.memory_space<vmem>>
          %dma_start3A_142 = tpu.memref_squeeze %dma_start3A_141 : memref<1x128x16xf32, #tpu.memory_space<vmem>> -> memref<128x16xf32, #tpu.memory_space<vmem>>
          %dma_start3A_143 = arith.constant 0 : i32
          %dma_start3A_144 = tpu.memref_slice %arg4[%mul3A_114, %dma_start3A_143] : memref<320000x16xf32, #tpu.memory_space<hbm>> -> memref<128x16xf32, #tpu.memory_space<hbm>>
          tpu.enqueue_dma source(%dma_start3A_144 : memref<128x16xf32, #tpu.memory_space<hbm>>) target(%dma_start3A_142 : memref<128x16xf32, #tpu.memory_space<vmem>>) target_semaphore(%run_scoped3A_132 : memref<!tpu.dma_semaphore, #tpu.memory_space<semaphore_mem>>)
          %dma_wait3A_145 = arith.constant 0 : i32
          %dma_wait3A_146 = arith.constant 0 : i32
          %dma_wait3A_147 = tpu.memref_slice %arg12[%run_scoped3A_117, %dma_wait3A_145, %dma_wait3A_146] : memref<2x128x16xf32, #tpu.memory_space<vmem>> -> memref<1x128x16xf32, #tpu.memory_space<vmem>>
          %dma_wait3A_148 = tpu.memref_squeeze %dma_wait3A_147 : memref<1x128x16xf32, #tpu.memory_space<vmem>> -> memref<128x16xf32, #tpu.memory_space<vmem>>
          %dma_wait3A_149 = arith.constant 0 : i32
          %dma_wait3A_150 = tpu.memref_slice %arg4[%mul3A_114, %dma_wait3A_149] : memref<320000x16xf32, #tpu.memory_space<hbm>> -> memref<128x16xf32, #tpu.memory_space<hbm>>
          %dma_wait3A_151 = arith.constant 0 : i32
          %dma_wait3A_152 = arith.constant 0 : i32
          %dma_wait3A_153 = tpu.memref_slice %arg12[%run_scoped3A_117, %dma_wait3A_151, %dma_wait3A_152] : memref<2x128x16xf32, #tpu.memory_space<vmem>> -> memref<1x128x16xf32, #tpu.memory_space<vmem>>
          %dma_wait3A_154 = tpu.memref_squeeze %dma_wait3A_153 : memref<1x128x16xf32, #tpu.memory_space<vmem>> -> memref<128x16xf32, #tpu.memory_space<vmem>>
          %dma_wait3A_155 = arith.constant 0 : i32
          %dma_wait3A_156 = tpu.memref_slice %arg4[%mul3A_114, %dma_wait3A_155] : memref<320000x16xf32, #tpu.memory_space<hbm>> -> memref<128x16xf32, #tpu.memory_space<hbm>>
          tpu.wait_dma2 semaphore(%run_scoped3A_132 : memref<!tpu.dma_semaphore, #tpu.memory_space<semaphore_mem>>) src(%dma_wait3A_156 : memref<128x16xf32, #tpu.memory_space<hbm>>) dst(%dma_wait3A_154 : memref<128x16xf32, #tpu.memory_space<vmem>>)
          tpu.yield
        }) : () -> ()
        %run_scoped3A_118 = arith.constant 1 : i32
        %run_scoped3A_119 = arith.constant 1 : i32
        "tpu.region"() ({
          %run_scoped3A_132 = tpu.sem_alloc : memref<!tpu.dma_semaphore, #tpu.memory_space<semaphore_mem>>
          %dma_start3A_133 = arith.constant 0 : i32
          %dma_start3A_134 = arith.constant 0 : i32
          %dma_start3A_135 = tpu.memref_slice %arg13[%run_scoped3A_119, %dma_start3A_133, %dma_start3A_134] : memref<2x128x16xf32, #tpu.memory_space<vmem>> -> memref<1x128x16xf32, #tpu.memory_space<vmem>>
          %dma_start3A_136 = tpu.memref_squeeze %dma_start3A_135 : memref<1x128x16xf32, #tpu.memory_space<vmem>> -> memref<128x16xf32, #tpu.memory_space<vmem>>
          %dma_start3A_137 = arith.constant 0 : i32
          %dma_start3A_138 = tpu.memref_slice %arg11[%run_scoped3A_118, %dma_start3A_137] : memref<2x128xi32, #tpu.memory_space<vmem>> -> memref<1x128xi32, #tpu.memory_space<vmem>>
          %dma_start3A_139 = tpu.memref_squeeze %dma_start3A_138 : memref<1x128xi32, #tpu.memory_space<vmem>> -> memref<128xi32, #tpu.memory_space<vmem>>
          %dma_start3A_140 = arith.constant 0 : i32
          %dma_start3A_141 = arith.constant 0 : i32
          %dma_start3A_142 = tpu.memref_slice %arg5[%dma_start3A_140, %dma_start3A_141] : memref<10112x16xf32, #tpu.memory_space<hbm>> -> memref<10112x16xf32, #tpu.memory_space<hbm>>
          tpu.enqueue_indirect_dma source(%dma_start3A_142 : memref<10112x16xf32, #tpu.memory_space<hbm>>) target(%dma_start3A_136 : memref<128x16xf32, #tpu.memory_space<vmem>>) offsets(%dma_start3A_139 : memref<128xi32, #tpu.memory_space<vmem>>) semaphore(%run_scoped3A_132 : memref<!tpu.dma_semaphore, #tpu.memory_space<semaphore_mem>>)
          %dma_wait3A_143 = arith.constant 0 : i32
          %dma_wait3A_144 = arith.constant 0 : i32
          %dma_wait3A_145 = tpu.memref_slice %arg13[%run_scoped3A_119, %dma_wait3A_143, %dma_wait3A_144] : memref<2x128x16xf32, #tpu.memory_space<vmem>> -> memref<1x128x16xf32, #tpu.memory_space<vmem>>
          %dma_wait3A_146 = tpu.memref_squeeze %dma_wait3A_145 : memref<1x128x16xf32, #tpu.memory_space<vmem>> -> memref<128x16xf32, #tpu.memory_space<vmem>>
          %dma_wait3A_147 = arith.constant 0 : i32
          %dma_wait3A_148 = tpu.memref_slice %arg11[%run_scoped3A_118, %dma_wait3A_147] : memref<2x128xi32, #tpu.memory_space<vmem>> -> memref<1x128xi32, #tpu.memory_space<vmem>>
          %dma_wait3A_149 = tpu.memref_squeeze %dma_wait3A_148 : memref<1x128xi32, #tpu.memory_space<vmem>> -> memref<128xi32, #tpu.memory_space<vmem>>
          %dma_wait3A_150 = arith.constant 0 : i32
          %dma_wait3A_151 = arith.constant 0 : i32
          %dma_wait3A_152 = tpu.memref_slice %arg5[%dma_wait3A_150, %dma_wait3A_151] : memref<10112x16xf32, #tpu.memory_space<hbm>> -> memref<10112x16xf32, #tpu.memory_space<hbm>>
          tpu.wait_indirect_dma semaphore(%run_scoped3A_132 : memref<!tpu.dma_semaphore, #tpu.memory_space<semaphore_mem>>) src(%dma_wait3A_152 : memref<10112x16xf32, #tpu.memory_space<hbm>>) dst(%dma_wait3A_146 : memref<128x16xf32, #tpu.memory_space<vmem>>)
          tpu.yield
        }) : () -> ()
        %dma_start3A_120 = arith.constant 1 : i32
        %dma_start3A_121 = arith.constant 1 : i32
        %dma_start3A_122 = arith.constant 0 : i32
        %dma_start3A_123 = arith.constant 0 : i32
        %dma_start3A_124 = tpu.memref_slice %arg17[%dma_start3A_121, %dma_start3A_122, %dma_start3A_123] : memref<2x128x128xf32, #tpu.memory_space<vmem>> -> memref<1x128x128xf32, #tpu.memory_space<vmem>>
        %dma_start3A_125 = tpu.memref_squeeze %dma_start3A_124 : memref<1x128x128xf32, #tpu.memory_space<vmem>> -> memref<128x128xf32, #tpu.memory_space<vmem>>
        %dma_start3A_126 = arith.constant 0 : i32
        %dma_start3A_127 = tpu.memref_slice %arg10[%dma_start3A_120, %dma_start3A_126] : memref<2x128xi32, #tpu.memory_space<vmem>> -> memref<1x128xi32, #tpu.memory_space<vmem>>
        %dma_start3A_128 = tpu.memref_squeeze %dma_start3A_127 : memref<1x128xi32, #tpu.memory_space<vmem>> -> memref<128xi32, #tpu.memory_space<vmem>>
        %dma_start3A_129 = arith.constant 0 : i32
        %dma_start3A_130 = arith.constant 0 : i32
        %dma_start3A_131 = tpu.memref_slice %arg6[%dma_start3A_129, %dma_start3A_130] : memref<40000x128xf32, #tpu.memory_space<hbm>> -> memref<40000x128xf32, #tpu.memory_space<hbm>>
        tpu.enqueue_indirect_dma source(%dma_start3A_131 : memref<40000x128xf32, #tpu.memory_space<hbm>>) target(%dma_start3A_125 : memref<128x128xf32, #tpu.memory_space<vmem>>) offsets(%dma_start3A_128 : memref<128xi32, #tpu.memory_space<vmem>>) semaphore(%arg20 : memref<!tpu.dma_semaphore, #tpu.memory_space<semaphore_mem>>)
      } else {
      }
      %dma_wait3A = arith.constant 0 : i32
      %dma_wait3A_46 = arith.constant 0 : i32
      %dma_wait3A_47 = arith.constant 0 : i32
      %dma_wait3A_48 = arith.constant 0 : i32
      %dma_wait3A_49 = tpu.memref_slice %arg17[%dma_wait3A_46, %dma_wait3A_47, %dma_wait3A_48] : memref<2x128x128xf32, #tpu.memory_space<vmem>> -> memref<1x128x128xf32, #tpu.memory_space<vmem>>
      %dma_wait3A_50 = tpu.memref_squeeze %dma_wait3A_49 : memref<1x128x128xf32, #tpu.memory_space<vmem>> -> memref<128x128xf32, #tpu.memory_space<vmem>>
      %dma_wait3A_51 = arith.constant 0 : i32
      %dma_wait3A_52 = tpu.memref_slice %arg10[%dma_wait3A, %dma_wait3A_51] : memref<2x128xi32, #tpu.memory_space<vmem>> -> memref<1x128xi32, #tpu.memory_space<vmem>>
      %dma_wait3A_53 = tpu.memref_squeeze %dma_wait3A_52 : memref<1x128xi32, #tpu.memory_space<vmem>> -> memref<128xi32, #tpu.memory_space<vmem>>
      %dma_wait3A_54 = arith.constant 0 : i32
      %dma_wait3A_55 = arith.constant 0 : i32
      %dma_wait3A_56 = tpu.memref_slice %arg6[%dma_wait3A_54, %dma_wait3A_55] : memref<40000x128xf32, #tpu.memory_space<hbm>> -> memref<40000x128xf32, #tpu.memory_space<hbm>>
      tpu.wait_indirect_dma semaphore(%arg19 : memref<!tpu.dma_semaphore, #tpu.memory_space<semaphore_mem>>) src(%dma_wait3A_56 : memref<40000x128xf32, #tpu.memory_space<hbm>>) dst(%dma_wait3A_50 : memref<128x128xf32, #tpu.memory_space<vmem>>)
      %scan3A_57 = arith.constant 0 : i32
      %scan3A_58 = arith.constant 0 : i32
      %scan3A_59 = arith.constant 128 : i32
      %scan3A_60 = arith.addi %scan3A_58, %scan3A_59 : i32
      %scan3A_61 = arith.constant 1 : i32
      scf.for %scan3A_108 = %scan3A_58 to %scan3A_60 step %scan3A_61  : i32 {
        %get3A = arith.constant 0 : i32
        %get3A_109 = arith.index_cast %get3A : i32 to index
        %get3A_110 = arith.index_cast %scan3A_108 : i32 to index
        %get3A_111 = arith.constant 0 : index
        %get3A_112 = tpu.vector_load %arg12[%get3A_109, %get3A_110, %get3A_111] {strides = array<i32>} : memref<2x128x16xf32, #tpu.memory_space<vmem>>, vector<16xf32>,
        %get3A_113 = arith.constant 0 : i32
        %get3A_114 = arith.index_cast %get3A_113 : i32 to index
        %get3A_115 = arith.index_cast %scan3A_108 : i32 to index
        %get3A_116 = arith.constant 0 : index
        %get3A_117 = tpu.vector_load %arg13[%get3A_114, %get3A_115, %get3A_116] {strides = array<i32>} : memref<2x128x16xf32, #tpu.memory_space<vmem>>, vector<16xf32>,
        %mul3A_118 = arith.mulf %get3A_112, %get3A_117 : vector<16xf32>
        %swap3A = arith.constant 0 : index
        %swap3A_119 = tpu.vector_load %arg14[%swap3A] {strides = array<i32>} : memref<16xf32, #tpu.memory_space<vmem>>, vector<16xf32>,
        tpu.vector_store %arg14[%swap3A], %mul3A_118 {strides = array<i32>} : memref<16xf32, #tpu.memory_space<vmem>>, vector<16xf32>,
        %get3A_120 = arith.constant 0 : index
        %get3A_121 = tpu.vector_load %arg16[%get3A_120] {strides = array<i32>} : memref<16xi32, #tpu.memory_space<vmem>>, vector<16xi32>,
        %gather3A = tpu.vector_load_idx %arg14[%get3A_121] : memref<16xf32, #tpu.memory_space<vmem>>[vector<16xi32>], vector<16xf32>,
        %add3A_122 = arith.constant 4 : i32
        %add3A_123 = vector.broadcast %add3A_122 : i32 to vector<16xi32>
        %add3A_124 = arith.addi %get3A_121, %add3A_123 : vector<16xi32>
        %gather3A_125 = tpu.vector_load_idx %arg14[%add3A_124] : memref<16xf32, #tpu.memory_space<vmem>>[vector<16xi32>], vector<16xf32>,
        %add3A_126 = arith.addf %gather3A, %gather3A_125 : vector<16xf32>
        %add3A_127 = arith.constant 8 : i32
        %add3A_128 = vector.broadcast %add3A_127 : i32 to vector<16xi32>
        %add3A_129 = arith.addi %get3A_121, %add3A_128 : vector<16xi32>
        %gather3A_130 = tpu.vector_load_idx %arg14[%add3A_129] : memref<16xf32, #tpu.memory_space<vmem>>[vector<16xi32>], vector<16xf32>,
        %add3A_131 = arith.addf %add3A_126, %gather3A_130 : vector<16xf32>
        %add3A_132 = arith.constant 12 : i32
        %add3A_133 = vector.broadcast %add3A_132 : i32 to vector<16xi32>
        %add3A_134 = arith.addi %get3A_121, %add3A_133 : vector<16xi32>
        %gather3A_135 = tpu.vector_load_idx %arg14[%add3A_134] : memref<16xf32, #tpu.memory_space<vmem>>[vector<16xi32>], vector<16xf32>,
        %add3A_136 = arith.addf %add3A_131, %gather3A_135 : vector<16xf32>
        %mul3A_137 = arith.constant 16 : i32
        %mul3A_138 = arith.muli %scan3A_108, %mul3A_137 : i32
        %swap3A_139 = arith.index_cast %mul3A_138 : i32 to index
        %swap3A_140 = tpu.vector_load %arg15[%swap3A_139] {strides = array<i32>} : memref<2048xf32, #tpu.memory_space<vmem>>, vector<16xf32>,
        tpu.vector_store %arg15[%swap3A_139], %add3A_136 {strides = array<i32>} : memref<2048xf32, #tpu.memory_space<vmem>>, vector<16xf32>,
      }
      %scan3A_62 = arith.constant 128 : i32
      %scan3A_63 = arith.constant 0 : i32
      %scan3A_64 = arith.constant 0 : i32
      %scan3A_65 = arith.constant 128 : i32
      %scan3A_66 = arith.addi %scan3A_64, %scan3A_65 : i32
      %scan3A_67 = arith.constant 1 : i32
      scf.for %scan3A_108 = %scan3A_64 to %scan3A_66 step %scan3A_67  : i32 {
        %mul3A_109 = arith.constant 16 : i32
        %mul3A_110 = arith.muli %scan3A_108, %mul3A_109 : i32
        %add3A_111 = arith.constant 0 : i32
        %add3A_112 = arith.addi %mul3A_110, %add3A_111 : i32
        %broadcast_in_dim3A = vector.broadcast %add3A_112 : i32 to vector<16xi32>
        %gather3A = tpu.vector_load_idx %arg15[%broadcast_in_dim3A] : memref<2048xf32, #tpu.memory_space<vmem>>[vector<16xi32>], vector<16xf32>,
        %get3A = arith.constant 0 : i32
        %get3A_113 = arith.index_cast %get3A : i32 to index
        %get3A_114 = arith.index_cast %scan3A_108 : i32 to index
        %get3A_115 = arith.constant 0 : index
        %get3A_116 = tpu.vector_load %arg17[%get3A_113, %get3A_114, %get3A_115] {strides = array<i32>} : memref<2x128x128xf32, #tpu.memory_space<vmem>>, vector<16xf32>,
        %mul3A_117 = arith.mulf %get3A_116, %gather3A : vector<16xf32>
        %swap3A = arith.constant 0 : i32
        %swap3A_118 = arith.index_cast %swap3A : i32 to index
        %swap3A_119 = arith.index_cast %scan3A_108 : i32 to index
        %swap3A_120 = arith.constant 0 : index
        %swap3A_121 = tpu.vector_load %arg17[%swap3A_118, %swap3A_119, %swap3A_120] {strides = array<i32>} : memref<2x128x128xf32, #tpu.memory_space<vmem>>, vector<16xf32>,
        tpu.vector_store %arg17[%swap3A_118, %swap3A_119, %swap3A_120], %mul3A_117 {strides = array<i32>} : memref<2x128x128xf32, #tpu.memory_space<vmem>>, vector<16xf32>,
        %get3A_122 = arith.constant 0 : i32
        %get3A_123 = arith.index_cast %get3A_122 : i32 to index
        %get3A_124 = arith.index_cast %scan3A_108 : i32 to index
        %get3A_125 = arith.constant 16 : index
        %get3A_126 = tpu.vector_load %arg17[%get3A_123, %get3A_124, %get3A_125] {strides = array<i32>} : memref<2x128x128xf32, #tpu.memory_space<vmem>>, vector<16xf32>,
        %mul3A_127 = arith.mulf %get3A_126, %gather3A : vector<16xf32>
        %swap3A_128 = arith.constant 0 : i32
        %swap3A_129 = arith.index_cast %swap3A_128 : i32 to index
        %swap3A_130 = arith.index_cast %scan3A_108 : i32 to index
        %swap3A_131 = arith.constant 16 : index
        %swap3A_132 = tpu.vector_load %arg17[%swap3A_129, %swap3A_130, %swap3A_131] {strides = array<i32>} : memref<2x128x128xf32, #tpu.memory_space<vmem>>, vector<16xf32>,
        tpu.vector_store %arg17[%swap3A_129, %swap3A_130, %swap3A_131], %mul3A_127 {strides = array<i32>} : memref<2x128x128xf32, #tpu.memory_space<vmem>>, vector<16xf32>,
        %mul3A_133 = arith.constant 16 : i32
        %mul3A_134 = arith.muli %scan3A_108, %mul3A_133 : i32
        %add3A_135 = arith.constant 1 : i32
        %add3A_136 = arith.addi %mul3A_134, %add3A_135 : i32
        %broadcast_in_dim3A_137 = vector.broadcast %add3A_136 : i32 to vector<16xi32>
        %gather3A_138 = tpu.vector_load_idx %arg15[%broadcast_in_dim3A_137] : memref<2048xf32, #tpu.memory_space<vmem>>[vector<16xi32>], vector<16xf32>,
        %get3A_139 = arith.constant 0 : i32
        %get3A_140 = arith.index_cast %get3A_139 : i32 to index
        %get3A_141 = arith.index_cast %scan3A_108 : i32 to index
        %get3A_142 = arith.constant 32 : index
        %get3A_143 = tpu.vector_load %arg17[%get3A_140, %get3A_141, %get3A_142] {strides = array<i32>} : memref<2x128x128xf32, #tpu.memory_space<vmem>>, vector<16xf32>,
        %mul3A_144 = arith.mulf %get3A_143, %gather3A_138 : vector<16xf32>
        %swap3A_145 = arith.constant 0 : i32
        %swap3A_146 = arith.index_cast %swap3A_145 : i32 to index
        %swap3A_147 = arith.index_cast %scan3A_108 : i32 to index
        %swap3A_148 = arith.constant 32 : index
        %swap3A_149 = tpu.vector_load %arg17[%swap3A_146, %swap3A_147, %swap3A_148] {strides = array<i32>} : memref<2x128x128xf32, #tpu.memory_space<vmem>>, vector<16xf32>,
        tpu.vector_store %arg17[%swap3A_146, %swap3A_147, %swap3A_148], %mul3A_144 {strides = array<i32>} : memref<2x128x128xf32, #tpu.memory_space<vmem>>, vector<16xf32>,
        %get3A_150 = arith.constant 0 : i32
        %get3A_151 = arith.index_cast %get3A_150 : i32 to index
        %get3A_152 = arith.index_cast %scan3A_108 : i32 to index
        %get3A_153 = arith.constant 48 : index
        %get3A_154 = tpu.vector_load %arg17[%get3A_151, %get3A_152, %get3A_153] {strides = array<i32>} : memref<2x128x128xf32, #tpu.memory_space<vmem>>, vector<16xf32>,
        %mul3A_155 = arith.mulf %get3A_154, %gather3A_138 : vector<16xf32>
        %swap3A_156 = arith.constant 0 : i32
        %swap3A_157 = arith.index_cast %swap3A_156 : i32 to index
        %swap3A_158 = arith.index_cast %scan3A_108 : i32 to index
        %swap3A_159 = arith.constant 48 : index
        %swap3A_160 = tpu.vector_load %arg17[%swap3A_157, %swap3A_158, %swap3A_159] {strides = array<i32>} : memref<2x128x128xf32, #tpu.memory_space<vmem>>, vector<16xf32>,
        tpu.vector_store %arg17[%swap3A_157, %swap3A_158, %swap3A_159], %mul3A_155 {strides = array<i32>} : memref<2x128x128xf32, #tpu.memory_space<vmem>>, vector<16xf32>,
        %mul3A_161 = arith.constant 16 : i32
        %mul3A_162 = arith.muli %scan3A_108, %mul3A_161 : i32
        %add3A_163 = arith.constant 2 : i32
        %add3A_164 = arith.addi %mul3A_162, %add3A_163 : i32
        %broadcast_in_dim3A_165 = vector.broadcast %add3A_164 : i32 to vector<16xi32>
        %gather3A_166 = tpu.vector_load_idx %arg15[%broadcast_in_dim3A_165] : memref<2048xf32, #tpu.memory_space<vmem>>[vector<16xi32>], vector<16xf32>,
        %get3A_167 = arith.constant 0 : i32
        %get3A_168 = arith.index_cast %get3A_167 : i32 to index
        %get3A_169 = arith.index_cast %scan3A_108 : i32 to index
        %get3A_170 = arith.constant 64 : index
        %get3A_171 = tpu.vector_load %arg17[%get3A_168, %get3A_169, %get3A_170] {strides = array<i32>} : memref<2x128x128xf32, #tpu.memory_space<vmem>>, vector<16xf32>,
        %mul3A_172 = arith.mulf %get3A_171, %gather3A_166 : vector<16xf32>
        %swap3A_173 = arith.constant 0 : i32
        %swap3A_174 = arith.index_cast %swap3A_173 : i32 to index
        %swap3A_175 = arith.index_cast %scan3A_108 : i32 to index
        %swap3A_176 = arith.constant 64 : index
        %swap3A_177 = tpu.vector_load %arg17[%swap3A_174, %swap3A_175, %swap3A_176] {strides = array<i32>} : memref<2x128x128xf32, #tpu.memory_space<vmem>>, vector<16xf32>,
        tpu.vector_store %arg17[%swap3A_174, %swap3A_175, %swap3A_176], %mul3A_172 {strides = array<i32>} : memref<2x128x128xf32, #tpu.memory_space<vmem>>, vector<16xf32>,
        %get3A_178 = arith.constant 0 : i32
        %get3A_179 = arith.index_cast %get3A_178 : i32 to index
        %get3A_180 = arith.index_cast %scan3A_108 : i32 to index
        %get3A_181 = arith.constant 80 : index
        %get3A_182 = tpu.vector_load %arg17[%get3A_179, %get3A_180, %get3A_181] {strides = array<i32>} : memref<2x128x128xf32, #tpu.memory_space<vmem>>, vector<16xf32>,
        %mul3A_183 = arith.mulf %get3A_182, %gather3A_166 : vector<16xf32>
        %swap3A_184 = arith.constant 0 : i32
        %swap3A_185 = arith.index_cast %swap3A_184 : i32 to index
        %swap3A_186 = arith.index_cast %scan3A_108 : i32 to index
        %swap3A_187 = arith.constant 80 : index
        %swap3A_188 = tpu.vector_load %arg17[%swap3A_185, %swap3A_186, %swap3A_187] {strides = array<i32>} : memref<2x128x128xf32, #tpu.memory_space<vmem>>, vector<16xf32>,
        tpu.vector_store %arg17[%swap3A_185, %swap3A_186, %swap3A_187], %mul3A_183 {strides = array<i32>} : memref<2x128x128xf32, #tpu.memory_space<vmem>>, vector<16xf32>,
        %mul3A_189 = arith.constant 16 : i32
        %mul3A_190 = arith.muli %scan3A_108, %mul3A_189 : i32
        %add3A_191 = arith.constant 3 : i32
        %add3A_192 = arith.addi %mul3A_190, %add3A_191 : i32
        %broadcast_in_dim3A_193 = vector.broadcast %add3A_192 : i32 to vector<16xi32>
        %gather3A_194 = tpu.vector_load_idx %arg15[%broadcast_in_dim3A_193] : memref<2048xf32, #tpu.memory_space<vmem>>[vector<16xi32>], vector<16xf32>,
        %get3A_195 = arith.constant 0 : i32
        %get3A_196 = arith.index_cast %get3A_195 : i32 to index
        %get3A_197 = arith.index_cast %scan3A_108 : i32 to index
        %get3A_198 = arith.constant 96 : index
        %get3A_199 = tpu.vector_load %arg17[%get3A_196, %get3A_197, %get3A_198] {strides = array<i32>} : memref<2x128x128xf32, #tpu.memory_space<vmem>>, vector<16xf32>,
        %mul3A_200 = arith.mulf %get3A_199, %gather3A_194 : vector<16xf32>
        %swap3A_201 = arith.constant 0 : i32
        %swap3A_202 = arith.index_cast %swap3A_201 : i32 to index
        %swap3A_203 = arith.index_cast %scan3A_108 : i32 to index
        %swap3A_204 = arith.constant 96 : index
        %swap3A_205 = tpu.vector_load %arg17[%swap3A_202, %swap3A_203, %swap3A_204] {strides = array<i32>} : memref<2x128x128xf32, #tpu.memory_space<vmem>>, vector<16xf32>,
        tpu.vector_store %arg17[%swap3A_202, %swap3A_203, %swap3A_204], %mul3A_200 {strides = array<i32>} : memref<2x128x128xf32, #tpu.memory_space<vmem>>, vector<16xf32>,
        %get3A_206 = arith.constant 0 : i32
        %get3A_207 = arith.index_cast %get3A_206 : i32 to index
        %get3A_208 = arith.index_cast %scan3A_108 : i32 to index
        %get3A_209 = arith.constant 112 : index
        %get3A_210 = tpu.vector_load %arg17[%get3A_207, %get3A_208, %get3A_209] {strides = array<i32>} : memref<2x128x128xf32, #tpu.memory_space<vmem>>, vector<16xf32>,
        %mul3A_211 = arith.mulf %get3A_210, %gather3A_194 : vector<16xf32>
        %swap3A_212 = arith.constant 0 : i32
        %swap3A_213 = arith.index_cast %swap3A_212 : i32 to index
        %swap3A_214 = arith.index_cast %scan3A_108 : i32 to index
        %swap3A_215 = arith.constant 112 : index
        %swap3A_216 = tpu.vector_load %arg17[%swap3A_213, %swap3A_214, %swap3A_215] {strides = array<i32>} : memref<2x128x128xf32, #tpu.memory_space<vmem>>, vector<16xf32>,
        tpu.vector_store %arg17[%swap3A_213, %swap3A_214, %swap3A_215], %mul3A_211 {strides = array<i32>} : memref<2x128x128xf32, #tpu.memory_space<vmem>>, vector<16xf32>,
      }
      %scan3A_68 = arith.constant 128 : i32
      %run_scoped3A_69 = arith.constant 0 : i32
      %run_scoped3A_70 = arith.constant 0 : i32
      "tpu.region"() ({
        %run_scoped3A_108 = tpu.sem_alloc : memref<!tpu.dma_semaphore, #tpu.memory_space<semaphore_mem>>
        %dma_start3A_109 = arith.constant 0 : i32
        %dma_start3A_110 = arith.constant 0 : i32
        %dma_start3A_111 = tpu.memref_slice %arg17[%run_scoped3A_69, %dma_start3A_109, %dma_start3A_110] : memref<2x128x128xf32, #tpu.memory_space<vmem>> -> memref<1x128x128xf32, #tpu.memory_space<vmem>>
        %dma_start3A_112 = tpu.memref_squeeze %dma_start3A_111 : memref<1x128x128xf32, #tpu.memory_space<vmem>> -> memref<128x128xf32, #tpu.memory_space<vmem>>
        %dma_start3A_113 = arith.constant 0 : i32
        %dma_start3A_114 = tpu.memref_slice %arg11[%run_scoped3A_70, %dma_start3A_113] : memref<2x128xi32, #tpu.memory_space<vmem>> -> memref<1x128xi32, #tpu.memory_space<vmem>>
        %dma_start3A_115 = tpu.memref_squeeze %dma_start3A_114 : memref<1x128xi32, #tpu.memory_space<vmem>> -> memref<128xi32, #tpu.memory_space<vmem>>
        %dma_start3A_116 = arith.constant 0 : i32
        %dma_start3A_117 = arith.constant 0 : i32
        %dma_start3A_118 = tpu.memref_slice %arg18[%dma_start3A_116, %dma_start3A_117] : memref<10112x128xf32, #tpu.memory_space<vmem_shared>> -> memref<10112x128xf32, #tpu.memory_space<vmem_shared>>
        tpu.enqueue_indirect_dma source(%dma_start3A_112 : memref<128x128xf32, #tpu.memory_space<vmem>>) target(%dma_start3A_118 : memref<10112x128xf32, #tpu.memory_space<vmem_shared>>) offsets(%dma_start3A_115 : memref<128xi32, #tpu.memory_space<vmem>>) semaphore(%run_scoped3A_108 : memref<!tpu.dma_semaphore, #tpu.memory_space<semaphore_mem>>) {add = true}
        %dma_wait3A_119 = arith.constant 0 : i32
        %dma_wait3A_120 = arith.constant 0 : i32
        %dma_wait3A_121 = tpu.memref_slice %arg17[%run_scoped3A_69, %dma_wait3A_119, %dma_wait3A_120] : memref<2x128x128xf32, #tpu.memory_space<vmem>> -> memref<1x128x128xf32, #tpu.memory_space<vmem>>
        %dma_wait3A_122 = tpu.memref_squeeze %dma_wait3A_121 : memref<1x128x128xf32, #tpu.memory_space<vmem>> -> memref<128x128xf32, #tpu.memory_space<vmem>>
        %dma_wait3A_123 = arith.constant 0 : i32
        %dma_wait3A_124 = tpu.memref_slice %arg11[%run_scoped3A_70, %dma_wait3A_123] : memref<2x128xi32, #tpu.memory_space<vmem>> -> memref<1x128xi32, #tpu.memory_space<vmem>>
        %dma_wait3A_125 = tpu.memref_squeeze %dma_wait3A_124 : memref<1x128xi32, #tpu.memory_space<vmem>> -> memref<128xi32, #tpu.memory_space<vmem>>
        %dma_wait3A_126 = arith.constant 0 : i32
        %dma_wait3A_127 = arith.constant 0 : i32
        %dma_wait3A_128 = tpu.memref_slice %arg18[%dma_wait3A_126, %dma_wait3A_127] : memref<10112x128xf32, #tpu.memory_space<vmem_shared>> -> memref<10112x128xf32, #tpu.memory_space<vmem_shared>>
        tpu.wait_indirect_dma semaphore(%run_scoped3A_108 : memref<!tpu.dma_semaphore, #tpu.memory_space<semaphore_mem>>) src(%dma_wait3A_122 : memref<128x128xf32, #tpu.memory_space<vmem>>) dst(%dma_wait3A_128 : memref<10112x128xf32, #tpu.memory_space<vmem_shared>>)
        tpu.yield
      }) : () -> ()
      %mul3A_71 = arith.constant 2 : i32
      %mul3A_72 = arith.muli %scan3A_34, %mul3A_71 : i32
      %add3A_73 = arith.constant 1 : i32
      %add3A_74 = arith.addi %mul3A_72, %add3A_73 : i32
      %add3A_75 = arith.constant 1 : i32
      %add3A_76 = arith.addi %add3A_74, %add3A_75 : i32
      %lt3A_77 = arith.constant 78 : i32
      %lt3A_78 = arith.cmpi slt, %add3A_76, %lt3A_77 : i32
      %convert_element_type3A_79 = arith.extui %lt3A_78 : i1 to i32
      %cond3A_80 = arith.constant 0 : i32
      %cond3A_81 = arith.cmpi ne, %convert_element_type3A_79, %cond3A_80 : i32
      scf.if %cond3A_81 {
        %add3A_108 = arith.constant 1 : i32
        %add3A_109 = arith.addi %add3A_74, %add3A_108 : i32
        %mul3A_110 = arith.constant 32 : i32
        %mul3A_111 = arith.muli %add3A_109, %mul3A_110 : i32
        %add3A_112 = arith.addi %mul3A_111, %add3A : i32
        %mul3A_113 = arith.constant 128 : i32
        %mul3A_114 = arith.muli %add3A_112, %mul3A_113 : i32
        %run_scoped3A_115 = arith.constant 0 : i32
        "tpu.region"() ({
          %run_scoped3A_132 = tpu.sem_alloc : memref<!tpu.dma_semaphore, #tpu.memory_space<semaphore_mem>>
          %dma_start3A_133 = arith.constant 0 : i32
          %dma_start3A_134 = tpu.memref_slice %arg10[%run_scoped3A_115, %dma_start3A_133] : memref<2x128xi32, #tpu.memory_space<vmem>> -> memref<1x128xi32, #tpu.memory_space<vmem>>
          %dma_start3A_135 = tpu.memref_squeeze %dma_start3A_134 : memref<1x128xi32, #tpu.memory_space<vmem>> -> memref<128xi32, #tpu.memory_space<vmem>>
          %dma_start3A_136 = tpu.memref_slice %arg2[%mul3A_114] : memref<320000xi32, #tpu.memory_space<hbm>> -> memref<128xi32, #tpu.memory_space<hbm>>
          %dma_start3A_137 = arith.constant 0 : i32
          %dma_start3A_138 = tpu.memref_slice %arg10[%run_scoped3A_115, %dma_start3A_137] : memref<2x128xi32, #tpu.memory_space<vmem>> -> memref<1x128xi32, #tpu.memory_space<vmem>>
          %dma_start3A_139 = tpu.memref_squeeze %dma_start3A_138 : memref<1x128xi32, #tpu.memory_space<vmem>> -> memref<128xi32, #tpu.memory_space<vmem>>
          %dma_start3A_140 = tpu.memref_slice %arg2[%mul3A_114] : memref<320000xi32, #tpu.memory_space<hbm>> -> memref<128xi32, #tpu.memory_space<hbm>>
          tpu.enqueue_dma source(%dma_start3A_140 : memref<128xi32, #tpu.memory_space<hbm>>) target(%dma_start3A_139 : memref<128xi32, #tpu.memory_space<vmem>>) target_semaphore(%run_scoped3A_132 : memref<!tpu.dma_semaphore, #tpu.memory_space<semaphore_mem>>)
          %dma_wait3A_141 = arith.constant 0 : i32
          %dma_wait3A_142 = tpu.memref_slice %arg10[%run_scoped3A_115, %dma_wait3A_141] : memref<2x128xi32, #tpu.memory_space<vmem>> -> memref<1x128xi32, #tpu.memory_space<vmem>>
          %dma_wait3A_143 = tpu.memref_squeeze %dma_wait3A_142 : memref<1x128xi32, #tpu.memory_space<vmem>> -> memref<128xi32, #tpu.memory_space<vmem>>
          %dma_wait3A_144 = tpu.memref_slice %arg2[%mul3A_114] : memref<320000xi32, #tpu.memory_space<hbm>> -> memref<128xi32, #tpu.memory_space<hbm>>
          %dma_wait3A_145 = arith.constant 0 : i32
          %dma_wait3A_146 = tpu.memref_slice %arg10[%run_scoped3A_115, %dma_wait3A_145] : memref<2x128xi32, #tpu.memory_space<vmem>> -> memref<1x128xi32, #tpu.memory_space<vmem>>
          %dma_wait3A_147 = tpu.memref_squeeze %dma_wait3A_146 : memref<1x128xi32, #tpu.memory_space<vmem>> -> memref<128xi32, #tpu.memory_space<vmem>>
          %dma_wait3A_148 = tpu.memref_slice %arg2[%mul3A_114] : memref<320000xi32, #tpu.memory_space<hbm>> -> memref<128xi32, #tpu.memory_space<hbm>>
          tpu.wait_dma2 semaphore(%run_scoped3A_132 : memref<!tpu.dma_semaphore, #tpu.memory_space<semaphore_mem>>) src(%dma_wait3A_148 : memref<128xi32, #tpu.memory_space<hbm>>) dst(%dma_wait3A_147 : memref<128xi32, #tpu.memory_space<vmem>>)
          tpu.yield
        }) : () -> ()
        %run_scoped3A_116 = arith.constant 0 : i32
        "tpu.region"() ({
          %run_scoped3A_132 = tpu.sem_alloc : memref<!tpu.dma_semaphore, #tpu.memory_space<semaphore_mem>>
          %dma_start3A_133 = arith.constant 0 : i32
          %dma_start3A_134 = tpu.memref_slice %arg11[%run_scoped3A_116, %dma_start3A_133] : memref<2x128xi32, #tpu.memory_space<vmem>> -> memref<1x128xi32, #tpu.memory_space<vmem>>
          %dma_start3A_135 = tpu.memref_squeeze %dma_start3A_134 : memref<1x128xi32, #tpu.memory_space<vmem>> -> memref<128xi32, #tpu.memory_space<vmem>>
          %dma_start3A_136 = tpu.memref_slice %arg3[%mul3A_114] : memref<320000xi32, #tpu.memory_space<hbm>> -> memref<128xi32, #tpu.memory_space<hbm>>
          %dma_start3A_137 = arith.constant 0 : i32
          %dma_start3A_138 = tpu.memref_slice %arg11[%run_scoped3A_116, %dma_start3A_137] : memref<2x128xi32, #tpu.memory_space<vmem>> -> memref<1x128xi32, #tpu.memory_space<vmem>>
          %dma_start3A_139 = tpu.memref_squeeze %dma_start3A_138 : memref<1x128xi32, #tpu.memory_space<vmem>> -> memref<128xi32, #tpu.memory_space<vmem>>
          %dma_start3A_140 = tpu.memref_slice %arg3[%mul3A_114] : memref<320000xi32, #tpu.memory_space<hbm>> -> memref<128xi32, #tpu.memory_space<hbm>>
          tpu.enqueue_dma source(%dma_start3A_140 : memref<128xi32, #tpu.memory_space<hbm>>) target(%dma_start3A_139 : memref<128xi32, #tpu.memory_space<vmem>>) target_semaphore(%run_scoped3A_132 : memref<!tpu.dma_semaphore, #tpu.memory_space<semaphore_mem>>)
          %dma_wait3A_141 = arith.constant 0 : i32
          %dma_wait3A_142 = tpu.memref_slice %arg11[%run_scoped3A_116, %dma_wait3A_141] : memref<2x128xi32, #tpu.memory_space<vmem>> -> memref<1x128xi32, #tpu.memory_space<vmem>>
          %dma_wait3A_143 = tpu.memref_squeeze %dma_wait3A_142 : memref<1x128xi32, #tpu.memory_space<vmem>> -> memref<128xi32, #tpu.memory_space<vmem>>
          %dma_wait3A_144 = tpu.memref_slice %arg3[%mul3A_114] : memref<320000xi32, #tpu.memory_space<hbm>> -> memref<128xi32, #tpu.memory_space<hbm>>
          %dma_wait3A_145 = arith.constant 0 : i32
          %dma_wait3A_146 = tpu.memref_slice %arg11[%run_scoped3A_116, %dma_wait3A_145] : memref<2x128xi32, #tpu.memory_space<vmem>> -> memref<1x128xi32, #tpu.memory_space<vmem>>
          %dma_wait3A_147 = tpu.memref_squeeze %dma_wait3A_146 : memref<1x128xi32, #tpu.memory_space<vmem>> -> memref<128xi32, #tpu.memory_space<vmem>>
          %dma_wait3A_148 = tpu.memref_slice %arg3[%mul3A_114] : memref<320000xi32, #tpu.memory_space<hbm>> -> memref<128xi32, #tpu.memory_space<hbm>>
          tpu.wait_dma2 semaphore(%run_scoped3A_132 : memref<!tpu.dma_semaphore, #tpu.memory_space<semaphore_mem>>) src(%dma_wait3A_148 : memref<128xi32, #tpu.memory_space<hbm>>) dst(%dma_wait3A_147 : memref<128xi32, #tpu.memory_space<vmem>>)
          tpu.yield
        }) : () -> ()
        %run_scoped3A_117 = arith.constant 0 : i32
        "tpu.region"() ({
          %run_scoped3A_132 = tpu.sem_alloc : memref<!tpu.dma_semaphore, #tpu.memory_space<semaphore_mem>>
          %dma_start3A_133 = arith.constant 0 : i32
          %dma_start3A_134 = arith.constant 0 : i32
          %dma_start3A_135 = tpu.memref_slice %arg12[%run_scoped3A_117, %dma_start3A_133, %dma_start3A_134] : memref<2x128x16xf32, #tpu.memory_space<vmem>> -> memref<1x128x16xf32, #tpu.memory_space<vmem>>
          %dma_start3A_136 = tpu.memref_squeeze %dma_start3A_135 : memref<1x128x16xf32, #tpu.memory_space<vmem>> -> memref<128x16xf32, #tpu.memory_space<vmem>>
          %dma_start3A_137 = arith.constant 0 : i32
          %dma_start3A_138 = tpu.memref_slice %arg4[%mul3A_114, %dma_start3A_137] : memref<320000x16xf32, #tpu.memory_space<hbm>> -> memref<128x16xf32, #tpu.memory_space<hbm>>
          %dma_start3A_139 = arith.constant 0 : i32
          %dma_start3A_140 = arith.constant 0 : i32
          %dma_start3A_141 = tpu.memref_slice %arg12[%run_scoped3A_117, %dma_start3A_139, %dma_start3A_140] : memref<2x128x16xf32, #tpu.memory_space<vmem>> -> memref<1x128x16xf32, #tpu.memory_space<vmem>>
          %dma_start3A_142 = tpu.memref_squeeze %dma_start3A_141 : memref<1x128x16xf32, #tpu.memory_space<vmem>> -> memref<128x16xf32, #tpu.memory_space<vmem>>
          %dma_start3A_143 = arith.constant 0 : i32
          %dma_start3A_144 = tpu.memref_slice %arg4[%mul3A_114, %dma_start3A_143] : memref<320000x16xf32, #tpu.memory_space<hbm>> -> memref<128x16xf32, #tpu.memory_space<hbm>>
          tpu.enqueue_dma source(%dma_start3A_144 : memref<128x16xf32, #tpu.memory_space<hbm>>) target(%dma_start3A_142 : memref<128x16xf32, #tpu.memory_space<vmem>>) target_semaphore(%run_scoped3A_132 : memref<!tpu.dma_semaphore, #tpu.memory_space<semaphore_mem>>)
          %dma_wait3A_145 = arith.constant 0 : i32
          %dma_wait3A_146 = arith.constant 0 : i32
          %dma_wait3A_147 = tpu.memref_slice %arg12[%run_scoped3A_117, %dma_wait3A_145, %dma_wait3A_146] : memref<2x128x16xf32, #tpu.memory_space<vmem>> -> memref<1x128x16xf32, #tpu.memory_space<vmem>>
          %dma_wait3A_148 = tpu.memref_squeeze %dma_wait3A_147 : memref<1x128x16xf32, #tpu.memory_space<vmem>> -> memref<128x16xf32, #tpu.memory_space<vmem>>
          %dma_wait3A_149 = arith.constant 0 : i32
          %dma_wait3A_150 = tpu.memref_slice %arg4[%mul3A_114, %dma_wait3A_149] : memref<320000x16xf32, #tpu.memory_space<hbm>> -> memref<128x16xf32, #tpu.memory_space<hbm>>
          %dma_wait3A_151 = arith.constant 0 : i32
          %dma_wait3A_152 = arith.constant 0 : i32
          %dma_wait3A_153 = tpu.memref_slice %arg12[%run_scoped3A_117, %dma_wait3A_151, %dma_wait3A_152] : memref<2x128x16xf32, #tpu.memory_space<vmem>> -> memref<1x128x16xf32, #tpu.memory_space<vmem>>
          %dma_wait3A_154 = tpu.memref_squeeze %dma_wait3A_153 : memref<1x128x16xf32, #tpu.memory_space<vmem>> -> memref<128x16xf32, #tpu.memory_space<vmem>>
          %dma_wait3A_155 = arith.constant 0 : i32
          %dma_wait3A_156 = tpu.memref_slice %arg4[%mul3A_114, %dma_wait3A_155] : memref<320000x16xf32, #tpu.memory_space<hbm>> -> memref<128x16xf32, #tpu.memory_space<hbm>>
          tpu.wait_dma2 semaphore(%run_scoped3A_132 : memref<!tpu.dma_semaphore, #tpu.memory_space<semaphore_mem>>) src(%dma_wait3A_156 : memref<128x16xf32, #tpu.memory_space<hbm>>) dst(%dma_wait3A_154 : memref<128x16xf32, #tpu.memory_space<vmem>>)
          tpu.yield
        }) : () -> ()
        %run_scoped3A_118 = arith.constant 0 : i32
        %run_scoped3A_119 = arith.constant 0 : i32
        "tpu.region"() ({
          %run_scoped3A_132 = tpu.sem_alloc : memref<!tpu.dma_semaphore, #tpu.memory_space<semaphore_mem>>
          %dma_start3A_133 = arith.constant 0 : i32
          %dma_start3A_134 = arith.constant 0 : i32
          %dma_start3A_135 = tpu.memref_slice %arg13[%run_scoped3A_119, %dma_start3A_133, %dma_start3A_134] : memref<2x128x16xf32, #tpu.memory_space<vmem>> -> memref<1x128x16xf32, #tpu.memory_space<vmem>>
          %dma_start3A_136 = tpu.memref_squeeze %dma_start3A_135 : memref<1x128x16xf32, #tpu.memory_space<vmem>> -> memref<128x16xf32, #tpu.memory_space<vmem>>
          %dma_start3A_137 = arith.constant 0 : i32
          %dma_start3A_138 = tpu.memref_slice %arg11[%run_scoped3A_118, %dma_start3A_137] : memref<2x128xi32, #tpu.memory_space<vmem>> -> memref<1x128xi32, #tpu.memory_space<vmem>>
          %dma_start3A_139 = tpu.memref_squeeze %dma_start3A_138 : memref<1x128xi32, #tpu.memory_space<vmem>> -> memref<128xi32, #tpu.memory_space<vmem>>
          %dma_start3A_140 = arith.constant 0 : i32
          %dma_start3A_141 = arith.constant 0 : i32
          %dma_start3A_142 = tpu.memref_slice %arg5[%dma_start3A_140, %dma_start3A_141] : memref<10112x16xf32, #tpu.memory_space<hbm>> -> memref<10112x16xf32, #tpu.memory_space<hbm>>
          tpu.enqueue_indirect_dma source(%dma_start3A_142 : memref<10112x16xf32, #tpu.memory_space<hbm>>) target(%dma_start3A_136 : memref<128x16xf32, #tpu.memory_space<vmem>>) offsets(%dma_start3A_139 : memref<128xi32, #tpu.memory_space<vmem>>) semaphore(%run_scoped3A_132 : memref<!tpu.dma_semaphore, #tpu.memory_space<semaphore_mem>>)
          %dma_wait3A_143 = arith.constant 0 : i32
          %dma_wait3A_144 = arith.constant 0 : i32
          %dma_wait3A_145 = tpu.memref_slice %arg13[%run_scoped3A_119, %dma_wait3A_143, %dma_wait3A_144] : memref<2x128x16xf32, #tpu.memory_space<vmem>> -> memref<1x128x16xf32, #tpu.memory_space<vmem>>
          %dma_wait3A_146 = tpu.memref_squeeze %dma_wait3A_145 : memref<1x128x16xf32, #tpu.memory_space<vmem>> -> memref<128x16xf32, #tpu.memory_space<vmem>>
          %dma_wait3A_147 = arith.constant 0 : i32
          %dma_wait3A_148 = tpu.memref_slice %arg11[%run_scoped3A_118, %dma_wait3A_147] : memref<2x128xi32, #tpu.memory_space<vmem>> -> memref<1x128xi32, #tpu.memory_space<vmem>>
          %dma_wait3A_149 = tpu.memref_squeeze %dma_wait3A_148 : memref<1x128xi32, #tpu.memory_space<vmem>> -> memref<128xi32, #tpu.memory_space<vmem>>
          %dma_wait3A_150 = arith.constant 0 : i32
          %dma_wait3A_151 = arith.constant 0 : i32
          %dma_wait3A_152 = tpu.memref_slice %arg5[%dma_wait3A_150, %dma_wait3A_151] : memref<10112x16xf32, #tpu.memory_space<hbm>> -> memref<10112x16xf32, #tpu.memory_space<hbm>>
          tpu.wait_indirect_dma semaphore(%run_scoped3A_132 : memref<!tpu.dma_semaphore, #tpu.memory_space<semaphore_mem>>) src(%dma_wait3A_152 : memref<10112x16xf32, #tpu.memory_space<hbm>>) dst(%dma_wait3A_146 : memref<128x16xf32, #tpu.memory_space<vmem>>)
          tpu.yield
        }) : () -> ()
        %dma_start3A_120 = arith.constant 0 : i32
        %dma_start3A_121 = arith.constant 0 : i32
        %dma_start3A_122 = arith.constant 0 : i32
        %dma_start3A_123 = arith.constant 0 : i32
        %dma_start3A_124 = tpu.memref_slice %arg17[%dma_start3A_121, %dma_start3A_122, %dma_start3A_123] : memref<2x128x128xf32, #tpu.memory_space<vmem>> -> memref<1x128x128xf32, #tpu.memory_space<vmem>>
        %dma_start3A_125 = tpu.memref_squeeze %dma_start3A_124 : memref<1x128x128xf32, #tpu.memory_space<vmem>> -> memref<128x128xf32, #tpu.memory_space<vmem>>
        %dma_start3A_126 = arith.constant 0 : i32
        %dma_start3A_127 = tpu.memref_slice %arg10[%dma_start3A_120, %dma_start3A_126] : memref<2x128xi32, #tpu.memory_space<vmem>> -> memref<1x128xi32, #tpu.memory_space<vmem>>
        %dma_start3A_128 = tpu.memref_squeeze %dma_start3A_127 : memref<1x128xi32, #tpu.memory_space<vmem>> -> memref<128xi32, #tpu.memory_space<vmem>>
        %dma_start3A_129 = arith.constant 0 : i32
        %dma_start3A_130 = arith.constant 0 : i32
        %dma_start3A_131 = tpu.memref_slice %arg6[%dma_start3A_129, %dma_start3A_130] : memref<40000x128xf32, #tpu.memory_space<hbm>> -> memref<40000x128xf32, #tpu.memory_space<hbm>>
        tpu.enqueue_indirect_dma source(%dma_start3A_131 : memref<40000x128xf32, #tpu.memory_space<hbm>>) target(%dma_start3A_125 : memref<128x128xf32, #tpu.memory_space<vmem>>) offsets(%dma_start3A_128 : memref<128xi32, #tpu.memory_space<vmem>>) semaphore(%arg19 : memref<!tpu.dma_semaphore, #tpu.memory_space<semaphore_mem>>)
      } else {
      }
      %dma_wait3A_82 = arith.constant 1 : i32
      %dma_wait3A_83 = arith.constant 1 : i32
      %dma_wait3A_84 = arith.constant 0 : i32
      %dma_wait3A_85 = arith.constant 0 : i32
      %dma_wait3A_86 = tpu.memref_slice %arg17[%dma_wait3A_83, %dma_wait3A_84, %dma_wait3A_85] : memref<2x128x128xf32, #tpu.memory_space<vmem>> -> memref<1x128x128xf32, #tpu.memory_space<vmem>>
      %dma_wait3A_87 = tpu.memref_squeeze %dma_wait3A_86 : memref<1x128x128xf32, #tpu.memory_space<vmem>> -> memref<128x128xf32, #tpu.memory_space<vmem>>
      %dma_wait3A_88 = arith.constant 0 : i32
      %dma_wait3A_89 = tpu.memref_slice %arg10[%dma_wait3A_82, %dma_wait3A_88] : memref<2x128xi32, #tpu.memory_space<vmem>> -> memref<1x128xi32, #tpu.memory_space<vmem>>
      %dma_wait3A_90 = tpu.memref_squeeze %dma_wait3A_89 : memref<1x128xi32, #tpu.memory_space<vmem>> -> memref<128xi32, #tpu.memory_space<vmem>>
      %dma_wait3A_91 = arith.constant 0 : i32
      %dma_wait3A_92 = arith.constant 0 : i32
      %dma_wait3A_93 = tpu.memref_slice %arg6[%dma_wait3A_91, %dma_wait3A_92] : memref<40000x128xf32, #tpu.memory_space<hbm>> -> memref<40000x128xf32, #tpu.memory_space<hbm>>
      tpu.wait_indirect_dma semaphore(%arg20 : memref<!tpu.dma_semaphore, #tpu.memory_space<semaphore_mem>>) src(%dma_wait3A_93 : memref<40000x128xf32, #tpu.memory_space<hbm>>) dst(%dma_wait3A_87 : memref<128x128xf32, #tpu.memory_space<vmem>>)
      %scan3A_94 = arith.constant 0 : i32
      %scan3A_95 = arith.constant 0 : i32
      %scan3A_96 = arith.constant 128 : i32
      %scan3A_97 = arith.addi %scan3A_95, %scan3A_96 : i32
      %scan3A_98 = arith.constant 1 : i32
      scf.for %scan3A_108 = %scan3A_95 to %scan3A_97 step %scan3A_98  : i32 {
        %get3A = arith.constant 1 : i32
        %get3A_109 = arith.index_cast %get3A : i32 to index
        %get3A_110 = arith.index_cast %scan3A_108 : i32 to index
        %get3A_111 = arith.constant 0 : index
        %get3A_112 = tpu.vector_load %arg12[%get3A_109, %get3A_110, %get3A_111] {strides = array<i32>} : memref<2x128x16xf32, #tpu.memory_space<vmem>>, vector<16xf32>,
        %get3A_113 = arith.constant 1 : i32
        %get3A_114 = arith.index_cast %get3A_113 : i32 to index
        %get3A_115 = arith.index_cast %scan3A_108 : i32 to index
        %get3A_116 = arith.constant 0 : index
        %get3A_117 = tpu.vector_load %arg13[%get3A_114, %get3A_115, %get3A_116] {strides = array<i32>} : memref<2x128x16xf32, #tpu.memory_space<vmem>>, vector<16xf32>,
        %mul3A_118 = arith.mulf %get3A_112, %get3A_117 : vector<16xf32>
        %swap3A = arith.constant 0 : index
        %swap3A_119 = tpu.vector_load %arg14[%swap3A] {strides = array<i32>} : memref<16xf32, #tpu.memory_space<vmem>>, vector<16xf32>,
        tpu.vector_store %arg14[%swap3A], %mul3A_118 {strides = array<i32>} : memref<16xf32, #tpu.memory_space<vmem>>, vector<16xf32>,
        %get3A_120 = arith.constant 0 : index
        %get3A_121 = tpu.vector_load %arg16[%get3A_120] {strides = array<i32>} : memref<16xi32, #tpu.memory_space<vmem>>, vector<16xi32>,
        %gather3A = tpu.vector_load_idx %arg14[%get3A_121] : memref<16xf32, #tpu.memory_space<vmem>>[vector<16xi32>], vector<16xf32>,
        %add3A_122 = arith.constant 4 : i32
        %add3A_123 = vector.broadcast %add3A_122 : i32 to vector<16xi32>
        %add3A_124 = arith.addi %get3A_121, %add3A_123 : vector<16xi32>
        %gather3A_125 = tpu.vector_load_idx %arg14[%add3A_124] : memref<16xf32, #tpu.memory_space<vmem>>[vector<16xi32>], vector<16xf32>,
        %add3A_126 = arith.addf %gather3A, %gather3A_125 : vector<16xf32>
        %add3A_127 = arith.constant 8 : i32
        %add3A_128 = vector.broadcast %add3A_127 : i32 to vector<16xi32>
        %add3A_129 = arith.addi %get3A_121, %add3A_128 : vector<16xi32>
        %gather3A_130 = tpu.vector_load_idx %arg14[%add3A_129] : memref<16xf32, #tpu.memory_space<vmem>>[vector<16xi32>], vector<16xf32>,
        %add3A_131 = arith.addf %add3A_126, %gather3A_130 : vector<16xf32>
        %add3A_132 = arith.constant 12 : i32
        %add3A_133 = vector.broadcast %add3A_132 : i32 to vector<16xi32>
        %add3A_134 = arith.addi %get3A_121, %add3A_133 : vector<16xi32>
        %gather3A_135 = tpu.vector_load_idx %arg14[%add3A_134] : memref<16xf32, #tpu.memory_space<vmem>>[vector<16xi32>], vector<16xf32>,
        %add3A_136 = arith.addf %add3A_131, %gather3A_135 : vector<16xf32>
        %mul3A_137 = arith.constant 16 : i32
        %mul3A_138 = arith.muli %scan3A_108, %mul3A_137 : i32
        %swap3A_139 = arith.index_cast %mul3A_138 : i32 to index
        %swap3A_140 = tpu.vector_load %arg15[%swap3A_139] {strides = array<i32>} : memref<2048xf32, #tpu.memory_space<vmem>>, vector<16xf32>,
        tpu.vector_store %arg15[%swap3A_139], %add3A_136 {strides = array<i32>} : memref<2048xf32, #tpu.memory_space<vmem>>, vector<16xf32>,
      }
      %scan3A_99 = arith.constant 128 : i32
      %scan3A_100 = arith.constant 0 : i32
      %scan3A_101 = arith.constant 0 : i32
      %scan3A_102 = arith.constant 128 : i32
      %scan3A_103 = arith.addi %scan3A_101, %scan3A_102 : i32
      %scan3A_104 = arith.constant 1 : i32
      scf.for %scan3A_108 = %scan3A_101 to %scan3A_103 step %scan3A_104  : i32 {
        %mul3A_109 = arith.constant 16 : i32
        %mul3A_110 = arith.muli %scan3A_108, %mul3A_109 : i32
        %add3A_111 = arith.constant 0 : i32
        %add3A_112 = arith.addi %mul3A_110, %add3A_111 : i32
        %broadcast_in_dim3A = vector.broadcast %add3A_112 : i32 to vector<16xi32>
        %gather3A = tpu.vector_load_idx %arg15[%broadcast_in_dim3A] : memref<2048xf32, #tpu.memory_space<vmem>>[vector<16xi32>], vector<16xf32>,
        %get3A = arith.constant 1 : i32
        %get3A_113 = arith.index_cast %get3A : i32 to index
        %get3A_114 = arith.index_cast %scan3A_108 : i32 to index
        %get3A_115 = arith.constant 0 : index
        %get3A_116 = tpu.vector_load %arg17[%get3A_113, %get3A_114, %get3A_115] {strides = array<i32>} : memref<2x128x128xf32, #tpu.memory_space<vmem>>, vector<16xf32>,
        %mul3A_117 = arith.mulf %get3A_116, %gather3A : vector<16xf32>
        %swap3A = arith.constant 1 : i32
        %swap3A_118 = arith.index_cast %swap3A : i32 to index
        %swap3A_119 = arith.index_cast %scan3A_108 : i32 to index
        %swap3A_120 = arith.constant 0 : index
        %swap3A_121 = tpu.vector_load %arg17[%swap3A_118, %swap3A_119, %swap3A_120] {strides = array<i32>} : memref<2x128x128xf32, #tpu.memory_space<vmem>>, vector<16xf32>,
        tpu.vector_store %arg17[%swap3A_118, %swap3A_119, %swap3A_120], %mul3A_117 {strides = array<i32>} : memref<2x128x128xf32, #tpu.memory_space<vmem>>, vector<16xf32>,
        %get3A_122 = arith.constant 1 : i32
        %get3A_123 = arith.index_cast %get3A_122 : i32 to index
        %get3A_124 = arith.index_cast %scan3A_108 : i32 to index
        %get3A_125 = arith.constant 16 : index
        %get3A_126 = tpu.vector_load %arg17[%get3A_123, %get3A_124, %get3A_125] {strides = array<i32>} : memref<2x128x128xf32, #tpu.memory_space<vmem>>, vector<16xf32>,
        %mul3A_127 = arith.mulf %get3A_126, %gather3A : vector<16xf32>
        %swap3A_128 = arith.constant 1 : i32
        %swap3A_129 = arith.index_cast %swap3A_128 : i32 to index
        %swap3A_130 = arith.index_cast %scan3A_108 : i32 to index
        %swap3A_131 = arith.constant 16 : index
        %swap3A_132 = tpu.vector_load %arg17[%swap3A_129, %swap3A_130, %swap3A_131] {strides = array<i32>} : memref<2x128x128xf32, #tpu.memory_space<vmem>>, vector<16xf32>,
        tpu.vector_store %arg17[%swap3A_129, %swap3A_130, %swap3A_131], %mul3A_127 {strides = array<i32>} : memref<2x128x128xf32, #tpu.memory_space<vmem>>, vector<16xf32>,
        %mul3A_133 = arith.constant 16 : i32
        %mul3A_134 = arith.muli %scan3A_108, %mul3A_133 : i32
        %add3A_135 = arith.constant 1 : i32
        %add3A_136 = arith.addi %mul3A_134, %add3A_135 : i32
        %broadcast_in_dim3A_137 = vector.broadcast %add3A_136 : i32 to vector<16xi32>
        %gather3A_138 = tpu.vector_load_idx %arg15[%broadcast_in_dim3A_137] : memref<2048xf32, #tpu.memory_space<vmem>>[vector<16xi32>], vector<16xf32>,
        %get3A_139 = arith.constant 1 : i32
        %get3A_140 = arith.index_cast %get3A_139 : i32 to index
        %get3A_141 = arith.index_cast %scan3A_108 : i32 to index
        %get3A_142 = arith.constant 32 : index
        %get3A_143 = tpu.vector_load %arg17[%get3A_140, %get3A_141, %get3A_142] {strides = array<i32>} : memref<2x128x128xf32, #tpu.memory_space<vmem>>, vector<16xf32>,
        %mul3A_144 = arith.mulf %get3A_143, %gather3A_138 : vector<16xf32>
        %swap3A_145 = arith.constant 1 : i32
        %swap3A_146 = arith.index_cast %swap3A_145 : i32 to index
        %swap3A_147 = arith.index_cast %scan3A_108 : i32 to index
        %swap3A_148 = arith.constant 32 : index
        %swap3A_149 = tpu.vector_load %arg17[%swap3A_146, %swap3A_147, %swap3A_148] {strides = array<i32>} : memref<2x128x128xf32, #tpu.memory_space<vmem>>, vector<16xf32>,
        tpu.vector_store %arg17[%swap3A_146, %swap3A_147, %swap3A_148], %mul3A_144 {strides = array<i32>} : memref<2x128x128xf32, #tpu.memory_space<vmem>>, vector<16xf32>,
        %get3A_150 = arith.constant 1 : i32
        %get3A_151 = arith.index_cast %get3A_150 : i32 to index
        %get3A_152 = arith.index_cast %scan3A_108 : i32 to index
        %get3A_153 = arith.constant 48 : index
        %get3A_154 = tpu.vector_load %arg17[%get3A_151, %get3A_152, %get3A_153] {strides = array<i32>} : memref<2x128x128xf32, #tpu.memory_space<vmem>>, vector<16xf32>,
        %mul3A_155 = arith.mulf %get3A_154, %gather3A_138 : vector<16xf32>
        %swap3A_156 = arith.constant 1 : i32
        %swap3A_157 = arith.index_cast %swap3A_156 : i32 to index
        %swap3A_158 = arith.index_cast %scan3A_108 : i32 to index
        %swap3A_159 = arith.constant 48 : index
        %swap3A_160 = tpu.vector_load %arg17[%swap3A_157, %swap3A_158, %swap3A_159] {strides = array<i32>} : memref<2x128x128xf32, #tpu.memory_space<vmem>>, vector<16xf32>,
        tpu.vector_store %arg17[%swap3A_157, %swap3A_158, %swap3A_159], %mul3A_155 {strides = array<i32>} : memref<2x128x128xf32, #tpu.memory_space<vmem>>, vector<16xf32>,
        %mul3A_161 = arith.constant 16 : i32
        %mul3A_162 = arith.muli %scan3A_108, %mul3A_161 : i32
        %add3A_163 = arith.constant 2 : i32
        %add3A_164 = arith.addi %mul3A_162, %add3A_163 : i32
        %broadcast_in_dim3A_165 = vector.broadcast %add3A_164 : i32 to vector<16xi32>
        %gather3A_166 = tpu.vector_load_idx %arg15[%broadcast_in_dim3A_165] : memref<2048xf32, #tpu.memory_space<vmem>>[vector<16xi32>], vector<16xf32>,
        %get3A_167 = arith.constant 1 : i32
        %get3A_168 = arith.index_cast %get3A_167 : i32 to index
        %get3A_169 = arith.index_cast %scan3A_108 : i32 to index
        %get3A_170 = arith.constant 64 : index
        %get3A_171 = tpu.vector_load %arg17[%get3A_168, %get3A_169, %get3A_170] {strides = array<i32>} : memref<2x128x128xf32, #tpu.memory_space<vmem>>, vector<16xf32>,
        %mul3A_172 = arith.mulf %get3A_171, %gather3A_166 : vector<16xf32>
        %swap3A_173 = arith.constant 1 : i32
        %swap3A_174 = arith.index_cast %swap3A_173 : i32 to index
        %swap3A_175 = arith.index_cast %scan3A_108 : i32 to index
        %swap3A_176 = arith.constant 64 : index
        %swap3A_177 = tpu.vector_load %arg17[%swap3A_174, %swap3A_175, %swap3A_176] {strides = array<i32>} : memref<2x128x128xf32, #tpu.memory_space<vmem>>, vector<16xf32>,
        tpu.vector_store %arg17[%swap3A_174, %swap3A_175, %swap3A_176], %mul3A_172 {strides = array<i32>} : memref<2x128x128xf32, #tpu.memory_space<vmem>>, vector<16xf32>,
        %get3A_178 = arith.constant 1 : i32
        %get3A_179 = arith.index_cast %get3A_178 : i32 to index
        %get3A_180 = arith.index_cast %scan3A_108 : i32 to index
        %get3A_181 = arith.constant 80 : index
        %get3A_182 = tpu.vector_load %arg17[%get3A_179, %get3A_180, %get3A_181] {strides = array<i32>} : memref<2x128x128xf32, #tpu.memory_space<vmem>>, vector<16xf32>,
        %mul3A_183 = arith.mulf %get3A_182, %gather3A_166 : vector<16xf32>
        %swap3A_184 = arith.constant 1 : i32
        %swap3A_185 = arith.index_cast %swap3A_184 : i32 to index
        %swap3A_186 = arith.index_cast %scan3A_108 : i32 to index
        %swap3A_187 = arith.constant 80 : index
        %swap3A_188 = tpu.vector_load %arg17[%swap3A_185, %swap3A_186, %swap3A_187] {strides = array<i32>} : memref<2x128x128xf32, #tpu.memory_space<vmem>>, vector<16xf32>,
        tpu.vector_store %arg17[%swap3A_185, %swap3A_186, %swap3A_187], %mul3A_183 {strides = array<i32>} : memref<2x128x128xf32, #tpu.memory_space<vmem>>, vector<16xf32>,
        %mul3A_189 = arith.constant 16 : i32
        %mul3A_190 = arith.muli %scan3A_108, %mul3A_189 : i32
        %add3A_191 = arith.constant 3 : i32
        %add3A_192 = arith.addi %mul3A_190, %add3A_191 : i32
        %broadcast_in_dim3A_193 = vector.broadcast %add3A_192 : i32 to vector<16xi32>
        %gather3A_194 = tpu.vector_load_idx %arg15[%broadcast_in_dim3A_193] : memref<2048xf32, #tpu.memory_space<vmem>>[vector<16xi32>], vector<16xf32>,
        %get3A_195 = arith.constant 1 : i32
        %get3A_196 = arith.index_cast %get3A_195 : i32 to index
        %get3A_197 = arith.index_cast %scan3A_108 : i32 to index
        %get3A_198 = arith.constant 96 : index
        %get3A_199 = tpu.vector_load %arg17[%get3A_196, %get3A_197, %get3A_198] {strides = array<i32>} : memref<2x128x128xf32, #tpu.memory_space<vmem>>, vector<16xf32>,
        %mul3A_200 = arith.mulf %get3A_199, %gather3A_194 : vector<16xf32>
        %swap3A_201 = arith.constant 1 : i32
        %swap3A_202 = arith.index_cast %swap3A_201 : i32 to index
        %swap3A_203 = arith.index_cast %scan3A_108 : i32 to index
        %swap3A_204 = arith.constant 96 : index
        %swap3A_205 = tpu.vector_load %arg17[%swap3A_202, %swap3A_203, %swap3A_204] {strides = array<i32>} : memref<2x128x128xf32, #tpu.memory_space<vmem>>, vector<16xf32>,
        tpu.vector_store %arg17[%swap3A_202, %swap3A_203, %swap3A_204], %mul3A_200 {strides = array<i32>} : memref<2x128x128xf32, #tpu.memory_space<vmem>>, vector<16xf32>,
        %get3A_206 = arith.constant 1 : i32
        %get3A_207 = arith.index_cast %get3A_206 : i32 to index
        %get3A_208 = arith.index_cast %scan3A_108 : i32 to index
        %get3A_209 = arith.constant 112 : index
        %get3A_210 = tpu.vector_load %arg17[%get3A_207, %get3A_208, %get3A_209] {strides = array<i32>} : memref<2x128x128xf32, #tpu.memory_space<vmem>>, vector<16xf32>,
        %mul3A_211 = arith.mulf %get3A_210, %gather3A_194 : vector<16xf32>
        %swap3A_212 = arith.constant 1 : i32
        %swap3A_213 = arith.index_cast %swap3A_212 : i32 to index
        %swap3A_214 = arith.index_cast %scan3A_108 : i32 to index
        %swap3A_215 = arith.constant 112 : index
        %swap3A_216 = tpu.vector_load %arg17[%swap3A_213, %swap3A_214, %swap3A_215] {strides = array<i32>} : memref<2x128x128xf32, #tpu.memory_space<vmem>>, vector<16xf32>,
        tpu.vector_store %arg17[%swap3A_213, %swap3A_214, %swap3A_215], %mul3A_211 {strides = array<i32>} : memref<2x128x128xf32, #tpu.memory_space<vmem>>, vector<16xf32>,
      }
      %scan3A_105 = arith.constant 128 : i32
      %run_scoped3A_106 = arith.constant 1 : i32
      %run_scoped3A_107 = arith.constant 1 : i32
      "tpu.region"() ({
        %run_scoped3A_108 = tpu.sem_alloc : memref<!tpu.dma_semaphore, #tpu.memory_space<semaphore_mem>>
        %dma_start3A_109 = arith.constant 0 : i32
        %dma_start3A_110 = arith.constant 0 : i32
        %dma_start3A_111 = tpu.memref_slice %arg17[%run_scoped3A_106, %dma_start3A_109, %dma_start3A_110] : memref<2x128x128xf32, #tpu.memory_space<vmem>> -> memref<1x128x128xf32, #tpu.memory_space<vmem>>
        %dma_start3A_112 = tpu.memref_squeeze %dma_start3A_111 : memref<1x128x128xf32, #tpu.memory_space<vmem>> -> memref<128x128xf32, #tpu.memory_space<vmem>>
        %dma_start3A_113 = arith.constant 0 : i32
        %dma_start3A_114 = tpu.memref_slice %arg11[%run_scoped3A_107, %dma_start3A_113] : memref<2x128xi32, #tpu.memory_space<vmem>> -> memref<1x128xi32, #tpu.memory_space<vmem>>
        %dma_start3A_115 = tpu.memref_squeeze %dma_start3A_114 : memref<1x128xi32, #tpu.memory_space<vmem>> -> memref<128xi32, #tpu.memory_space<vmem>>
        %dma_start3A_116 = arith.constant 0 : i32
        %dma_start3A_117 = arith.constant 0 : i32
        %dma_start3A_118 = tpu.memref_slice %arg18[%dma_start3A_116, %dma_start3A_117] : memref<10112x128xf32, #tpu.memory_space<vmem_shared>> -> memref<10112x128xf32, #tpu.memory_space<vmem_shared>>
        tpu.enqueue_indirect_dma source(%dma_start3A_112 : memref<128x128xf32, #tpu.memory_space<vmem>>) target(%dma_start3A_118 : memref<10112x128xf32, #tpu.memory_space<vmem_shared>>) offsets(%dma_start3A_115 : memref<128xi32, #tpu.memory_space<vmem>>) semaphore(%run_scoped3A_108 : memref<!tpu.dma_semaphore, #tpu.memory_space<semaphore_mem>>) {add = true}
        %dma_wait3A_119 = arith.constant 0 : i32
        %dma_wait3A_120 = arith.constant 0 : i32
        %dma_wait3A_121 = tpu.memref_slice %arg17[%run_scoped3A_106, %dma_wait3A_119, %dma_wait3A_120] : memref<2x128x128xf32, #tpu.memory_space<vmem>> -> memref<1x128x128xf32, #tpu.memory_space<vmem>>
        %dma_wait3A_122 = tpu.memref_squeeze %dma_wait3A_121 : memref<1x128x128xf32, #tpu.memory_space<vmem>> -> memref<128x128xf32, #tpu.memory_space<vmem>>
        %dma_wait3A_123 = arith.constant 0 : i32
        %dma_wait3A_124 = tpu.memref_slice %arg11[%run_scoped3A_107, %dma_wait3A_123] : memref<2x128xi32, #tpu.memory_space<vmem>> -> memref<1x128xi32, #tpu.memory_space<vmem>>
        %dma_wait3A_125 = tpu.memref_squeeze %dma_wait3A_124 : memref<1x128xi32, #tpu.memory_space<vmem>> -> memref<128xi32, #tpu.memory_space<vmem>>
        %dma_wait3A_126 = arith.constant 0 : i32
        %dma_wait3A_127 = arith.constant 0 : i32
        %dma_wait3A_128 = tpu.memref_slice %arg18[%dma_wait3A_126, %dma_wait3A_127] : memref<10112x128xf32, #tpu.memory_space<vmem_shared>> -> memref<10112x128xf32, #tpu.memory_space<vmem_shared>>
        tpu.wait_indirect_dma semaphore(%run_scoped3A_108 : memref<!tpu.dma_semaphore, #tpu.memory_space<semaphore_mem>>) src(%dma_wait3A_122 : memref<128x128xf32, #tpu.memory_space<vmem>>) dst(%dma_wait3A_128 : memref<10112x128xf32, #tpu.memory_space<vmem_shared>>)
        tpu.yield
      }) : () -> ()
    }
    %scan3A_26 = arith.constant 39 : i32
    %lt3A = arith.constant 4 : i32
    %lt3A_27 = arith.cmpi slt, %add3A, %lt3A : i32
    %convert_element_type3A = arith.extui %lt3A_27 : i1 to i32
    %cond3A = arith.constant 0 : i32
    %cond3A_28 = arith.cmpi ne, %convert_element_type3A, %cond3A : i32
    scf.if %cond3A_28 {
      %add3A_34 = arith.constant 2496 : i32
      %add3A_35 = arith.addi %add3A_34, %add3A : i32
      %mul3A_36 = arith.constant 128 : i32
      %mul3A_37 = arith.muli %add3A_35, %mul3A_36 : i32
      %run_scoped3A_38 = arith.constant 0 : i32
      "tpu.region"() ({
        %run_scoped3A_59 = tpu.sem_alloc : memref<!tpu.dma_semaphore, #tpu.memory_space<semaphore_mem>>
        %dma_start3A_60 = arith.constant 0 : i32
        %dma_start3A_61 = tpu.memref_slice %arg10[%run_scoped3A_38, %dma_start3A_60] : memref<2x128xi32, #tpu.memory_space<vmem>> -> memref<1x128xi32, #tpu.memory_space<vmem>>
        %dma_start3A_62 = tpu.memref_squeeze %dma_start3A_61 : memref<1x128xi32, #tpu.memory_space<vmem>> -> memref<128xi32, #tpu.memory_space<vmem>>
        %dma_start3A_63 = tpu.memref_slice %arg2[%mul3A_37] : memref<320000xi32, #tpu.memory_space<hbm>> -> memref<128xi32, #tpu.memory_space<hbm>>
        %dma_start3A_64 = arith.constant 0 : i32
        %dma_start3A_65 = tpu.memref_slice %arg10[%run_scoped3A_38, %dma_start3A_64] : memref<2x128xi32, #tpu.memory_space<vmem>> -> memref<1x128xi32, #tpu.memory_space<vmem>>
        %dma_start3A_66 = tpu.memref_squeeze %dma_start3A_65 : memref<1x128xi32, #tpu.memory_space<vmem>> -> memref<128xi32, #tpu.memory_space<vmem>>
        %dma_start3A_67 = tpu.memref_slice %arg2[%mul3A_37] : memref<320000xi32, #tpu.memory_space<hbm>> -> memref<128xi32, #tpu.memory_space<hbm>>
        tpu.enqueue_dma source(%dma_start3A_67 : memref<128xi32, #tpu.memory_space<hbm>>) target(%dma_start3A_66 : memref<128xi32, #tpu.memory_space<vmem>>) target_semaphore(%run_scoped3A_59 : memref<!tpu.dma_semaphore, #tpu.memory_space<semaphore_mem>>)
        %dma_wait3A = arith.constant 0 : i32
        %dma_wait3A_68 = tpu.memref_slice %arg10[%run_scoped3A_38, %dma_wait3A] : memref<2x128xi32, #tpu.memory_space<vmem>> -> memref<1x128xi32, #tpu.memory_space<vmem>>
        %dma_wait3A_69 = tpu.memref_squeeze %dma_wait3A_68 : memref<1x128xi32, #tpu.memory_space<vmem>> -> memref<128xi32, #tpu.memory_space<vmem>>
        %dma_wait3A_70 = tpu.memref_slice %arg2[%mul3A_37] : memref<320000xi32, #tpu.memory_space<hbm>> -> memref<128xi32, #tpu.memory_space<hbm>>
        %dma_wait3A_71 = arith.constant 0 : i32
        %dma_wait3A_72 = tpu.memref_slice %arg10[%run_scoped3A_38, %dma_wait3A_71] : memref<2x128xi32, #tpu.memory_space<vmem>> -> memref<1x128xi32, #tpu.memory_space<vmem>>
        %dma_wait3A_73 = tpu.memref_squeeze %dma_wait3A_72 : memref<1x128xi32, #tpu.memory_space<vmem>> -> memref<128xi32, #tpu.memory_space<vmem>>
        %dma_wait3A_74 = tpu.memref_slice %arg2[%mul3A_37] : memref<320000xi32, #tpu.memory_space<hbm>> -> memref<128xi32, #tpu.memory_space<hbm>>
        tpu.wait_dma2 semaphore(%run_scoped3A_59 : memref<!tpu.dma_semaphore, #tpu.memory_space<semaphore_mem>>) src(%dma_wait3A_74 : memref<128xi32, #tpu.memory_space<hbm>>) dst(%dma_wait3A_73 : memref<128xi32, #tpu.memory_space<vmem>>)
        tpu.yield
      }) : () -> ()
      %run_scoped3A_39 = arith.constant 0 : i32
      "tpu.region"() ({
        %run_scoped3A_59 = tpu.sem_alloc : memref<!tpu.dma_semaphore, #tpu.memory_space<semaphore_mem>>
        %dma_start3A_60 = arith.constant 0 : i32
        %dma_start3A_61 = tpu.memref_slice %arg11[%run_scoped3A_39, %dma_start3A_60] : memref<2x128xi32, #tpu.memory_space<vmem>> -> memref<1x128xi32, #tpu.memory_space<vmem>>
        %dma_start3A_62 = tpu.memref_squeeze %dma_start3A_61 : memref<1x128xi32, #tpu.memory_space<vmem>> -> memref<128xi32, #tpu.memory_space<vmem>>
        %dma_start3A_63 = tpu.memref_slice %arg3[%mul3A_37] : memref<320000xi32, #tpu.memory_space<hbm>> -> memref<128xi32, #tpu.memory_space<hbm>>
        %dma_start3A_64 = arith.constant 0 : i32
        %dma_start3A_65 = tpu.memref_slice %arg11[%run_scoped3A_39, %dma_start3A_64] : memref<2x128xi32, #tpu.memory_space<vmem>> -> memref<1x128xi32, #tpu.memory_space<vmem>>
        %dma_start3A_66 = tpu.memref_squeeze %dma_start3A_65 : memref<1x128xi32, #tpu.memory_space<vmem>> -> memref<128xi32, #tpu.memory_space<vmem>>
        %dma_start3A_67 = tpu.memref_slice %arg3[%mul3A_37] : memref<320000xi32, #tpu.memory_space<hbm>> -> memref<128xi32, #tpu.memory_space<hbm>>
        tpu.enqueue_dma source(%dma_start3A_67 : memref<128xi32, #tpu.memory_space<hbm>>) target(%dma_start3A_66 : memref<128xi32, #tpu.memory_space<vmem>>) target_semaphore(%run_scoped3A_59 : memref<!tpu.dma_semaphore, #tpu.memory_space<semaphore_mem>>)
        %dma_wait3A = arith.constant 0 : i32
        %dma_wait3A_68 = tpu.memref_slice %arg11[%run_scoped3A_39, %dma_wait3A] : memref<2x128xi32, #tpu.memory_space<vmem>> -> memref<1x128xi32, #tpu.memory_space<vmem>>
        %dma_wait3A_69 = tpu.memref_squeeze %dma_wait3A_68 : memref<1x128xi32, #tpu.memory_space<vmem>> -> memref<128xi32, #tpu.memory_space<vmem>>
        %dma_wait3A_70 = tpu.memref_slice %arg3[%mul3A_37] : memref<320000xi32, #tpu.memory_space<hbm>> -> memref<128xi32, #tpu.memory_space<hbm>>
        %dma_wait3A_71 = arith.constant 0 : i32
        %dma_wait3A_72 = tpu.memref_slice %arg11[%run_scoped3A_39, %dma_wait3A_71] : memref<2x128xi32, #tpu.memory_space<vmem>> -> memref<1x128xi32, #tpu.memory_space<vmem>>
        %dma_wait3A_73 = tpu.memref_squeeze %dma_wait3A_72 : memref<1x128xi32, #tpu.memory_space<vmem>> -> memref<128xi32, #tpu.memory_space<vmem>>
        %dma_wait3A_74 = tpu.memref_slice %arg3[%mul3A_37] : memref<320000xi32, #tpu.memory_space<hbm>> -> memref<128xi32, #tpu.memory_space<hbm>>
        tpu.wait_dma2 semaphore(%run_scoped3A_59 : memref<!tpu.dma_semaphore, #tpu.memory_space<semaphore_mem>>) src(%dma_wait3A_74 : memref<128xi32, #tpu.memory_space<hbm>>) dst(%dma_wait3A_73 : memref<128xi32, #tpu.memory_space<vmem>>)
        tpu.yield
      }) : () -> ()
      %run_scoped3A_40 = arith.constant 0 : i32
      "tpu.region"() ({
        %run_scoped3A_59 = tpu.sem_alloc : memref<!tpu.dma_semaphore, #tpu.memory_space<semaphore_mem>>
        %dma_start3A_60 = arith.constant 0 : i32
        %dma_start3A_61 = arith.constant 0 : i32
        %dma_start3A_62 = tpu.memref_slice %arg12[%run_scoped3A_40, %dma_start3A_60, %dma_start3A_61] : memref<2x128x16xf32, #tpu.memory_space<vmem>> -> memref<1x128x16xf32, #tpu.memory_space<vmem>>
        %dma_start3A_63 = tpu.memref_squeeze %dma_start3A_62 : memref<1x128x16xf32, #tpu.memory_space<vmem>> -> memref<128x16xf32, #tpu.memory_space<vmem>>
        %dma_start3A_64 = arith.constant 0 : i32
        %dma_start3A_65 = tpu.memref_slice %arg4[%mul3A_37, %dma_start3A_64] : memref<320000x16xf32, #tpu.memory_space<hbm>> -> memref<128x16xf32, #tpu.memory_space<hbm>>
        %dma_start3A_66 = arith.constant 0 : i32
        %dma_start3A_67 = arith.constant 0 : i32
        %dma_start3A_68 = tpu.memref_slice %arg12[%run_scoped3A_40, %dma_start3A_66, %dma_start3A_67] : memref<2x128x16xf32, #tpu.memory_space<vmem>> -> memref<1x128x16xf32, #tpu.memory_space<vmem>>
        %dma_start3A_69 = tpu.memref_squeeze %dma_start3A_68 : memref<1x128x16xf32, #tpu.memory_space<vmem>> -> memref<128x16xf32, #tpu.memory_space<vmem>>
        %dma_start3A_70 = arith.constant 0 : i32
        %dma_start3A_71 = tpu.memref_slice %arg4[%mul3A_37, %dma_start3A_70] : memref<320000x16xf32, #tpu.memory_space<hbm>> -> memref<128x16xf32, #tpu.memory_space<hbm>>
        tpu.enqueue_dma source(%dma_start3A_71 : memref<128x16xf32, #tpu.memory_space<hbm>>) target(%dma_start3A_69 : memref<128x16xf32, #tpu.memory_space<vmem>>) target_semaphore(%run_scoped3A_59 : memref<!tpu.dma_semaphore, #tpu.memory_space<semaphore_mem>>)
        %dma_wait3A = arith.constant 0 : i32
        %dma_wait3A_72 = arith.constant 0 : i32
        %dma_wait3A_73 = tpu.memref_slice %arg12[%run_scoped3A_40, %dma_wait3A, %dma_wait3A_72] : memref<2x128x16xf32, #tpu.memory_space<vmem>> -> memref<1x128x16xf32, #tpu.memory_space<vmem>>
        %dma_wait3A_74 = tpu.memref_squeeze %dma_wait3A_73 : memref<1x128x16xf32, #tpu.memory_space<vmem>> -> memref<128x16xf32, #tpu.memory_space<vmem>>
        %dma_wait3A_75 = arith.constant 0 : i32
        %dma_wait3A_76 = tpu.memref_slice %arg4[%mul3A_37, %dma_wait3A_75] : memref<320000x16xf32, #tpu.memory_space<hbm>> -> memref<128x16xf32, #tpu.memory_space<hbm>>
        %dma_wait3A_77 = arith.constant 0 : i32
        %dma_wait3A_78 = arith.constant 0 : i32
        %dma_wait3A_79 = tpu.memref_slice %arg12[%run_scoped3A_40, %dma_wait3A_77, %dma_wait3A_78] : memref<2x128x16xf32, #tpu.memory_space<vmem>> -> memref<1x128x16xf32, #tpu.memory_space<vmem>>
        %dma_wait3A_80 = tpu.memref_squeeze %dma_wait3A_79 : memref<1x128x16xf32, #tpu.memory_space<vmem>> -> memref<128x16xf32, #tpu.memory_space<vmem>>
        %dma_wait3A_81 = arith.constant 0 : i32
        %dma_wait3A_82 = tpu.memref_slice %arg4[%mul3A_37, %dma_wait3A_81] : memref<320000x16xf32, #tpu.memory_space<hbm>> -> memref<128x16xf32, #tpu.memory_space<hbm>>
        tpu.wait_dma2 semaphore(%run_scoped3A_59 : memref<!tpu.dma_semaphore, #tpu.memory_space<semaphore_mem>>) src(%dma_wait3A_82 : memref<128x16xf32, #tpu.memory_space<hbm>>) dst(%dma_wait3A_80 : memref<128x16xf32, #tpu.memory_space<vmem>>)
        tpu.yield
      }) : () -> ()
      %run_scoped3A_41 = arith.constant 0 : i32
      %run_scoped3A_42 = arith.constant 0 : i32
      "tpu.region"() ({
        %run_scoped3A_59 = tpu.sem_alloc : memref<!tpu.dma_semaphore, #tpu.memory_space<semaphore_mem>>
        %dma_start3A_60 = arith.constant 0 : i32
        %dma_start3A_61 = arith.constant 0 : i32
        %dma_start3A_62 = tpu.memref_slice %arg13[%run_scoped3A_42, %dma_start3A_60, %dma_start3A_61] : memref<2x128x16xf32, #tpu.memory_space<vmem>> -> memref<1x128x16xf32, #tpu.memory_space<vmem>>
        %dma_start3A_63 = tpu.memref_squeeze %dma_start3A_62 : memref<1x128x16xf32, #tpu.memory_space<vmem>> -> memref<128x16xf32, #tpu.memory_space<vmem>>
        %dma_start3A_64 = arith.constant 0 : i32
        %dma_start3A_65 = tpu.memref_slice %arg11[%run_scoped3A_41, %dma_start3A_64] : memref<2x128xi32, #tpu.memory_space<vmem>> -> memref<1x128xi32, #tpu.memory_space<vmem>>
        %dma_start3A_66 = tpu.memref_squeeze %dma_start3A_65 : memref<1x128xi32, #tpu.memory_space<vmem>> -> memref<128xi32, #tpu.memory_space<vmem>>
        %dma_start3A_67 = arith.constant 0 : i32
        %dma_start3A_68 = arith.constant 0 : i32
        %dma_start3A_69 = tpu.memref_slice %arg5[%dma_start3A_67, %dma_start3A_68] : memref<10112x16xf32, #tpu.memory_space<hbm>> -> memref<10112x16xf32, #tpu.memory_space<hbm>>
        tpu.enqueue_indirect_dma source(%dma_start3A_69 : memref<10112x16xf32, #tpu.memory_space<hbm>>) target(%dma_start3A_63 : memref<128x16xf32, #tpu.memory_space<vmem>>) offsets(%dma_start3A_66 : memref<128xi32, #tpu.memory_space<vmem>>) semaphore(%run_scoped3A_59 : memref<!tpu.dma_semaphore, #tpu.memory_space<semaphore_mem>>)
        %dma_wait3A = arith.constant 0 : i32
        %dma_wait3A_70 = arith.constant 0 : i32
        %dma_wait3A_71 = tpu.memref_slice %arg13[%run_scoped3A_42, %dma_wait3A, %dma_wait3A_70] : memref<2x128x16xf32, #tpu.memory_space<vmem>> -> memref<1x128x16xf32, #tpu.memory_space<vmem>>
        %dma_wait3A_72 = tpu.memref_squeeze %dma_wait3A_71 : memref<1x128x16xf32, #tpu.memory_space<vmem>> -> memref<128x16xf32, #tpu.memory_space<vmem>>
        %dma_wait3A_73 = arith.constant 0 : i32
        %dma_wait3A_74 = tpu.memref_slice %arg11[%run_scoped3A_41, %dma_wait3A_73] : memref<2x128xi32, #tpu.memory_space<vmem>> -> memref<1x128xi32, #tpu.memory_space<vmem>>
        %dma_wait3A_75 = tpu.memref_squeeze %dma_wait3A_74 : memref<1x128xi32, #tpu.memory_space<vmem>> -> memref<128xi32, #tpu.memory_space<vmem>>
        %dma_wait3A_76 = arith.constant 0 : i32
        %dma_wait3A_77 = arith.constant 0 : i32
        %dma_wait3A_78 = tpu.memref_slice %arg5[%dma_wait3A_76, %dma_wait3A_77] : memref<10112x16xf32, #tpu.memory_space<hbm>> -> memref<10112x16xf32, #tpu.memory_space<hbm>>
        tpu.wait_indirect_dma semaphore(%run_scoped3A_59 : memref<!tpu.dma_semaphore, #tpu.memory_space<semaphore_mem>>) src(%dma_wait3A_78 : memref<10112x16xf32, #tpu.memory_space<hbm>>) dst(%dma_wait3A_72 : memref<128x16xf32, #tpu.memory_space<vmem>>)
        tpu.yield
      }) : () -> ()
      %run_scoped3A_43 = arith.constant 0 : i32
      %run_scoped3A_44 = arith.constant 0 : i32
      "tpu.region"() ({
        %run_scoped3A_59 = tpu.sem_alloc : memref<!tpu.dma_semaphore, #tpu.memory_space<semaphore_mem>>
        %dma_start3A_60 = arith.constant 0 : i32
        %dma_start3A_61 = arith.constant 0 : i32
        %dma_start3A_62 = tpu.memref_slice %arg17[%run_scoped3A_44, %dma_start3A_60, %dma_start3A_61] : memref<2x128x128xf32, #tpu.memory_space<vmem>> -> memref<1x128x128xf32, #tpu.memory_space<vmem>>
        %dma_start3A_63 = tpu.memref_squeeze %dma_start3A_62 : memref<1x128x128xf32, #tpu.memory_space<vmem>> -> memref<128x128xf32, #tpu.memory_space<vmem>>
        %dma_start3A_64 = arith.constant 0 : i32
        %dma_start3A_65 = tpu.memref_slice %arg10[%run_scoped3A_43, %dma_start3A_64] : memref<2x128xi32, #tpu.memory_space<vmem>> -> memref<1x128xi32, #tpu.memory_space<vmem>>
        %dma_start3A_66 = tpu.memref_squeeze %dma_start3A_65 : memref<1x128xi32, #tpu.memory_space<vmem>> -> memref<128xi32, #tpu.memory_space<vmem>>
        %dma_start3A_67 = arith.constant 0 : i32
        %dma_start3A_68 = arith.constant 0 : i32
        %dma_start3A_69 = tpu.memref_slice %arg6[%dma_start3A_67, %dma_start3A_68] : memref<40000x128xf32, #tpu.memory_space<hbm>> -> memref<40000x128xf32, #tpu.memory_space<hbm>>
        tpu.enqueue_indirect_dma source(%dma_start3A_69 : memref<40000x128xf32, #tpu.memory_space<hbm>>) target(%dma_start3A_63 : memref<128x128xf32, #tpu.memory_space<vmem>>) offsets(%dma_start3A_66 : memref<128xi32, #tpu.memory_space<vmem>>) semaphore(%run_scoped3A_59 : memref<!tpu.dma_semaphore, #tpu.memory_space<semaphore_mem>>)
        %dma_wait3A = arith.constant 0 : i32
        %dma_wait3A_70 = arith.constant 0 : i32
        %dma_wait3A_71 = tpu.memref_slice %arg17[%run_scoped3A_44, %dma_wait3A, %dma_wait3A_70] : memref<2x128x128xf32, #tpu.memory_space<vmem>> -> memref<1x128x128xf32, #tpu.memory_space<vmem>>
        %dma_wait3A_72 = tpu.memref_squeeze %dma_wait3A_71 : memref<1x128x128xf32, #tpu.memory_space<vmem>> -> memref<128x128xf32, #tpu.memory_space<vmem>>
        %dma_wait3A_73 = arith.constant 0 : i32
        %dma_wait3A_74 = tpu.memref_slice %arg10[%run_scoped3A_43, %dma_wait3A_73] : memref<2x128xi32, #tpu.memory_space<vmem>> -> memref<1x128xi32, #tpu.memory_space<vmem>>
        %dma_wait3A_75 = tpu.memref_squeeze %dma_wait3A_74 : memref<1x128xi32, #tpu.memory_space<vmem>> -> memref<128xi32, #tpu.memory_space<vmem>>
        %dma_wait3A_76 = arith.constant 0 : i32
        %dma_wait3A_77 = arith.constant 0 : i32
        %dma_wait3A_78 = tpu.memref_slice %arg6[%dma_wait3A_76, %dma_wait3A_77] : memref<40000x128xf32, #tpu.memory_space<hbm>> -> memref<40000x128xf32, #tpu.memory_space<hbm>>
        tpu.wait_indirect_dma semaphore(%run_scoped3A_59 : memref<!tpu.dma_semaphore, #tpu.memory_space<semaphore_mem>>) src(%dma_wait3A_78 : memref<40000x128xf32, #tpu.memory_space<hbm>>) dst(%dma_wait3A_72 : memref<128x128xf32, #tpu.memory_space<vmem>>)
        tpu.yield
      }) : () -> ()
      %scan3A_45 = arith.constant 0 : i32
      %scan3A_46 = arith.constant 0 : i32
      %scan3A_47 = arith.constant 128 : i32
      %scan3A_48 = arith.addi %scan3A_46, %scan3A_47 : i32
      %scan3A_49 = arith.constant 1 : i32
      scf.for %scan3A_59 = %scan3A_46 to %scan3A_48 step %scan3A_49  : i32 {
        %get3A = arith.constant 0 : i32
        %get3A_60 = arith.index_cast %get3A : i32 to index
        %get3A_61 = arith.index_cast %scan3A_59 : i32 to index
        %get3A_62 = arith.constant 0 : index
        %get3A_63 = tpu.vector_load %arg12[%get3A_60, %get3A_61, %get3A_62] {strides = array<i32>} : memref<2x128x16xf32, #tpu.memory_space<vmem>>, vector<16xf32>,
        %get3A_64 = arith.constant 0 : i32
        %get3A_65 = arith.index_cast %get3A_64 : i32 to index
        %get3A_66 = arith.index_cast %scan3A_59 : i32 to index
        %get3A_67 = arith.constant 0 : index
        %get3A_68 = tpu.vector_load %arg13[%get3A_65, %get3A_66, %get3A_67] {strides = array<i32>} : memref<2x128x16xf32, #tpu.memory_space<vmem>>, vector<16xf32>,
        %mul3A_69 = arith.mulf %get3A_63, %get3A_68 : vector<16xf32>
        %swap3A = arith.constant 0 : index
        %swap3A_70 = tpu.vector_load %arg14[%swap3A] {strides = array<i32>} : memref<16xf32, #tpu.memory_space<vmem>>, vector<16xf32>,
        tpu.vector_store %arg14[%swap3A], %mul3A_69 {strides = array<i32>} : memref<16xf32, #tpu.memory_space<vmem>>, vector<16xf32>,
        %get3A_71 = arith.constant 0 : index
        %get3A_72 = tpu.vector_load %arg16[%get3A_71] {strides = array<i32>} : memref<16xi32, #tpu.memory_space<vmem>>, vector<16xi32>,
        %gather3A = tpu.vector_load_idx %arg14[%get3A_72] : memref<16xf32, #tpu.memory_space<vmem>>[vector<16xi32>], vector<16xf32>,
        %add3A_73 = arith.constant 4 : i32
        %add3A_74 = vector.broadcast %add3A_73 : i32 to vector<16xi32>
        %add3A_75 = arith.addi %get3A_72, %add3A_74 : vector<16xi32>
        %gather3A_76 = tpu.vector_load_idx %arg14[%add3A_75] : memref<16xf32, #tpu.memory_space<vmem>>[vector<16xi32>], vector<16xf32>,
        %add3A_77 = arith.addf %gather3A, %gather3A_76 : vector<16xf32>
        %add3A_78 = arith.constant 8 : i32
        %add3A_79 = vector.broadcast %add3A_78 : i32 to vector<16xi32>
        %add3A_80 = arith.addi %get3A_72, %add3A_79 : vector<16xi32>
        %gather3A_81 = tpu.vector_load_idx %arg14[%add3A_80] : memref<16xf32, #tpu.memory_space<vmem>>[vector<16xi32>], vector<16xf32>,
        %add3A_82 = arith.addf %add3A_77, %gather3A_81 : vector<16xf32>
        %add3A_83 = arith.constant 12 : i32
        %add3A_84 = vector.broadcast %add3A_83 : i32 to vector<16xi32>
        %add3A_85 = arith.addi %get3A_72, %add3A_84 : vector<16xi32>
        %gather3A_86 = tpu.vector_load_idx %arg14[%add3A_85] : memref<16xf32, #tpu.memory_space<vmem>>[vector<16xi32>], vector<16xf32>,
        %add3A_87 = arith.addf %add3A_82, %gather3A_86 : vector<16xf32>
        %mul3A_88 = arith.constant 16 : i32
        %mul3A_89 = arith.muli %scan3A_59, %mul3A_88 : i32
        %swap3A_90 = arith.index_cast %mul3A_89 : i32 to index
        %swap3A_91 = tpu.vector_load %arg15[%swap3A_90] {strides = array<i32>} : memref<2048xf32, #tpu.memory_space<vmem>>, vector<16xf32>,
        tpu.vector_store %arg15[%swap3A_90], %add3A_87 {strides = array<i32>} : memref<2048xf32, #tpu.memory_space<vmem>>, vector<16xf32>,
      }
      %scan3A_50 = arith.constant 128 : i32
      %scan3A_51 = arith.constant 0 : i32
      %scan3A_52 = arith.constant 0 : i32
      %scan3A_53 = arith.constant 128 : i32
      %scan3A_54 = arith.addi %scan3A_52, %scan3A_53 : i32
      %scan3A_55 = arith.constant 1 : i32
      scf.for %scan3A_59 = %scan3A_52 to %scan3A_54 step %scan3A_55  : i32 {
        %mul3A_60 = arith.constant 16 : i32
        %mul3A_61 = arith.muli %scan3A_59, %mul3A_60 : i32
        %add3A_62 = arith.constant 0 : i32
        %add3A_63 = arith.addi %mul3A_61, %add3A_62 : i32
        %broadcast_in_dim3A = vector.broadcast %add3A_63 : i32 to vector<16xi32>
        %gather3A = tpu.vector_load_idx %arg15[%broadcast_in_dim3A] : memref<2048xf32, #tpu.memory_space<vmem>>[vector<16xi32>], vector<16xf32>,
        %get3A = arith.constant 0 : i32
        %get3A_64 = arith.index_cast %get3A : i32 to index
        %get3A_65 = arith.index_cast %scan3A_59 : i32 to index
        %get3A_66 = arith.constant 0 : index
        %get3A_67 = tpu.vector_load %arg17[%get3A_64, %get3A_65, %get3A_66] {strides = array<i32>} : memref<2x128x128xf32, #tpu.memory_space<vmem>>, vector<16xf32>,
        %mul3A_68 = arith.mulf %get3A_67, %gather3A : vector<16xf32>
        %swap3A = arith.constant 0 : i32
        %swap3A_69 = arith.index_cast %swap3A : i32 to index
        %swap3A_70 = arith.index_cast %scan3A_59 : i32 to index
        %swap3A_71 = arith.constant 0 : index
        %swap3A_72 = tpu.vector_load %arg17[%swap3A_69, %swap3A_70, %swap3A_71] {strides = array<i32>} : memref<2x128x128xf32, #tpu.memory_space<vmem>>, vector<16xf32>,
        tpu.vector_store %arg17[%swap3A_69, %swap3A_70, %swap3A_71], %mul3A_68 {strides = array<i32>} : memref<2x128x128xf32, #tpu.memory_space<vmem>>, vector<16xf32>,
        %get3A_73 = arith.constant 0 : i32
        %get3A_74 = arith.index_cast %get3A_73 : i32 to index
        %get3A_75 = arith.index_cast %scan3A_59 : i32 to index
        %get3A_76 = arith.constant 16 : index
        %get3A_77 = tpu.vector_load %arg17[%get3A_74, %get3A_75, %get3A_76] {strides = array<i32>} : memref<2x128x128xf32, #tpu.memory_space<vmem>>, vector<16xf32>,
        %mul3A_78 = arith.mulf %get3A_77, %gather3A : vector<16xf32>
        %swap3A_79 = arith.constant 0 : i32
        %swap3A_80 = arith.index_cast %swap3A_79 : i32 to index
        %swap3A_81 = arith.index_cast %scan3A_59 : i32 to index
        %swap3A_82 = arith.constant 16 : index
        %swap3A_83 = tpu.vector_load %arg17[%swap3A_80, %swap3A_81, %swap3A_82] {strides = array<i32>} : memref<2x128x128xf32, #tpu.memory_space<vmem>>, vector<16xf32>,
        tpu.vector_store %arg17[%swap3A_80, %swap3A_81, %swap3A_82], %mul3A_78 {strides = array<i32>} : memref<2x128x128xf32, #tpu.memory_space<vmem>>, vector<16xf32>,
        %mul3A_84 = arith.constant 16 : i32
        %mul3A_85 = arith.muli %scan3A_59, %mul3A_84 : i32
        %add3A_86 = arith.constant 1 : i32
        %add3A_87 = arith.addi %mul3A_85, %add3A_86 : i32
        %broadcast_in_dim3A_88 = vector.broadcast %add3A_87 : i32 to vector<16xi32>
        %gather3A_89 = tpu.vector_load_idx %arg15[%broadcast_in_dim3A_88] : memref<2048xf32, #tpu.memory_space<vmem>>[vector<16xi32>], vector<16xf32>,
        %get3A_90 = arith.constant 0 : i32
        %get3A_91 = arith.index_cast %get3A_90 : i32 to index
        %get3A_92 = arith.index_cast %scan3A_59 : i32 to index
        %get3A_93 = arith.constant 32 : index
        %get3A_94 = tpu.vector_load %arg17[%get3A_91, %get3A_92, %get3A_93] {strides = array<i32>} : memref<2x128x128xf32, #tpu.memory_space<vmem>>, vector<16xf32>,
        %mul3A_95 = arith.mulf %get3A_94, %gather3A_89 : vector<16xf32>
        %swap3A_96 = arith.constant 0 : i32
        %swap3A_97 = arith.index_cast %swap3A_96 : i32 to index
        %swap3A_98 = arith.index_cast %scan3A_59 : i32 to index
        %swap3A_99 = arith.constant 32 : index
        %swap3A_100 = tpu.vector_load %arg17[%swap3A_97, %swap3A_98, %swap3A_99] {strides = array<i32>} : memref<2x128x128xf32, #tpu.memory_space<vmem>>, vector<16xf32>,
        tpu.vector_store %arg17[%swap3A_97, %swap3A_98, %swap3A_99], %mul3A_95 {strides = array<i32>} : memref<2x128x128xf32, #tpu.memory_space<vmem>>, vector<16xf32>,
        %get3A_101 = arith.constant 0 : i32
        %get3A_102 = arith.index_cast %get3A_101 : i32 to index
        %get3A_103 = arith.index_cast %scan3A_59 : i32 to index
        %get3A_104 = arith.constant 48 : index
        %get3A_105 = tpu.vector_load %arg17[%get3A_102, %get3A_103, %get3A_104] {strides = array<i32>} : memref<2x128x128xf32, #tpu.memory_space<vmem>>, vector<16xf32>,
        %mul3A_106 = arith.mulf %get3A_105, %gather3A_89 : vector<16xf32>
        %swap3A_107 = arith.constant 0 : i32
        %swap3A_108 = arith.index_cast %swap3A_107 : i32 to index
        %swap3A_109 = arith.index_cast %scan3A_59 : i32 to index
        %swap3A_110 = arith.constant 48 : index
        %swap3A_111 = tpu.vector_load %arg17[%swap3A_108, %swap3A_109, %swap3A_110] {strides = array<i32>} : memref<2x128x128xf32, #tpu.memory_space<vmem>>, vector<16xf32>,
        tpu.vector_store %arg17[%swap3A_108, %swap3A_109, %swap3A_110], %mul3A_106 {strides = array<i32>} : memref<2x128x128xf32, #tpu.memory_space<vmem>>, vector<16xf32>,
        %mul3A_112 = arith.constant 16 : i32
        %mul3A_113 = arith.muli %scan3A_59, %mul3A_112 : i32
        %add3A_114 = arith.constant 2 : i32
        %add3A_115 = arith.addi %mul3A_113, %add3A_114 : i32
        %broadcast_in_dim3A_116 = vector.broadcast %add3A_115 : i32 to vector<16xi32>
        %gather3A_117 = tpu.vector_load_idx %arg15[%broadcast_in_dim3A_116] : memref<2048xf32, #tpu.memory_space<vmem>>[vector<16xi32>], vector<16xf32>,
        %get3A_118 = arith.constant 0 : i32
        %get3A_119 = arith.index_cast %get3A_118 : i32 to index
        %get3A_120 = arith.index_cast %scan3A_59 : i32 to index
        %get3A_121 = arith.constant 64 : index
        %get3A_122 = tpu.vector_load %arg17[%get3A_119, %get3A_120, %get3A_121] {strides = array<i32>} : memref<2x128x128xf32, #tpu.memory_space<vmem>>, vector<16xf32>,
        %mul3A_123 = arith.mulf %get3A_122, %gather3A_117 : vector<16xf32>
        %swap3A_124 = arith.constant 0 : i32
        %swap3A_125 = arith.index_cast %swap3A_124 : i32 to index
        %swap3A_126 = arith.index_cast %scan3A_59 : i32 to index
        %swap3A_127 = arith.constant 64 : index
        %swap3A_128 = tpu.vector_load %arg17[%swap3A_125, %swap3A_126, %swap3A_127] {strides = array<i32>} : memref<2x128x128xf32, #tpu.memory_space<vmem>>, vector<16xf32>,
        tpu.vector_store %arg17[%swap3A_125, %swap3A_126, %swap3A_127], %mul3A_123 {strides = array<i32>} : memref<2x128x128xf32, #tpu.memory_space<vmem>>, vector<16xf32>,
        %get3A_129 = arith.constant 0 : i32
        %get3A_130 = arith.index_cast %get3A_129 : i32 to index
        %get3A_131 = arith.index_cast %scan3A_59 : i32 to index
        %get3A_132 = arith.constant 80 : index
        %get3A_133 = tpu.vector_load %arg17[%get3A_130, %get3A_131, %get3A_132] {strides = array<i32>} : memref<2x128x128xf32, #tpu.memory_space<vmem>>, vector<16xf32>,
        %mul3A_134 = arith.mulf %get3A_133, %gather3A_117 : vector<16xf32>
        %swap3A_135 = arith.constant 0 : i32
        %swap3A_136 = arith.index_cast %swap3A_135 : i32 to index
        %swap3A_137 = arith.index_cast %scan3A_59 : i32 to index
        %swap3A_138 = arith.constant 80 : index
        %swap3A_139 = tpu.vector_load %arg17[%swap3A_136, %swap3A_137, %swap3A_138] {strides = array<i32>} : memref<2x128x128xf32, #tpu.memory_space<vmem>>, vector<16xf32>,
        tpu.vector_store %arg17[%swap3A_136, %swap3A_137, %swap3A_138], %mul3A_134 {strides = array<i32>} : memref<2x128x128xf32, #tpu.memory_space<vmem>>, vector<16xf32>,
        %mul3A_140 = arith.constant 16 : i32
        %mul3A_141 = arith.muli %scan3A_59, %mul3A_140 : i32
        %add3A_142 = arith.constant 3 : i32
        %add3A_143 = arith.addi %mul3A_141, %add3A_142 : i32
        %broadcast_in_dim3A_144 = vector.broadcast %add3A_143 : i32 to vector<16xi32>
        %gather3A_145 = tpu.vector_load_idx %arg15[%broadcast_in_dim3A_144] : memref<2048xf32, #tpu.memory_space<vmem>>[vector<16xi32>], vector<16xf32>,
        %get3A_146 = arith.constant 0 : i32
        %get3A_147 = arith.index_cast %get3A_146 : i32 to index
        %get3A_148 = arith.index_cast %scan3A_59 : i32 to index
        %get3A_149 = arith.constant 96 : index
        %get3A_150 = tpu.vector_load %arg17[%get3A_147, %get3A_148, %get3A_149] {strides = array<i32>} : memref<2x128x128xf32, #tpu.memory_space<vmem>>, vector<16xf32>,
        %mul3A_151 = arith.mulf %get3A_150, %gather3A_145 : vector<16xf32>
        %swap3A_152 = arith.constant 0 : i32
        %swap3A_153 = arith.index_cast %swap3A_152 : i32 to index
        %swap3A_154 = arith.index_cast %scan3A_59 : i32 to index
        %swap3A_155 = arith.constant 96 : index
        %swap3A_156 = tpu.vector_load %arg17[%swap3A_153, %swap3A_154, %swap3A_155] {strides = array<i32>} : memref<2x128x128xf32, #tpu.memory_space<vmem>>, vector<16xf32>,
        tpu.vector_store %arg17[%swap3A_153, %swap3A_154, %swap3A_155], %mul3A_151 {strides = array<i32>} : memref<2x128x128xf32, #tpu.memory_space<vmem>>, vector<16xf32>,
        %get3A_157 = arith.constant 0 : i32
        %get3A_158 = arith.index_cast %get3A_157 : i32 to index
        %get3A_159 = arith.index_cast %scan3A_59 : i32 to index
        %get3A_160 = arith.constant 112 : index
        %get3A_161 = tpu.vector_load %arg17[%get3A_158, %get3A_159, %get3A_160] {strides = array<i32>} : memref<2x128x128xf32, #tpu.memory_space<vmem>>, vector<16xf32>,
        %mul3A_162 = arith.mulf %get3A_161, %gather3A_145 : vector<16xf32>
        %swap3A_163 = arith.constant 0 : i32
        %swap3A_164 = arith.index_cast %swap3A_163 : i32 to index
        %swap3A_165 = arith.index_cast %scan3A_59 : i32 to index
        %swap3A_166 = arith.constant 112 : index
        %swap3A_167 = tpu.vector_load %arg17[%swap3A_164, %swap3A_165, %swap3A_166] {strides = array<i32>} : memref<2x128x128xf32, #tpu.memory_space<vmem>>, vector<16xf32>,
        tpu.vector_store %arg17[%swap3A_164, %swap3A_165, %swap3A_166], %mul3A_162 {strides = array<i32>} : memref<2x128x128xf32, #tpu.memory_space<vmem>>, vector<16xf32>,
      }
      %scan3A_56 = arith.constant 128 : i32
      %run_scoped3A_57 = arith.constant 0 : i32
      %run_scoped3A_58 = arith.constant 0 : i32
      "tpu.region"() ({
        %run_scoped3A_59 = tpu.sem_alloc : memref<!tpu.dma_semaphore, #tpu.memory_space<semaphore_mem>>
        %dma_start3A_60 = arith.constant 0 : i32
        %dma_start3A_61 = arith.constant 0 : i32
        %dma_start3A_62 = tpu.memref_slice %arg17[%run_scoped3A_57, %dma_start3A_60, %dma_start3A_61] : memref<2x128x128xf32, #tpu.memory_space<vmem>> -> memref<1x128x128xf32, #tpu.memory_space<vmem>>
        %dma_start3A_63 = tpu.memref_squeeze %dma_start3A_62 : memref<1x128x128xf32, #tpu.memory_space<vmem>> -> memref<128x128xf32, #tpu.memory_space<vmem>>
        %dma_start3A_64 = arith.constant 0 : i32
        %dma_start3A_65 = tpu.memref_slice %arg11[%run_scoped3A_58, %dma_start3A_64] : memref<2x128xi32, #tpu.memory_space<vmem>> -> memref<1x128xi32, #tpu.memory_space<vmem>>
        %dma_start3A_66 = tpu.memref_squeeze %dma_start3A_65 : memref<1x128xi32, #tpu.memory_space<vmem>> -> memref<128xi32, #tpu.memory_space<vmem>>
        %dma_start3A_67 = arith.constant 0 : i32
        %dma_start3A_68 = arith.constant 0 : i32
        %dma_start3A_69 = tpu.memref_slice %arg18[%dma_start3A_67, %dma_start3A_68] : memref<10112x128xf32, #tpu.memory_space<vmem_shared>> -> memref<10112x128xf32, #tpu.memory_space<vmem_shared>>
        tpu.enqueue_indirect_dma source(%dma_start3A_63 : memref<128x128xf32, #tpu.memory_space<vmem>>) target(%dma_start3A_69 : memref<10112x128xf32, #tpu.memory_space<vmem_shared>>) offsets(%dma_start3A_66 : memref<128xi32, #tpu.memory_space<vmem>>) semaphore(%run_scoped3A_59 : memref<!tpu.dma_semaphore, #tpu.memory_space<semaphore_mem>>) {add = true}
        %dma_wait3A = arith.constant 0 : i32
        %dma_wait3A_70 = arith.constant 0 : i32
        %dma_wait3A_71 = tpu.memref_slice %arg17[%run_scoped3A_57, %dma_wait3A, %dma_wait3A_70] : memref<2x128x128xf32, #tpu.memory_space<vmem>> -> memref<1x128x128xf32, #tpu.memory_space<vmem>>
        %dma_wait3A_72 = tpu.memref_squeeze %dma_wait3A_71 : memref<1x128x128xf32, #tpu.memory_space<vmem>> -> memref<128x128xf32, #tpu.memory_space<vmem>>
        %dma_wait3A_73 = arith.constant 0 : i32
        %dma_wait3A_74 = tpu.memref_slice %arg11[%run_scoped3A_58, %dma_wait3A_73] : memref<2x128xi32, #tpu.memory_space<vmem>> -> memref<1x128xi32, #tpu.memory_space<vmem>>
        %dma_wait3A_75 = tpu.memref_squeeze %dma_wait3A_74 : memref<1x128xi32, #tpu.memory_space<vmem>> -> memref<128xi32, #tpu.memory_space<vmem>>
        %dma_wait3A_76 = arith.constant 0 : i32
        %dma_wait3A_77 = arith.constant 0 : i32
        %dma_wait3A_78 = tpu.memref_slice %arg18[%dma_wait3A_76, %dma_wait3A_77] : memref<10112x128xf32, #tpu.memory_space<vmem_shared>> -> memref<10112x128xf32, #tpu.memory_space<vmem_shared>>
        tpu.wait_indirect_dma semaphore(%run_scoped3A_59 : memref<!tpu.dma_semaphore, #tpu.memory_space<semaphore_mem>>) src(%dma_wait3A_72 : memref<128x128xf32, #tpu.memory_space<vmem>>) dst(%dma_wait3A_78 : memref<10112x128xf32, #tpu.memory_space<vmem_shared>>)
        tpu.yield
      }) : () -> ()
    } else {
    }
    %barrier3A_29 = arith.constant 0 : index
    tpu.barrier barrier_id(%barrier3A_29)
    %mul3A_30 = arith.constant 632 : i32
    %mul3A_31 = arith.muli %arg1, %mul3A_30 : i32
    %mul3A_32 = arith.constant 632 : i32
    %mul3A_33 = arith.muli %arg1, %mul3A_32 : i32
    "tpu.region"() ({
      %run_scoped3A_34 = tpu.sem_alloc : memref<!tpu.dma_semaphore, #tpu.memory_space<semaphore_mem>>
      %dma_start3A_35 = arith.constant 0 : i32
      %dma_start3A_36 = tpu.memref_slice %arg9[%arg0, %mul3A_33, %dma_start3A_35] : memref<2x10112x128xf32, #tpu.memory_space<hbm>> -> memref<1x632x128xf32, #tpu.memory_space<hbm>>
      %dma_start3A_37 = tpu.memref_squeeze %dma_start3A_36 : memref<1x632x128xf32, #tpu.memory_space<hbm>> -> memref<632x128xf32, #tpu.memory_space<hbm>>
      %dma_start3A_38 = arith.constant 0 : i32
      %dma_start3A_39 = tpu.memref_slice %arg18[%mul3A_31, %dma_start3A_38] : memref<10112x128xf32, #tpu.memory_space<vmem_shared>> -> memref<632x128xf32, #tpu.memory_space<vmem_shared>>
      tpu.enqueue_dma source(%dma_start3A_39 : memref<632x128xf32, #tpu.memory_space<vmem_shared>>) target(%dma_start3A_37 : memref<632x128xf32, #tpu.memory_space<hbm>>) target_semaphore(%run_scoped3A_34 : memref<!tpu.dma_semaphore, #tpu.memory_space<semaphore_mem>>)
      %dma_wait3A = arith.constant 0 : i32
      %dma_wait3A_40 = tpu.memref_slice %arg9[%arg0, %mul3A_33, %dma_wait3A] : memref<2x10112x128xf32, #tpu.memory_space<hbm>> -> memref<1x632x128xf32, #tpu.memory_space<hbm>>
      %dma_wait3A_41 = tpu.memref_squeeze %dma_wait3A_40 : memref<1x632x128xf32, #tpu.memory_space<hbm>> -> memref<632x128xf32, #tpu.memory_space<hbm>>
      %dma_wait3A_42 = arith.constant 0 : i32
      %dma_wait3A_43 = tpu.memref_slice %arg18[%mul3A_31, %dma_wait3A_42] : memref<10112x128xf32, #tpu.memory_space<vmem_shared>> -> memref<632x128xf32, #tpu.memory_space<vmem_shared>>
      tpu.wait_dma2 semaphore(%run_scoped3A_34 : memref<!tpu.dma_semaphore, #tpu.memory_space<semaphore_mem>>) src(%dma_wait3A_43 : memref<632x128xf32, #tpu.memory_space<vmem_shared>>) dst(%dma_wait3A_41 : memref<632x128xf32, #tpu.memory_space<hbm>>)
      tpu.yield
    }) : () -> ()
    return
  }
}

#map = affine_map<(d0, d1) -> (0)>
#map1 = affine_map<(d0, d1) -> (0, 0)>
#map2 = affine_map<(d0, d1) -> (0, 0, 0)>
module attributes {stable_mosaic.version = 14 : i64} {
  func.func @k(%arg0: i32, %arg1: i32, %arg2: memref<320000xi32, #tpu.memory_space<hbm>>, %arg3: memref<320000xi32, #tpu.memory_space<hbm>>, %arg4: memref<320000xi32, #tpu.memory_space<hbm>>, %arg5: memref<10000x16xf32, #tpu.memory_space<hbm>>, %arg6: memref<10000x16xf32, #tpu.memory_space<hbm>>, %arg7: memref<16xi32, #tpu.memory_space<hbm>>, %arg8: memref<632x16xf32, #tpu.memory_space<hbm>>, %arg9: memref<320000x16xf32, #tpu.memory_space<hbm>>, %arg10: memref<2x10112x16xf32, #tpu.memory_space<hbm>>, %arg11: memref<2x128xi32, #tpu.memory_space<vmem>>, %arg12: memref<2x128xi32, #tpu.memory_space<vmem>>, %arg13: memref<2x144xi32, #tpu.memory_space<vmem>>, %arg14: memref<2x128x16xf32, #tpu.memory_space<vmem>>, %arg15: memref<2x128x16xf32, #tpu.memory_space<vmem>>, %arg16: memref<2x128x16xf32, #tpu.memory_space<vmem>>, %arg17: memref<16xi32, #tpu.memory_space<vmem>>, %arg18: memref<10112x16xf32, #tpu.memory_space<vmem_shared>>, %arg19: memref<!tpu.dma_semaphore, #tpu.memory_space<semaphore_mem>>, %arg20: memref<!tpu.dma_semaphore, #tpu.memory_space<semaphore_mem>>) attributes {dimension_semantics = [#tpu.dimension_semantics<core_parallel>, #tpu.dimension_semantics<subcore_parallel>], iteration_bounds = array<i64: 2, 16>, scalar_prefetch = 0 : i64, scratch_operands = 10 : i64, tpu.core_type = #tpu.core_type<sc_vector_subcore>, window_params = [{transform_indices = #map}, {transform_indices = #map}, {transform_indices = #map}, {transform_indices = #map1}, {transform_indices = #map1}, {transform_indices = #map}, {transform_indices = #map1}, {transform_indices = #map1}, {transform_indices = #map2}]} {
    %mul3A = arith.constant 16 : i32
    %mul3A_0 = arith.muli %arg0, %mul3A : i32
    %add3A = arith.addi %mul3A_0, %arg1 : i32
    "tpu.region"() ({
      %run_scoped3A_44 = tpu.sem_alloc : memref<!tpu.dma_semaphore, #tpu.memory_space<semaphore_mem>>
      tpu.enqueue_dma source(%arg7 : memref<16xi32, #tpu.memory_space<hbm>>) target(%arg17 : memref<16xi32, #tpu.memory_space<vmem>>) target_semaphore(%run_scoped3A_44 : memref<!tpu.dma_semaphore, #tpu.memory_space<semaphore_mem>>)
      tpu.wait_dma2 semaphore(%run_scoped3A_44 : memref<!tpu.dma_semaphore, #tpu.memory_space<semaphore_mem>>) src(%arg7 : memref<16xi32, #tpu.memory_space<hbm>>) dst(%arg17 : memref<16xi32, #tpu.memory_space<vmem>>)
      tpu.yield
    }) : () -> ()
    %mul3A_1 = arith.constant 632 : i32
    %mul3A_2 = arith.muli %arg1, %mul3A_1 : i32
    "tpu.region"() ({
      %run_scoped3A_44 = tpu.sem_alloc : memref<!tpu.dma_semaphore, #tpu.memory_space<semaphore_mem>>
      %dma_start3A_45 = arith.constant 0 : i32
      %dma_start3A_46 = tpu.memref_slice %arg18[%mul3A_2, %dma_start3A_45] : memref<10112x16xf32, #tpu.memory_space<vmem_shared>> -> memref<632x16xf32, #tpu.memory_space<vmem_shared>>
      tpu.enqueue_dma source(%arg8 : memref<632x16xf32, #tpu.memory_space<hbm>>) target(%dma_start3A_46 : memref<632x16xf32, #tpu.memory_space<vmem_shared>>) target_semaphore(%run_scoped3A_44 : memref<!tpu.dma_semaphore, #tpu.memory_space<semaphore_mem>>)
      %dma_wait3A = arith.constant 0 : i32
      %dma_wait3A_47 = tpu.memref_slice %arg18[%mul3A_2, %dma_wait3A] : memref<10112x16xf32, #tpu.memory_space<vmem_shared>> -> memref<632x16xf32, #tpu.memory_space<vmem_shared>>
      tpu.wait_dma2 semaphore(%run_scoped3A_44 : memref<!tpu.dma_semaphore, #tpu.memory_space<semaphore_mem>>) src(%arg8 : memref<632x16xf32, #tpu.memory_space<hbm>>) dst(%dma_wait3A_47 : memref<632x16xf32, #tpu.memory_space<vmem_shared>>)
      tpu.yield
    }) : () -> ()
    %barrier3A = arith.constant 0 : index
    tpu.barrier barrier_id(%barrier3A)
    %add3A_3 = arith.constant 0 : i32
    %add3A_4 = arith.addi %add3A_3, %add3A : i32
    %mul3A_5 = arith.constant 128 : i32
    %mul3A_6 = arith.muli %add3A_4, %mul3A_5 : i32
    %run_scoped3A = arith.constant 0 : i32
    "tpu.region"() ({
      %run_scoped3A_44 = tpu.sem_alloc : memref<!tpu.dma_semaphore, #tpu.memory_space<semaphore_mem>>
      %dma_start3A_45 = arith.constant 0 : i32
      %dma_start3A_46 = tpu.memref_slice %arg11[%run_scoped3A, %dma_start3A_45] : memref<2x128xi32, #tpu.memory_space<vmem>> -> memref<1x128xi32, #tpu.memory_space<vmem>>
      %dma_start3A_47 = tpu.memref_squeeze %dma_start3A_46 : memref<1x128xi32, #tpu.memory_space<vmem>> -> memref<128xi32, #tpu.memory_space<vmem>>
      %dma_start3A_48 = tpu.memref_slice %arg2[%mul3A_6] : memref<320000xi32, #tpu.memory_space<hbm>> -> memref<128xi32, #tpu.memory_space<hbm>>
      %dma_start3A_49 = arith.constant 0 : i32
      %dma_start3A_50 = tpu.memref_slice %arg11[%run_scoped3A, %dma_start3A_49] : memref<2x128xi32, #tpu.memory_space<vmem>> -> memref<1x128xi32, #tpu.memory_space<vmem>>
      %dma_start3A_51 = tpu.memref_squeeze %dma_start3A_50 : memref<1x128xi32, #tpu.memory_space<vmem>> -> memref<128xi32, #tpu.memory_space<vmem>>
      %dma_start3A_52 = tpu.memref_slice %arg2[%mul3A_6] : memref<320000xi32, #tpu.memory_space<hbm>> -> memref<128xi32, #tpu.memory_space<hbm>>
      tpu.enqueue_dma source(%dma_start3A_52 : memref<128xi32, #tpu.memory_space<hbm>>) target(%dma_start3A_51 : memref<128xi32, #tpu.memory_space<vmem>>) target_semaphore(%run_scoped3A_44 : memref<!tpu.dma_semaphore, #tpu.memory_space<semaphore_mem>>)
      %dma_wait3A = arith.constant 0 : i32
      %dma_wait3A_53 = tpu.memref_slice %arg11[%run_scoped3A, %dma_wait3A] : memref<2x128xi32, #tpu.memory_space<vmem>> -> memref<1x128xi32, #tpu.memory_space<vmem>>
      %dma_wait3A_54 = tpu.memref_squeeze %dma_wait3A_53 : memref<1x128xi32, #tpu.memory_space<vmem>> -> memref<128xi32, #tpu.memory_space<vmem>>
      %dma_wait3A_55 = tpu.memref_slice %arg2[%mul3A_6] : memref<320000xi32, #tpu.memory_space<hbm>> -> memref<128xi32, #tpu.memory_space<hbm>>
      %dma_wait3A_56 = arith.constant 0 : i32
      %dma_wait3A_57 = tpu.memref_slice %arg11[%run_scoped3A, %dma_wait3A_56] : memref<2x128xi32, #tpu.memory_space<vmem>> -> memref<1x128xi32, #tpu.memory_space<vmem>>
      %dma_wait3A_58 = tpu.memref_squeeze %dma_wait3A_57 : memref<1x128xi32, #tpu.memory_space<vmem>> -> memref<128xi32, #tpu.memory_space<vmem>>
      %dma_wait3A_59 = tpu.memref_slice %arg2[%mul3A_6] : memref<320000xi32, #tpu.memory_space<hbm>> -> memref<128xi32, #tpu.memory_space<hbm>>
      tpu.wait_dma2 semaphore(%run_scoped3A_44 : memref<!tpu.dma_semaphore, #tpu.memory_space<semaphore_mem>>) src(%dma_wait3A_59 : memref<128xi32, #tpu.memory_space<hbm>>) dst(%dma_wait3A_58 : memref<128xi32, #tpu.memory_space<vmem>>)
      tpu.yield
    }) : () -> ()
    %run_scoped3A_7 = arith.constant 0 : i32
    "tpu.region"() ({
      %run_scoped3A_44 = tpu.sem_alloc : memref<!tpu.dma_semaphore, #tpu.memory_space<semaphore_mem>>
      %dma_start3A_45 = arith.constant 0 : i32
      %dma_start3A_46 = tpu.memref_slice %arg12[%run_scoped3A_7, %dma_start3A_45] : memref<2x128xi32, #tpu.memory_space<vmem>> -> memref<1x128xi32, #tpu.memory_space<vmem>>
      %dma_start3A_47 = tpu.memref_squeeze %dma_start3A_46 : memref<1x128xi32, #tpu.memory_space<vmem>> -> memref<128xi32, #tpu.memory_space<vmem>>
      %dma_start3A_48 = tpu.memref_slice %arg3[%mul3A_6] : memref<320000xi32, #tpu.memory_space<hbm>> -> memref<128xi32, #tpu.memory_space<hbm>>
      %dma_start3A_49 = arith.constant 0 : i32
      %dma_start3A_50 = tpu.memref_slice %arg12[%run_scoped3A_7, %dma_start3A_49] : memref<2x128xi32, #tpu.memory_space<vmem>> -> memref<1x128xi32, #tpu.memory_space<vmem>>
      %dma_start3A_51 = tpu.memref_squeeze %dma_start3A_50 : memref<1x128xi32, #tpu.memory_space<vmem>> -> memref<128xi32, #tpu.memory_space<vmem>>
      %dma_start3A_52 = tpu.memref_slice %arg3[%mul3A_6] : memref<320000xi32, #tpu.memory_space<hbm>> -> memref<128xi32, #tpu.memory_space<hbm>>
      tpu.enqueue_dma source(%dma_start3A_52 : memref<128xi32, #tpu.memory_space<hbm>>) target(%dma_start3A_51 : memref<128xi32, #tpu.memory_space<vmem>>) target_semaphore(%run_scoped3A_44 : memref<!tpu.dma_semaphore, #tpu.memory_space<semaphore_mem>>)
      %dma_wait3A = arith.constant 0 : i32
      %dma_wait3A_53 = tpu.memref_slice %arg12[%run_scoped3A_7, %dma_wait3A] : memref<2x128xi32, #tpu.memory_space<vmem>> -> memref<1x128xi32, #tpu.memory_space<vmem>>
      %dma_wait3A_54 = tpu.memref_squeeze %dma_wait3A_53 : memref<1x128xi32, #tpu.memory_space<vmem>> -> memref<128xi32, #tpu.memory_space<vmem>>
      %dma_wait3A_55 = tpu.memref_slice %arg3[%mul3A_6] : memref<320000xi32, #tpu.memory_space<hbm>> -> memref<128xi32, #tpu.memory_space<hbm>>
      %dma_wait3A_56 = arith.constant 0 : i32
      %dma_wait3A_57 = tpu.memref_slice %arg12[%run_scoped3A_7, %dma_wait3A_56] : memref<2x128xi32, #tpu.memory_space<vmem>> -> memref<1x128xi32, #tpu.memory_space<vmem>>
      %dma_wait3A_58 = tpu.memref_squeeze %dma_wait3A_57 : memref<1x128xi32, #tpu.memory_space<vmem>> -> memref<128xi32, #tpu.memory_space<vmem>>
      %dma_wait3A_59 = tpu.memref_slice %arg3[%mul3A_6] : memref<320000xi32, #tpu.memory_space<hbm>> -> memref<128xi32, #tpu.memory_space<hbm>>
      tpu.wait_dma2 semaphore(%run_scoped3A_44 : memref<!tpu.dma_semaphore, #tpu.memory_space<semaphore_mem>>) src(%dma_wait3A_59 : memref<128xi32, #tpu.memory_space<hbm>>) dst(%dma_wait3A_58 : memref<128xi32, #tpu.memory_space<vmem>>)
      tpu.yield
    }) : () -> ()
    %run_scoped3A_8 = arith.constant 0 : i32
    "tpu.region"() ({
      %run_scoped3A_44 = tpu.sem_alloc : memref<!tpu.dma_semaphore, #tpu.memory_space<semaphore_mem>>
      %dma_start3A_45 = arith.constant 0 : i32
      %dma_start3A_46 = tpu.memref_slice %arg13[%run_scoped3A_8, %dma_start3A_45] : memref<2x144xi32, #tpu.memory_space<vmem>> -> memref<1x144xi32, #tpu.memory_space<vmem>>
      %dma_start3A_47 = tpu.memref_squeeze %dma_start3A_46 : memref<1x144xi32, #tpu.memory_space<vmem>> -> memref<144xi32, #tpu.memory_space<vmem>>
      %dma_start3A_48 = arith.constant 0 : i32
      %dma_start3A_49 = tpu.memref_slice %dma_start3A_47[%dma_start3A_48] : memref<144xi32, #tpu.memory_space<vmem>> -> memref<128xi32, #tpu.memory_space<vmem>>
      %dma_start3A_50 = tpu.memref_slice %arg4[%mul3A_6] : memref<320000xi32, #tpu.memory_space<hbm>> -> memref<128xi32, #tpu.memory_space<hbm>>
      %dma_start3A_51 = arith.constant 0 : i32
      %dma_start3A_52 = tpu.memref_slice %arg13[%run_scoped3A_8, %dma_start3A_51] : memref<2x144xi32, #tpu.memory_space<vmem>> -> memref<1x144xi32, #tpu.memory_space<vmem>>
      %dma_start3A_53 = tpu.memref_squeeze %dma_start3A_52 : memref<1x144xi32, #tpu.memory_space<vmem>> -> memref<144xi32, #tpu.memory_space<vmem>>
      %dma_start3A_54 = arith.constant 0 : i32
      %dma_start3A_55 = tpu.memref_slice %dma_start3A_53[%dma_start3A_54] : memref<144xi32, #tpu.memory_space<vmem>> -> memref<128xi32, #tpu.memory_space<vmem>>
      %dma_start3A_56 = tpu.memref_slice %arg4[%mul3A_6] : memref<320000xi32, #tpu.memory_space<hbm>> -> memref<128xi32, #tpu.memory_space<hbm>>
      tpu.enqueue_dma source(%dma_start3A_56 : memref<128xi32, #tpu.memory_space<hbm>>) target(%dma_start3A_55 : memref<128xi32, #tpu.memory_space<vmem>>) target_semaphore(%run_scoped3A_44 : memref<!tpu.dma_semaphore, #tpu.memory_space<semaphore_mem>>)
      %dma_wait3A = arith.constant 0 : i32
      %dma_wait3A_57 = tpu.memref_slice %arg13[%run_scoped3A_8, %dma_wait3A] : memref<2x144xi32, #tpu.memory_space<vmem>> -> memref<1x144xi32, #tpu.memory_space<vmem>>
      %dma_wait3A_58 = tpu.memref_squeeze %dma_wait3A_57 : memref<1x144xi32, #tpu.memory_space<vmem>> -> memref<144xi32, #tpu.memory_space<vmem>>
      %dma_wait3A_59 = arith.constant 0 : i32
      %dma_wait3A_60 = tpu.memref_slice %dma_wait3A_58[%dma_wait3A_59] : memref<144xi32, #tpu.memory_space<vmem>> -> memref<128xi32, #tpu.memory_space<vmem>>
      %dma_wait3A_61 = tpu.memref_slice %arg4[%mul3A_6] : memref<320000xi32, #tpu.memory_space<hbm>> -> memref<128xi32, #tpu.memory_space<hbm>>
      %dma_wait3A_62 = arith.constant 0 : i32
      %dma_wait3A_63 = tpu.memref_slice %arg13[%run_scoped3A_8, %dma_wait3A_62] : memref<2x144xi32, #tpu.memory_space<vmem>> -> memref<1x144xi32, #tpu.memory_space<vmem>>
      %dma_wait3A_64 = tpu.memref_squeeze %dma_wait3A_63 : memref<1x144xi32, #tpu.memory_space<vmem>> -> memref<144xi32, #tpu.memory_space<vmem>>
      %dma_wait3A_65 = arith.constant 0 : i32
      %dma_wait3A_66 = tpu.memref_slice %dma_wait3A_64[%dma_wait3A_65] : memref<144xi32, #tpu.memory_space<vmem>> -> memref<128xi32, #tpu.memory_space<vmem>>
      %dma_wait3A_67 = tpu.memref_slice %arg4[%mul3A_6] : memref<320000xi32, #tpu.memory_space<hbm>> -> memref<128xi32, #tpu.memory_space<hbm>>
      tpu.wait_dma2 semaphore(%run_scoped3A_44 : memref<!tpu.dma_semaphore, #tpu.memory_space<semaphore_mem>>) src(%dma_wait3A_67 : memref<128xi32, #tpu.memory_space<hbm>>) dst(%dma_wait3A_66 : memref<128xi32, #tpu.memory_space<vmem>>)
      tpu.yield
    }) : () -> ()
    %dma_start3A = arith.constant 0 : i32
    %dma_start3A_9 = arith.constant 0 : i32
    %dma_start3A_10 = arith.constant 0 : i32
    %dma_start3A_11 = arith.constant 0 : i32
    %dma_start3A_12 = tpu.memref_slice %arg14[%dma_start3A_9, %dma_start3A_10, %dma_start3A_11] : memref<2x128x16xf32, #tpu.memory_space<vmem>> -> memref<1x128x16xf32, #tpu.memory_space<vmem>>
    %dma_start3A_13 = tpu.memref_squeeze %dma_start3A_12 : memref<1x128x16xf32, #tpu.memory_space<vmem>> -> memref<128x16xf32, #tpu.memory_space<vmem>>
    %dma_start3A_14 = arith.constant 0 : i32
    %dma_start3A_15 = tpu.memref_slice %arg11[%dma_start3A, %dma_start3A_14] : memref<2x128xi32, #tpu.memory_space<vmem>> -> memref<1x128xi32, #tpu.memory_space<vmem>>
    %dma_start3A_16 = tpu.memref_squeeze %dma_start3A_15 : memref<1x128xi32, #tpu.memory_space<vmem>> -> memref<128xi32, #tpu.memory_space<vmem>>
    %dma_start3A_17 = arith.constant 0 : i32
    %dma_start3A_18 = arith.constant 0 : i32
    %dma_start3A_19 = tpu.memref_slice %arg5[%dma_start3A_17, %dma_start3A_18] : memref<10000x16xf32, #tpu.memory_space<hbm>> -> memref<10000x16xf32, #tpu.memory_space<hbm>>
    tpu.enqueue_indirect_dma source(%dma_start3A_19 : memref<10000x16xf32, #tpu.memory_space<hbm>>) target(%dma_start3A_13 : memref<128x16xf32, #tpu.memory_space<vmem>>) offsets(%dma_start3A_16 : memref<128xi32, #tpu.memory_space<vmem>>) semaphore(%arg19 : memref<!tpu.dma_semaphore, #tpu.memory_space<semaphore_mem>>)
    %dma_start3A_20 = arith.constant 0 : i32
    %dma_start3A_21 = arith.constant 0 : i32
    %dma_start3A_22 = arith.constant 0 : i32
    %dma_start3A_23 = arith.constant 0 : i32
    %dma_start3A_24 = tpu.memref_slice %arg15[%dma_start3A_21, %dma_start3A_22, %dma_start3A_23] : memref<2x128x16xf32, #tpu.memory_space<vmem>> -> memref<1x128x16xf32, #tpu.memory_space<vmem>>
    %dma_start3A_25 = tpu.memref_squeeze %dma_start3A_24 : memref<1x128x16xf32, #tpu.memory_space<vmem>> -> memref<128x16xf32, #tpu.memory_space<vmem>>
    %dma_start3A_26 = arith.constant 0 : i32
    %dma_start3A_27 = tpu.memref_slice %arg12[%dma_start3A_20, %dma_start3A_26] : memref<2x128xi32, #tpu.memory_space<vmem>> -> memref<1x128xi32, #tpu.memory_space<vmem>>
    %dma_start3A_28 = tpu.memref_squeeze %dma_start3A_27 : memref<1x128xi32, #tpu.memory_space<vmem>> -> memref<128xi32, #tpu.memory_space<vmem>>
    %dma_start3A_29 = arith.constant 0 : i32
    %dma_start3A_30 = arith.constant 0 : i32
    %dma_start3A_31 = tpu.memref_slice %arg6[%dma_start3A_29, %dma_start3A_30] : memref<10000x16xf32, #tpu.memory_space<hbm>> -> memref<10000x16xf32, #tpu.memory_space<hbm>>
    tpu.enqueue_indirect_dma source(%dma_start3A_31 : memref<10000x16xf32, #tpu.memory_space<hbm>>) target(%dma_start3A_25 : memref<128x16xf32, #tpu.memory_space<vmem>>) offsets(%dma_start3A_28 : memref<128xi32, #tpu.memory_space<vmem>>) semaphore(%arg19 : memref<!tpu.dma_semaphore, #tpu.memory_space<semaphore_mem>>)
    %scan3A = arith.constant 0 : i32
    %scan3A_32 = arith.constant 0 : i32
    %scan3A_33 = arith.constant 39 : i32
    %scan3A_34 = arith.addi %scan3A_32, %scan3A_33 : i32
    %scan3A_35 = arith.constant 1 : i32
    scf.for %scan3A_44 = %scan3A_32 to %scan3A_34 step %scan3A_35  : i32 {
      %mul3A_45 = arith.constant 2 : i32
      %mul3A_46 = arith.muli %scan3A_44, %mul3A_45 : i32
      %add3A_47 = arith.constant 0 : i32
      %add3A_48 = arith.addi %mul3A_46, %add3A_47 : i32
      %add3A_49 = arith.constant 1 : i32
      %add3A_50 = arith.addi %add3A_48, %add3A_49 : i32
      %lt3A_51 = arith.constant 78 : i32
      %lt3A_52 = arith.cmpi slt, %add3A_50, %lt3A_51 : i32
      %convert_element_type3A_53 = arith.extui %lt3A_52 : i1 to i32
      %cond3A_54 = arith.constant 0 : i32
      %cond3A_55 = arith.cmpi ne, %convert_element_type3A_53, %cond3A_54 : i32
      scf.if %cond3A_55 {
        %add3A_145 = arith.constant 1 : i32
        %add3A_146 = arith.addi %add3A_48, %add3A_145 : i32
        %mul3A_147 = arith.constant 32 : i32
        %mul3A_148 = arith.muli %add3A_146, %mul3A_147 : i32
        %add3A_149 = arith.addi %mul3A_148, %add3A : i32
        %mul3A_150 = arith.constant 128 : i32
        %mul3A_151 = arith.muli %add3A_149, %mul3A_150 : i32
        %run_scoped3A_152 = arith.constant 1 : i32
        "tpu.region"() ({
          %run_scoped3A_179 = tpu.sem_alloc : memref<!tpu.dma_semaphore, #tpu.memory_space<semaphore_mem>>
          %dma_start3A_180 = arith.constant 0 : i32
          %dma_start3A_181 = tpu.memref_slice %arg11[%run_scoped3A_152, %dma_start3A_180] : memref<2x128xi32, #tpu.memory_space<vmem>> -> memref<1x128xi32, #tpu.memory_space<vmem>>
          %dma_start3A_182 = tpu.memref_squeeze %dma_start3A_181 : memref<1x128xi32, #tpu.memory_space<vmem>> -> memref<128xi32, #tpu.memory_space<vmem>>
          %dma_start3A_183 = tpu.memref_slice %arg2[%mul3A_151] : memref<320000xi32, #tpu.memory_space<hbm>> -> memref<128xi32, #tpu.memory_space<hbm>>
          %dma_start3A_184 = arith.constant 0 : i32
          %dma_start3A_185 = tpu.memref_slice %arg11[%run_scoped3A_152, %dma_start3A_184] : memref<2x128xi32, #tpu.memory_space<vmem>> -> memref<1x128xi32, #tpu.memory_space<vmem>>
          %dma_start3A_186 = tpu.memref_squeeze %dma_start3A_185 : memref<1x128xi32, #tpu.memory_space<vmem>> -> memref<128xi32, #tpu.memory_space<vmem>>
          %dma_start3A_187 = tpu.memref_slice %arg2[%mul3A_151] : memref<320000xi32, #tpu.memory_space<hbm>> -> memref<128xi32, #tpu.memory_space<hbm>>
          tpu.enqueue_dma source(%dma_start3A_187 : memref<128xi32, #tpu.memory_space<hbm>>) target(%dma_start3A_186 : memref<128xi32, #tpu.memory_space<vmem>>) target_semaphore(%run_scoped3A_179 : memref<!tpu.dma_semaphore, #tpu.memory_space<semaphore_mem>>)
          %dma_wait3A_188 = arith.constant 0 : i32
          %dma_wait3A_189 = tpu.memref_slice %arg11[%run_scoped3A_152, %dma_wait3A_188] : memref<2x128xi32, #tpu.memory_space<vmem>> -> memref<1x128xi32, #tpu.memory_space<vmem>>
          %dma_wait3A_190 = tpu.memref_squeeze %dma_wait3A_189 : memref<1x128xi32, #tpu.memory_space<vmem>> -> memref<128xi32, #tpu.memory_space<vmem>>
          %dma_wait3A_191 = tpu.memref_slice %arg2[%mul3A_151] : memref<320000xi32, #tpu.memory_space<hbm>> -> memref<128xi32, #tpu.memory_space<hbm>>
          %dma_wait3A_192 = arith.constant 0 : i32
          %dma_wait3A_193 = tpu.memref_slice %arg11[%run_scoped3A_152, %dma_wait3A_192] : memref<2x128xi32, #tpu.memory_space<vmem>> -> memref<1x128xi32, #tpu.memory_space<vmem>>
          %dma_wait3A_194 = tpu.memref_squeeze %dma_wait3A_193 : memref<1x128xi32, #tpu.memory_space<vmem>> -> memref<128xi32, #tpu.memory_space<vmem>>
          %dma_wait3A_195 = tpu.memref_slice %arg2[%mul3A_151] : memref<320000xi32, #tpu.memory_space<hbm>> -> memref<128xi32, #tpu.memory_space<hbm>>
          tpu.wait_dma2 semaphore(%run_scoped3A_179 : memref<!tpu.dma_semaphore, #tpu.memory_space<semaphore_mem>>) src(%dma_wait3A_195 : memref<128xi32, #tpu.memory_space<hbm>>) dst(%dma_wait3A_194 : memref<128xi32, #tpu.memory_space<vmem>>)
          tpu.yield
        }) : () -> ()
        %run_scoped3A_153 = arith.constant 1 : i32
        "tpu.region"() ({
          %run_scoped3A_179 = tpu.sem_alloc : memref<!tpu.dma_semaphore, #tpu.memory_space<semaphore_mem>>
          %dma_start3A_180 = arith.constant 0 : i32
          %dma_start3A_181 = tpu.memref_slice %arg12[%run_scoped3A_153, %dma_start3A_180] : memref<2x128xi32, #tpu.memory_space<vmem>> -> memref<1x128xi32, #tpu.memory_space<vmem>>
          %dma_start3A_182 = tpu.memref_squeeze %dma_start3A_181 : memref<1x128xi32, #tpu.memory_space<vmem>> -> memref<128xi32, #tpu.memory_space<vmem>>
          %dma_start3A_183 = tpu.memref_slice %arg3[%mul3A_151] : memref<320000xi32, #tpu.memory_space<hbm>> -> memref<128xi32, #tpu.memory_space<hbm>>
          %dma_start3A_184 = arith.constant 0 : i32
          %dma_start3A_185 = tpu.memref_slice %arg12[%run_scoped3A_153, %dma_start3A_184] : memref<2x128xi32, #tpu.memory_space<vmem>> -> memref<1x128xi32, #tpu.memory_space<vmem>>
          %dma_start3A_186 = tpu.memref_squeeze %dma_start3A_185 : memref<1x128xi32, #tpu.memory_space<vmem>> -> memref<128xi32, #tpu.memory_space<vmem>>
          %dma_start3A_187 = tpu.memref_slice %arg3[%mul3A_151] : memref<320000xi32, #tpu.memory_space<hbm>> -> memref<128xi32, #tpu.memory_space<hbm>>
          tpu.enqueue_dma source(%dma_start3A_187 : memref<128xi32, #tpu.memory_space<hbm>>) target(%dma_start3A_186 : memref<128xi32, #tpu.memory_space<vmem>>) target_semaphore(%run_scoped3A_179 : memref<!tpu.dma_semaphore, #tpu.memory_space<semaphore_mem>>)
          %dma_wait3A_188 = arith.constant 0 : i32
          %dma_wait3A_189 = tpu.memref_slice %arg12[%run_scoped3A_153, %dma_wait3A_188] : memref<2x128xi32, #tpu.memory_space<vmem>> -> memref<1x128xi32, #tpu.memory_space<vmem>>
          %dma_wait3A_190 = tpu.memref_squeeze %dma_wait3A_189 : memref<1x128xi32, #tpu.memory_space<vmem>> -> memref<128xi32, #tpu.memory_space<vmem>>
          %dma_wait3A_191 = tpu.memref_slice %arg3[%mul3A_151] : memref<320000xi32, #tpu.memory_space<hbm>> -> memref<128xi32, #tpu.memory_space<hbm>>
          %dma_wait3A_192 = arith.constant 0 : i32
          %dma_wait3A_193 = tpu.memref_slice %arg12[%run_scoped3A_153, %dma_wait3A_192] : memref<2x128xi32, #tpu.memory_space<vmem>> -> memref<1x128xi32, #tpu.memory_space<vmem>>
          %dma_wait3A_194 = tpu.memref_squeeze %dma_wait3A_193 : memref<1x128xi32, #tpu.memory_space<vmem>> -> memref<128xi32, #tpu.memory_space<vmem>>
          %dma_wait3A_195 = tpu.memref_slice %arg3[%mul3A_151] : memref<320000xi32, #tpu.memory_space<hbm>> -> memref<128xi32, #tpu.memory_space<hbm>>
          tpu.wait_dma2 semaphore(%run_scoped3A_179 : memref<!tpu.dma_semaphore, #tpu.memory_space<semaphore_mem>>) src(%dma_wait3A_195 : memref<128xi32, #tpu.memory_space<hbm>>) dst(%dma_wait3A_194 : memref<128xi32, #tpu.memory_space<vmem>>)
          tpu.yield
        }) : () -> ()
        %run_scoped3A_154 = arith.constant 1 : i32
        "tpu.region"() ({
          %run_scoped3A_179 = tpu.sem_alloc : memref<!tpu.dma_semaphore, #tpu.memory_space<semaphore_mem>>
          %dma_start3A_180 = arith.constant 0 : i32
          %dma_start3A_181 = tpu.memref_slice %arg13[%run_scoped3A_154, %dma_start3A_180] : memref<2x144xi32, #tpu.memory_space<vmem>> -> memref<1x144xi32, #tpu.memory_space<vmem>>
          %dma_start3A_182 = tpu.memref_squeeze %dma_start3A_181 : memref<1x144xi32, #tpu.memory_space<vmem>> -> memref<144xi32, #tpu.memory_space<vmem>>
          %dma_start3A_183 = arith.constant 0 : i32
          %dma_start3A_184 = tpu.memref_slice %dma_start3A_182[%dma_start3A_183] : memref<144xi32, #tpu.memory_space<vmem>> -> memref<128xi32, #tpu.memory_space<vmem>>
          %dma_start3A_185 = tpu.memref_slice %arg4[%mul3A_151] : memref<320000xi32, #tpu.memory_space<hbm>> -> memref<128xi32, #tpu.memory_space<hbm>>
          %dma_start3A_186 = arith.constant 0 : i32
          %dma_start3A_187 = tpu.memref_slice %arg13[%run_scoped3A_154, %dma_start3A_186] : memref<2x144xi32, #tpu.memory_space<vmem>> -> memref<1x144xi32, #tpu.memory_space<vmem>>
          %dma_start3A_188 = tpu.memref_squeeze %dma_start3A_187 : memref<1x144xi32, #tpu.memory_space<vmem>> -> memref<144xi32, #tpu.memory_space<vmem>>
          %dma_start3A_189 = arith.constant 0 : i32
          %dma_start3A_190 = tpu.memref_slice %dma_start3A_188[%dma_start3A_189] : memref<144xi32, #tpu.memory_space<vmem>> -> memref<128xi32, #tpu.memory_space<vmem>>
          %dma_start3A_191 = tpu.memref_slice %arg4[%mul3A_151] : memref<320000xi32, #tpu.memory_space<hbm>> -> memref<128xi32, #tpu.memory_space<hbm>>
          tpu.enqueue_dma source(%dma_start3A_191 : memref<128xi32, #tpu.memory_space<hbm>>) target(%dma_start3A_190 : memref<128xi32, #tpu.memory_space<vmem>>) target_semaphore(%run_scoped3A_179 : memref<!tpu.dma_semaphore, #tpu.memory_space<semaphore_mem>>)
          %dma_wait3A_192 = arith.constant 0 : i32
          %dma_wait3A_193 = tpu.memref_slice %arg13[%run_scoped3A_154, %dma_wait3A_192] : memref<2x144xi32, #tpu.memory_space<vmem>> -> memref<1x144xi32, #tpu.memory_space<vmem>>
          %dma_wait3A_194 = tpu.memref_squeeze %dma_wait3A_193 : memref<1x144xi32, #tpu.memory_space<vmem>> -> memref<144xi32, #tpu.memory_space<vmem>>
          %dma_wait3A_195 = arith.constant 0 : i32
          %dma_wait3A_196 = tpu.memref_slice %dma_wait3A_194[%dma_wait3A_195] : memref<144xi32, #tpu.memory_space<vmem>> -> memref<128xi32, #tpu.memory_space<vmem>>
          %dma_wait3A_197 = tpu.memref_slice %arg4[%mul3A_151] : memref<320000xi32, #tpu.memory_space<hbm>> -> memref<128xi32, #tpu.memory_space<hbm>>
          %dma_wait3A_198 = arith.constant 0 : i32
          %dma_wait3A_199 = tpu.memref_slice %arg13[%run_scoped3A_154, %dma_wait3A_198] : memref<2x144xi32, #tpu.memory_space<vmem>> -> memref<1x144xi32, #tpu.memory_space<vmem>>
          %dma_wait3A_200 = tpu.memref_squeeze %dma_wait3A_199 : memref<1x144xi32, #tpu.memory_space<vmem>> -> memref<144xi32, #tpu.memory_space<vmem>>
          %dma_wait3A_201 = arith.constant 0 : i32
          %dma_wait3A_202 = tpu.memref_slice %dma_wait3A_200[%dma_wait3A_201] : memref<144xi32, #tpu.memory_space<vmem>> -> memref<128xi32, #tpu.memory_space<vmem>>
          %dma_wait3A_203 = tpu.memref_slice %arg4[%mul3A_151] : memref<320000xi32, #tpu.memory_space<hbm>> -> memref<128xi32, #tpu.memory_space<hbm>>
          tpu.wait_dma2 semaphore(%run_scoped3A_179 : memref<!tpu.dma_semaphore, #tpu.memory_space<semaphore_mem>>) src(%dma_wait3A_203 : memref<128xi32, #tpu.memory_space<hbm>>) dst(%dma_wait3A_202 : memref<128xi32, #tpu.memory_space<vmem>>)
          tpu.yield
        }) : () -> ()
        %dma_start3A_155 = arith.constant 1 : i32
        %dma_start3A_156 = arith.constant 1 : i32
        %dma_start3A_157 = arith.constant 0 : i32
        %dma_start3A_158 = arith.constant 0 : i32
        %dma_start3A_159 = tpu.memref_slice %arg14[%dma_start3A_156, %dma_start3A_157, %dma_start3A_158] : memref<2x128x16xf32, #tpu.memory_space<vmem>> -> memref<1x128x16xf32, #tpu.memory_space<vmem>>
        %dma_start3A_160 = tpu.memref_squeeze %dma_start3A_159 : memref<1x128x16xf32, #tpu.memory_space<vmem>> -> memref<128x16xf32, #tpu.memory_space<vmem>>
        %dma_start3A_161 = arith.constant 0 : i32
        %dma_start3A_162 = tpu.memref_slice %arg11[%dma_start3A_155, %dma_start3A_161] : memref<2x128xi32, #tpu.memory_space<vmem>> -> memref<1x128xi32, #tpu.memory_space<vmem>>
        %dma_start3A_163 = tpu.memref_squeeze %dma_start3A_162 : memref<1x128xi32, #tpu.memory_space<vmem>> -> memref<128xi32, #tpu.memory_space<vmem>>
        %dma_start3A_164 = arith.constant 0 : i32
        %dma_start3A_165 = arith.constant 0 : i32
        %dma_start3A_166 = tpu.memref_slice %arg5[%dma_start3A_164, %dma_start3A_165] : memref<10000x16xf32, #tpu.memory_space<hbm>> -> memref<10000x16xf32, #tpu.memory_space<hbm>>
        tpu.enqueue_indirect_dma source(%dma_start3A_166 : memref<10000x16xf32, #tpu.memory_space<hbm>>) target(%dma_start3A_160 : memref<128x16xf32, #tpu.memory_space<vmem>>) offsets(%dma_start3A_163 : memref<128xi32, #tpu.memory_space<vmem>>) semaphore(%arg20 : memref<!tpu.dma_semaphore, #tpu.memory_space<semaphore_mem>>)
        %dma_start3A_167 = arith.constant 1 : i32
        %dma_start3A_168 = arith.constant 1 : i32
        %dma_start3A_169 = arith.constant 0 : i32
        %dma_start3A_170 = arith.constant 0 : i32
        %dma_start3A_171 = tpu.memref_slice %arg15[%dma_start3A_168, %dma_start3A_169, %dma_start3A_170] : memref<2x128x16xf32, #tpu.memory_space<vmem>> -> memref<1x128x16xf32, #tpu.memory_space<vmem>>
        %dma_start3A_172 = tpu.memref_squeeze %dma_start3A_171 : memref<1x128x16xf32, #tpu.memory_space<vmem>> -> memref<128x16xf32, #tpu.memory_space<vmem>>
        %dma_start3A_173 = arith.constant 0 : i32
        %dma_start3A_174 = tpu.memref_slice %arg12[%dma_start3A_167, %dma_start3A_173] : memref<2x128xi32, #tpu.memory_space<vmem>> -> memref<1x128xi32, #tpu.memory_space<vmem>>
        %dma_start3A_175 = tpu.memref_squeeze %dma_start3A_174 : memref<1x128xi32, #tpu.memory_space<vmem>> -> memref<128xi32, #tpu.memory_space<vmem>>
        %dma_start3A_176 = arith.constant 0 : i32
        %dma_start3A_177 = arith.constant 0 : i32
        %dma_start3A_178 = tpu.memref_slice %arg6[%dma_start3A_176, %dma_start3A_177] : memref<10000x16xf32, #tpu.memory_space<hbm>> -> memref<10000x16xf32, #tpu.memory_space<hbm>>
        tpu.enqueue_indirect_dma source(%dma_start3A_178 : memref<10000x16xf32, #tpu.memory_space<hbm>>) target(%dma_start3A_172 : memref<128x16xf32, #tpu.memory_space<vmem>>) offsets(%dma_start3A_175 : memref<128xi32, #tpu.memory_space<vmem>>) semaphore(%arg20 : memref<!tpu.dma_semaphore, #tpu.memory_space<semaphore_mem>>)
      } else {
      }
      %dma_wait3A = arith.constant 0 : i32
      %dma_wait3A_56 = arith.constant 0 : i32
      %dma_wait3A_57 = arith.constant 0 : i32
      %dma_wait3A_58 = arith.constant 0 : i32
      %dma_wait3A_59 = tpu.memref_slice %arg14[%dma_wait3A_56, %dma_wait3A_57, %dma_wait3A_58] : memref<2x128x16xf32, #tpu.memory_space<vmem>> -> memref<1x128x16xf32, #tpu.memory_space<vmem>>
      %dma_wait3A_60 = tpu.memref_squeeze %dma_wait3A_59 : memref<1x128x16xf32, #tpu.memory_space<vmem>> -> memref<128x16xf32, #tpu.memory_space<vmem>>
      %dma_wait3A_61 = arith.constant 0 : i32
      %dma_wait3A_62 = tpu.memref_slice %arg11[%dma_wait3A, %dma_wait3A_61] : memref<2x128xi32, #tpu.memory_space<vmem>> -> memref<1x128xi32, #tpu.memory_space<vmem>>
      %dma_wait3A_63 = tpu.memref_squeeze %dma_wait3A_62 : memref<1x128xi32, #tpu.memory_space<vmem>> -> memref<128xi32, #tpu.memory_space<vmem>>
      %dma_wait3A_64 = arith.constant 0 : i32
      %dma_wait3A_65 = arith.constant 0 : i32
      %dma_wait3A_66 = tpu.memref_slice %arg5[%dma_wait3A_64, %dma_wait3A_65] : memref<10000x16xf32, #tpu.memory_space<hbm>> -> memref<10000x16xf32, #tpu.memory_space<hbm>>
      tpu.wait_indirect_dma semaphore(%arg19 : memref<!tpu.dma_semaphore, #tpu.memory_space<semaphore_mem>>) src(%dma_wait3A_66 : memref<10000x16xf32, #tpu.memory_space<hbm>>) dst(%dma_wait3A_60 : memref<128x16xf32, #tpu.memory_space<vmem>>)
      %dma_wait3A_67 = arith.constant 0 : i32
      %dma_wait3A_68 = arith.constant 0 : i32
      %dma_wait3A_69 = arith.constant 0 : i32
      %dma_wait3A_70 = arith.constant 0 : i32
      %dma_wait3A_71 = tpu.memref_slice %arg15[%dma_wait3A_68, %dma_wait3A_69, %dma_wait3A_70] : memref<2x128x16xf32, #tpu.memory_space<vmem>> -> memref<1x128x16xf32, #tpu.memory_space<vmem>>
      %dma_wait3A_72 = tpu.memref_squeeze %dma_wait3A_71 : memref<1x128x16xf32, #tpu.memory_space<vmem>> -> memref<128x16xf32, #tpu.memory_space<vmem>>
      %dma_wait3A_73 = arith.constant 0 : i32
      %dma_wait3A_74 = tpu.memref_slice %arg12[%dma_wait3A_67, %dma_wait3A_73] : memref<2x128xi32, #tpu.memory_space<vmem>> -> memref<1x128xi32, #tpu.memory_space<vmem>>
      %dma_wait3A_75 = tpu.memref_squeeze %dma_wait3A_74 : memref<1x128xi32, #tpu.memory_space<vmem>> -> memref<128xi32, #tpu.memory_space<vmem>>
      %dma_wait3A_76 = arith.constant 0 : i32
      %dma_wait3A_77 = arith.constant 0 : i32
      %dma_wait3A_78 = tpu.memref_slice %arg6[%dma_wait3A_76, %dma_wait3A_77] : memref<10000x16xf32, #tpu.memory_space<hbm>> -> memref<10000x16xf32, #tpu.memory_space<hbm>>
      tpu.wait_indirect_dma semaphore(%arg19 : memref<!tpu.dma_semaphore, #tpu.memory_space<semaphore_mem>>) src(%dma_wait3A_78 : memref<10000x16xf32, #tpu.memory_space<hbm>>) dst(%dma_wait3A_72 : memref<128x16xf32, #tpu.memory_space<vmem>>)
      %mul3A_79 = arith.constant 32 : i32
      %mul3A_80 = arith.muli %add3A_48, %mul3A_79 : i32
      %add3A_81 = arith.addi %mul3A_80, %add3A : i32
      %mul3A_82 = arith.constant 128 : i32
      %mul3A_83 = arith.muli %add3A_81, %mul3A_82 : i32
      %get3A = arith.constant 0 : index
      %get3A_84 = tpu.vector_load %arg17[%get3A] {strides = array<i32>} : memref<16xi32, #tpu.memory_space<vmem>>, vector<16xi32>,
      %scan3A_85 = arith.constant 0 : i32
      %scan3A_86 = arith.constant 0 : i32
      %scan3A_87 = arith.constant 128 : i32
      %scan3A_88 = arith.addi %scan3A_86, %scan3A_87 : i32
      %scan3A_89 = arith.constant 1 : i32
      scf.for %scan3A_145 = %scan3A_86 to %scan3A_88 step %scan3A_89  : i32 {
        %get3A_146 = arith.constant 0 : i32
        %get3A_147 = arith.index_cast %get3A_146 : i32 to index
        %get3A_148 = arith.index_cast %scan3A_145 : i32 to index
        %get3A_149 = arith.constant 0 : index
        %get3A_150 = tpu.vector_load %arg14[%get3A_147, %get3A_148, %get3A_149] {strides = array<i32>} : memref<2x128x16xf32, #tpu.memory_space<vmem>>, vector<16xf32>,
        %get3A_151 = arith.constant 0 : i32
        %get3A_152 = arith.index_cast %get3A_151 : i32 to index
        %get3A_153 = arith.index_cast %scan3A_145 : i32 to index
        %get3A_154 = arith.constant 0 : index
        %get3A_155 = tpu.vector_load %arg15[%get3A_152, %get3A_153, %get3A_154] {strides = array<i32>} : memref<2x128x16xf32, #tpu.memory_space<vmem>>, vector<16xf32>,
        %add3A_156 = arith.addf %get3A_150, %get3A_155 : vector<16xf32>
        %mul3A_157 = arith.constant 2.000000e-01 : f32
        %mul3A_158 = vector.broadcast %mul3A_157 : f32 to vector<16xf32>
        %mul3A_159 = arith.mulf %mul3A_158, %add3A_156 : vector<16xf32>
        %max3A = arith.maximumf %add3A_156, %mul3A_159 : vector<16xf32>
        %exp3A = math.exp %max3A : vector<16xf32>
        %get3A_160 = arith.constant 0 : i32
        %get3A_161 = arith.constant 0 : i32
        %get3A_162 = tpu.memref_slice %arg13[%get3A_160, %get3A_161] : memref<2x144xi32, #tpu.memory_space<vmem>> -> memref<1x144xi32, #tpu.memory_space<vmem>>
        %get3A_163 = tpu.memref_squeeze %get3A_162 : memref<1x144xi32, #tpu.memory_space<vmem>> -> memref<144xi32, #tpu.memory_space<vmem>>
        %get3A_164 = arith.index_cast %scan3A_145 : i32 to index
        %get3A_165 = tpu.vector_load %get3A_163[%get3A_164] {strides = array<i32>} : memref<144xi32, #tpu.memory_space<vmem>>, vector<16xi32>,
        %slice3A = vector.extract_strided_slice %get3A_165 {offsets = [0], sizes = [1], strides = [1]} : vector<16xi32> to vector<1xi32>
        %squeeze3A = vector.extract %slice3A[0] : i32 from vector<1xi32>
        %broadcast_in_dim3A = vector.broadcast %squeeze3A : i32 to vector<16xi32>
        %eq3A = arith.cmpi eq, %get3A_84, %broadcast_in_dim3A : vector<16xi32>
        %jit3A = arith.constant 0.000000e+00 : f32
        %broadcast_in_dim3A_166 = vector.broadcast %jit3A : f32 to vector<16xf32>
        %select_n3A = arith.select %eq3A, %exp3A, %broadcast_in_dim3A_166 : vector<16xi1>, vector<16xf32>
        %swap3A = arith.constant 0 : i32
        %swap3A_167 = arith.index_cast %swap3A : i32 to index
        %swap3A_168 = arith.index_cast %scan3A_145 : i32 to index
        %swap3A_169 = arith.constant 0 : index
        %swap3A_170 = tpu.vector_load %arg16[%swap3A_167, %swap3A_168, %swap3A_169] {strides = array<i32>} : memref<2x128x16xf32, #tpu.memory_space<vmem>>, vector<16xf32>,
        tpu.vector_store %arg16[%swap3A_167, %swap3A_168, %swap3A_169], %select_n3A {strides = array<i32>} : memref<2x128x16xf32, #tpu.memory_space<vmem>>, vector<16xf32>,
      }
      %scan3A_90 = arith.constant 128 : i32
      %run_scoped3A_91 = arith.constant 0 : i32
      "tpu.region"() ({
        %run_scoped3A_145 = tpu.sem_alloc : memref<!tpu.dma_semaphore, #tpu.memory_space<semaphore_mem>>
        %dma_start3A_146 = arith.constant 0 : i32
        %dma_start3A_147 = arith.constant 0 : i32
        %dma_start3A_148 = tpu.memref_slice %arg16[%run_scoped3A_91, %dma_start3A_146, %dma_start3A_147] : memref<2x128x16xf32, #tpu.memory_space<vmem>> -> memref<1x128x16xf32, #tpu.memory_space<vmem>>
        %dma_start3A_149 = tpu.memref_squeeze %dma_start3A_148 : memref<1x128x16xf32, #tpu.memory_space<vmem>> -> memref<128x16xf32, #tpu.memory_space<vmem>>
        %dma_start3A_150 = arith.constant 0 : i32
        %dma_start3A_151 = tpu.memref_slice %arg9[%mul3A_83, %dma_start3A_150] : memref<320000x16xf32, #tpu.memory_space<hbm>> -> memref<128x16xf32, #tpu.memory_space<hbm>>
        %dma_start3A_152 = arith.constant 0 : i32
        %dma_start3A_153 = tpu.memref_slice %arg9[%mul3A_83, %dma_start3A_152] : memref<320000x16xf32, #tpu.memory_space<hbm>> -> memref<128x16xf32, #tpu.memory_space<hbm>>
        %dma_start3A_154 = arith.constant 0 : i32
        %dma_start3A_155 = arith.constant 0 : i32
        %dma_start3A_156 = tpu.memref_slice %arg16[%run_scoped3A_91, %dma_start3A_154, %dma_start3A_155] : memref<2x128x16xf32, #tpu.memory_space<vmem>> -> memref<1x128x16xf32, #tpu.memory_space<vmem>>
        %dma_start3A_157 = tpu.memref_squeeze %dma_start3A_156 : memref<1x128x16xf32, #tpu.memory_space<vmem>> -> memref<128x16xf32, #tpu.memory_space<vmem>>
        tpu.enqueue_dma source(%dma_start3A_157 : memref<128x16xf32, #tpu.memory_space<vmem>>) target(%dma_start3A_153 : memref<128x16xf32, #tpu.memory_space<hbm>>) target_semaphore(%run_scoped3A_145 : memref<!tpu.dma_semaphore, #tpu.memory_space<semaphore_mem>>)
        %dma_wait3A_158 = arith.constant 0 : i32
        %dma_wait3A_159 = arith.constant 0 : i32
        %dma_wait3A_160 = tpu.memref_slice %arg16[%run_scoped3A_91, %dma_wait3A_158, %dma_wait3A_159] : memref<2x128x16xf32, #tpu.memory_space<vmem>> -> memref<1x128x16xf32, #tpu.memory_space<vmem>>
        %dma_wait3A_161 = tpu.memref_squeeze %dma_wait3A_160 : memref<1x128x16xf32, #tpu.memory_space<vmem>> -> memref<128x16xf32, #tpu.memory_space<vmem>>
        %dma_wait3A_162 = arith.constant 0 : i32
        %dma_wait3A_163 = tpu.memref_slice %arg9[%mul3A_83, %dma_wait3A_162] : memref<320000x16xf32, #tpu.memory_space<hbm>> -> memref<128x16xf32, #tpu.memory_space<hbm>>
        %dma_wait3A_164 = arith.constant 0 : i32
        %dma_wait3A_165 = tpu.memref_slice %arg9[%mul3A_83, %dma_wait3A_164] : memref<320000x16xf32, #tpu.memory_space<hbm>> -> memref<128x16xf32, #tpu.memory_space<hbm>>
        %dma_wait3A_166 = arith.constant 0 : i32
        %dma_wait3A_167 = arith.constant 0 : i32
        %dma_wait3A_168 = tpu.memref_slice %arg16[%run_scoped3A_91, %dma_wait3A_166, %dma_wait3A_167] : memref<2x128x16xf32, #tpu.memory_space<vmem>> -> memref<1x128x16xf32, #tpu.memory_space<vmem>>
        %dma_wait3A_169 = tpu.memref_squeeze %dma_wait3A_168 : memref<1x128x16xf32, #tpu.memory_space<vmem>> -> memref<128x16xf32, #tpu.memory_space<vmem>>
        tpu.wait_dma2 semaphore(%run_scoped3A_145 : memref<!tpu.dma_semaphore, #tpu.memory_space<semaphore_mem>>) src(%dma_wait3A_169 : memref<128x16xf32, #tpu.memory_space<vmem>>) dst(%dma_wait3A_165 : memref<128x16xf32, #tpu.memory_space<hbm>>)
        tpu.yield
      }) : () -> ()
      %run_scoped3A_92 = arith.constant 0 : i32
      %run_scoped3A_93 = arith.constant 0 : i32
      "tpu.region"() ({
        %run_scoped3A_145 = tpu.sem_alloc : memref<!tpu.dma_semaphore, #tpu.memory_space<semaphore_mem>>
        %dma_start3A_146 = arith.constant 0 : i32
        %dma_start3A_147 = arith.constant 0 : i32
        %dma_start3A_148 = tpu.memref_slice %arg16[%run_scoped3A_92, %dma_start3A_146, %dma_start3A_147] : memref<2x128x16xf32, #tpu.memory_space<vmem>> -> memref<1x128x16xf32, #tpu.memory_space<vmem>>
        %dma_start3A_149 = tpu.memref_squeeze %dma_start3A_148 : memref<1x128x16xf32, #tpu.memory_space<vmem>> -> memref<128x16xf32, #tpu.memory_space<vmem>>
        %dma_start3A_150 = arith.constant 0 : i32
        %dma_start3A_151 = tpu.memref_slice %arg12[%run_scoped3A_93, %dma_start3A_150] : memref<2x128xi32, #tpu.memory_space<vmem>> -> memref<1x128xi32, #tpu.memory_space<vmem>>
        %dma_start3A_152 = tpu.memref_squeeze %dma_start3A_151 : memref<1x128xi32, #tpu.memory_space<vmem>> -> memref<128xi32, #tpu.memory_space<vmem>>
        %dma_start3A_153 = arith.constant 0 : i32
        %dma_start3A_154 = arith.constant 0 : i32
        %dma_start3A_155 = tpu.memref_slice %arg18[%dma_start3A_153, %dma_start3A_154] : memref<10112x16xf32, #tpu.memory_space<vmem_shared>> -> memref<10112x16xf32, #tpu.memory_space<vmem_shared>>
        tpu.enqueue_indirect_dma source(%dma_start3A_149 : memref<128x16xf32, #tpu.memory_space<vmem>>) target(%dma_start3A_155 : memref<10112x16xf32, #tpu.memory_space<vmem_shared>>) offsets(%dma_start3A_152 : memref<128xi32, #tpu.memory_space<vmem>>) semaphore(%run_scoped3A_145 : memref<!tpu.dma_semaphore, #tpu.memory_space<semaphore_mem>>) {add = true}
        %dma_wait3A_156 = arith.constant 0 : i32
        %dma_wait3A_157 = arith.constant 0 : i32
        %dma_wait3A_158 = tpu.memref_slice %arg16[%run_scoped3A_92, %dma_wait3A_156, %dma_wait3A_157] : memref<2x128x16xf32, #tpu.memory_space<vmem>> -> memref<1x128x16xf32, #tpu.memory_space<vmem>>
        %dma_wait3A_159 = tpu.memref_squeeze %dma_wait3A_158 : memref<1x128x16xf32, #tpu.memory_space<vmem>> -> memref<128x16xf32, #tpu.memory_space<vmem>>
        %dma_wait3A_160 = arith.constant 0 : i32
        %dma_wait3A_161 = tpu.memref_slice %arg12[%run_scoped3A_93, %dma_wait3A_160] : memref<2x128xi32, #tpu.memory_space<vmem>> -> memref<1x128xi32, #tpu.memory_space<vmem>>
        %dma_wait3A_162 = tpu.memref_squeeze %dma_wait3A_161 : memref<1x128xi32, #tpu.memory_space<vmem>> -> memref<128xi32, #tpu.memory_space<vmem>>
        %dma_wait3A_163 = arith.constant 0 : i32
        %dma_wait3A_164 = arith.constant 0 : i32
        %dma_wait3A_165 = tpu.memref_slice %arg18[%dma_wait3A_163, %dma_wait3A_164] : memref<10112x16xf32, #tpu.memory_space<vmem_shared>> -> memref<10112x16xf32, #tpu.memory_space<vmem_shared>>
        tpu.wait_indirect_dma semaphore(%run_scoped3A_145 : memref<!tpu.dma_semaphore, #tpu.memory_space<semaphore_mem>>) src(%dma_wait3A_159 : memref<128x16xf32, #tpu.memory_space<vmem>>) dst(%dma_wait3A_165 : memref<10112x16xf32, #tpu.memory_space<vmem_shared>>)
        tpu.yield
      }) : () -> ()
      %mul3A_94 = arith.constant 2 : i32
      %mul3A_95 = arith.muli %scan3A_44, %mul3A_94 : i32
      %add3A_96 = arith.constant 1 : i32
      %add3A_97 = arith.addi %mul3A_95, %add3A_96 : i32
      %add3A_98 = arith.constant 1 : i32
      %add3A_99 = arith.addi %add3A_97, %add3A_98 : i32
      %lt3A_100 = arith.constant 78 : i32
      %lt3A_101 = arith.cmpi slt, %add3A_99, %lt3A_100 : i32
      %convert_element_type3A_102 = arith.extui %lt3A_101 : i1 to i32
      %cond3A_103 = arith.constant 0 : i32
      %cond3A_104 = arith.cmpi ne, %convert_element_type3A_102, %cond3A_103 : i32
      scf.if %cond3A_104 {
        %add3A_145 = arith.constant 1 : i32
        %add3A_146 = arith.addi %add3A_97, %add3A_145 : i32
        %mul3A_147 = arith.constant 32 : i32
        %mul3A_148 = arith.muli %add3A_146, %mul3A_147 : i32
        %add3A_149 = arith.addi %mul3A_148, %add3A : i32
        %mul3A_150 = arith.constant 128 : i32
        %mul3A_151 = arith.muli %add3A_149, %mul3A_150 : i32
        %run_scoped3A_152 = arith.constant 0 : i32
        "tpu.region"() ({
          %run_scoped3A_179 = tpu.sem_alloc : memref<!tpu.dma_semaphore, #tpu.memory_space<semaphore_mem>>
          %dma_start3A_180 = arith.constant 0 : i32
          %dma_start3A_181 = tpu.memref_slice %arg11[%run_scoped3A_152, %dma_start3A_180] : memref<2x128xi32, #tpu.memory_space<vmem>> -> memref<1x128xi32, #tpu.memory_space<vmem>>
          %dma_start3A_182 = tpu.memref_squeeze %dma_start3A_181 : memref<1x128xi32, #tpu.memory_space<vmem>> -> memref<128xi32, #tpu.memory_space<vmem>>
          %dma_start3A_183 = tpu.memref_slice %arg2[%mul3A_151] : memref<320000xi32, #tpu.memory_space<hbm>> -> memref<128xi32, #tpu.memory_space<hbm>>
          %dma_start3A_184 = arith.constant 0 : i32
          %dma_start3A_185 = tpu.memref_slice %arg11[%run_scoped3A_152, %dma_start3A_184] : memref<2x128xi32, #tpu.memory_space<vmem>> -> memref<1x128xi32, #tpu.memory_space<vmem>>
          %dma_start3A_186 = tpu.memref_squeeze %dma_start3A_185 : memref<1x128xi32, #tpu.memory_space<vmem>> -> memref<128xi32, #tpu.memory_space<vmem>>
          %dma_start3A_187 = tpu.memref_slice %arg2[%mul3A_151] : memref<320000xi32, #tpu.memory_space<hbm>> -> memref<128xi32, #tpu.memory_space<hbm>>
          tpu.enqueue_dma source(%dma_start3A_187 : memref<128xi32, #tpu.memory_space<hbm>>) target(%dma_start3A_186 : memref<128xi32, #tpu.memory_space<vmem>>) target_semaphore(%run_scoped3A_179 : memref<!tpu.dma_semaphore, #tpu.memory_space<semaphore_mem>>)
          %dma_wait3A_188 = arith.constant 0 : i32
          %dma_wait3A_189 = tpu.memref_slice %arg11[%run_scoped3A_152, %dma_wait3A_188] : memref<2x128xi32, #tpu.memory_space<vmem>> -> memref<1x128xi32, #tpu.memory_space<vmem>>
          %dma_wait3A_190 = tpu.memref_squeeze %dma_wait3A_189 : memref<1x128xi32, #tpu.memory_space<vmem>> -> memref<128xi32, #tpu.memory_space<vmem>>
          %dma_wait3A_191 = tpu.memref_slice %arg2[%mul3A_151] : memref<320000xi32, #tpu.memory_space<hbm>> -> memref<128xi32, #tpu.memory_space<hbm>>
          %dma_wait3A_192 = arith.constant 0 : i32
          %dma_wait3A_193 = tpu.memref_slice %arg11[%run_scoped3A_152, %dma_wait3A_192] : memref<2x128xi32, #tpu.memory_space<vmem>> -> memref<1x128xi32, #tpu.memory_space<vmem>>
          %dma_wait3A_194 = tpu.memref_squeeze %dma_wait3A_193 : memref<1x128xi32, #tpu.memory_space<vmem>> -> memref<128xi32, #tpu.memory_space<vmem>>
          %dma_wait3A_195 = tpu.memref_slice %arg2[%mul3A_151] : memref<320000xi32, #tpu.memory_space<hbm>> -> memref<128xi32, #tpu.memory_space<hbm>>
          tpu.wait_dma2 semaphore(%run_scoped3A_179 : memref<!tpu.dma_semaphore, #tpu.memory_space<semaphore_mem>>) src(%dma_wait3A_195 : memref<128xi32, #tpu.memory_space<hbm>>) dst(%dma_wait3A_194 : memref<128xi32, #tpu.memory_space<vmem>>)
          tpu.yield
        }) : () -> ()
        %run_scoped3A_153 = arith.constant 0 : i32
        "tpu.region"() ({
          %run_scoped3A_179 = tpu.sem_alloc : memref<!tpu.dma_semaphore, #tpu.memory_space<semaphore_mem>>
          %dma_start3A_180 = arith.constant 0 : i32
          %dma_start3A_181 = tpu.memref_slice %arg12[%run_scoped3A_153, %dma_start3A_180] : memref<2x128xi32, #tpu.memory_space<vmem>> -> memref<1x128xi32, #tpu.memory_space<vmem>>
          %dma_start3A_182 = tpu.memref_squeeze %dma_start3A_181 : memref<1x128xi32, #tpu.memory_space<vmem>> -> memref<128xi32, #tpu.memory_space<vmem>>
          %dma_start3A_183 = tpu.memref_slice %arg3[%mul3A_151] : memref<320000xi32, #tpu.memory_space<hbm>> -> memref<128xi32, #tpu.memory_space<hbm>>
          %dma_start3A_184 = arith.constant 0 : i32
          %dma_start3A_185 = tpu.memref_slice %arg12[%run_scoped3A_153, %dma_start3A_184] : memref<2x128xi32, #tpu.memory_space<vmem>> -> memref<1x128xi32, #tpu.memory_space<vmem>>
          %dma_start3A_186 = tpu.memref_squeeze %dma_start3A_185 : memref<1x128xi32, #tpu.memory_space<vmem>> -> memref<128xi32, #tpu.memory_space<vmem>>
          %dma_start3A_187 = tpu.memref_slice %arg3[%mul3A_151] : memref<320000xi32, #tpu.memory_space<hbm>> -> memref<128xi32, #tpu.memory_space<hbm>>
          tpu.enqueue_dma source(%dma_start3A_187 : memref<128xi32, #tpu.memory_space<hbm>>) target(%dma_start3A_186 : memref<128xi32, #tpu.memory_space<vmem>>) target_semaphore(%run_scoped3A_179 : memref<!tpu.dma_semaphore, #tpu.memory_space<semaphore_mem>>)
          %dma_wait3A_188 = arith.constant 0 : i32
          %dma_wait3A_189 = tpu.memref_slice %arg12[%run_scoped3A_153, %dma_wait3A_188] : memref<2x128xi32, #tpu.memory_space<vmem>> -> memref<1x128xi32, #tpu.memory_space<vmem>>
          %dma_wait3A_190 = tpu.memref_squeeze %dma_wait3A_189 : memref<1x128xi32, #tpu.memory_space<vmem>> -> memref<128xi32, #tpu.memory_space<vmem>>
          %dma_wait3A_191 = tpu.memref_slice %arg3[%mul3A_151] : memref<320000xi32, #tpu.memory_space<hbm>> -> memref<128xi32, #tpu.memory_space<hbm>>
          %dma_wait3A_192 = arith.constant 0 : i32
          %dma_wait3A_193 = tpu.memref_slice %arg12[%run_scoped3A_153, %dma_wait3A_192] : memref<2x128xi32, #tpu.memory_space<vmem>> -> memref<1x128xi32, #tpu.memory_space<vmem>>
          %dma_wait3A_194 = tpu.memref_squeeze %dma_wait3A_193 : memref<1x128xi32, #tpu.memory_space<vmem>> -> memref<128xi32, #tpu.memory_space<vmem>>
          %dma_wait3A_195 = tpu.memref_slice %arg3[%mul3A_151] : memref<320000xi32, #tpu.memory_space<hbm>> -> memref<128xi32, #tpu.memory_space<hbm>>
          tpu.wait_dma2 semaphore(%run_scoped3A_179 : memref<!tpu.dma_semaphore, #tpu.memory_space<semaphore_mem>>) src(%dma_wait3A_195 : memref<128xi32, #tpu.memory_space<hbm>>) dst(%dma_wait3A_194 : memref<128xi32, #tpu.memory_space<vmem>>)
          tpu.yield
        }) : () -> ()
        %run_scoped3A_154 = arith.constant 0 : i32
        "tpu.region"() ({
          %run_scoped3A_179 = tpu.sem_alloc : memref<!tpu.dma_semaphore, #tpu.memory_space<semaphore_mem>>
          %dma_start3A_180 = arith.constant 0 : i32
          %dma_start3A_181 = tpu.memref_slice %arg13[%run_scoped3A_154, %dma_start3A_180] : memref<2x144xi32, #tpu.memory_space<vmem>> -> memref<1x144xi32, #tpu.memory_space<vmem>>
          %dma_start3A_182 = tpu.memref_squeeze %dma_start3A_181 : memref<1x144xi32, #tpu.memory_space<vmem>> -> memref<144xi32, #tpu.memory_space<vmem>>
          %dma_start3A_183 = arith.constant 0 : i32
          %dma_start3A_184 = tpu.memref_slice %dma_start3A_182[%dma_start3A_183] : memref<144xi32, #tpu.memory_space<vmem>> -> memref<128xi32, #tpu.memory_space<vmem>>
          %dma_start3A_185 = tpu.memref_slice %arg4[%mul3A_151] : memref<320000xi32, #tpu.memory_space<hbm>> -> memref<128xi32, #tpu.memory_space<hbm>>
          %dma_start3A_186 = arith.constant 0 : i32
          %dma_start3A_187 = tpu.memref_slice %arg13[%run_scoped3A_154, %dma_start3A_186] : memref<2x144xi32, #tpu.memory_space<vmem>> -> memref<1x144xi32, #tpu.memory_space<vmem>>
          %dma_start3A_188 = tpu.memref_squeeze %dma_start3A_187 : memref<1x144xi32, #tpu.memory_space<vmem>> -> memref<144xi32, #tpu.memory_space<vmem>>
          %dma_start3A_189 = arith.constant 0 : i32
          %dma_start3A_190 = tpu.memref_slice %dma_start3A_188[%dma_start3A_189] : memref<144xi32, #tpu.memory_space<vmem>> -> memref<128xi32, #tpu.memory_space<vmem>>
          %dma_start3A_191 = tpu.memref_slice %arg4[%mul3A_151] : memref<320000xi32, #tpu.memory_space<hbm>> -> memref<128xi32, #tpu.memory_space<hbm>>
          tpu.enqueue_dma source(%dma_start3A_191 : memref<128xi32, #tpu.memory_space<hbm>>) target(%dma_start3A_190 : memref<128xi32, #tpu.memory_space<vmem>>) target_semaphore(%run_scoped3A_179 : memref<!tpu.dma_semaphore, #tpu.memory_space<semaphore_mem>>)
          %dma_wait3A_192 = arith.constant 0 : i32
          %dma_wait3A_193 = tpu.memref_slice %arg13[%run_scoped3A_154, %dma_wait3A_192] : memref<2x144xi32, #tpu.memory_space<vmem>> -> memref<1x144xi32, #tpu.memory_space<vmem>>
          %dma_wait3A_194 = tpu.memref_squeeze %dma_wait3A_193 : memref<1x144xi32, #tpu.memory_space<vmem>> -> memref<144xi32, #tpu.memory_space<vmem>>
          %dma_wait3A_195 = arith.constant 0 : i32
          %dma_wait3A_196 = tpu.memref_slice %dma_wait3A_194[%dma_wait3A_195] : memref<144xi32, #tpu.memory_space<vmem>> -> memref<128xi32, #tpu.memory_space<vmem>>
          %dma_wait3A_197 = tpu.memref_slice %arg4[%mul3A_151] : memref<320000xi32, #tpu.memory_space<hbm>> -> memref<128xi32, #tpu.memory_space<hbm>>
          %dma_wait3A_198 = arith.constant 0 : i32
          %dma_wait3A_199 = tpu.memref_slice %arg13[%run_scoped3A_154, %dma_wait3A_198] : memref<2x144xi32, #tpu.memory_space<vmem>> -> memref<1x144xi32, #tpu.memory_space<vmem>>
          %dma_wait3A_200 = tpu.memref_squeeze %dma_wait3A_199 : memref<1x144xi32, #tpu.memory_space<vmem>> -> memref<144xi32, #tpu.memory_space<vmem>>
          %dma_wait3A_201 = arith.constant 0 : i32
          %dma_wait3A_202 = tpu.memref_slice %dma_wait3A_200[%dma_wait3A_201] : memref<144xi32, #tpu.memory_space<vmem>> -> memref<128xi32, #tpu.memory_space<vmem>>
          %dma_wait3A_203 = tpu.memref_slice %arg4[%mul3A_151] : memref<320000xi32, #tpu.memory_space<hbm>> -> memref<128xi32, #tpu.memory_space<hbm>>
          tpu.wait_dma2 semaphore(%run_scoped3A_179 : memref<!tpu.dma_semaphore, #tpu.memory_space<semaphore_mem>>) src(%dma_wait3A_203 : memref<128xi32, #tpu.memory_space<hbm>>) dst(%dma_wait3A_202 : memref<128xi32, #tpu.memory_space<vmem>>)
          tpu.yield
        }) : () -> ()
        %dma_start3A_155 = arith.constant 0 : i32
        %dma_start3A_156 = arith.constant 0 : i32
        %dma_start3A_157 = arith.constant 0 : i32
        %dma_start3A_158 = arith.constant 0 : i32
        %dma_start3A_159 = tpu.memref_slice %arg14[%dma_start3A_156, %dma_start3A_157, %dma_start3A_158] : memref<2x128x16xf32, #tpu.memory_space<vmem>> -> memref<1x128x16xf32, #tpu.memory_space<vmem>>
        %dma_start3A_160 = tpu.memref_squeeze %dma_start3A_159 : memref<1x128x16xf32, #tpu.memory_space<vmem>> -> memref<128x16xf32, #tpu.memory_space<vmem>>
        %dma_start3A_161 = arith.constant 0 : i32
        %dma_start3A_162 = tpu.memref_slice %arg11[%dma_start3A_155, %dma_start3A_161] : memref<2x128xi32, #tpu.memory_space<vmem>> -> memref<1x128xi32, #tpu.memory_space<vmem>>
        %dma_start3A_163 = tpu.memref_squeeze %dma_start3A_162 : memref<1x128xi32, #tpu.memory_space<vmem>> -> memref<128xi32, #tpu.memory_space<vmem>>
        %dma_start3A_164 = arith.constant 0 : i32
        %dma_start3A_165 = arith.constant 0 : i32
        %dma_start3A_166 = tpu.memref_slice %arg5[%dma_start3A_164, %dma_start3A_165] : memref<10000x16xf32, #tpu.memory_space<hbm>> -> memref<10000x16xf32, #tpu.memory_space<hbm>>
        tpu.enqueue_indirect_dma source(%dma_start3A_166 : memref<10000x16xf32, #tpu.memory_space<hbm>>) target(%dma_start3A_160 : memref<128x16xf32, #tpu.memory_space<vmem>>) offsets(%dma_start3A_163 : memref<128xi32, #tpu.memory_space<vmem>>) semaphore(%arg19 : memref<!tpu.dma_semaphore, #tpu.memory_space<semaphore_mem>>)
        %dma_start3A_167 = arith.constant 0 : i32
        %dma_start3A_168 = arith.constant 0 : i32
        %dma_start3A_169 = arith.constant 0 : i32
        %dma_start3A_170 = arith.constant 0 : i32
        %dma_start3A_171 = tpu.memref_slice %arg15[%dma_start3A_168, %dma_start3A_169, %dma_start3A_170] : memref<2x128x16xf32, #tpu.memory_space<vmem>> -> memref<1x128x16xf32, #tpu.memory_space<vmem>>
        %dma_start3A_172 = tpu.memref_squeeze %dma_start3A_171 : memref<1x128x16xf32, #tpu.memory_space<vmem>> -> memref<128x16xf32, #tpu.memory_space<vmem>>
        %dma_start3A_173 = arith.constant 0 : i32
        %dma_start3A_174 = tpu.memref_slice %arg12[%dma_start3A_167, %dma_start3A_173] : memref<2x128xi32, #tpu.memory_space<vmem>> -> memref<1x128xi32, #tpu.memory_space<vmem>>
        %dma_start3A_175 = tpu.memref_squeeze %dma_start3A_174 : memref<1x128xi32, #tpu.memory_space<vmem>> -> memref<128xi32, #tpu.memory_space<vmem>>
        %dma_start3A_176 = arith.constant 0 : i32
        %dma_start3A_177 = arith.constant 0 : i32
        %dma_start3A_178 = tpu.memref_slice %arg6[%dma_start3A_176, %dma_start3A_177] : memref<10000x16xf32, #tpu.memory_space<hbm>> -> memref<10000x16xf32, #tpu.memory_space<hbm>>
        tpu.enqueue_indirect_dma source(%dma_start3A_178 : memref<10000x16xf32, #tpu.memory_space<hbm>>) target(%dma_start3A_172 : memref<128x16xf32, #tpu.memory_space<vmem>>) offsets(%dma_start3A_175 : memref<128xi32, #tpu.memory_space<vmem>>) semaphore(%arg19 : memref<!tpu.dma_semaphore, #tpu.memory_space<semaphore_mem>>)
      } else {
      }
      %dma_wait3A_105 = arith.constant 1 : i32
      %dma_wait3A_106 = arith.constant 1 : i32
      %dma_wait3A_107 = arith.constant 0 : i32
      %dma_wait3A_108 = arith.constant 0 : i32
      %dma_wait3A_109 = tpu.memref_slice %arg14[%dma_wait3A_106, %dma_wait3A_107, %dma_wait3A_108] : memref<2x128x16xf32, #tpu.memory_space<vmem>> -> memref<1x128x16xf32, #tpu.memory_space<vmem>>
      %dma_wait3A_110 = tpu.memref_squeeze %dma_wait3A_109 : memref<1x128x16xf32, #tpu.memory_space<vmem>> -> memref<128x16xf32, #tpu.memory_space<vmem>>
      %dma_wait3A_111 = arith.constant 0 : i32
      %dma_wait3A_112 = tpu.memref_slice %arg11[%dma_wait3A_105, %dma_wait3A_111] : memref<2x128xi32, #tpu.memory_space<vmem>> -> memref<1x128xi32, #tpu.memory_space<vmem>>
      %dma_wait3A_113 = tpu.memref_squeeze %dma_wait3A_112 : memref<1x128xi32, #tpu.memory_space<vmem>> -> memref<128xi32, #tpu.memory_space<vmem>>
      %dma_wait3A_114 = arith.constant 0 : i32
      %dma_wait3A_115 = arith.constant 0 : i32
      %dma_wait3A_116 = tpu.memref_slice %arg5[%dma_wait3A_114, %dma_wait3A_115] : memref<10000x16xf32, #tpu.memory_space<hbm>> -> memref<10000x16xf32, #tpu.memory_space<hbm>>
      tpu.wait_indirect_dma semaphore(%arg20 : memref<!tpu.dma_semaphore, #tpu.memory_space<semaphore_mem>>) src(%dma_wait3A_116 : memref<10000x16xf32, #tpu.memory_space<hbm>>) dst(%dma_wait3A_110 : memref<128x16xf32, #tpu.memory_space<vmem>>)
      %dma_wait3A_117 = arith.constant 1 : i32
      %dma_wait3A_118 = arith.constant 1 : i32
      %dma_wait3A_119 = arith.constant 0 : i32
      %dma_wait3A_120 = arith.constant 0 : i32
      %dma_wait3A_121 = tpu.memref_slice %arg15[%dma_wait3A_118, %dma_wait3A_119, %dma_wait3A_120] : memref<2x128x16xf32, #tpu.memory_space<vmem>> -> memref<1x128x16xf32, #tpu.memory_space<vmem>>
      %dma_wait3A_122 = tpu.memref_squeeze %dma_wait3A_121 : memref<1x128x16xf32, #tpu.memory_space<vmem>> -> memref<128x16xf32, #tpu.memory_space<vmem>>
      %dma_wait3A_123 = arith.constant 0 : i32
      %dma_wait3A_124 = tpu.memref_slice %arg12[%dma_wait3A_117, %dma_wait3A_123] : memref<2x128xi32, #tpu.memory_space<vmem>> -> memref<1x128xi32, #tpu.memory_space<vmem>>
      %dma_wait3A_125 = tpu.memref_squeeze %dma_wait3A_124 : memref<1x128xi32, #tpu.memory_space<vmem>> -> memref<128xi32, #tpu.memory_space<vmem>>
      %dma_wait3A_126 = arith.constant 0 : i32
      %dma_wait3A_127 = arith.constant 0 : i32
      %dma_wait3A_128 = tpu.memref_slice %arg6[%dma_wait3A_126, %dma_wait3A_127] : memref<10000x16xf32, #tpu.memory_space<hbm>> -> memref<10000x16xf32, #tpu.memory_space<hbm>>
      tpu.wait_indirect_dma semaphore(%arg20 : memref<!tpu.dma_semaphore, #tpu.memory_space<semaphore_mem>>) src(%dma_wait3A_128 : memref<10000x16xf32, #tpu.memory_space<hbm>>) dst(%dma_wait3A_122 : memref<128x16xf32, #tpu.memory_space<vmem>>)
      %mul3A_129 = arith.constant 32 : i32
      %mul3A_130 = arith.muli %add3A_97, %mul3A_129 : i32
      %add3A_131 = arith.addi %mul3A_130, %add3A : i32
      %mul3A_132 = arith.constant 128 : i32
      %mul3A_133 = arith.muli %add3A_131, %mul3A_132 : i32
      %get3A_134 = arith.constant 0 : index
      %get3A_135 = tpu.vector_load %arg17[%get3A_134] {strides = array<i32>} : memref<16xi32, #tpu.memory_space<vmem>>, vector<16xi32>,
      %scan3A_136 = arith.constant 0 : i32
      %scan3A_137 = arith.constant 0 : i32
      %scan3A_138 = arith.constant 128 : i32
      %scan3A_139 = arith.addi %scan3A_137, %scan3A_138 : i32
      %scan3A_140 = arith.constant 1 : i32
      scf.for %scan3A_145 = %scan3A_137 to %scan3A_139 step %scan3A_140  : i32 {
        %get3A_146 = arith.constant 1 : i32
        %get3A_147 = arith.index_cast %get3A_146 : i32 to index
        %get3A_148 = arith.index_cast %scan3A_145 : i32 to index
        %get3A_149 = arith.constant 0 : index
        %get3A_150 = tpu.vector_load %arg14[%get3A_147, %get3A_148, %get3A_149] {strides = array<i32>} : memref<2x128x16xf32, #tpu.memory_space<vmem>>, vector<16xf32>,
        %get3A_151 = arith.constant 1 : i32
        %get3A_152 = arith.index_cast %get3A_151 : i32 to index
        %get3A_153 = arith.index_cast %scan3A_145 : i32 to index
        %get3A_154 = arith.constant 0 : index
        %get3A_155 = tpu.vector_load %arg15[%get3A_152, %get3A_153, %get3A_154] {strides = array<i32>} : memref<2x128x16xf32, #tpu.memory_space<vmem>>, vector<16xf32>,
        %add3A_156 = arith.addf %get3A_150, %get3A_155 : vector<16xf32>
        %mul3A_157 = arith.constant 2.000000e-01 : f32
        %mul3A_158 = vector.broadcast %mul3A_157 : f32 to vector<16xf32>
        %mul3A_159 = arith.mulf %mul3A_158, %add3A_156 : vector<16xf32>
        %max3A = arith.maximumf %add3A_156, %mul3A_159 : vector<16xf32>
        %exp3A = math.exp %max3A : vector<16xf32>
        %get3A_160 = arith.constant 1 : i32
        %get3A_161 = arith.constant 0 : i32
        %get3A_162 = tpu.memref_slice %arg13[%get3A_160, %get3A_161] : memref<2x144xi32, #tpu.memory_space<vmem>> -> memref<1x144xi32, #tpu.memory_space<vmem>>
        %get3A_163 = tpu.memref_squeeze %get3A_162 : memref<1x144xi32, #tpu.memory_space<vmem>> -> memref<144xi32, #tpu.memory_space<vmem>>
        %get3A_164 = arith.index_cast %scan3A_145 : i32 to index
        %get3A_165 = tpu.vector_load %get3A_163[%get3A_164] {strides = array<i32>} : memref<144xi32, #tpu.memory_space<vmem>>, vector<16xi32>,
        %slice3A = vector.extract_strided_slice %get3A_165 {offsets = [0], sizes = [1], strides = [1]} : vector<16xi32> to vector<1xi32>
        %squeeze3A = vector.extract %slice3A[0] : i32 from vector<1xi32>
        %broadcast_in_dim3A = vector.broadcast %squeeze3A : i32 to vector<16xi32>
        %eq3A = arith.cmpi eq, %get3A_135, %broadcast_in_dim3A : vector<16xi32>
        %jit3A = arith.constant 0.000000e+00 : f32
        %broadcast_in_dim3A_166 = vector.broadcast %jit3A : f32 to vector<16xf32>
        %select_n3A = arith.select %eq3A, %exp3A, %broadcast_in_dim3A_166 : vector<16xi1>, vector<16xf32>
        %swap3A = arith.constant 1 : i32
        %swap3A_167 = arith.index_cast %swap3A : i32 to index
        %swap3A_168 = arith.index_cast %scan3A_145 : i32 to index
        %swap3A_169 = arith.constant 0 : index
        %swap3A_170 = tpu.vector_load %arg16[%swap3A_167, %swap3A_168, %swap3A_169] {strides = array<i32>} : memref<2x128x16xf32, #tpu.memory_space<vmem>>, vector<16xf32>,
        tpu.vector_store %arg16[%swap3A_167, %swap3A_168, %swap3A_169], %select_n3A {strides = array<i32>} : memref<2x128x16xf32, #tpu.memory_space<vmem>>, vector<16xf32>,
      }
      %scan3A_141 = arith.constant 128 : i32
      %run_scoped3A_142 = arith.constant 1 : i32
      "tpu.region"() ({
        %run_scoped3A_145 = tpu.sem_alloc : memref<!tpu.dma_semaphore, #tpu.memory_space<semaphore_mem>>
        %dma_start3A_146 = arith.constant 0 : i32
        %dma_start3A_147 = arith.constant 0 : i32
        %dma_start3A_148 = tpu.memref_slice %arg16[%run_scoped3A_142, %dma_start3A_146, %dma_start3A_147] : memref<2x128x16xf32, #tpu.memory_space<vmem>> -> memref<1x128x16xf32, #tpu.memory_space<vmem>>
        %dma_start3A_149 = tpu.memref_squeeze %dma_start3A_148 : memref<1x128x16xf32, #tpu.memory_space<vmem>> -> memref<128x16xf32, #tpu.memory_space<vmem>>
        %dma_start3A_150 = arith.constant 0 : i32
        %dma_start3A_151 = tpu.memref_slice %arg9[%mul3A_133, %dma_start3A_150] : memref<320000x16xf32, #tpu.memory_space<hbm>> -> memref<128x16xf32, #tpu.memory_space<hbm>>
        %dma_start3A_152 = arith.constant 0 : i32
        %dma_start3A_153 = tpu.memref_slice %arg9[%mul3A_133, %dma_start3A_152] : memref<320000x16xf32, #tpu.memory_space<hbm>> -> memref<128x16xf32, #tpu.memory_space<hbm>>
        %dma_start3A_154 = arith.constant 0 : i32
        %dma_start3A_155 = arith.constant 0 : i32
        %dma_start3A_156 = tpu.memref_slice %arg16[%run_scoped3A_142, %dma_start3A_154, %dma_start3A_155] : memref<2x128x16xf32, #tpu.memory_space<vmem>> -> memref<1x128x16xf32, #tpu.memory_space<vmem>>
        %dma_start3A_157 = tpu.memref_squeeze %dma_start3A_156 : memref<1x128x16xf32, #tpu.memory_space<vmem>> -> memref<128x16xf32, #tpu.memory_space<vmem>>
        tpu.enqueue_dma source(%dma_start3A_157 : memref<128x16xf32, #tpu.memory_space<vmem>>) target(%dma_start3A_153 : memref<128x16xf32, #tpu.memory_space<hbm>>) target_semaphore(%run_scoped3A_145 : memref<!tpu.dma_semaphore, #tpu.memory_space<semaphore_mem>>)
        %dma_wait3A_158 = arith.constant 0 : i32
        %dma_wait3A_159 = arith.constant 0 : i32
        %dma_wait3A_160 = tpu.memref_slice %arg16[%run_scoped3A_142, %dma_wait3A_158, %dma_wait3A_159] : memref<2x128x16xf32, #tpu.memory_space<vmem>> -> memref<1x128x16xf32, #tpu.memory_space<vmem>>
        %dma_wait3A_161 = tpu.memref_squeeze %dma_wait3A_160 : memref<1x128x16xf32, #tpu.memory_space<vmem>> -> memref<128x16xf32, #tpu.memory_space<vmem>>
        %dma_wait3A_162 = arith.constant 0 : i32
        %dma_wait3A_163 = tpu.memref_slice %arg9[%mul3A_133, %dma_wait3A_162] : memref<320000x16xf32, #tpu.memory_space<hbm>> -> memref<128x16xf32, #tpu.memory_space<hbm>>
        %dma_wait3A_164 = arith.constant 0 : i32
        %dma_wait3A_165 = tpu.memref_slice %arg9[%mul3A_133, %dma_wait3A_164] : memref<320000x16xf32, #tpu.memory_space<hbm>> -> memref<128x16xf32, #tpu.memory_space<hbm>>
        %dma_wait3A_166 = arith.constant 0 : i32
        %dma_wait3A_167 = arith.constant 0 : i32
        %dma_wait3A_168 = tpu.memref_slice %arg16[%run_scoped3A_142, %dma_wait3A_166, %dma_wait3A_167] : memref<2x128x16xf32, #tpu.memory_space<vmem>> -> memref<1x128x16xf32, #tpu.memory_space<vmem>>
        %dma_wait3A_169 = tpu.memref_squeeze %dma_wait3A_168 : memref<1x128x16xf32, #tpu.memory_space<vmem>> -> memref<128x16xf32, #tpu.memory_space<vmem>>
        tpu.wait_dma2 semaphore(%run_scoped3A_145 : memref<!tpu.dma_semaphore, #tpu.memory_space<semaphore_mem>>) src(%dma_wait3A_169 : memref<128x16xf32, #tpu.memory_space<vmem>>) dst(%dma_wait3A_165 : memref<128x16xf32, #tpu.memory_space<hbm>>)
        tpu.yield
      }) : () -> ()
      %run_scoped3A_143 = arith.constant 1 : i32
      %run_scoped3A_144 = arith.constant 1 : i32
      "tpu.region"() ({
        %run_scoped3A_145 = tpu.sem_alloc : memref<!tpu.dma_semaphore, #tpu.memory_space<semaphore_mem>>
        %dma_start3A_146 = arith.constant 0 : i32
        %dma_start3A_147 = arith.constant 0 : i32
        %dma_start3A_148 = tpu.memref_slice %arg16[%run_scoped3A_143, %dma_start3A_146, %dma_start3A_147] : memref<2x128x16xf32, #tpu.memory_space<vmem>> -> memref<1x128x16xf32, #tpu.memory_space<vmem>>
        %dma_start3A_149 = tpu.memref_squeeze %dma_start3A_148 : memref<1x128x16xf32, #tpu.memory_space<vmem>> -> memref<128x16xf32, #tpu.memory_space<vmem>>
        %dma_start3A_150 = arith.constant 0 : i32
        %dma_start3A_151 = tpu.memref_slice %arg12[%run_scoped3A_144, %dma_start3A_150] : memref<2x128xi32, #tpu.memory_space<vmem>> -> memref<1x128xi32, #tpu.memory_space<vmem>>
        %dma_start3A_152 = tpu.memref_squeeze %dma_start3A_151 : memref<1x128xi32, #tpu.memory_space<vmem>> -> memref<128xi32, #tpu.memory_space<vmem>>
        %dma_start3A_153 = arith.constant 0 : i32
        %dma_start3A_154 = arith.constant 0 : i32
        %dma_start3A_155 = tpu.memref_slice %arg18[%dma_start3A_153, %dma_start3A_154] : memref<10112x16xf32, #tpu.memory_space<vmem_shared>> -> memref<10112x16xf32, #tpu.memory_space<vmem_shared>>
        tpu.enqueue_indirect_dma source(%dma_start3A_149 : memref<128x16xf32, #tpu.memory_space<vmem>>) target(%dma_start3A_155 : memref<10112x16xf32, #tpu.memory_space<vmem_shared>>) offsets(%dma_start3A_152 : memref<128xi32, #tpu.memory_space<vmem>>) semaphore(%run_scoped3A_145 : memref<!tpu.dma_semaphore, #tpu.memory_space<semaphore_mem>>) {add = true}
        %dma_wait3A_156 = arith.constant 0 : i32
        %dma_wait3A_157 = arith.constant 0 : i32
        %dma_wait3A_158 = tpu.memref_slice %arg16[%run_scoped3A_143, %dma_wait3A_156, %dma_wait3A_157] : memref<2x128x16xf32, #tpu.memory_space<vmem>> -> memref<1x128x16xf32, #tpu.memory_space<vmem>>
        %dma_wait3A_159 = tpu.memref_squeeze %dma_wait3A_158 : memref<1x128x16xf32, #tpu.memory_space<vmem>> -> memref<128x16xf32, #tpu.memory_space<vmem>>
        %dma_wait3A_160 = arith.constant 0 : i32
        %dma_wait3A_161 = tpu.memref_slice %arg12[%run_scoped3A_144, %dma_wait3A_160] : memref<2x128xi32, #tpu.memory_space<vmem>> -> memref<1x128xi32, #tpu.memory_space<vmem>>
        %dma_wait3A_162 = tpu.memref_squeeze %dma_wait3A_161 : memref<1x128xi32, #tpu.memory_space<vmem>> -> memref<128xi32, #tpu.memory_space<vmem>>
        %dma_wait3A_163 = arith.constant 0 : i32
        %dma_wait3A_164 = arith.constant 0 : i32
        %dma_wait3A_165 = tpu.memref_slice %arg18[%dma_wait3A_163, %dma_wait3A_164] : memref<10112x16xf32, #tpu.memory_space<vmem_shared>> -> memref<10112x16xf32, #tpu.memory_space<vmem_shared>>
        tpu.wait_indirect_dma semaphore(%run_scoped3A_145 : memref<!tpu.dma_semaphore, #tpu.memory_space<semaphore_mem>>) src(%dma_wait3A_159 : memref<128x16xf32, #tpu.memory_space<vmem>>) dst(%dma_wait3A_165 : memref<10112x16xf32, #tpu.memory_space<vmem_shared>>)
        tpu.yield
      }) : () -> ()
    }
    %scan3A_36 = arith.constant 39 : i32
    %lt3A = arith.constant 4 : i32
    %lt3A_37 = arith.cmpi slt, %add3A, %lt3A : i32
    %convert_element_type3A = arith.extui %lt3A_37 : i1 to i32
    %cond3A = arith.constant 0 : i32
    %cond3A_38 = arith.cmpi ne, %convert_element_type3A, %cond3A : i32
    scf.if %cond3A_38 {
      %add3A_44 = arith.constant 2496 : i32
      %add3A_45 = arith.addi %add3A_44, %add3A : i32
      %mul3A_46 = arith.constant 128 : i32
      %mul3A_47 = arith.muli %add3A_45, %mul3A_46 : i32
      %run_scoped3A_48 = arith.constant 0 : i32
      "tpu.region"() ({
        %run_scoped3A_69 = tpu.sem_alloc : memref<!tpu.dma_semaphore, #tpu.memory_space<semaphore_mem>>
        %dma_start3A_70 = arith.constant 0 : i32
        %dma_start3A_71 = tpu.memref_slice %arg11[%run_scoped3A_48, %dma_start3A_70] : memref<2x128xi32, #tpu.memory_space<vmem>> -> memref<1x128xi32, #tpu.memory_space<vmem>>
        %dma_start3A_72 = tpu.memref_squeeze %dma_start3A_71 : memref<1x128xi32, #tpu.memory_space<vmem>> -> memref<128xi32, #tpu.memory_space<vmem>>
        %dma_start3A_73 = tpu.memref_slice %arg2[%mul3A_47] : memref<320000xi32, #tpu.memory_space<hbm>> -> memref<128xi32, #tpu.memory_space<hbm>>
        %dma_start3A_74 = arith.constant 0 : i32
        %dma_start3A_75 = tpu.memref_slice %arg11[%run_scoped3A_48, %dma_start3A_74] : memref<2x128xi32, #tpu.memory_space<vmem>> -> memref<1x128xi32, #tpu.memory_space<vmem>>
        %dma_start3A_76 = tpu.memref_squeeze %dma_start3A_75 : memref<1x128xi32, #tpu.memory_space<vmem>> -> memref<128xi32, #tpu.memory_space<vmem>>
        %dma_start3A_77 = tpu.memref_slice %arg2[%mul3A_47] : memref<320000xi32, #tpu.memory_space<hbm>> -> memref<128xi32, #tpu.memory_space<hbm>>
        tpu.enqueue_dma source(%dma_start3A_77 : memref<128xi32, #tpu.memory_space<hbm>>) target(%dma_start3A_76 : memref<128xi32, #tpu.memory_space<vmem>>) target_semaphore(%run_scoped3A_69 : memref<!tpu.dma_semaphore, #tpu.memory_space<semaphore_mem>>)
        %dma_wait3A = arith.constant 0 : i32
        %dma_wait3A_78 = tpu.memref_slice %arg11[%run_scoped3A_48, %dma_wait3A] : memref<2x128xi32, #tpu.memory_space<vmem>> -> memref<1x128xi32, #tpu.memory_space<vmem>>
        %dma_wait3A_79 = tpu.memref_squeeze %dma_wait3A_78 : memref<1x128xi32, #tpu.memory_space<vmem>> -> memref<128xi32, #tpu.memory_space<vmem>>
        %dma_wait3A_80 = tpu.memref_slice %arg2[%mul3A_47] : memref<320000xi32, #tpu.memory_space<hbm>> -> memref<128xi32, #tpu.memory_space<hbm>>
        %dma_wait3A_81 = arith.constant 0 : i32
        %dma_wait3A_82 = tpu.memref_slice %arg11[%run_scoped3A_48, %dma_wait3A_81] : memref<2x128xi32, #tpu.memory_space<vmem>> -> memref<1x128xi32, #tpu.memory_space<vmem>>
        %dma_wait3A_83 = tpu.memref_squeeze %dma_wait3A_82 : memref<1x128xi32, #tpu.memory_space<vmem>> -> memref<128xi32, #tpu.memory_space<vmem>>
        %dma_wait3A_84 = tpu.memref_slice %arg2[%mul3A_47] : memref<320000xi32, #tpu.memory_space<hbm>> -> memref<128xi32, #tpu.memory_space<hbm>>
        tpu.wait_dma2 semaphore(%run_scoped3A_69 : memref<!tpu.dma_semaphore, #tpu.memory_space<semaphore_mem>>) src(%dma_wait3A_84 : memref<128xi32, #tpu.memory_space<hbm>>) dst(%dma_wait3A_83 : memref<128xi32, #tpu.memory_space<vmem>>)
        tpu.yield
      }) : () -> ()
      %run_scoped3A_49 = arith.constant 0 : i32
      "tpu.region"() ({
        %run_scoped3A_69 = tpu.sem_alloc : memref<!tpu.dma_semaphore, #tpu.memory_space<semaphore_mem>>
        %dma_start3A_70 = arith.constant 0 : i32
        %dma_start3A_71 = tpu.memref_slice %arg12[%run_scoped3A_49, %dma_start3A_70] : memref<2x128xi32, #tpu.memory_space<vmem>> -> memref<1x128xi32, #tpu.memory_space<vmem>>
        %dma_start3A_72 = tpu.memref_squeeze %dma_start3A_71 : memref<1x128xi32, #tpu.memory_space<vmem>> -> memref<128xi32, #tpu.memory_space<vmem>>
        %dma_start3A_73 = tpu.memref_slice %arg3[%mul3A_47] : memref<320000xi32, #tpu.memory_space<hbm>> -> memref<128xi32, #tpu.memory_space<hbm>>
        %dma_start3A_74 = arith.constant 0 : i32
        %dma_start3A_75 = tpu.memref_slice %arg12[%run_scoped3A_49, %dma_start3A_74] : memref<2x128xi32, #tpu.memory_space<vmem>> -> memref<1x128xi32, #tpu.memory_space<vmem>>
        %dma_start3A_76 = tpu.memref_squeeze %dma_start3A_75 : memref<1x128xi32, #tpu.memory_space<vmem>> -> memref<128xi32, #tpu.memory_space<vmem>>
        %dma_start3A_77 = tpu.memref_slice %arg3[%mul3A_47] : memref<320000xi32, #tpu.memory_space<hbm>> -> memref<128xi32, #tpu.memory_space<hbm>>
        tpu.enqueue_dma source(%dma_start3A_77 : memref<128xi32, #tpu.memory_space<hbm>>) target(%dma_start3A_76 : memref<128xi32, #tpu.memory_space<vmem>>) target_semaphore(%run_scoped3A_69 : memref<!tpu.dma_semaphore, #tpu.memory_space<semaphore_mem>>)
        %dma_wait3A = arith.constant 0 : i32
        %dma_wait3A_78 = tpu.memref_slice %arg12[%run_scoped3A_49, %dma_wait3A] : memref<2x128xi32, #tpu.memory_space<vmem>> -> memref<1x128xi32, #tpu.memory_space<vmem>>
        %dma_wait3A_79 = tpu.memref_squeeze %dma_wait3A_78 : memref<1x128xi32, #tpu.memory_space<vmem>> -> memref<128xi32, #tpu.memory_space<vmem>>
        %dma_wait3A_80 = tpu.memref_slice %arg3[%mul3A_47] : memref<320000xi32, #tpu.memory_space<hbm>> -> memref<128xi32, #tpu.memory_space<hbm>>
        %dma_wait3A_81 = arith.constant 0 : i32
        %dma_wait3A_82 = tpu.memref_slice %arg12[%run_scoped3A_49, %dma_wait3A_81] : memref<2x128xi32, #tpu.memory_space<vmem>> -> memref<1x128xi32, #tpu.memory_space<vmem>>
        %dma_wait3A_83 = tpu.memref_squeeze %dma_wait3A_82 : memref<1x128xi32, #tpu.memory_space<vmem>> -> memref<128xi32, #tpu.memory_space<vmem>>
        %dma_wait3A_84 = tpu.memref_slice %arg3[%mul3A_47] : memref<320000xi32, #tpu.memory_space<hbm>> -> memref<128xi32, #tpu.memory_space<hbm>>
        tpu.wait_dma2 semaphore(%run_scoped3A_69 : memref<!tpu.dma_semaphore, #tpu.memory_space<semaphore_mem>>) src(%dma_wait3A_84 : memref<128xi32, #tpu.memory_space<hbm>>) dst(%dma_wait3A_83 : memref<128xi32, #tpu.memory_space<vmem>>)
        tpu.yield
      }) : () -> ()
      %run_scoped3A_50 = arith.constant 0 : i32
      "tpu.region"() ({
        %run_scoped3A_69 = tpu.sem_alloc : memref<!tpu.dma_semaphore, #tpu.memory_space<semaphore_mem>>
        %dma_start3A_70 = arith.constant 0 : i32
        %dma_start3A_71 = tpu.memref_slice %arg13[%run_scoped3A_50, %dma_start3A_70] : memref<2x144xi32, #tpu.memory_space<vmem>> -> memref<1x144xi32, #tpu.memory_space<vmem>>
        %dma_start3A_72 = tpu.memref_squeeze %dma_start3A_71 : memref<1x144xi32, #tpu.memory_space<vmem>> -> memref<144xi32, #tpu.memory_space<vmem>>
        %dma_start3A_73 = arith.constant 0 : i32
        %dma_start3A_74 = tpu.memref_slice %dma_start3A_72[%dma_start3A_73] : memref<144xi32, #tpu.memory_space<vmem>> -> memref<128xi32, #tpu.memory_space<vmem>>
        %dma_start3A_75 = tpu.memref_slice %arg4[%mul3A_47] : memref<320000xi32, #tpu.memory_space<hbm>> -> memref<128xi32, #tpu.memory_space<hbm>>
        %dma_start3A_76 = arith.constant 0 : i32
        %dma_start3A_77 = tpu.memref_slice %arg13[%run_scoped3A_50, %dma_start3A_76] : memref<2x144xi32, #tpu.memory_space<vmem>> -> memref<1x144xi32, #tpu.memory_space<vmem>>
        %dma_start3A_78 = tpu.memref_squeeze %dma_start3A_77 : memref<1x144xi32, #tpu.memory_space<vmem>> -> memref<144xi32, #tpu.memory_space<vmem>>
        %dma_start3A_79 = arith.constant 0 : i32
        %dma_start3A_80 = tpu.memref_slice %dma_start3A_78[%dma_start3A_79] : memref<144xi32, #tpu.memory_space<vmem>> -> memref<128xi32, #tpu.memory_space<vmem>>
        %dma_start3A_81 = tpu.memref_slice %arg4[%mul3A_47] : memref<320000xi32, #tpu.memory_space<hbm>> -> memref<128xi32, #tpu.memory_space<hbm>>
        tpu.enqueue_dma source(%dma_start3A_81 : memref<128xi32, #tpu.memory_space<hbm>>) target(%dma_start3A_80 : memref<128xi32, #tpu.memory_space<vmem>>) target_semaphore(%run_scoped3A_69 : memref<!tpu.dma_semaphore, #tpu.memory_space<semaphore_mem>>)
        %dma_wait3A = arith.constant 0 : i32
        %dma_wait3A_82 = tpu.memref_slice %arg13[%run_scoped3A_50, %dma_wait3A] : memref<2x144xi32, #tpu.memory_space<vmem>> -> memref<1x144xi32, #tpu.memory_space<vmem>>
        %dma_wait3A_83 = tpu.memref_squeeze %dma_wait3A_82 : memref<1x144xi32, #tpu.memory_space<vmem>> -> memref<144xi32, #tpu.memory_space<vmem>>
        %dma_wait3A_84 = arith.constant 0 : i32
        %dma_wait3A_85 = tpu.memref_slice %dma_wait3A_83[%dma_wait3A_84] : memref<144xi32, #tpu.memory_space<vmem>> -> memref<128xi32, #tpu.memory_space<vmem>>
        %dma_wait3A_86 = tpu.memref_slice %arg4[%mul3A_47] : memref<320000xi32, #tpu.memory_space<hbm>> -> memref<128xi32, #tpu.memory_space<hbm>>
        %dma_wait3A_87 = arith.constant 0 : i32
        %dma_wait3A_88 = tpu.memref_slice %arg13[%run_scoped3A_50, %dma_wait3A_87] : memref<2x144xi32, #tpu.memory_space<vmem>> -> memref<1x144xi32, #tpu.memory_space<vmem>>
        %dma_wait3A_89 = tpu.memref_squeeze %dma_wait3A_88 : memref<1x144xi32, #tpu.memory_space<vmem>> -> memref<144xi32, #tpu.memory_space<vmem>>
        %dma_wait3A_90 = arith.constant 0 : i32
        %dma_wait3A_91 = tpu.memref_slice %dma_wait3A_89[%dma_wait3A_90] : memref<144xi32, #tpu.memory_space<vmem>> -> memref<128xi32, #tpu.memory_space<vmem>>
        %dma_wait3A_92 = tpu.memref_slice %arg4[%mul3A_47] : memref<320000xi32, #tpu.memory_space<hbm>> -> memref<128xi32, #tpu.memory_space<hbm>>
        tpu.wait_dma2 semaphore(%run_scoped3A_69 : memref<!tpu.dma_semaphore, #tpu.memory_space<semaphore_mem>>) src(%dma_wait3A_92 : memref<128xi32, #tpu.memory_space<hbm>>) dst(%dma_wait3A_91 : memref<128xi32, #tpu.memory_space<vmem>>)
        tpu.yield
      }) : () -> ()
      %run_scoped3A_51 = arith.constant 0 : i32
      %run_scoped3A_52 = arith.constant 0 : i32
      "tpu.region"() ({
        %run_scoped3A_69 = tpu.sem_alloc : memref<!tpu.dma_semaphore, #tpu.memory_space<semaphore_mem>>
        %dma_start3A_70 = arith.constant 0 : i32
        %dma_start3A_71 = arith.constant 0 : i32
        %dma_start3A_72 = tpu.memref_slice %arg14[%run_scoped3A_52, %dma_start3A_70, %dma_start3A_71] : memref<2x128x16xf32, #tpu.memory_space<vmem>> -> memref<1x128x16xf32, #tpu.memory_space<vmem>>
        %dma_start3A_73 = tpu.memref_squeeze %dma_start3A_72 : memref<1x128x16xf32, #tpu.memory_space<vmem>> -> memref<128x16xf32, #tpu.memory_space<vmem>>
        %dma_start3A_74 = arith.constant 0 : i32
        %dma_start3A_75 = tpu.memref_slice %arg11[%run_scoped3A_51, %dma_start3A_74] : memref<2x128xi32, #tpu.memory_space<vmem>> -> memref<1x128xi32, #tpu.memory_space<vmem>>
        %dma_start3A_76 = tpu.memref_squeeze %dma_start3A_75 : memref<1x128xi32, #tpu.memory_space<vmem>> -> memref<128xi32, #tpu.memory_space<vmem>>
        %dma_start3A_77 = arith.constant 0 : i32
        %dma_start3A_78 = arith.constant 0 : i32
        %dma_start3A_79 = tpu.memref_slice %arg5[%dma_start3A_77, %dma_start3A_78] : memref<10000x16xf32, #tpu.memory_space<hbm>> -> memref<10000x16xf32, #tpu.memory_space<hbm>>
        tpu.enqueue_indirect_dma source(%dma_start3A_79 : memref<10000x16xf32, #tpu.memory_space<hbm>>) target(%dma_start3A_73 : memref<128x16xf32, #tpu.memory_space<vmem>>) offsets(%dma_start3A_76 : memref<128xi32, #tpu.memory_space<vmem>>) semaphore(%run_scoped3A_69 : memref<!tpu.dma_semaphore, #tpu.memory_space<semaphore_mem>>)
        %dma_wait3A = arith.constant 0 : i32
        %dma_wait3A_80 = arith.constant 0 : i32
        %dma_wait3A_81 = tpu.memref_slice %arg14[%run_scoped3A_52, %dma_wait3A, %dma_wait3A_80] : memref<2x128x16xf32, #tpu.memory_space<vmem>> -> memref<1x128x16xf32, #tpu.memory_space<vmem>>
        %dma_wait3A_82 = tpu.memref_squeeze %dma_wait3A_81 : memref<1x128x16xf32, #tpu.memory_space<vmem>> -> memref<128x16xf32, #tpu.memory_space<vmem>>
        %dma_wait3A_83 = arith.constant 0 : i32
        %dma_wait3A_84 = tpu.memref_slice %arg11[%run_scoped3A_51, %dma_wait3A_83] : memref<2x128xi32, #tpu.memory_space<vmem>> -> memref<1x128xi32, #tpu.memory_space<vmem>>
        %dma_wait3A_85 = tpu.memref_squeeze %dma_wait3A_84 : memref<1x128xi32, #tpu.memory_space<vmem>> -> memref<128xi32, #tpu.memory_space<vmem>>
        %dma_wait3A_86 = arith.constant 0 : i32
        %dma_wait3A_87 = arith.constant 0 : i32
        %dma_wait3A_88 = tpu.memref_slice %arg5[%dma_wait3A_86, %dma_wait3A_87] : memref<10000x16xf32, #tpu.memory_space<hbm>> -> memref<10000x16xf32, #tpu.memory_space<hbm>>
        tpu.wait_indirect_dma semaphore(%run_scoped3A_69 : memref<!tpu.dma_semaphore, #tpu.memory_space<semaphore_mem>>) src(%dma_wait3A_88 : memref<10000x16xf32, #tpu.memory_space<hbm>>) dst(%dma_wait3A_82 : memref<128x16xf32, #tpu.memory_space<vmem>>)
        tpu.yield
      }) : () -> ()
      %run_scoped3A_53 = arith.constant 0 : i32
      %run_scoped3A_54 = arith.constant 0 : i32
      "tpu.region"() ({
        %run_scoped3A_69 = tpu.sem_alloc : memref<!tpu.dma_semaphore, #tpu.memory_space<semaphore_mem>>
        %dma_start3A_70 = arith.constant 0 : i32
        %dma_start3A_71 = arith.constant 0 : i32
        %dma_start3A_72 = tpu.memref_slice %arg15[%run_scoped3A_54, %dma_start3A_70, %dma_start3A_71] : memref<2x128x16xf32, #tpu.memory_space<vmem>> -> memref<1x128x16xf32, #tpu.memory_space<vmem>>
        %dma_start3A_73 = tpu.memref_squeeze %dma_start3A_72 : memref<1x128x16xf32, #tpu.memory_space<vmem>> -> memref<128x16xf32, #tpu.memory_space<vmem>>
        %dma_start3A_74 = arith.constant 0 : i32
        %dma_start3A_75 = tpu.memref_slice %arg12[%run_scoped3A_53, %dma_start3A_74] : memref<2x128xi32, #tpu.memory_space<vmem>> -> memref<1x128xi32, #tpu.memory_space<vmem>>
        %dma_start3A_76 = tpu.memref_squeeze %dma_start3A_75 : memref<1x128xi32, #tpu.memory_space<vmem>> -> memref<128xi32, #tpu.memory_space<vmem>>
        %dma_start3A_77 = arith.constant 0 : i32
        %dma_start3A_78 = arith.constant 0 : i32
        %dma_start3A_79 = tpu.memref_slice %arg6[%dma_start3A_77, %dma_start3A_78] : memref<10000x16xf32, #tpu.memory_space<hbm>> -> memref<10000x16xf32, #tpu.memory_space<hbm>>
        tpu.enqueue_indirect_dma source(%dma_start3A_79 : memref<10000x16xf32, #tpu.memory_space<hbm>>) target(%dma_start3A_73 : memref<128x16xf32, #tpu.memory_space<vmem>>) offsets(%dma_start3A_76 : memref<128xi32, #tpu.memory_space<vmem>>) semaphore(%run_scoped3A_69 : memref<!tpu.dma_semaphore, #tpu.memory_space<semaphore_mem>>)
        %dma_wait3A = arith.constant 0 : i32
        %dma_wait3A_80 = arith.constant 0 : i32
        %dma_wait3A_81 = tpu.memref_slice %arg15[%run_scoped3A_54, %dma_wait3A, %dma_wait3A_80] : memref<2x128x16xf32, #tpu.memory_space<vmem>> -> memref<1x128x16xf32, #tpu.memory_space<vmem>>
        %dma_wait3A_82 = tpu.memref_squeeze %dma_wait3A_81 : memref<1x128x16xf32, #tpu.memory_space<vmem>> -> memref<128x16xf32, #tpu.memory_space<vmem>>
        %dma_wait3A_83 = arith.constant 0 : i32
        %dma_wait3A_84 = tpu.memref_slice %arg12[%run_scoped3A_53, %dma_wait3A_83] : memref<2x128xi32, #tpu.memory_space<vmem>> -> memref<1x128xi32, #tpu.memory_space<vmem>>
        %dma_wait3A_85 = tpu.memref_squeeze %dma_wait3A_84 : memref<1x128xi32, #tpu.memory_space<vmem>> -> memref<128xi32, #tpu.memory_space<vmem>>
        %dma_wait3A_86 = arith.constant 0 : i32
        %dma_wait3A_87 = arith.constant 0 : i32
        %dma_wait3A_88 = tpu.memref_slice %arg6[%dma_wait3A_86, %dma_wait3A_87] : memref<10000x16xf32, #tpu.memory_space<hbm>> -> memref<10000x16xf32, #tpu.memory_space<hbm>>
        tpu.wait_indirect_dma semaphore(%run_scoped3A_69 : memref<!tpu.dma_semaphore, #tpu.memory_space<semaphore_mem>>) src(%dma_wait3A_88 : memref<10000x16xf32, #tpu.memory_space<hbm>>) dst(%dma_wait3A_82 : memref<128x16xf32, #tpu.memory_space<vmem>>)
        tpu.yield
      }) : () -> ()
      %add3A_55 = arith.constant 2496 : i32
      %add3A_56 = arith.addi %add3A_55, %add3A : i32
      %mul3A_57 = arith.constant 128 : i32
      %mul3A_58 = arith.muli %add3A_56, %mul3A_57 : i32
      %get3A = arith.constant 0 : index
      %get3A_59 = tpu.vector_load %arg17[%get3A] {strides = array<i32>} : memref<16xi32, #tpu.memory_space<vmem>>, vector<16xi32>,
      %scan3A_60 = arith.constant 0 : i32
      %scan3A_61 = arith.constant 0 : i32
      %scan3A_62 = arith.constant 128 : i32
      %scan3A_63 = arith.addi %scan3A_61, %scan3A_62 : i32
      %scan3A_64 = arith.constant 1 : i32
      scf.for %scan3A_69 = %scan3A_61 to %scan3A_63 step %scan3A_64  : i32 {
        %get3A_70 = arith.constant 0 : i32
        %get3A_71 = arith.index_cast %get3A_70 : i32 to index
        %get3A_72 = arith.index_cast %scan3A_69 : i32 to index
        %get3A_73 = arith.constant 0 : index
        %get3A_74 = tpu.vector_load %arg14[%get3A_71, %get3A_72, %get3A_73] {strides = array<i32>} : memref<2x128x16xf32, #tpu.memory_space<vmem>>, vector<16xf32>,
        %get3A_75 = arith.constant 0 : i32
        %get3A_76 = arith.index_cast %get3A_75 : i32 to index
        %get3A_77 = arith.index_cast %scan3A_69 : i32 to index
        %get3A_78 = arith.constant 0 : index
        %get3A_79 = tpu.vector_load %arg15[%get3A_76, %get3A_77, %get3A_78] {strides = array<i32>} : memref<2x128x16xf32, #tpu.memory_space<vmem>>, vector<16xf32>,
        %add3A_80 = arith.addf %get3A_74, %get3A_79 : vector<16xf32>
        %mul3A_81 = arith.constant 2.000000e-01 : f32
        %mul3A_82 = vector.broadcast %mul3A_81 : f32 to vector<16xf32>
        %mul3A_83 = arith.mulf %mul3A_82, %add3A_80 : vector<16xf32>
        %max3A = arith.maximumf %add3A_80, %mul3A_83 : vector<16xf32>
        %exp3A = math.exp %max3A : vector<16xf32>
        %get3A_84 = arith.constant 0 : i32
        %get3A_85 = arith.constant 0 : i32
        %get3A_86 = tpu.memref_slice %arg13[%get3A_84, %get3A_85] : memref<2x144xi32, #tpu.memory_space<vmem>> -> memref<1x144xi32, #tpu.memory_space<vmem>>
        %get3A_87 = tpu.memref_squeeze %get3A_86 : memref<1x144xi32, #tpu.memory_space<vmem>> -> memref<144xi32, #tpu.memory_space<vmem>>
        %get3A_88 = arith.index_cast %scan3A_69 : i32 to index
        %get3A_89 = tpu.vector_load %get3A_87[%get3A_88] {strides = array<i32>} : memref<144xi32, #tpu.memory_space<vmem>>, vector<16xi32>,
        %slice3A = vector.extract_strided_slice %get3A_89 {offsets = [0], sizes = [1], strides = [1]} : vector<16xi32> to vector<1xi32>
        %squeeze3A = vector.extract %slice3A[0] : i32 from vector<1xi32>
        %broadcast_in_dim3A = vector.broadcast %squeeze3A : i32 to vector<16xi32>
        %eq3A = arith.cmpi eq, %get3A_59, %broadcast_in_dim3A : vector<16xi32>
        %jit3A = arith.constant 0.000000e+00 : f32
        %broadcast_in_dim3A_90 = vector.broadcast %jit3A : f32 to vector<16xf32>
        %select_n3A = arith.select %eq3A, %exp3A, %broadcast_in_dim3A_90 : vector<16xi1>, vector<16xf32>
        %swap3A = arith.constant 0 : i32
        %swap3A_91 = arith.index_cast %swap3A : i32 to index
        %swap3A_92 = arith.index_cast %scan3A_69 : i32 to index
        %swap3A_93 = arith.constant 0 : index
        %swap3A_94 = tpu.vector_load %arg16[%swap3A_91, %swap3A_92, %swap3A_93] {strides = array<i32>} : memref<2x128x16xf32, #tpu.memory_space<vmem>>, vector<16xf32>,
        tpu.vector_store %arg16[%swap3A_91, %swap3A_92, %swap3A_93], %select_n3A {strides = array<i32>} : memref<2x128x16xf32, #tpu.memory_space<vmem>>, vector<16xf32>,
      }
      %scan3A_65 = arith.constant 128 : i32
      %run_scoped3A_66 = arith.constant 0 : i32
      "tpu.region"() ({
        %run_scoped3A_69 = tpu.sem_alloc : memref<!tpu.dma_semaphore, #tpu.memory_space<semaphore_mem>>
        %dma_start3A_70 = arith.constant 0 : i32
        %dma_start3A_71 = arith.constant 0 : i32
        %dma_start3A_72 = tpu.memref_slice %arg16[%run_scoped3A_66, %dma_start3A_70, %dma_start3A_71] : memref<2x128x16xf32, #tpu.memory_space<vmem>> -> memref<1x128x16xf32, #tpu.memory_space<vmem>>
        %dma_start3A_73 = tpu.memref_squeeze %dma_start3A_72 : memref<1x128x16xf32, #tpu.memory_space<vmem>> -> memref<128x16xf32, #tpu.memory_space<vmem>>
        %dma_start3A_74 = arith.constant 0 : i32
        %dma_start3A_75 = tpu.memref_slice %arg9[%mul3A_58, %dma_start3A_74] : memref<320000x16xf32, #tpu.memory_space<hbm>> -> memref<128x16xf32, #tpu.memory_space<hbm>>
        %dma_start3A_76 = arith.constant 0 : i32
        %dma_start3A_77 = tpu.memref_slice %arg9[%mul3A_58, %dma_start3A_76] : memref<320000x16xf32, #tpu.memory_space<hbm>> -> memref<128x16xf32, #tpu.memory_space<hbm>>
        %dma_start3A_78 = arith.constant 0 : i32
        %dma_start3A_79 = arith.constant 0 : i32
        %dma_start3A_80 = tpu.memref_slice %arg16[%run_scoped3A_66, %dma_start3A_78, %dma_start3A_79] : memref<2x128x16xf32, #tpu.memory_space<vmem>> -> memref<1x128x16xf32, #tpu.memory_space<vmem>>
        %dma_start3A_81 = tpu.memref_squeeze %dma_start3A_80 : memref<1x128x16xf32, #tpu.memory_space<vmem>> -> memref<128x16xf32, #tpu.memory_space<vmem>>
        tpu.enqueue_dma source(%dma_start3A_81 : memref<128x16xf32, #tpu.memory_space<vmem>>) target(%dma_start3A_77 : memref<128x16xf32, #tpu.memory_space<hbm>>) target_semaphore(%run_scoped3A_69 : memref<!tpu.dma_semaphore, #tpu.memory_space<semaphore_mem>>)
        %dma_wait3A = arith.constant 0 : i32
        %dma_wait3A_82 = arith.constant 0 : i32
        %dma_wait3A_83 = tpu.memref_slice %arg16[%run_scoped3A_66, %dma_wait3A, %dma_wait3A_82] : memref<2x128x16xf32, #tpu.memory_space<vmem>> -> memref<1x128x16xf32, #tpu.memory_space<vmem>>
        %dma_wait3A_84 = tpu.memref_squeeze %dma_wait3A_83 : memref<1x128x16xf32, #tpu.memory_space<vmem>> -> memref<128x16xf32, #tpu.memory_space<vmem>>
        %dma_wait3A_85 = arith.constant 0 : i32
        %dma_wait3A_86 = tpu.memref_slice %arg9[%mul3A_58, %dma_wait3A_85] : memref<320000x16xf32, #tpu.memory_space<hbm>> -> memref<128x16xf32, #tpu.memory_space<hbm>>
        %dma_wait3A_87 = arith.constant 0 : i32
        %dma_wait3A_88 = tpu.memref_slice %arg9[%mul3A_58, %dma_wait3A_87] : memref<320000x16xf32, #tpu.memory_space<hbm>> -> memref<128x16xf32, #tpu.memory_space<hbm>>
        %dma_wait3A_89 = arith.constant 0 : i32
        %dma_wait3A_90 = arith.constant 0 : i32
        %dma_wait3A_91 = tpu.memref_slice %arg16[%run_scoped3A_66, %dma_wait3A_89, %dma_wait3A_90] : memref<2x128x16xf32, #tpu.memory_space<vmem>> -> memref<1x128x16xf32, #tpu.memory_space<vmem>>
        %dma_wait3A_92 = tpu.memref_squeeze %dma_wait3A_91 : memref<1x128x16xf32, #tpu.memory_space<vmem>> -> memref<128x16xf32, #tpu.memory_space<vmem>>
        tpu.wait_dma2 semaphore(%run_scoped3A_69 : memref<!tpu.dma_semaphore, #tpu.memory_space<semaphore_mem>>) src(%dma_wait3A_92 : memref<128x16xf32, #tpu.memory_space<vmem>>) dst(%dma_wait3A_88 : memref<128x16xf32, #tpu.memory_space<hbm>>)
        tpu.yield
      }) : () -> ()
      %run_scoped3A_67 = arith.constant 0 : i32
      %run_scoped3A_68 = arith.constant 0 : i32
      "tpu.region"() ({
        %run_scoped3A_69 = tpu.sem_alloc : memref<!tpu.dma_semaphore, #tpu.memory_space<semaphore_mem>>
        %dma_start3A_70 = arith.constant 0 : i32
        %dma_start3A_71 = arith.constant 0 : i32
        %dma_start3A_72 = tpu.memref_slice %arg16[%run_scoped3A_67, %dma_start3A_70, %dma_start3A_71] : memref<2x128x16xf32, #tpu.memory_space<vmem>> -> memref<1x128x16xf32, #tpu.memory_space<vmem>>
        %dma_start3A_73 = tpu.memref_squeeze %dma_start3A_72 : memref<1x128x16xf32, #tpu.memory_space<vmem>> -> memref<128x16xf32, #tpu.memory_space<vmem>>
        %dma_start3A_74 = arith.constant 0 : i32
        %dma_start3A_75 = tpu.memref_slice %arg12[%run_scoped3A_68, %dma_start3A_74] : memref<2x128xi32, #tpu.memory_space<vmem>> -> memref<1x128xi32, #tpu.memory_space<vmem>>
        %dma_start3A_76 = tpu.memref_squeeze %dma_start3A_75 : memref<1x128xi32, #tpu.memory_space<vmem>> -> memref<128xi32, #tpu.memory_space<vmem>>
        %dma_start3A_77 = arith.constant 0 : i32
        %dma_start3A_78 = arith.constant 0 : i32
        %dma_start3A_79 = tpu.memref_slice %arg18[%dma_start3A_77, %dma_start3A_78] : memref<10112x16xf32, #tpu.memory_space<vmem_shared>> -> memref<10112x16xf32, #tpu.memory_space<vmem_shared>>
        tpu.enqueue_indirect_dma source(%dma_start3A_73 : memref<128x16xf32, #tpu.memory_space<vmem>>) target(%dma_start3A_79 : memref<10112x16xf32, #tpu.memory_space<vmem_shared>>) offsets(%dma_start3A_76 : memref<128xi32, #tpu.memory_space<vmem>>) semaphore(%run_scoped3A_69 : memref<!tpu.dma_semaphore, #tpu.memory_space<semaphore_mem>>) {add = true}
        %dma_wait3A = arith.constant 0 : i32
        %dma_wait3A_80 = arith.constant 0 : i32
        %dma_wait3A_81 = tpu.memref_slice %arg16[%run_scoped3A_67, %dma_wait3A, %dma_wait3A_80] : memref<2x128x16xf32, #tpu.memory_space<vmem>> -> memref<1x128x16xf32, #tpu.memory_space<vmem>>
        %dma_wait3A_82 = tpu.memref_squeeze %dma_wait3A_81 : memref<1x128x16xf32, #tpu.memory_space<vmem>> -> memref<128x16xf32, #tpu.memory_space<vmem>>
        %dma_wait3A_83 = arith.constant 0 : i32
        %dma_wait3A_84 = tpu.memref_slice %arg12[%run_scoped3A_68, %dma_wait3A_83] : memref<2x128xi32, #tpu.memory_space<vmem>> -> memref<1x128xi32, #tpu.memory_space<vmem>>
        %dma_wait3A_85 = tpu.memref_squeeze %dma_wait3A_84 : memref<1x128xi32, #tpu.memory_space<vmem>> -> memref<128xi32, #tpu.memory_space<vmem>>
        %dma_wait3A_86 = arith.constant 0 : i32
        %dma_wait3A_87 = arith.constant 0 : i32
        %dma_wait3A_88 = tpu.memref_slice %arg18[%dma_wait3A_86, %dma_wait3A_87] : memref<10112x16xf32, #tpu.memory_space<vmem_shared>> -> memref<10112x16xf32, #tpu.memory_space<vmem_shared>>
        tpu.wait_indirect_dma semaphore(%run_scoped3A_69 : memref<!tpu.dma_semaphore, #tpu.memory_space<semaphore_mem>>) src(%dma_wait3A_82 : memref<128x16xf32, #tpu.memory_space<vmem>>) dst(%dma_wait3A_88 : memref<10112x16xf32, #tpu.memory_space<vmem_shared>>)
        tpu.yield
      }) : () -> ()
    } else {
    }
    %barrier3A_39 = arith.constant 0 : index
    tpu.barrier barrier_id(%barrier3A_39)
    %mul3A_40 = arith.constant 632 : i32
    %mul3A_41 = arith.muli %arg1, %mul3A_40 : i32
    %mul3A_42 = arith.constant 632 : i32
    %mul3A_43 = arith.muli %arg1, %mul3A_42 : i32
    "tpu.region"() ({
      %run_scoped3A_44 = tpu.sem_alloc : memref<!tpu.dma_semaphore, #tpu.memory_space<semaphore_mem>>
      %dma_start3A_45 = arith.constant 0 : i32
      %dma_start3A_46 = tpu.memref_slice %arg10[%arg0, %mul3A_43, %dma_start3A_45] : memref<2x10112x16xf32, #tpu.memory_space<hbm>> -> memref<1x632x16xf32, #tpu.memory_space<hbm>>
      %dma_start3A_47 = tpu.memref_squeeze %dma_start3A_46 : memref<1x632x16xf32, #tpu.memory_space<hbm>> -> memref<632x16xf32, #tpu.memory_space<hbm>>
      %dma_start3A_48 = arith.constant 0 : i32
      %dma_start3A_49 = tpu.memref_slice %arg18[%mul3A_41, %dma_start3A_48] : memref<10112x16xf32, #tpu.memory_space<vmem_shared>> -> memref<632x16xf32, #tpu.memory_space<vmem_shared>>
      tpu.enqueue_dma source(%dma_start3A_49 : memref<632x16xf32, #tpu.memory_space<vmem_shared>>) target(%dma_start3A_47 : memref<632x16xf32, #tpu.memory_space<hbm>>) target_semaphore(%run_scoped3A_44 : memref<!tpu.dma_semaphore, #tpu.memory_space<semaphore_mem>>)
      %dma_wait3A = arith.constant 0 : i32
      %dma_wait3A_50 = tpu.memref_slice %arg10[%arg0, %mul3A_43, %dma_wait3A] : memref<2x10112x16xf32, #tpu.memory_space<hbm>> -> memref<1x632x16xf32, #tpu.memory_space<hbm>>
      %dma_wait3A_51 = tpu.memref_squeeze %dma_wait3A_50 : memref<1x632x16xf32, #tpu.memory_space<hbm>> -> memref<632x16xf32, #tpu.memory_space<hbm>>
      %dma_wait3A_52 = arith.constant 0 : i32
      %dma_wait3A_53 = tpu.memref_slice %arg18[%mul3A_41, %dma_wait3A_52] : memref<10112x16xf32, #tpu.memory_space<vmem_shared>> -> memref<632x16xf32, #tpu.memory_space<vmem_shared>>
      tpu.wait_dma2 semaphore(%run_scoped3A_44 : memref<!tpu.dma_semaphore, #tpu.memory_space<semaphore_mem>>) src(%dma_wait3A_53 : memref<632x16xf32, #tpu.memory_space<vmem_shared>>) dst(%dma_wait3A_51 : memref<632x16xf32, #tpu.memory_space<hbm>>)
      tpu.yield
    }) : () -> ()
    return
  }
}

#map = affine_map<(d0, d1) -> (0, 0, 0)>
#map1 = affine_map<(d0, d1) -> (0, 0)>
module attributes {stable_mosaic.version = 14 : i64} {
  func.func @k(%arg0: i32, %arg1: i32, %arg2: memref<2x10112x16xf32, #tpu.memory_space<hbm>>, %arg3: memref<10112x16xf32, #tpu.memory_space<hbm>>, %arg4: memref<316x16xf32, #tpu.memory_space<vmem>>, %arg5: memref<316x16xf32, #tpu.memory_space<vmem>>, %arg6: memref<316x16xf32, #tpu.memory_space<vmem>>, %arg7: memref<16xf32, #tpu.memory_space<vmem>>) attributes {dimension_semantics = [#tpu.dimension_semantics<core_parallel>, #tpu.dimension_semantics<subcore_parallel>], iteration_bounds = array<i64: 2, 16>, scalar_prefetch = 0 : i64, scratch_operands = 4 : i64, tpu.core_type = #tpu.core_type<sc_vector_subcore>, window_params = [{transform_indices = #map}, {transform_indices = #map1}]} {
    %mul3A = arith.constant 16 : i32
    %mul3A_0 = arith.muli %arg0, %mul3A : i32
    %add3A = arith.addi %mul3A_0, %arg1 : i32
    %mul3A_1 = arith.constant 316 : i32
    %mul3A_2 = arith.muli %add3A, %mul3A_1 : i32
    %run_scoped3A = arith.constant 0 : i32
    "tpu.region"() ({
      %run_scoped3A_9 = tpu.sem_alloc : memref<!tpu.dma_semaphore, #tpu.memory_space<semaphore_mem>>
      %dma_start3A = arith.constant 0 : i32
      %dma_start3A_10 = tpu.memref_slice %arg2[%run_scoped3A, %mul3A_2, %dma_start3A] : memref<2x10112x16xf32, #tpu.memory_space<hbm>> -> memref<1x316x16xf32, #tpu.memory_space<hbm>>
      %dma_start3A_11 = tpu.memref_squeeze %dma_start3A_10 : memref<1x316x16xf32, #tpu.memory_space<hbm>> -> memref<316x16xf32, #tpu.memory_space<hbm>>
      %dma_start3A_12 = arith.constant 0 : i32
      %dma_start3A_13 = tpu.memref_slice %arg2[%run_scoped3A, %mul3A_2, %dma_start3A_12] : memref<2x10112x16xf32, #tpu.memory_space<hbm>> -> memref<1x316x16xf32, #tpu.memory_space<hbm>>
      %dma_start3A_14 = tpu.memref_squeeze %dma_start3A_13 : memref<1x316x16xf32, #tpu.memory_space<hbm>> -> memref<316x16xf32, #tpu.memory_space<hbm>>
      tpu.enqueue_dma source(%dma_start3A_14 : memref<316x16xf32, #tpu.memory_space<hbm>>) target(%arg4 : memref<316x16xf32, #tpu.memory_space<vmem>>) target_semaphore(%run_scoped3A_9 : memref<!tpu.dma_semaphore, #tpu.memory_space<semaphore_mem>>)
      %dma_wait3A = arith.constant 0 : i32
      %dma_wait3A_15 = tpu.memref_slice %arg2[%run_scoped3A, %mul3A_2, %dma_wait3A] : memref<2x10112x16xf32, #tpu.memory_space<hbm>> -> memref<1x316x16xf32, #tpu.memory_space<hbm>>
      %dma_wait3A_16 = tpu.memref_squeeze %dma_wait3A_15 : memref<1x316x16xf32, #tpu.memory_space<hbm>> -> memref<316x16xf32, #tpu.memory_space<hbm>>
      %dma_wait3A_17 = arith.constant 0 : i32
      %dma_wait3A_18 = tpu.memref_slice %arg2[%run_scoped3A, %mul3A_2, %dma_wait3A_17] : memref<2x10112x16xf32, #tpu.memory_space<hbm>> -> memref<1x316x16xf32, #tpu.memory_space<hbm>>
      %dma_wait3A_19 = tpu.memref_squeeze %dma_wait3A_18 : memref<1x316x16xf32, #tpu.memory_space<hbm>> -> memref<316x16xf32, #tpu.memory_space<hbm>>
      tpu.wait_dma2 semaphore(%run_scoped3A_9 : memref<!tpu.dma_semaphore, #tpu.memory_space<semaphore_mem>>) src(%dma_wait3A_19 : memref<316x16xf32, #tpu.memory_space<hbm>>) dst(%arg4 : memref<316x16xf32, #tpu.memory_space<vmem>>)
      tpu.yield
    }) : () -> ()
    %run_scoped3A_3 = arith.constant 1 : i32
    "tpu.region"() ({
      %run_scoped3A_9 = tpu.sem_alloc : memref<!tpu.dma_semaphore, #tpu.memory_space<semaphore_mem>>
      %dma_start3A = arith.constant 0 : i32
      %dma_start3A_10 = tpu.memref_slice %arg2[%run_scoped3A_3, %mul3A_2, %dma_start3A] : memref<2x10112x16xf32, #tpu.memory_space<hbm>> -> memref<1x316x16xf32, #tpu.memory_space<hbm>>
      %dma_start3A_11 = tpu.memref_squeeze %dma_start3A_10 : memref<1x316x16xf32, #tpu.memory_space<hbm>> -> memref<316x16xf32, #tpu.memory_space<hbm>>
      %dma_start3A_12 = arith.constant 0 : i32
      %dma_start3A_13 = tpu.memref_slice %arg2[%run_scoped3A_3, %mul3A_2, %dma_start3A_12] : memref<2x10112x16xf32, #tpu.memory_space<hbm>> -> memref<1x316x16xf32, #tpu.memory_space<hbm>>
      %dma_start3A_14 = tpu.memref_squeeze %dma_start3A_13 : memref<1x316x16xf32, #tpu.memory_space<hbm>> -> memref<316x16xf32, #tpu.memory_space<hbm>>
      tpu.enqueue_dma source(%dma_start3A_14 : memref<316x16xf32, #tpu.memory_space<hbm>>) target(%arg5 : memref<316x16xf32, #tpu.memory_space<vmem>>) target_semaphore(%run_scoped3A_9 : memref<!tpu.dma_semaphore, #tpu.memory_space<semaphore_mem>>)
      %dma_wait3A = arith.constant 0 : i32
      %dma_wait3A_15 = tpu.memref_slice %arg2[%run_scoped3A_3, %mul3A_2, %dma_wait3A] : memref<2x10112x16xf32, #tpu.memory_space<hbm>> -> memref<1x316x16xf32, #tpu.memory_space<hbm>>
      %dma_wait3A_16 = tpu.memref_squeeze %dma_wait3A_15 : memref<1x316x16xf32, #tpu.memory_space<hbm>> -> memref<316x16xf32, #tpu.memory_space<hbm>>
      %dma_wait3A_17 = arith.constant 0 : i32
      %dma_wait3A_18 = tpu.memref_slice %arg2[%run_scoped3A_3, %mul3A_2, %dma_wait3A_17] : memref<2x10112x16xf32, #tpu.memory_space<hbm>> -> memref<1x316x16xf32, #tpu.memory_space<hbm>>
      %dma_wait3A_19 = tpu.memref_squeeze %dma_wait3A_18 : memref<1x316x16xf32, #tpu.memory_space<hbm>> -> memref<316x16xf32, #tpu.memory_space<hbm>>
      tpu.wait_dma2 semaphore(%run_scoped3A_9 : memref<!tpu.dma_semaphore, #tpu.memory_space<semaphore_mem>>) src(%dma_wait3A_19 : memref<316x16xf32, #tpu.memory_space<hbm>>) dst(%arg5 : memref<316x16xf32, #tpu.memory_space<vmem>>)
      tpu.yield
    }) : () -> ()
    %scan3A = arith.constant 0 : i32
    %scan3A_4 = arith.constant 0 : i32
    %scan3A_5 = arith.constant 316 : i32
    %scan3A_6 = arith.addi %scan3A_4, %scan3A_5 : i32
    %scan3A_7 = arith.constant 1 : i32
    scf.for %scan3A_9 = %scan3A_4 to %scan3A_6 step %scan3A_7  : i32 {
      %get3A = arith.index_cast %scan3A_9 : i32 to index
      %get3A_10 = arith.constant 0 : index
      %get3A_11 = tpu.vector_load %arg4[%get3A, %get3A_10] {strides = array<i32>} : memref<316x16xf32, #tpu.memory_space<vmem>>, vector<16xf32>,
      %get3A_12 = arith.index_cast %scan3A_9 : i32 to index
      %get3A_13 = arith.constant 0 : index
      %get3A_14 = tpu.vector_load %arg5[%get3A_12, %get3A_13] {strides = array<i32>} : memref<316x16xf32, #tpu.memory_space<vmem>>, vector<16xf32>,
      %add3A_15 = arith.addf %get3A_11, %get3A_14 : vector<16xf32>
      %gt3A = arith.constant 0.000000e+00 : f32
      %gt3A_16 = vector.broadcast %gt3A : f32 to vector<16xf32>
      %gt3A_17 = arith.cmpf ogt, %add3A_15, %gt3A_16 : vector<16xf32>
      %jit3A = arith.constant 1.000000e+00 : f32
      %jit3A_18 = arith.constant 0.000000e+00 : f32
      %broadcast_in_dim3A = vector.broadcast %jit3A : f32 to vector<16xf32>
      %broadcast_in_dim3A_19 = vector.broadcast %jit3A_18 : f32 to vector<16xf32>
      %select_n3A = arith.select %gt3A_17, %broadcast_in_dim3A, %broadcast_in_dim3A_19 : vector<16xi1>, vector<16xf32>
      %swap3A = arith.constant 0 : index
      %swap3A_20 = tpu.vector_load %arg7[%swap3A] {strides = array<i32>} : memref<16xf32, #tpu.memory_space<vmem>>, vector<16xf32>,
      tpu.vector_store %arg7[%swap3A], %select_n3A {strides = array<i32>} : memref<16xf32, #tpu.memory_space<vmem>>, vector<16xf32>,
      %broadcast_in_dim3A_21 = arith.constant 0 : i32
      %broadcast_in_dim3A_22 = vector.broadcast %broadcast_in_dim3A_21 : i32 to vector<16xi32>
      %gather3A = tpu.vector_load_idx %arg7[%broadcast_in_dim3A_22] : memref<16xf32, #tpu.memory_space<vmem>>[vector<16xi32>], vector<16xf32>,
      %broadcast_in_dim3A_23 = arith.constant 4 : i32
      %broadcast_in_dim3A_24 = vector.broadcast %broadcast_in_dim3A_23 : i32 to vector<16xi32>
      %gather3A_25 = tpu.vector_load_idx %arg7[%broadcast_in_dim3A_24] : memref<16xf32, #tpu.memory_space<vmem>>[vector<16xi32>], vector<16xf32>,
      %add3A_26 = arith.addf %gather3A, %gather3A_25 : vector<16xf32>
      %broadcast_in_dim3A_27 = arith.constant 8 : i32
      %broadcast_in_dim3A_28 = vector.broadcast %broadcast_in_dim3A_27 : i32 to vector<16xi32>
      %gather3A_29 = tpu.vector_load_idx %arg7[%broadcast_in_dim3A_28] : memref<16xf32, #tpu.memory_space<vmem>>[vector<16xi32>], vector<16xf32>,
      %add3A_30 = arith.addf %add3A_26, %gather3A_29 : vector<16xf32>
      %broadcast_in_dim3A_31 = arith.constant 12 : i32
      %broadcast_in_dim3A_32 = vector.broadcast %broadcast_in_dim3A_31 : i32 to vector<16xi32>
      %gather3A_33 = tpu.vector_load_idx %arg7[%broadcast_in_dim3A_32] : memref<16xf32, #tpu.memory_space<vmem>>[vector<16xi32>], vector<16xf32>,
      %add3A_34 = arith.addf %add3A_30, %gather3A_33 : vector<16xf32>
      %max3A = arith.constant 1.000000e+00 : f32
      %max3A_35 = vector.broadcast %max3A : f32 to vector<16xf32>
      %max3A_36 = arith.maximumf %add3A_34, %max3A_35 : vector<16xf32>
      %add3A_37 = arith.constant 9.99999971E-10 : f32
      %add3A_38 = vector.broadcast %add3A_37 : f32 to vector<16xf32>
      %add3A_39 = arith.addf %add3A_15, %add3A_38 : vector<16xf32>
      %mul3A_40 = arith.mulf %add3A_39, %max3A_36 : vector<16xf32>
      %div3A = arith.constant 1.000000e+00 : f32
      %div3A_41 = vector.broadcast %div3A : f32 to vector<16xf32>
      %div3A_42 = arith.divf %div3A_41, %mul3A_40 : vector<16xf32>
      %swap3A_43 = arith.index_cast %scan3A_9 : i32 to index
      %swap3A_44 = arith.constant 0 : index
      %swap3A_45 = tpu.vector_load %arg6[%swap3A_43, %swap3A_44] {strides = array<i32>} : memref<316x16xf32, #tpu.memory_space<vmem>>, vector<16xf32>,
      tpu.vector_store %arg6[%swap3A_43, %swap3A_44], %div3A_42 {strides = array<i32>} : memref<316x16xf32, #tpu.memory_space<vmem>>, vector<16xf32>,
    }
    %scan3A_8 = arith.constant 316 : i32
    "tpu.region"() ({
      %run_scoped3A_9 = tpu.sem_alloc : memref<!tpu.dma_semaphore, #tpu.memory_space<semaphore_mem>>
      %dma_start3A = arith.constant 0 : i32
      %dma_start3A_10 = tpu.memref_slice %arg3[%mul3A_2, %dma_start3A] : memref<10112x16xf32, #tpu.memory_space<hbm>> -> memref<316x16xf32, #tpu.memory_space<hbm>>
      %dma_start3A_11 = arith.constant 0 : i32
      %dma_start3A_12 = tpu.memref_slice %arg3[%mul3A_2, %dma_start3A_11] : memref<10112x16xf32, #tpu.memory_space<hbm>> -> memref<316x16xf32, #tpu.memory_space<hbm>>
      tpu.enqueue_dma source(%arg6 : memref<316x16xf32, #tpu.memory_space<vmem>>) target(%dma_start3A_12 : memref<316x16xf32, #tpu.memory_space<hbm>>) target_semaphore(%run_scoped3A_9 : memref<!tpu.dma_semaphore, #tpu.memory_space<semaphore_mem>>)
      %dma_wait3A = arith.constant 0 : i32
      %dma_wait3A_13 = tpu.memref_slice %arg3[%mul3A_2, %dma_wait3A] : memref<10112x16xf32, #tpu.memory_space<hbm>> -> memref<316x16xf32, #tpu.memory_space<hbm>>
      %dma_wait3A_14 = arith.constant 0 : i32
      %dma_wait3A_15 = tpu.memref_slice %arg3[%mul3A_2, %dma_wait3A_14] : memref<10112x16xf32, #tpu.memory_space<hbm>> -> memref<316x16xf32, #tpu.memory_space<hbm>>
      tpu.wait_dma2 semaphore(%run_scoped3A_9 : memref<!tpu.dma_semaphore, #tpu.memory_space<semaphore_mem>>) src(%arg6 : memref<316x16xf32, #tpu.memory_space<vmem>>) dst(%dma_wait3A_15 : memref<316x16xf32, #tpu.memory_space<hbm>>)
      tpu.yield
    }) : () -> ()
    return
  }
}

module attributes {stable_mosaic.version = 14 : i64} {
  func.func @_tc1_body(%arg0: i32, %arg1: memref<400x128xf32, #tpu.memory_space<vmem>>, %arg2: memref<128x512xf32, #tpu.memory_space<vmem>>, %arg3: memref<512x16xf32, #tpu.memory_space<vmem>>, %arg4: memref<512x16xf32, #tpu.memory_space<vmem>>, %arg5: memref<400x512xf32, #tpu.memory_space<vmem>>, %arg6: memref<400x16xf32, #tpu.memory_space<vmem>>, %arg7: memref<400x16xf32, #tpu.memory_space<vmem>>) attributes {dimension_semantics = [#tpu.dimension_semantics<arbitrary>], iteration_bounds = array<i64: 25>, scalar_prefetch = 0 : i64, scratch_operands = 0 : i64, tpu.core_type = #tpu.core_type<tc>, window_params = [{transform_indices = @transform_0, window_bounds = array<i64: 400, 128>}, {pipeline_mode = #tpu.pipeline_mode<synchronous>, transform_indices = @transform_1, window_bounds = array<i64: 128, 512>}, {pipeline_mode = #tpu.pipeline_mode<synchronous>, transform_indices = @transform_2, window_bounds = array<i64: 512, 16>}, {pipeline_mode = #tpu.pipeline_mode<synchronous>, transform_indices = @transform_3, window_bounds = array<i64: 512, 16>}, {transform_indices = @transform_4, window_bounds = array<i64: 400, 512>}, {transform_indices = @transform_5, window_bounds = array<i64: 400, 16>}, {transform_indices = @transform_6, window_bounds = array<i64: 400, 16>}]} {
    %get3A = arith.constant 0 : index
    %get3A_0 = arith.constant 0 : index
    %get3A_1 = vector.load %arg1[%get3A, %get3A_0] : memref<400x128xf32, #tpu.memory_space<vmem>>, vector<400x128xf32>
    %get3A_2 = arith.constant 0 : index
    %get3A_3 = arith.constant 0 : index
    %get3A_4 = vector.load %arg2[%get3A_2, %get3A_3] : memref<128x512xf32, #tpu.memory_space<vmem>>, vector<128x512xf32>
    %dot_general3A = arith.constant dense<0.000000e+00> : vector<400x512xf32>
    %dot_general3A_5 = tpu.matmul %get3A_1, %get3A_4, %dot_general3A {dimension_numbers = #tpu.dot_dimension_numbers<[1], [0], [0], [1], [0, 0, 1, 1], [], []>, transpose_lhs_hint = false} : vector<400x128xf32>, vector<128x512xf32>, vector<400x512xf32> -> vector<400x512xf32>
    %swap3A = arith.constant 0 : index
    %swap3A_6 = arith.constant 0 : index
    %swap3A_7 = vector.load %arg5[%swap3A, %swap3A_6] : memref<400x512xf32, #tpu.memory_space<vmem>>, vector<400x512xf32>
    tpu.vector_store %arg5[%swap3A, %swap3A_6], %dot_general3A_5 {strides = array<i32>} : memref<400x512xf32, #tpu.memory_space<vmem>>, vector<400x512xf32>,
    %get3A_8 = arith.constant 0 : index
    %get3A_9 = arith.constant 0 : index
    %get3A_10 = vector.load %arg3[%get3A_8, %get3A_9] : memref<512x16xf32, #tpu.memory_space<vmem>>, vector<512x16xf32>
    %dot_general3A_11 = arith.constant dense<0.000000e+00> : vector<400x16xf32>
    %dot_general3A_12 = tpu.matmul %dot_general3A_5, %get3A_10, %dot_general3A_11 {dimension_numbers = #tpu.dot_dimension_numbers<[1], [0], [0], [1], [0, 0, 1, 1], [], []>, transpose_lhs_hint = false} : vector<400x512xf32>, vector<512x16xf32>, vector<400x16xf32> -> vector<400x16xf32>
    %swap3A_13 = arith.constant 0 : index
    %swap3A_14 = arith.constant 0 : index
    %swap3A_15 = vector.load %arg6[%swap3A_13, %swap3A_14] : memref<400x16xf32, #tpu.memory_space<vmem>>, vector<400x16xf32>
    tpu.vector_store %arg6[%swap3A_13, %swap3A_14], %dot_general3A_12 {strides = array<i32>} : memref<400x16xf32, #tpu.memory_space<vmem>>, vector<400x16xf32>,
    %get3A_16 = arith.constant 0 : index
    %get3A_17 = arith.constant 0 : index
    %get3A_18 = vector.load %arg4[%get3A_16, %get3A_17] : memref<512x16xf32, #tpu.memory_space<vmem>>, vector<512x16xf32>
    %dot_general3A_19 = arith.constant dense<0.000000e+00> : vector<400x16xf32>
    %dot_general3A_20 = tpu.matmul %dot_general3A_5, %get3A_18, %dot_general3A_19 {dimension_numbers = #tpu.dot_dimension_numbers<[1], [0], [0], [1], [0, 0, 1, 1], [], []>, transpose_lhs_hint = false} : vector<400x512xf32>, vector<512x16xf32>, vector<400x16xf32> -> vector<400x16xf32>
    %swap3A_21 = arith.constant 0 : index
    %swap3A_22 = arith.constant 0 : index
    %swap3A_23 = vector.load %arg7[%swap3A_21, %swap3A_22] : memref<400x16xf32, #tpu.memory_space<vmem>>, vector<400x16xf32>
    tpu.vector_store %arg7[%swap3A_21, %swap3A_22], %dot_general3A_20 {strides = array<i32>} : memref<400x16xf32, #tpu.memory_space<vmem>>, vector<400x16xf32>,
    return
  }
  func.func @transform_0(%arg0: i32) -> (i32, i32) {
    %c0_i32 = arith.constant 0 : i32
    %c0_i32_0 = arith.constant 0 : i32
    return %arg0, %c0_i32 : i32, i32
  }
  func.func @transform_1(%arg0: i32) -> (i32, i32) {
    %c0_i32 = arith.constant 0 : i32
    %c0_i32_0 = arith.constant 0 : i32
    %c0_i32_1 = arith.constant 0 : i32
    return %c0_i32, %c0_i32_0 : i32, i32
  }
  func.func @transform_2(%arg0: i32) -> (i32, i32) {
    %c0_i32 = arith.constant 0 : i32
    %c0_i32_0 = arith.constant 0 : i32
    %c0_i32_1 = arith.constant 0 : i32
    return %c0_i32, %c0_i32_0 : i32, i32
  }
  func.func @transform_3(%arg0: i32) -> (i32, i32) {
    %c0_i32 = arith.constant 0 : i32
    %c0_i32_0 = arith.constant 0 : i32
    %c0_i32_1 = arith.constant 0 : i32
    return %c0_i32, %c0_i32_0 : i32, i32
  }
  func.func @transform_4(%arg0: i32) -> (i32, i32) {
    %c0_i32 = arith.constant 0 : i32
    %c0_i32_0 = arith.constant 0 : i32
    return %arg0, %c0_i32 : i32, i32
  }
  func.func @transform_5(%arg0: i32) -> (i32, i32) {
    %c0_i32 = arith.constant 0 : i32
    %c0_i32_0 = arith.constant 0 : i32
    return %arg0, %c0_i32 : i32, i32
  }
  func.func @transform_6(%arg0: i32) -> (i32, i32) {
    %c0_i32 = arith.constant 0 : i32
    %c0_i32_0 = arith.constant 0 : i32
    return %arg0, %c0_i32 : i32, i32
  }
}

module attributes {stable_mosaic.version = 14 : i64} {
  func.func @_tc2_body(%arg0: i32, %arg1: memref<2x400x128xf32, #tpu.memory_space<vmem>>, %arg2: memref<1x128xf32, #tpu.memory_space<vmem>>, %arg3: memref<400x128xf32, #tpu.memory_space<vmem>>) attributes {dimension_semantics = [#tpu.dimension_semantics<arbitrary>], iteration_bounds = array<i64: 25>, scalar_prefetch = 0 : i64, scratch_operands = 0 : i64, tpu.core_type = #tpu.core_type<tc>, window_params = [{transform_indices = @transform_0, window_bounds = array<i64: 2, 400, 128>}, {pipeline_mode = #tpu.pipeline_mode<synchronous>, transform_indices = @transform_1, window_bounds = array<i64: 1, 128>}, {transform_indices = @transform_2, window_bounds = array<i64: 400, 128>}]} {
    %get3A = arith.constant 0 : index
    %get3A_0 = arith.constant 0 : index
    %get3A_1 = arith.constant 0 : index
    %get3A_2 = vector.load %arg1[%get3A, %get3A_0, %get3A_1] : memref<2x400x128xf32, #tpu.memory_space<vmem>>, vector<1x400x128xf32>
    %get3A_3 = vector.shape_cast %get3A_2 : vector<1x400x128xf32> to vector<400x128xf32>
    %get3A_4 = arith.constant 1 : index
    %get3A_5 = arith.constant 0 : index
    %get3A_6 = arith.constant 0 : index
    %get3A_7 = vector.load %arg1[%get3A_4, %get3A_5, %get3A_6] : memref<2x400x128xf32, #tpu.memory_space<vmem>>, vector<1x400x128xf32>
    %get3A_8 = vector.shape_cast %get3A_7 : vector<1x400x128xf32> to vector<400x128xf32>
    %add3A = arith.addf %get3A_3, %get3A_8 : vector<400x128xf32>
    %get3A_9 = arith.constant 0 : index
    %get3A_10 = arith.constant 0 : index
    %get3A_11 = vector.load %arg2[%get3A_9, %get3A_10] : memref<1x128xf32, #tpu.memory_space<vmem>>, vector<1x128xf32>
    %add3A_12 = vector.broadcast %get3A_11 : vector<1x128xf32> to vector<400x128xf32>
    %add3A_13 = arith.addf %add3A, %add3A_12 : vector<400x128xf32>
    %swap3A = arith.constant 0 : index
    %swap3A_14 = arith.constant 0 : index
    %swap3A_15 = vector.load %arg3[%swap3A, %swap3A_14] : memref<400x128xf32, #tpu.memory_space<vmem>>, vector<400x128xf32>
    tpu.vector_store %arg3[%swap3A, %swap3A_14], %add3A_13 {strides = array<i32>} : memref<400x128xf32, #tpu.memory_space<vmem>>, vector<400x128xf32>,
    return
  }
  func.func @transform_0(%arg0: i32) -> (i32, i32, i32) {
    %c0_i32 = arith.constant 0 : i32
    %c0_i32_0 = arith.constant 0 : i32
    %c0_i32_1 = arith.constant 0 : i32
    return %c0_i32, %arg0, %c0_i32_0 : i32, i32, i32
  }
  func.func @transform_1(%arg0: i32) -> (i32, i32) {
    %c0_i32 = arith.constant 0 : i32
    %c0_i32_0 = arith.constant 0 : i32
    %c0_i32_1 = arith.constant 0 : i32
    return %c0_i32, %c0_i32_0 : i32, i32
  }
  func.func @transform_2(%arg0: i32) -> (i32, i32) {
    %c0_i32 = arith.constant 0 : i32
    %c0_i32_0 = arith.constant 0 : i32
    return %arg0, %c0_i32 : i32, i32
  }
}

</mosaic_0001>

<sc_bundles>
// kernel: kernel.10.cloned.1.call-start
scs
__scs_entry_jumppad:
0x0: {  	(pc) =	sbr.rel $0x88, $3  }
0x1: {  	(tag) =	ssettag $0x0;
	lr =	simm.s32 $0x1  }
0x2: {  	[smem:$0x3F9A] =	sst lr;
	_ =	strace $0xD0000000  }
0x3: {  	_ = 	snop  }
0x4: {  	_ = 	snop  }
0x5: {  	_ = 	snop  }
0x6: {  	_ = 	snop  }
0x7: {  	_ = 	snop  }
__scs_overlays_trampoline_lowered:
0x8: {  	[smem:$0x3FA9] =	sst s0  }
0x9: {  	[smem:$0x3FAA] =	sst s1  }
0xa: {  	[smem:$0x3FAB] =	sst s2  }
0xb: {  	[smem:$0x3FAC] =	sst s3  }
0xc: {  	[smem:$0x3FAD] =	sst s4  }
0xd: {  	[smem:$0x3FAE] =	sst s5  }
0xe: {  	[smem:$0x3FAF] =	sst s6  }
0xf: {  	[smem:$0x3FB0] =	sst s7  }
0x10: {  	[smem:$0x3FB1] =	sst s8  }
0x11: {  	[smem:$0x3FB2] =	sst s9;
	s0 =	simm.s32 @!p0 $0x0  }
0x12: {  	s1 =	sld [smem:$0x3F98];
	s0 =	simm.s32 @p0 $0x1  }
0x13: {  	[smem:$0x3FB3] =	sst s0;
	s0 =	simm.s32 @!p1 $0x0  }
0x14: {  	s2 =	sld [smem:$0x3F97];
	s0 =	simm.s32 @p1 $0x1  }
0x15: {  	[smem:$0x3FB4] =	sst s0;
	s0 =	simm.s32 @!p2 $0x0  }
0x16: {  	s3 =	sld [smem:$0x3FDB];
	s0 =	simm.s32 @p2 $0x1  }
0x17: {  	s4 =	simm.s32 $0x1BF5;
	[smem:$0x3FB6] =	sst s0  }
0x18: {  	s0 =	sld [smem:$0x3F99];
	_ =	swait.ge [sflag:s4], $0x0  }
0x19: {  	s7 =	sld [smem:$0x3F9A]  }
0x1a: {  	s8 =	sadd.s32 $0xFFFFE003, lr  }
0x1b: {  	s9 =	sadd.s32 $0xFFFFFEF7, lr;
	s5 =	simm.s32 $0xFFFFFFFF;
	p2 =	slt.u32 s8, $0xFFFFF086  }
0x1c: {  	p1 =	slt.u32 s9, $0xF7A;
	s5 =	simm.s32 @!p2 $0x0  }
0x1d: {  	s5 =	simm.s32 @p1 $0x1;
	p0 =	seq.s32 s7, s2  }
0x1e: {  	s7 =	smul.u32 @!p0 $0xF7A, s2;
	p2 =	seq.s32 @!p0 s5, $0x0  }
0x1f: {  	s9 =	smul.u32 $0xF7A, s1;
	s8 =	simm.s32 @!p0 $0x1BF5;
	p2 =	por !p2, p0  }
0x20: {  	[sflag:s8] =	ssyncset.s32 @!p0 $0xFFFFF086;
	s6 =	sadd.s32 @!p0 s3, s7;
	s7 =	simm.s32 @!p0 $0x108  }
0x21: {  	s3 =	sadd.s32 s3, s9;
	s6 =	sadd.s32 @!p0 $0x88, s6;
	s7 =	simm.s32 @p2 $0x1082  }
0x22: {  	[simem:s7], [sflag:s8] =	dma.local @!p0 [hbm:s6], $0xF7A  }
0x23: {  	s9 =	sor.u32 $0xD0000000, s2;
	s6 =	simm.s32 $0x108;
	_ =	swait.ge @!p0 [sflag:s8], $0x0  }
0x24: {  	s3 =	sadd.s32 $0x88, s3;
	s6 =	simm.s32 @!p1 $0x1082;
	[sflag:s4] =	ssyncset.s32 $0xFFFFF086  }
0x25: {  	[simem:s6], [sflag:s4] =	dma.local [hbm:s3], $0xF7A  }
0x26: {  	[smem:$0x3F9A] =	sst s1;
	(tag) =	ssettag s2;
	_ =	strace s9  }
0x27: {  	s1 =	sld [smem:$0x3FAA]  }
0x28: {  	s2 =	sld [smem:$0x3FAB]  }
0x29: {  	s4 =	sld [smem:$0x3FAD]  }
0x2a: {  	p0 =	seq.s32 s5, $0x0;
	s5 =	sld [smem:$0x3FAE]  }
0x2b: {  	s6 =	sld [smem:$0x3FAF]  }
0x2c: {  	s7 =	sld [smem:$0x3FB0]  }
0x2d: {  	s3 =	simm.s32 $0x108;
	s8 =	sld [smem:$0x3FB1]  }
0x2e: {  	s3 =	simm.s32 @!p0 $0x1082;
	s9 =	sld [smem:$0x3FB2]  }
0x2f: {  	lr =	sadd.s32 s0, s3;
	s0 =	sld [smem:$0x3FA9]  }
0x30: {  	s3 =	sld [smem:$0x3FAC]  }
0x31: {  	[smem:$0x3FB5] =	sst s10  }
0x32: {  	s10 =	sld [smem:$0x3FB3];
	_ =	sdelay $0x3  }
0x33: {  	p0 =	seq.s32 s10, $0x1;
	s10 =	sld [smem:$0x3FB5];
	_ =	sdelay $0x3  }
0x34: {  	[smem:$0x3FB5] =	sst s10  }
0x35: {  	s10 =	sld [smem:$0x3FB4];
	_ =	sdelay $0x3  }
0x36: {  	p1 =	seq.s32 s10, $0x1;
	s10 =	sld [smem:$0x3FB5];
	_ =	sdelay $0x3  }
0x37: {  	[smem:$0x3FB5] =	sst s10  }
0x38: {  	s10 =	sld [smem:$0x3FB6]  }
0x39: {  	_ = 	snop;
	(pc) =	sbr.ind lr, $3  }
0x3a: {  	_ = 	snop  }
0x3b: {  	_ = 	snop  }
0x3c: {  	p2 =	seq.s32 s10, $0x1;
	s10 =	sld [smem:$0x3FB5]  }
0x3d: {  	_ =	shalt  }
0x3e: {  	_ =	shalt  }
0x3f: {  	_ =	shalt  }
0x40: {  	_ =	shalt  }
0x41: {  	_ =	shalt  }
0x42: {  	_ =	shalt  }
0x43: {  	_ =	shalt  }
0x44: {  	_ =	shalt  }
0x45: {  	_ =	shalt  }
0x46: {  	_ =	shalt  }
0x47: {  	_ =	shalt  }
0x48: {  	_ =	shalt  }
0x49: {  	_ =	shalt  }
0x4a: {  	_ =	shalt  }
0x4b: {  	_ =	shalt  }
0x4c: {  	_ =	shalt  }
0x4d: {  	_ =	shalt  }
0x4e: {  	_ =	shalt  }
0x4f: {  	_ =	shalt  }
0x50: {  	_ =	shalt  }
0x51: {  	_ =	shalt  }
0x52: {  	_ =	shalt  }
0x53: {  	_ =	shalt  }
0x54: {  	_ =	shalt  }
0x55: {  	_ =	shalt  }
0x56: {  	_ =	shalt  }
0x57: {  	_ =	shalt  }
0x58: {  	_ =	shalt  }
0x59: {  	_ =	shalt  }
0x5a: {  	_ =	shalt  }
0x5b: {  	_ =	shalt  }
0x5c: {  	_ =	shalt  }
0x5d: {  	_ =	shalt  }
0x5e: {  	_ =	shalt  }
0x5f: {  	_ =	shalt  }
0x60: {  	_ =	shalt  }
0x61: {  	_ =	shalt  }
0x62: {  	_ =	shalt  }
0x63: {  	_ =	shalt  }
0x64: {  	_ =	shalt  }
0x65: {  	_ =	shalt  }
0x66: {  	_ =	shalt  }
0x67: {  	_ =	shalt  }
0x68: {  	_ =	shalt  }
0x69: {  	_ =	shalt  }
0x6a: {  	_ =	shalt  }
0x6b: {  	_ =	shalt  }
0x6c: {  	_ =	shalt  }
0x6d: {  	_ =	shalt  }
0x6e: {  	_ =	shalt  }
0x6f: {  	_ =	shalt  }
0x70: {  	_ =	shalt  }
0x71: {  	_ =	shalt  }
0x72: {  	_ =	shalt  }
0x73: {  	_ =	shalt  }
0x74: {  	_ =	shalt  }
0x75: {  	_ =	shalt  }
0x76: {  	_ =	shalt  }
0x77: {  	_ =	shalt  }
0x78: {  	_ =	shalt  }
0x79: {  	_ =	shalt  }
0x7a: {  	_ =	shalt  }
0x7b: {  	_ =	shalt  }
0x7c: {  	_ =	shalt  }
0x7d: {  	_ =	shalt  }
0x7e: {  	_ =	shalt  }
0x7f: {  	_ =	shalt  }
0x80: {  	_ =	shalt  }
0x81: {  	_ =	shalt  }
0x82: {  	_ =	shalt  }
0x83: {  	_ =	shalt  }
0x84: {  	_ =	shalt  }
0x85: {  	_ =	shalt  }
0x86: {  	_ =	shalt  }
0x87: {  	_ =	shalt  }
.Lfunc_end0:
.L_simem_size_0:
called_computation.1_lowered:
.L_overlay_start_0:
0x88: {  	s2 =	sld [smem:$0x3FD9]  }
0x89: {  	s3 =	sld [smem:$0x3FFE];
	_ =	sdelay $0x1  }
0x8a: {  	s1 =	srdreg.scid  }
0x8b: {  	s0 =	sand.u32 $0x1, s1  }
0x8c: {  	s17 =	sshll.u32 s0, $0xA;
	s2 =	sadd.s32 s3, s2  }
0x8d: {  	s2 =	sadd.s32 s2, s17  }
0x8e: {  	[smem:$0x3FC1] =	sst s2  }
0x8f: {  	_ = 	snop  }
0x90: {  	s2 =	sld [smem:$0x3FD0];
	(tm) =	ssettm $0x1  }
0x91: {  	s18 =	sld [smem:$0x3FFB];
	_ =	sdelay $0x3  }
0x92: {  	_ =	strace s18  }
0x93: {  	s3 =	sld [smem:$0x3FFC];
	_ =	sdelay $0x3  }
0x94: {  	_ =	strace s3  }
0x95: {  	s3 =	sld [smem:$0x3FFD];
	_ =	sdelay $0x3  }
0x96: {  	_ =	strace s3  }
0x97: {  	_ =	strace $0x8FFFFFFF  }
0x98: {  	s19 =	sld [smem:$0x3FDB];
	_ =	sdelay $0x1  }
0x99: {  	s4 =	simm.s32 $_scs_section_size  }
0x9a: {  	s5 =	simm.s32 $_size__tile_overlayer_lowered;
	s6 =	simm.s32 $_tile_overlayer_lowered  }
0x9b: {  	s22 =	simm.s32 $0x1BFF;
	s21 =	sshll.u32 s6, $0x1;
	s3 =	sadd.s32 s4, s19  }
0x9c: {  	s7 =	simm.s32 $0x0;
	s20 =	sshll.u32 s5, $0x1;
	s5 =	sadd.s32 s21, s3  }
0x9d: {  	[timem:s7], [sflag:s22] =	dma.local [hbm:s5], s20  }
0x9e: {  	_ =	swait.ge [sflag:s22], s20  }
0x9f: {  	s4 =	ssub.s32 $0x0, s20;
	[sflag:s22] =	ssyncset.done $0x0  }
0xa0: {  	[sflag:s22] =	ssyncadd.s32 s4;
	_ =	sdelay $0x1  }
0xa1: {  	s23 =	simm.s32 $0x1B8B  }
0xa2: {  	_ =	swait.ge [sflag:s23], $0x1  }
0xa3: {  	[sflag:s23] =	ssyncset.done $0x0  }
0xa4: {  	s25 =	simm.s32 $0x1B8E;
	s24 =	sld [smem:$0x3FFE];
	[sflag:s23] =	ssyncadd.s32 $0xFFFFFFFF  }
0xa5: {  	s26 =	simm.s32 $execute0_lowered;
	[smem:$0x3FD2] =	sst s25  }
0xa6: {  	s5 =	sshll.u32 s26, $0x1;
	_ =	strace $0x80000049;
	[dreg:$0x1] =	wrdreg $0xFFFFFFFF  }
0xa7: {  	s28 =	simm.s32 $_size_execute0_lowered;
	s3 =	sadd.s32 s3, s5;
	[dreg:$0x0] =	wrdreg $0x0  }
0xa8: {  	s5 =	sshll.u32 s28, $0x1;
	[dreg:$0x2] =	wrdreg s3  }
0xa9: {  	[dreg:$0x3] =	wrdreg s5  }
0xaa: {  	[dreg:$0x4] =	wrdreg $0xC0  }
0xab: {  	_ =	task [dreg:s7], $0x5FFFF  }
0xac: {  	[dreg:$0x1] =	wrdreg $0xFFFFFFFF  }
0xad: {  	[dreg:$0x0] =	wrdreg $0x60  }
0xae: {  	[dreg:$0x2] =	wrdreg s2  }
0xaf: {  	[dreg:$0x3] =	wrdreg s24  }
0xb0: {  	[dreg:$0x4] =	wrdreg $0x9  }
0xb1: {  	_ =	task.clear_ibuf [dreg:s7], $0x5FFFF;
	_ =	strace $0x90000049  }
0xb2: {  	s29 =	simm.s32 $0x9;
	_ =	strace $0x8000004B  }
0xb3: {  	_ =	swait.ge [sflag:s29], $0x1  }
0xb4: {  	[sflag:s29] =	ssyncadd.s32 $0xFFFFFFFF  }
0xb5: {  	_ =	strace $0x9000004B  }
0xb6: {  	_ =	sfence  }
0xb7: {  	s30 =	sld [smem:$0x0];
	_ =	sdelay $0x2  }
0xb8: {  	s31 =	sshll.u32 s1, $0xD;
	s1 =	sshrl.u32 s1, $0x2  }
0xb9: {  	s3 =	sand.u32 $0x4000, s31;
	s1 =	sadd.s32 s1, s30  }
0xba: {  	s0 =	sor.u32 s3, s0;
	s1 =	sshll.u32 s1, $0x11  }
0xbb: {  	s0 =	sor.u32 s1, s0  }
0xbc: {  	s0 =	sadd.s32 $0x8F2B, s0  }
0xbd: {  	[sflag:s0] =	ssyncadd.remote.s32 $0x1  }
0xbe: {  	_ =	sfence.sel $0xFFFF  }
0xbf: {  	[dreg:$0x0] =	wrdreg $0xFFFFFFFF;
	(pc) =	sbr.abs _section_cstart, $3  }
0xc0: {  	[dreg:$0x1] =	wrdreg $0xFFFFFFFF  }
0xc1: {  	_ =	task.clear_ibuf [dreg:s7], $0x2FFFF;
	_ =	strace $0x9FFFFFFF  }
0xc2: {  	(tm) =	ssettm $0x7FFFFFFF  }
0xc3: {  	_ =	shalt  }
tec
execute0_lowered:
.L_overlay_start_1:
0x0: {  	(tag) =	ssettag $0x1  }
0x1: {  	s0 =	srdreg.scid;
	s4 =	rddreg [dreg:$0x0]  }
0x2: {  	s5 =	rddreg [dreg:$0x1];
	s2 =	simm.s32 $0x0;
	s3 =	sand.u32 $0x1, s0  }
0x3: {  	s9 =	simm.s32 $0x3B40;
	s0 =	stileid.u32;
	s1 =	sshll.u32 s3, $0x4  }
0x4: {  	s10 =	simm.s32 $0x2780;
	s11 =	simm.s32 $0x0;
	s6 =	sor.u32 s0, s1  }
0x5: {  	[smem:$0x7FF] =	sst s2;
	s7 =	ssub.s32 $0x2, s3;
	s6 =	smul.u32 $0x13C0, s6  }
0x6: {  	s1 =	rddreg [dreg:$0x2];
	_ =	strace $0x8000004A;
	s8 =	sshrl.u32 s7, $0x1  }
0x7: {  	s31 =	ssub.s32 s7, s8;
	s7 =	simm.s32 $0x1;
	s6 =	sshrl.u32 s6, $0x3  }
0x8: {  	v0 =	vimm.f32 $0.0e+00;
	s8 =	simm.s32 $0x13C0;
	s5 =	sadd.s32 s6, s5;
	s3 =	sadd.s32 s4, s6  }
0x9: {  	v1 =	vimm.s32 $0x4;
	v2 =	vimm.s32 $0x8;
	v3 =	vimm.s32 $0xC;
	s6 =	smax.u32 s31, $0x1;
	s4 =	sadd.s32 $0x4F00, s3;
	s5 =	sadd.s32 $0xB1C00, s5  }
.LBB2_1:
0xa: {  	[tilespmem:s2], [sflag:$0x1] =	stream.linear.gather [hbm4b:s3+s2], $0x13C0, $0x38;
	[tilespmem:$0x3B50] =	vst v63  }
0xb: {  	_ =	swait.ge [sflag:s7], $0x13C0  }
0xc: {  	[sflag:s7] =	ssyncset.done $0x0  }
0xd: {  	[sflag:s7] =	ssyncadd.s32 $0xFFFFEC40  }
0xe: {  	[tilespmem:s8], [sflag:$0x1] =	stream.linear.gather [hbm4b:s4+s2], $0x13C0, $0x38;
	[tilespmem:$0x3B50] =	vst v63  }
0xf: {  	_ =	swait.ge [sflag:s7], $0x13C0  }
0x10: {  	[sflag:s7] =	ssyncset.done $0x0  }
0x11: {  	s12 =	simm.s32 $0x0;
	[sflag:s7] =	ssyncadd.s32 $0xFFFFEC40  }
0x12: {  	v4 =	vld [tilespmem:s12+$0x0]  }
0x13: {  	v5 =	vld [tilespmem:s12+$0x13C0];
	_ =	sdelay $0x4  }
0x14: {  	v4 =	vadd.f32 v5, v4;
	_ =	sdelay $0x1  }
0x15: {  	vm0 =	vgt.f32 v4, $0.0e+00  }
0x16: {  	v5 =	vsel vm0, $0x3F800000, v0  }
0x17: {  	[tilespmem:$0x3B40] =	vst v5  }
0x18: {  	v5 =	vld.idx.msk [tilespmem:v1+s9+$0x0], $0xffff  }
0x19: {  	v6 =	vld.msk [tilespmem:s9+$0x0], $0xffff;
	_ =	sdelay $0x1  }
0x1a: {  	v7 =	vld.idx.msk [tilespmem:v2+s9+$0x0], $0xffff;
	_ =	sdelay $0x1  }
0x1b: {  	v8 =	vld.idx.msk [tilespmem:v3+s9+$0x0], $0xffff  }
0x1c: {  	v5 =	vadd.f32 v5, v6;
	_ =	sdelay $0x1  }
0x1d: {  	v5 =	vadd.f32 v7, v5;
	_ =	sdelay $0x1  }
0x1e: {  	v5 =	vadd.f32 v8, v5  }
0x1f: {  	v4 =	vadd.f32 $9.999999710e-10, v4  }
0x20: {  	v5 =	vmax.f32 v5, $1.000000000e+00  }
0x21: {  	v4 =	vmul.f32 v5, v4;
	_ =	sdelay $0x1  }
0x22: {  	s14 =	simm.s32 $0x10;
	(erf) = vrcp.f32 v4  }
0x23: {  	v6 =	vld [tilespmem:s14+$0x0]  }
0x24: {  	v7 =	vld [tilespmem:s14+$0x13C0];
	_ =	sdelay $0x4  }
0x25: {  	s13 =	simm.s32 $0x80;
	v4 =	vadd.f32 v7, v6  }
.LBB2_2:
0x26: {  	p0 =	sne.s32 s13, $0x4EC0;
	s15 =	smov.u32 s13;
	s13 =	sadd.s32 $0x40, s13  }
0x27: {  	vm0 =	vgt.f32 v4, $0.0e+00;
	v4 =	vadd.f32 $9.999999710e-10, v4;
	v5 =	vpop (erf)  }
0x28: {  	v6 =	vsel vm0, $0x3F800000, v0;
	[tilespmem:s12+$0x2780] =	vst v5;
	s12 =	smov.u32 s14  }
0x29: {  	[tilespmem:$0x3B40] =	vst v6  }
0x2a: {  	v5 =	vld.idx.msk [tilespmem:v1+s9+$0x0], $0xffff  }
0x2b: {  	v6 =	vld.msk [tilespmem:s9+$0x0], $0xffff  }
0x2c: {  	v7 =	vld.idx.msk [tilespmem:v2+s9+$0x0], $0xffff;
	_ =	sdelay $0x1  }
0x2d: {  	v8 =	vld.idx.msk [tilespmem:v3+s9+$0x0], $0xffff;
	_ =	sdelay $0x1  }
0x2e: {  	v5 =	vadd.f32 v5, v6;
	_ =	sdelay $0x1  }
0x2f: {  	v5 =	vadd.f32 v7, v5;
	_ =	sdelay $0x1  }
0x30: {  	v5 =	vadd.f32 v8, v5;
	_ =	sdelay $0x1  }
0x31: {  	v5 =	vmax.f32 v5, $1.000000000e+00  }
0x32: {  	v4 =	vmul.f32 v5, v4  }
0x33: {  	s14 =	sshra.s32 s15, $0x2  }
0x34: {  	(erf) = vrcp.f32 v4  }
0x35: {  	v4 =	vld [tilespmem:s14+$0x0]  }
0x36: {  	v5 =	vld [tilespmem:s14+$0x13C0]  }
.Ltmp0:
0x37: {  	(pc) =	sbr.rel @p0 .LBB2_2-.Ltmp0, $2  }
0x38: {  	_ =	sdelay $0x2  }
0x39: {  	v4 =	vadd.f32 v5, v4  }
0x3a: {  	_ = 	snop  }
0x3b: {  	vm0 =	vgt.f32 v4, $0.0e+00;
	v5 =	vpop (erf)  }
0x3c: {  	v6 =	vsel vm0, $0x3F800000, v0;
	[tilespmem:s12+$0x2780] =	vst v5  }
0x3d: {  	[tilespmem:$0x3B40] =	vst v6  }
0x3e: {  	v5 =	vld.idx.msk [tilespmem:v1+s9+$0x0], $0xffff  }
0x3f: {  	v6 =	vld.msk [tilespmem:s9+$0x0], $0xffff;
	_ =	sdelay $0x1  }
0x40: {  	v7 =	vld.idx.msk [tilespmem:v2+s9+$0x0], $0xffff;
	_ =	sdelay $0x1  }
0x41: {  	v8 =	vld.idx.msk [tilespmem:v3+s9+$0x0], $0xffff  }
0x42: {  	v5 =	vadd.f32 v5, v6;
	_ =	sdelay $0x1  }
0x43: {  	v5 =	vadd.f32 v7, v5;
	_ =	sdelay $0x1  }
0x44: {  	v5 =	vadd.f32 v8, v5  }
0x45: {  	v4 =	vadd.f32 $9.999999710e-10, v4  }
0x46: {  	v5 =	vmax.f32 v5, $1.000000000e+00  }
0x47: {  	v4 =	vmul.f32 v5, v4;
	_ =	sdelay $0x1  }
0x48: {  	(erf) = vrcp.f32 v4;
	_ =	sdelay $0x7  }
0x49: {  	s11 =	sadd.s32 $0x1, s11  }
0x4a: {  	p0 =	sne.s32 s11, s6;
	v4 =	vpop (erf)  }
.Ltmp1:
0x4b: {  	[tilespmem:s14+$0x2780] =	vst v4;
	(pc) =	sbr.rel @p0 .LBB2_1-.Ltmp1, $4  }
0x4c: {  	[hbm4b:s5+s2] =	stream.linear.scatter [tilespmem:s10], [sflag:$0x1], $0x13C0, $0x38;
	[tilespmem:$0x3B50] =	vst v63  }
0x4d: {  	_ =	swait.ge [sflag:s7], $0x13C0  }
0x4e: {  	[sflag:s7] =	ssyncset.done $0x0  }
0x4f: {  	[sflag:s7] =	ssyncadd.s32 $0xFFFFEC40  }
0x50: {  	_ =	sfence.sel $0x180000  }
0x51: {  	[bflag:$0x0] =	sbarrier.arrive $0xFFFF  }
0x52: {  	p0 =	sne.s32 s0, $0x0;
	_ =	strace $0x9000004A  }
0x53: {  	s0 =	sadd.s32 @!p0 $0x100000, s1;
	[bflag:$0x2] =	sbarrier.arrive $0xFFFF  }
0x54: {  	[sflag:s0] =	ssyncadd.tile.s32 @!p0 $0x1;
	_ =	shalt  }
.Lfunc_end2:
_tile_overlayer_lowered:
.L_overlay_start_2:
0x55: {  	(tag) =	ssettag $0x2  }
0x56: {  	s0 =	rddreg [dreg:$0x0];
	s2 =	stileid.u32  }
0x57: {  	s1 =	rddreg [dreg:$0x1];
	p0 =	sne.s32 s2, $0x0  }
0x58: {  	s3 =	rddreg [dreg:$0x2];
	[bflag:$0x3] =	sbarrier.arrive $0xFFFF;
	s2 =	simm.s32 @!p0 $0x1C01  }
0x59: {  	[timem:s3], [sflag:s2] =	dma.local @!p0 [hbm:s0], s1  }
0x5a: {  	s0 =	simm.s32 @!p0 $0x1  }
0x5b: {  	_ =	swait.ge @!p0 [sflag:s0], s1  }
0x5c: {  	s1 =	ssub.s32 @!p0 $0x0, s1;
	[sflag:s0] =	ssyncset.done @!p0 $0x0  }
0x5d: {  	[sflag:s0] =	ssyncadd.s32 @!p0 s1  }
0x5e: {  	[bflag:$0x3] =	sbarrier.arrive $0xFFFF  }
0x5f: {  	_ =	shalt  }

// kernel: kernel.13.cloned.1.call-start
scs
__scs_entry_jumppad:
0x0: {  	(pc) =	sbr.rel $0x88, $3  }
0x1: {  	(tag) =	ssettag $0x0;
	lr =	simm.s32 $0x1  }
0x2: {  	[smem:$0x3F9A] =	sst lr;
	_ =	strace $0xD0000000  }
0x3: {  	_ = 	snop  }
0x4: {  	_ = 	snop  }
0x5: {  	_ = 	snop  }
0x6: {  	_ = 	snop  }
0x7: {  	_ = 	snop  }
__scs_overlays_trampoline_lowered:
0x8: {  	[smem:$0x3FA9] =	sst s0  }
0x9: {  	[smem:$0x3FAA] =	sst s1  }
0xa: {  	[smem:$0x3FAB] =	sst s2  }
0xb: {  	[smem:$0x3FAC] =	sst s3  }
0xc: {  	[smem:$0x3FAD] =	sst s4  }
0xd: {  	[smem:$0x3FAE] =	sst s5  }
0xe: {  	[smem:$0x3FAF] =	sst s6  }
0xf: {  	[smem:$0x3FB0] =	sst s7  }
0x10: {  	[smem:$0x3FB1] =	sst s8  }
0x11: {  	[smem:$0x3FB2] =	sst s9;
	s0 =	simm.s32 @!p0 $0x0  }
0x12: {  	s1 =	sld [smem:$0x3F98];
	s0 =	simm.s32 @p0 $0x1  }
0x13: {  	[smem:$0x3FB3] =	sst s0;
	s0 =	simm.s32 @!p1 $0x0  }
0x14: {  	s2 =	sld [smem:$0x3F97];
	s0 =	simm.s32 @p1 $0x1  }
0x15: {  	[smem:$0x3FB4] =	sst s0;
	s0 =	simm.s32 @!p2 $0x0  }
0x16: {  	s3 =	sld [smem:$0x3FDB];
	s0 =	simm.s32 @p2 $0x1  }
0x17: {  	s4 =	simm.s32 $0x1BF5;
	[smem:$0x3FB6] =	sst s0  }
0x18: {  	s0 =	sld [smem:$0x3F99];
	_ =	swait.ge [sflag:s4], $0x0  }
0x19: {  	s7 =	sld [smem:$0x3F9A]  }
0x1a: {  	s8 =	sadd.s32 $0xFFFFE003, lr  }
0x1b: {  	s9 =	sadd.s32 $0xFFFFFEF7, lr;
	s5 =	simm.s32 $0xFFFFFFFF;
	p2 =	slt.u32 s8, $0xFFFFF086  }
0x1c: {  	p1 =	slt.u32 s9, $0xF7A;
	s5 =	simm.s32 @!p2 $0x0  }
0x1d: {  	s5 =	simm.s32 @p1 $0x1;
	p0 =	seq.s32 s7, s2  }
0x1e: {  	s7 =	smul.u32 @!p0 $0xF7A, s2;
	p2 =	seq.s32 @!p0 s5, $0x0  }
0x1f: {  	s9 =	smul.u32 $0xF7A, s1;
	s8 =	simm.s32 @!p0 $0x1BF5;
	p2 =	por !p2, p0  }
0x20: {  	[sflag:s8] =	ssyncset.s32 @!p0 $0xFFFFF086;
	s6 =	sadd.s32 @!p0 s3, s7;
	s7 =	simm.s32 @!p0 $0x108  }
0x21: {  	s3 =	sadd.s32 s3, s9;
	s6 =	sadd.s32 @!p0 $0x88, s6;
	s7 =	simm.s32 @p2 $0x1082  }
0x22: {  	[simem:s7], [sflag:s8] =	dma.local @!p0 [hbm:s6], $0xF7A  }
0x23: {  	s9 =	sor.u32 $0xD0000000, s2;
	s6 =	simm.s32 $0x108;
	_ =	swait.ge @!p0 [sflag:s8], $0x0  }
0x24: {  	s3 =	sadd.s32 $0x88, s3;
	s6 =	simm.s32 @!p1 $0x1082;
	[sflag:s4] =	ssyncset.s32 $0xFFFFF086  }
0x25: {  	[simem:s6], [sflag:s4] =	dma.local [hbm:s3], $0xF7A  }
0x26: {  	[smem:$0x3F9A] =	sst s1;
	(tag) =	ssettag s2;
	_ =	strace s9  }
0x27: {  	s1 =	sld [smem:$0x3FAA]  }
0x28: {  	s2 =	sld [smem:$0x3FAB]  }
0x29: {  	s4 =	sld [smem:$0x3FAD]  }
0x2a: {  	p0 =	seq.s32 s5, $0x0;
	s5 =	sld [smem:$0x3FAE]  }
0x2b: {  	s6 =	sld [smem:$0x3FAF]  }
0x2c: {  	s7 =	sld [smem:$0x3FB0]  }
0x2d: {  	s3 =	simm.s32 $0x108;
	s8 =	sld [smem:$0x3FB1]  }
0x2e: {  	s3 =	simm.s32 @!p0 $0x1082;
	s9 =	sld [smem:$0x3FB2]  }
0x2f: {  	lr =	sadd.s32 s0, s3;
	s0 =	sld [smem:$0x3FA9]  }
0x30: {  	s3 =	sld [smem:$0x3FAC]  }
0x31: {  	[smem:$0x3FB5] =	sst s10  }
0x32: {  	s10 =	sld [smem:$0x3FB3];
	_ =	sdelay $0x3  }
0x33: {  	p0 =	seq.s32 s10, $0x1;
	s10 =	sld [smem:$0x3FB5];
	_ =	sdelay $0x3  }
0x34: {  	[smem:$0x3FB5] =	sst s10  }
0x35: {  	s10 =	sld [smem:$0x3FB4];
	_ =	sdelay $0x3  }
0x36: {  	p1 =	seq.s32 s10, $0x1;
	s10 =	sld [smem:$0x3FB5];
	_ =	sdelay $0x3  }
0x37: {  	[smem:$0x3FB5] =	sst s10  }
0x38: {  	s10 =	sld [smem:$0x3FB6]  }
0x39: {  	_ = 	snop;
	(pc) =	sbr.ind lr, $3  }
0x3a: {  	_ = 	snop  }
0x3b: {  	_ = 	snop  }
0x3c: {  	p2 =	seq.s32 s10, $0x1;
	s10 =	sld [smem:$0x3FB5]  }
0x3d: {  	_ =	shalt  }
0x3e: {  	_ =	shalt  }
0x3f: {  	_ =	shalt  }
0x40: {  	_ =	shalt  }
0x41: {  	_ =	shalt  }
0x42: {  	_ =	shalt  }
0x43: {  	_ =	shalt  }
0x44: {  	_ =	shalt  }
0x45: {  	_ =	shalt  }
0x46: {  	_ =	shalt  }
0x47: {  	_ =	shalt  }
0x48: {  	_ =	shalt  }
0x49: {  	_ =	shalt  }
0x4a: {  	_ =	shalt  }
0x4b: {  	_ =	shalt  }
0x4c: {  	_ =	shalt  }
0x4d: {  	_ =	shalt  }
0x4e: {  	_ =	shalt  }
0x4f: {  	_ =	shalt  }
0x50: {  	_ =	shalt  }
0x51: {  	_ =	shalt  }
0x52: {  	_ =	shalt  }
0x53: {  	_ =	shalt  }
0x54: {  	_ =	shalt  }
0x55: {  	_ =	shalt  }
0x56: {  	_ =	shalt  }
0x57: {  	_ =	shalt  }
0x58: {  	_ =	shalt  }
0x59: {  	_ =	shalt  }
0x5a: {  	_ =	shalt  }
0x5b: {  	_ =	shalt  }
0x5c: {  	_ =	shalt  }
0x5d: {  	_ =	shalt  }
0x5e: {  	_ =	shalt  }
0x5f: {  	_ =	shalt  }
0x60: {  	_ =	shalt  }
0x61: {  	_ =	shalt  }
0x62: {  	_ =	shalt  }
0x63: {  	_ =	shalt  }
0x64: {  	_ =	shalt  }
0x65: {  	_ =	shalt  }
0x66: {  	_ =	shalt  }
0x67: {  	_ =	shalt  }
0x68: {  	_ =	shalt  }
0x69: {  	_ =	shalt  }
0x6a: {  	_ =	shalt  }
0x6b: {  	_ =	shalt  }
0x6c: {  	_ =	shalt  }
0x6d: {  	_ =	shalt  }
0x6e: {  	_ =	shalt  }
0x6f: {  	_ =	shalt  }
0x70: {  	_ =	shalt  }
0x71: {  	_ =	shalt  }
0x72: {  	_ =	shalt  }
0x73: {  	_ =	shalt  }
0x74: {  	_ =	shalt  }
0x75: {  	_ =	shalt  }
0x76: {  	_ =	shalt  }
0x77: {  	_ =	shalt  }
0x78: {  	_ =	shalt  }
0x79: {  	_ =	shalt  }
0x7a: {  	_ =	shalt  }
0x7b: {  	_ =	shalt  }
0x7c: {  	_ =	shalt  }
0x7d: {  	_ =	shalt  }
0x7e: {  	_ =	shalt  }
0x7f: {  	_ =	shalt  }
0x80: {  	_ =	shalt  }
0x81: {  	_ =	shalt  }
0x82: {  	_ =	shalt  }
0x83: {  	_ =	shalt  }
0x84: {  	_ =	shalt  }
0x85: {  	_ =	shalt  }
0x86: {  	_ =	shalt  }
0x87: {  	_ =	shalt  }
.Lfunc_end0:
.L_simem_size_0:
called_computation.2_lowered:
.L_overlay_start_0:
0x88: {  	s2 =	sld [smem:$0x3FD9]  }
0x89: {  	s3 =	sld [smem:$0x3FFE];
	_ =	sdelay $0x1  }
0x8a: {  	s1 =	srdreg.scid  }
0x8b: {  	s0 =	sand.u32 $0x1, s1  }
0x8c: {  	s17 =	sshll.u32 s0, $0xA;
	s2 =	sadd.s32 s3, s2  }
0x8d: {  	s2 =	sadd.s32 s2, s17  }
0x8e: {  	[smem:$0x3FC1] =	sst s2  }
0x8f: {  	_ = 	snop  }
0x90: {  	s2 =	sld [smem:$0x3FD0];
	(tm) =	ssettm $0x1  }
0x91: {  	s18 =	sld [smem:$0x3FFB];
	_ =	sdelay $0x3  }
0x92: {  	_ =	strace s18  }
0x93: {  	s3 =	sld [smem:$0x3FFC];
	_ =	sdelay $0x3  }
0x94: {  	_ =	strace s3  }
0x95: {  	s3 =	sld [smem:$0x3FFD];
	_ =	sdelay $0x3  }
0x96: {  	_ =	strace s3  }
0x97: {  	_ =	strace $0x8FFFFFFF  }
0x98: {  	s19 =	sld [smem:$0x3FDB];
	_ =	sdelay $0x1  }
0x99: {  	s4 =	simm.s32 $_scs_section_size  }
0x9a: {  	s5 =	simm.s32 $_size__tile_overlayer_lowered;
	s6 =	simm.s32 $_tile_overlayer_lowered  }
0x9b: {  	s22 =	simm.s32 $0x1BFF;
	s21 =	sshll.u32 s6, $0x1;
	s3 =	sadd.s32 s4, s19  }
0x9c: {  	s7 =	simm.s32 $0x0;
	s20 =	sshll.u32 s5, $0x1;
	s5 =	sadd.s32 s21, s3  }
0x9d: {  	[timem:s7], [sflag:s22] =	dma.local [hbm:s5], s20  }
0x9e: {  	_ =	swait.ge [sflag:s22], s20  }
0x9f: {  	s4 =	ssub.s32 $0x0, s20;
	[sflag:s22] =	ssyncset.done $0x0  }
0xa0: {  	[sflag:s22] =	ssyncadd.s32 s4;
	_ =	sdelay $0x1  }
0xa1: {  	s23 =	simm.s32 $0x1B8B  }
0xa2: {  	_ =	swait.ge [sflag:s23], $0x1  }
0xa3: {  	[sflag:s23] =	ssyncset.done $0x0  }
0xa4: {  	s25 =	simm.s32 $0x1B8E;
	s24 =	sld [smem:$0x3FFE];
	[sflag:s23] =	ssyncadd.s32 $0xFFFFFFFF  }
0xa5: {  	s26 =	simm.s32 $execute0_lowered;
	[smem:$0x3FD2] =	sst s25  }
0xa6: {  	s5 =	sshll.u32 s26, $0x1;
	_ =	strace $0x8000004C;
	[dreg:$0x1] =	wrdreg $0xFFFFFFFF  }
0xa7: {  	s28 =	simm.s32 $_size_execute0_lowered;
	s3 =	sadd.s32 s3, s5;
	[dreg:$0x0] =	wrdreg $0x0  }
0xa8: {  	s5 =	sshll.u32 s28, $0x1;
	[dreg:$0x2] =	wrdreg s3  }
0xa9: {  	[dreg:$0x3] =	wrdreg s5  }
0xaa: {  	[dreg:$0x4] =	wrdreg $0xC0  }
0xab: {  	_ =	task [dreg:s7], $0x5FFFF  }
0xac: {  	[dreg:$0x1] =	wrdreg $0xFFFFFFFF  }
0xad: {  	[dreg:$0x0] =	wrdreg $0x60  }
0xae: {  	[dreg:$0x2] =	wrdreg s24  }
0xaf: {  	[dreg:$0x3] =	wrdreg s2  }
0xb0: {  	[dreg:$0x4] =	wrdreg $0xAA200  }
0xb1: {  	[dreg:$0x5] =	wrdreg $0x9  }
0xb2: {  	_ =	task.clear_ibuf [dreg:s7], $0x6FFFF;
	_ =	strace $0x9000004C  }
0xb3: {  	s29 =	simm.s32 $0x9;
	_ =	strace $0x8000004E  }
0xb4: {  	_ =	swait.ge [sflag:s29], $0x1  }
0xb5: {  	[sflag:s29] =	ssyncadd.s32 $0xFFFFFFFF  }
0xb6: {  	_ =	strace $0x9000004E  }
0xb7: {  	_ =	sfence  }
0xb8: {  	s30 =	sld [smem:$0x0];
	_ =	sdelay $0x2  }
0xb9: {  	s31 =	sshll.u32 s1, $0xD;
	s1 =	sshrl.u32 s1, $0x2  }
0xba: {  	s3 =	sand.u32 $0x4000, s31;
	s1 =	sadd.s32 s1, s30  }
0xbb: {  	s0 =	sor.u32 s3, s0;
	s1 =	sshll.u32 s1, $0x11  }
0xbc: {  	s0 =	sor.u32 s1, s0  }
0xbd: {  	s0 =	sadd.s32 $0x8F2B, s0  }
0xbe: {  	[sflag:s0] =	ssyncadd.remote.s32 $0x1  }
0xbf: {  	_ =	sfence.sel $0xFFFF  }
0xc0: {  	[dreg:$0x0] =	wrdreg $0xFFFFFFFF;
	(pc) =	sbr.abs _section_cstart, $3  }
0xc1: {  	[dreg:$0x1] =	wrdreg $0xFFFFFFFF  }
0xc2: {  	_ =	task.clear_ibuf [dreg:s7], $0x2FFFF;
	_ =	strace $0x9FFFFFFF  }
0xc3: {  	(tm) =	ssettm $0x7FFFFFFF  }
tec
execute0_lowered:
.L_overlay_start_1:
0x0: {  	(tag) =	ssettag $0x1  }
0x1: {  	s0 =	rddreg [dreg:$0x0]  }
0x2: {  	s3 =	rddreg [dreg:$0x2];
	s4 =	simm.s32 $0x0  }
0x3: {  	s1 =	srdreg.scid;
	s12 =	stileid.u32;
	s29 =	simm.s32 $0x2A20  }
0x4: {  	s30 =	simm.s32 $0x180;
	s31 =	simm.s32 $0xA00;
	s16 =	simm.s32 $0x2200  }
0x5: {  	s17 =	simm.s32 $0x2210;
	s18 =	simm.s32 $0x2;
	[smem:$0x7FF] =	sst s4  }
0x6: {  	s1 =	sand.u32 $0x1, s1;
	s2 =	smul.u32 $0x13C00, s12;
	s5 =	sadd.s32 $0x1C00, s0  }
0x7: {  	s6 =	sadd.s32 $0xBA00, s0;
	s7 =	sadd.s32 $0xBC400, s0;
	s8 =	sadd.s32 $0xB1C00, s0  }
0x8: {  	s9 =	sadd.s32 $0x15800, s0;
	s11 =	sadd.s32 $0xB6C00, s0;
	s24 =	sshll.u32 s12, $0x7  }
0x9: {  	_ =	strace $0x8000004D;
	s10 =	smul.u32 $0x13C000, s1;
	s20 =	ssub.s32 $0x2, s1  }
0xa: {  	[dreg:$0x4] =	wrdreg s11;
	s1 =	sshll.u32 s1, $0x4;
	s21 =	sshrl.u32 s20, $0x1  }
0xb: {  	s1 =	sor.u32 s12, s1;
	s10 =	sadd.s32 s2, s10;
	s2 =	sadd.s32 s2, s3  }
0xc: {  	s22 =	sshll.u32 s1, $0x4;
	s25 =	sshll.u32 s1, $0x8;
	s26 =	sshll.u32 s1, $0x7  }
0xd: {  	p0 =	sgt.u32 s1, $0x3;
	s1 =	simm.s32 $0x6A20;
	s10 =	sshrl.u32 s10, $0x3  }
0xe: {  	[dreg:$0x5] =	wrdreg s2;
	s23 =	sadd.s32 s5, s22;
	s2 =	sadd.s32 s6, s22  }
0xf: {  	s11 =	sadd.s32 s7, s25;
	s15 =	sor.u32 $0x2000, s26;
	[dreg:$0x6] =	wrdreg s23  }
0x10: {  	s22 =	simm.s32 $0x1;
	s0 =	sadd.s32 s10, s0;
	[dreg:$0x7] =	wrdreg s2  }
0x11: {  	s10 =	ssub.s32 s20, s21;
	s2 =	sor.u32 $0x4E000, s24;
	[dreg:$0x8] =	wrdreg s11  }
0x12: {  	s21 =	sor.u32 $0x1000, s26;
	s23 =	simm.s32 $0x3;
	s24 =	simm.s32 $0x100  }
.Ltmp0:
0x13: {  	s28 =	sshrl.u32 s2, $0x3;
	s0 =	sadd.s32 $0x158800, s0;
	(pc) =	sbr.rel .LBB2_1-.Ltmp0, $4  }
0x14: {  	s26 =	simm.s32 $0x80;
	s13 =	sadd.s32 s5, s28;
	[dreg:$0xc] =	wrdreg s0  }
0x15: {  	s2 =	sshll.u32 s2, $0x1;
	s11 =	sadd.s32 s6, s28;
	[dreg:$0x9] =	wrdreg s13  }
0x16: {  	v0 =	vimm.s32 $0x0;
	vm0 =	vcmask $0x300;
	s20 =	smax.u32 s10, $0x1;
	s2 =	sadd.s32 s7, s2;
	[dreg:$0xa] =	wrdreg s11  }
0x17: {  	v0 =	vsel vm0, $0x3, v0;
	s0 =	simm.s32 $0x1A00;
	[dreg:$0xb] =	wrdreg s2;
	s2 =	simm.s32 $0x0  }
.LBB2_17:
0x18: {  	s2 =	sadd.s32 $0x1, s2  }
0x19: {  	[bflag:$0x0] =	sbarrier.arrive $0xFFFF;
	p1 =	sne.s32 s2, s20  }
.Ltmp1:
0x1a: {  	s10 =	rddreg [dreg:$0xc];
	(pc) =	sbr.rel @!p1 .LBB2_18-.Ltmp1, $4  }
0x1b: {  	[hbm:s10], [sflag:s25] =	dma.local [spmem:s28], $0x2780  }
0x1c: {  	_ =	swait.ge [sflag:s23], $0x2780  }
0x1d: {  	[sflag:s23] =	ssyncset.done $0x0  }
0x1e: {  	[sflag:s23] =	ssyncadd.s32 $0xFFFFD880  }
.LBB2_1:
0x1f: {  	s10 =	rddreg [dreg:$0x4];
	s11 =	simm.s32 $0x2A10  }
0x20: {  	[tilespmem:s11], [sflag:$0x3] =	stream.linear.gather [hbm4b:s10+s4], $0x10, $0x38;
	[tilespmem:$0x1E620] =	vst v63  }
0x21: {  	_ =	swait.ge [sflag:s23], $0x10  }
0x22: {  	s13 =	stileid.u32;
	[sflag:s23] =	ssyncset.done $0x0  }
0x23: {  	s10 =	sshll.u32 s13, $0x6;
	s14 =	rddreg [dreg:$0x5];
	[sflag:s23] =	ssyncadd.s32 $0xFFFFFFF0  }
0x24: {  	s25 =	sor.u32 $0x1C03, s10;
	s28 =	sshrl.u32 s14, $0x3;
	s19 =	rddreg [dreg:$0x1]  }
0x25: {  	[spmem:s28], [sflag:s25] =	dma.local [hbm:s19], $0x2780  }
0x26: {  	_ =	swait.ge [sflag:s23], $0x2780  }
0x27: {  	[sflag:s23] =	ssyncset.done $0x0  }
0x28: {  	[sflag:s23] =	ssyncadd.s32 $0xFFFFD880  }
0x29: {  	[bflag:$0x0] =	sbarrier.arrive $0xFFFF  }
0x2a: {  	s11 =	rddreg [dreg:$0x6]  }
0x2b: {  	[tilespmem:s4], [sflag:$0x3] =	stream.linear.gather [hbm4b:s11+s4], $0x80, $0x38;
	[tilespmem:$0x1E620] =	vst v63  }
0x2c: {  	_ =	swait.ge [sflag:s23], $0x80  }
0x2d: {  	[sflag:s23] =	ssyncset.done $0x0  }
0x2e: {  	s12 =	rddreg [dreg:$0x7];
	[sflag:s23] =	ssyncadd.s32 $0xFFFFFF80  }
0x2f: {  	[tilespmem:s24], [sflag:$0x3] =	stream.linear.gather [hbm4b:s12+s4], $0x80, $0x38;
	[tilespmem:$0x1E620] =	vst v63  }
0x30: {  	_ =	swait.ge [sflag:s23], $0x80  }
0x31: {  	[sflag:s23] =	ssyncset.done $0x0  }
0x32: {  	s14 =	simm.s32 $0x200;
	s13 =	rddreg [dreg:$0x8];
	[sflag:s23] =	ssyncadd.s32 $0xFFFFFF80  }
0x33: {  	[tilespmem:s14], [sflag:$0x3] =	stream.linear.gather [hbm4b:s13+s4], $0x800, $0x38;
	[tilespmem:$0x1E620] =	vst v63  }
0x34: {  	_ =	swait.ge [sflag:s23], $0x800  }
0x35: {  	[sflag:s23] =	ssyncset.done $0x0  }
0x36: {  	s19 =	simm.s32 $0x1200;
	[sflag:s23] =	ssyncadd.s32 $0xFFFFF800  }
0x37: {  	[tilespmem:s19], [sflag:$0x3] =	stream.indirect.gather [hbm4b:s8+s26], $0x10, s24, s26, $0xb8;
	[tilespmem:$0x1E620] =	vst v63  }
0x38: {  	_ =	swait.ge [sflag:s23], $0x800  }
0x39: {  	[sflag:s23] =	ssyncset.done $0x0  }
0x3a: {  	s10 =	simm.s32 $0x0;
	[sflag:s23] =	ssyncadd.s32 $0xFFFFF800  }
0x3b: {  	[tilespmem:s29], [sflag:$0x1] =	stream.indirect.gather [hbm4b:s9+s26], $0x80, s4, s26, $0xb8;
	[tilespmem:$0x1E620] =	vst v63  }
.LBB2_2:
0x3c: {  	s11 =	sshll.u32 s10, $0xD  }
0x3d: {  	s13 =	sor.u32 s21, s11  }
0x3e: {  	s14 =	sshrl.u32 s13, $0x3  }
0x3f: {  	s12 =	simm.s32 $0x0;
	s19 =	sadd.s32 s5, s14  }
0x40: {  	[tilespmem:s26], [sflag:$0x3] =	stream.linear.gather [hbm4b:s19+s12], $0x80, $0x38;
	[tilespmem:$0x1E620] =	vst v63  }
0x41: {  	_ =	swait.ge [sflag:s23], $0x80  }
0x42: {  	[sflag:s23] =	ssyncset.done $0x0  }
0x43: {  	s14 =	sadd.s32 s6, s14;
	[sflag:s23] =	ssyncadd.s32 $0xFFFFFF80  }
0x44: {  	[tilespmem:s30], [sflag:$0x3] =	stream.linear.gather [hbm4b:s14+s12], $0x80, $0x38;
	[tilespmem:$0x1E620] =	vst v63  }
0x45: {  	s13 =	sshll.u32 s13, $0x1;
	_ =	swait.ge [sflag:s23], $0x80  }
0x46: {  	s13 =	sand.u32 $0x1FFFFF00, s13;
	[sflag:s23] =	ssyncset.done $0x0  }
0x47: {  	s13 =	sadd.s32 s7, s13;
	[sflag:s23] =	ssyncadd.s32 $0xFFFFFF80  }
0x48: {  	[tilespmem:s31], [sflag:$0x3] =	stream.linear.gather [hbm4b:s13+s12], $0x800, $0x38;
	[tilespmem:$0x1E620] =	vst v63  }
0x49: {  	_ =	swait.ge [sflag:s23], $0x800  }
0x4a: {  	[sflag:s23] =	ssyncset.done $0x0  }
0x4b: {  	[sflag:s23] =	ssyncadd.s32 $0xFFFFF800  }
0x4c: {  	[tilespmem:s0], [sflag:$0x3] =	stream.indirect.gather [hbm4b:s8+s26], $0x10, s30, s26, $0xb8;
	[tilespmem:$0x1E620] =	vst v63  }
0x4d: {  	_ =	swait.ge [sflag:s23], $0x800  }
0x4e: {  	[sflag:s23] =	ssyncset.done $0x0  }
0x4f: {  	[sflag:s23] =	ssyncadd.s32 $0xFFFFF800  }
0x50: {  	[tilespmem:s1], [sflag:$0x2] =	stream.indirect.gather [hbm4b:s9+s26], $0x80, s26, s26, $0xb8;
	[tilespmem:$0x1E620] =	vst v63  }
0x51: {  	_ =	swait.ge [sflag:s22], $0x4000  }
0x52: {  	[sflag:s22] =	ssyncset.done $0x0  }
0x53: {  	s13 =	simm.s32 $0x0;
	[sflag:s22] =	ssyncadd.s32 $0xFFFFC000  }
0x54: {  	v1 =	vld [tilespmem:s13+$0x1200]  }
0x55: {  	v2 =	vld [tilespmem:s13+$0x200];
	_ =	sdelay $0x4  }
0x56: {  	v1 =	vmul.f32 v1, v2;
	_ =	sdelay $0x1  }
0x57: {  	s14 =	simm.s32 $0x40;
	[tilespmem:$0x2200] =	vst v1;
	v1 =	vld [tilespmem:$0x2A10]  }
.LBB2_3:
0x58: {  	p1 =	sne.s32 s14, $0x1FC0;
	_ =	sdelay $0x3  }
0x59: {  	v2 =	vadd.s32 $0x4, v1;
	_ =	sdelay $0x1  }
0x5a: {  	v3 =	vadd.s32 $0x8, v1;
	_ =	sdelay $0x1  }
0x5b: {  	v4 =	vld.idx.msk [tilespmem:v1+s16+$0x0], $0xffff;
	v1 =	vadd.s32 $0xC, v1  }
0x5c: {  	v2 =	vld.idx.msk [tilespmem:v2+s16+$0x0], $0xffff;
	_ =	sdelay $0x1  }
0x5d: {  	v3 =	vld.idx.msk [tilespmem:v3+s16+$0x0], $0xffff;
	_ =	sdelay $0x1  }
0x5e: {  	s19 =	sshra.s32 s14, $0x2;
	v1 =	vld.idx.msk [tilespmem:v1+s16+$0x0], $0xffff  }
0x5f: {  	v5 =	vld [tilespmem:s19+$0x1200]  }
0x60: {  	v2 =	vadd.f32 v2, v4;
	v6 =	vld [tilespmem:s19+$0x200];
	_ =	sdelay $0x1  }
0x61: {  	v2 =	vadd.f32 v3, v2  }
.Ltmp2:
0x62: {  	(pc) =	sbr.rel @p1 .LBB2_3-.Ltmp2, $4  }
0x63: {  	v1 =	vadd.f32 v1, v2  }
0x64: {  	v2 =	vmul.f32 v5, v6  }
0x65: {  	[tilespmem:s13+$0x2210] =	vst v1;
	s13 =	smov.u32 s19  }
0x66: {  	s14 =	sadd.s32 $0x40, s14;
	[tilespmem:$0x2200] =	vst v2;
	v1 =	vld [tilespmem:$0x2A10]  }
0x67: {  	_ =	sdelay $0x3  }
0x68: {  	v2 =	vadd.s32 $0x4, v1;
	_ =	sdelay $0x1  }
0x69: {  	v3 =	vadd.s32 $0x8, v1;
	_ =	sdelay $0x1  }
0x6a: {  	v4 =	vld.idx.msk [tilespmem:v1+s16+$0x0], $0xffff;
	v1 =	vadd.s32 $0xC, v1  }
0x6b: {  	v2 =	vld.idx.msk [tilespmem:v2+s16+$0x0], $0xffff;
	_ =	sdelay $0x1  }
0x6c: {  	v3 =	vld.idx.msk [tilespmem:v3+s16+$0x0], $0xffff  }
0x6d: {  	v5 =	vmov s12  }
0x6e: {  	v5 =	vshrl.u32 v5, $0x3;
	v1 =	vld.idx.msk [tilespmem:v1+s16+$0x0], $0xffff  }
0x6f: {  	v2 =	vadd.f32 v2, v4;
	v4 =	vshll.u32 v5, v0  }
0x70: {  	v5 =	vbroadcast v4, $0x0  }
0x71: {  	v2 =	vadd.f32 v3, v2;
	_ =	sdelay $0x1  }
0x72: {  	v1 =	vadd.f32 v1, v2;
	_ =	sdelay $0x1  }
0x73: {  	[tilespmem:s13+$0x2210] =	vst v1  }
0x74: {  	s12 =	simm.s32 $0x2A60;
	v1 =	vld.idx.msk [tilespmem:v5+s17+$0x0], $0xffff  }
0x75: {  	v2 =	vld [tilespmem:s12+$0xFFFFFFC0]  }
0x76: {  	v3 =	vld [tilespmem:s12+$0xFFFFFFD0]  }
0x77: {  	v5 =	vadd.s32 $0x1, v4  }
0x78: {  	v5 =	vbroadcast v5, $0x0;
	_ =	sdelay $0x1  }
0x79: {  	v2 =	vmul.f32 v2, v1  }
0x7a: {  	v1 =	vmul.f32 v3, v1  }
0x7b: {  	[tilespmem:s12+$0xFFFFFFC0] =	vst v2  }
0x7c: {  	[tilespmem:s12+$0xFFFFFFD0] =	vst v1;
	v2 =	vld [tilespmem:s12+$0xFFFFFFE0]  }
0x7d: {  	v1 =	vld.idx.msk [tilespmem:v5+s17+$0x0], $0xffff  }
0x7e: {  	v3 =	vld [tilespmem:s12+$0xFFFFFFF0]  }
0x7f: {  	v5 =	vadd.s32 $0x2, v4  }
0x80: {  	v5 =	vbroadcast v5, $0x0;
	_ =	sdelay $0x1  }
0x81: {  	v2 =	vmul.f32 v2, v1  }
0x82: {  	v1 =	vmul.f32 v3, v1  }
0x83: {  	[tilespmem:s12+$0xFFFFFFE0] =	vst v2  }
0x84: {  	[tilespmem:s12+$0xFFFFFFF0] =	vst v1;
	v1 =	vld [tilespmem:s12+$0x10]  }
0x85: {  	v2 =	vld.idx.msk [tilespmem:v5+s17+$0x0], $0xffff  }
0x86: {  	v3 =	vld [tilespmem:s12+$0x0]  }
0x87: {  	v4 =	vadd.s32 $0x3, v4  }
0x88: {  	v4 =	vbroadcast v4, $0x0;
	_ =	sdelay $0x1  }
0x89: {  	v1 =	vmul.f32 v1, v2  }
0x8a: {  	v2 =	vmul.f32 v3, v2  }
0x8b: {  	[tilespmem:s12+$0x10] =	vst v1  }
0x8c: {  	[tilespmem:s12+$0x0] =	vst v2;
	v2 =	vld [tilespmem:s12+$0x30]  }
0x8d: {  	s19 =	simm.s32 $0x10;
	v3 =	vld.idx.msk [tilespmem:v4+s17+$0x0], $0xffff  }
0x8e: {  	v1 =	vmov s19;
	v4 =	vld [tilespmem:s12+$0x20]  }
0x8f: {  	v1 =	vshrl.u32 v1, $0x3  }
0x90: {  	s13 =	simm.s32 $0x20;
	v1 =	vshll.u32 v1, v0  }
.LBB2_5:
0x91: {  	p1 =	sne.s32 s13, $0x7F0;
	v5 =	vbroadcast v1, $0x0;
	_ =	sdelay $0x1  }
0x92: {  	v2 =	vmul.f32 v2, v3;
	v4 =	vmul.f32 v4, v3;
	_ =	sdelay $0x1  }
0x93: {  	[tilespmem:s12+$0x20] =	vst v4  }
0x94: {  	[tilespmem:s12+$0x30] =	vst v2  }
0x95: {  	s12 =	sadd.s32 $0x80, s12;
	v2 =	vld.idx.msk [tilespmem:v5+s17+$0x0], $0xffff  }
0x96: {  	v3 =	vld [tilespmem:s12+$0xFFFFFFC0]  }
0x97: {  	v4 =	vld [tilespmem:s12+$0xFFFFFFD0]  }
0x98: {  	v5 =	vadd.s32 $0x1, v1  }
0x99: {  	v5 =	vbroadcast v5, $0x0;
	_ =	sdelay $0x1  }
0x9a: {  	v3 =	vmul.f32 v3, v2  }
0x9b: {  	v2 =	vmul.f32 v4, v2  }
0x9c: {  	[tilespmem:s12+$0xFFFFFFC0] =	vst v3  }
0x9d: {  	[tilespmem:s12+$0xFFFFFFD0] =	vst v2  }
0x9e: {  	v2 =	vld.idx.msk [tilespmem:v5+s17+$0x0], $0xffff  }
0x9f: {  	v3 =	vld [tilespmem:s12+$0xFFFFFFE0]  }
0xa0: {  	v4 =	vld [tilespmem:s12+$0xFFFFFFF0]  }
0xa1: {  	v5 =	vadd.s32 $0x2, v1  }
0xa2: {  	v5 =	vbroadcast v5, $0x0;
	_ =	sdelay $0x1  }
0xa3: {  	v3 =	vmul.f32 v3, v2  }
0xa4: {  	v2 =	vmul.f32 v4, v2  }
0xa5: {  	[tilespmem:s12+$0xFFFFFFE0] =	vst v3  }
0xa6: {  	[tilespmem:s12+$0xFFFFFFF0] =	vst v2;
	v2 =	vld [tilespmem:s12+$0x10]  }
0xa7: {  	v3 =	vld.idx.msk [tilespmem:v5+s17+$0x0], $0xffff  }
0xa8: {  	v4 =	vld [tilespmem:s12+$0x0];
	_ =	sdelay $0x1  }
0xa9: {  	v1 =	vadd.s32 $0x3, v1  }
0xaa: {  	v1 =	vbroadcast v1, $0x0;
	_ =	sdelay $0x1  }
0xab: {  	v2 =	vmul.f32 v2, v3;
	v4 =	vmul.f32 v4, v3;
	_ =	sdelay $0x1  }
0xac: {  	[tilespmem:s12+$0x10] =	vst v2  }
.Ltmp3:
0xad: {  	[tilespmem:s12+$0x0] =	vst v4;
	v2 =	vld [tilespmem:s12+$0x30];
	(pc) =	sbr.rel @p1 .LBB2_5-.Ltmp3, $4  }
0xae: {  	v3 =	vld.idx.msk [tilespmem:v1+s17+$0x0], $0xffff  }
0xaf: {  	v1 =	vmov s13;
	v4 =	vld [tilespmem:s12+$0x20]  }
0xb0: {  	v1 =	vshrl.u32 v1, $0x3  }
0xb1: {  	s13 =	sadd.s32 $0x10, s13;
	v1 =	vshll.u32 v1, v0  }
0xb2: {  	v5 =	vbroadcast v1, $0x0;
	_ =	sdelay $0x1  }
0xb3: {  	v2 =	vmul.f32 v2, v3  }
0xb4: {  	v4 =	vmul.f32 v4, v3  }
0xb5: {  	s19 =	sadd.s32 $0x80, s12;
	[tilespmem:s12+$0x30] =	vst v2  }
0xb6: {  	v3 =	vld [tilespmem:s19+$0xFFFFFFC0];
	[tilespmem:s12+$0x20] =	vst v4  }
0xb7: {  	v2 =	vld.idx.msk [tilespmem:v5+s17+$0x0], $0xffff  }
0xb8: {  	v59 =	vld [tilespmem:s19+$0xFFFFFFD0]  }
0xb9: {  	v60 =	vadd.s32 $0x1, v1  }
0xba: {  	v5 =	vbroadcast v60, $0x0;
	_ =	sdelay $0x1  }
0xbb: {  	v3 =	vmul.f32 v3, v2  }
0xbc: {  	v2 =	vmul.f32 v59, v2  }
0xbd: {  	[tilespmem:s19+$0xFFFFFFC0] =	vst v3  }
0xbe: {  	[tilespmem:s19+$0xFFFFFFD0] =	vst v2;
	v3 =	vld [tilespmem:s19+$0xFFFFFFE0]  }
0xbf: {  	v2 =	vld.idx.msk [tilespmem:v5+s17+$0x0], $0xffff  }
0xc0: {  	v61 =	vld [tilespmem:s19+$0xFFFFFFF0]  }
0xc1: {  	v62 =	vadd.s32 $0x2, v1  }
0xc2: {  	v5 =	vbroadcast v62, $0x0;
	_ =	sdelay $0x1  }
0xc3: {  	v3 =	vmul.f32 v3, v2  }
0xc4: {  	v2 =	vmul.f32 v61, v2  }
0xc5: {  	[tilespmem:s19+$0xFFFFFFE0] =	vst v3  }
0xc6: {  	[tilespmem:s19+$0xFFFFFFF0] =	vst v2;
	v2 =	vld [tilespmem:s19+$0x10]  }
0xc7: {  	v3 =	vld.idx.msk [tilespmem:v5+s17+$0x0], $0xffff  }
0xc8: {  	v63 =	vld [tilespmem:s19+$0x0]  }
0xc9: {  	v1 =	vadd.s32 $0x3, v1  }
0xca: {  	v1 =	vbroadcast v1, $0x0;
	_ =	sdelay $0x1  }
0xcb: {  	v2 =	vmul.f32 v2, v3  }
0xcc: {  	v3 =	vmul.f32 v63, v3  }
0xcd: {  	[tilespmem:s19+$0x10] =	vst v2  }
0xce: {  	[tilespmem:s19+$0x0] =	vst v3;
	v2 =	vld [tilespmem:s19+$0x20]  }
0xcf: {  	v1 =	vld.idx.msk [tilespmem:v1+s17+$0x0], $0xffff  }
0xd0: {  	v3 =	vld [tilespmem:s19+$0x30];
	_ =	sdelay $0x3  }
0xd1: {  	v2 =	vmul.f32 v2, v1  }
0xd2: {  	v1 =	vmul.f32 v3, v1  }
0xd3: {  	[tilespmem:s19+$0x20] =	vst v2  }
0xd4: {  	p1 =	seq.s32 s10, $0x26;
	[tilespmem:s19+$0x30] =	vst v1  }
0xd5: {  	[spmem:s3] =	stream.indirect.scatter.add.f32 [tilespmem:s29], [sflag:$0x3], $0x80, s24, s26, $0xb8;
	[tilespmem:$0x1E620] =	vst v63  }
0xd6: {  	s11 =	sadd.s32 @!p1 s15, s11;
	_ =	swait.ge [sflag:s23], $0x4000  }
0xd7: {  	s12 =	sshrl.u32 @!p1 s11, $0x3;
	[sflag:s23] =	ssyncset.done $0x0  }
0xd8: {  	s14 =	simm.s32 @!p1 $0x0;
	s13 =	sadd.s32 @!p1 s5, s12;
	[sflag:s23] =	ssyncadd.s32 $0xFFFFC000  }
0xd9: {  	[tilespmem:s14], [sflag:$0x3] =	stream.linear.gather @!p1 [hbm4b:s13+s14], $0x80, $0x38;
	[tilespmem:$0x1E620] =	vst v63  }
0xda: {  	s13 =	simm.s32 @!p1 $0x3  }
0xdb: {  	_ =	swait.ge @!p1 [sflag:s13], $0x80  }
0xdc: {  	[sflag:s13] =	ssyncset.done @!p1 $0x0  }
0xdd: {  	s12 =	sadd.s32 @!p1 s6, s12;
	s19 =	simm.s32 @!p1 $0x100;
	[sflag:s13] =	ssyncadd.s32 @!p1 $0xFFFFFF80  }
0xde: {  	[tilespmem:s19], [sflag:$0x3] =	stream.linear.gather @!p1 [hbm4b:s12+s14], $0x80, $0x38;
	[tilespmem:$0x1E620] =	vst v63  }
0xdf: {  	s11 =	sshll.u32 @!p1 s11, $0x1;
	_ =	swait.ge @!p1 [sflag:s13], $0x80  }
0xe0: {  	s11 =	sand.u32 @!p1 $0x1FFFFF00, s11;
	[sflag:s13] =	ssyncset.done @!p1 $0x0  }
0xe1: {  	s11 =	sadd.s32 @!p1 s7, s11;
	s12 =	simm.s32 @!p1 $0x200;
	[sflag:s13] =	ssyncadd.s32 @!p1 $0xFFFFFF80  }
0xe2: {  	[tilespmem:s12], [sflag:$0x3] =	stream.linear.gather @!p1 [hbm4b:s11+s14], $0x800, $0x38;
	[tilespmem:$0x1E620] =	vst v63  }
0xe3: {  	_ =	swait.ge @!p1 [sflag:s13], $0x800  }
0xe4: {  	[sflag:s13] =	ssyncset.done @!p1 $0x0  }
0xe5: {  	s11 =	simm.s32 @!p1 $0x80;
	s12 =	simm.s32 @!p1 $0x1200;
	[sflag:s13] =	ssyncadd.s32 @!p1 $0xFFFFF800  }
0xe6: {  	[tilespmem:s12], [sflag:$0x3] =	stream.indirect.gather @!p1 [hbm4b:s8+s11], $0x10, s19, s11, $0xb8;
	[tilespmem:$0x1E620] =	vst v63  }
0xe7: {  	_ =	swait.ge @!p1 [sflag:s13], $0x800  }
0xe8: {  	[sflag:s13] =	ssyncset.done @!p1 $0x0  }
0xe9: {  	s12 =	simm.s32 @!p1 $0x2A20;
	[sflag:s13] =	ssyncadd.s32 @!p1 $0xFFFFF800  }
0xea: {  	[tilespmem:s12], [sflag:$0x1] =	stream.indirect.gather @!p1 [hbm4b:s9+s11], $0x80, s14, s11, $0xb8;
	[tilespmem:$0x1E620] =	vst v63  }
0xeb: {  	_ =	swait.ge [sflag:s18], $0x4000  }
0xec: {  	[sflag:s18] =	ssyncset.done $0x0  }
0xed: {  	s11 =	simm.s32 $0x0;
	[sflag:s18] =	ssyncadd.s32 $0xFFFFC000  }
0xee: {  	v1 =	vld [tilespmem:s11+$0x1A00]  }
0xef: {  	v2 =	vld [tilespmem:s11+$0xA00];
	_ =	sdelay $0x4  }
0xf0: {  	v1 =	vmul.f32 v1, v2;
	_ =	sdelay $0x1  }
0xf1: {  	s13 =	simm.s32 $0x40;
	s12 =	simm.s32 $0x0;
	[tilespmem:$0x2200] =	vst v1;
	v1 =	vld [tilespmem:$0x2A10]  }
.LBB2_7:
0xf2: {  	p1 =	sne.s32 s13, $0x1FC0;
	_ =	sdelay $0x3  }
0xf3: {  	v2 =	vadd.s32 $0x4, v1;
	_ =	sdelay $0x1  }
0xf4: {  	v3 =	vadd.s32 $0x8, v1;
	_ =	sdelay $0x1  }
0xf5: {  	v4 =	vld.idx.msk [tilespmem:v1+s16+$0x0], $0xffff;
	v1 =	vadd.s32 $0xC, v1  }
0xf6: {  	v2 =	vld.idx.msk [tilespmem:v2+s16+$0x0], $0xffff;
	_ =	sdelay $0x1  }
0xf7: {  	v3 =	vld.idx.msk [tilespmem:v3+s16+$0x0], $0xffff;
	_ =	sdelay $0x1  }
0xf8: {  	s14 =	sshra.s32 s13, $0x2;
	v1 =	vld.idx.msk [tilespmem:v1+s16+$0x0], $0xffff  }
0xf9: {  	v5 =	vld [tilespmem:s14+$0x1A00]  }
0xfa: {  	v2 =	vadd.f32 v2, v4;
	v6 =	vld [tilespmem:s14+$0xA00];
	_ =	sdelay $0x1  }
0xfb: {  	v2 =	vadd.f32 v3, v2  }
.Ltmp4:
0xfc: {  	(pc) =	sbr.rel @p1 .LBB2_7-.Ltmp4, $4  }
0xfd: {  	v1 =	vadd.f32 v1, v2  }
0xfe: {  	v2 =	vmul.f32 v5, v6  }
0xff: {  	[tilespmem:s11+$0x2210] =	vst v1;
	s11 =	smov.u32 s14  }
0x100: {  	s13 =	sadd.s32 $0x40, s13;
	[tilespmem:$0x2200] =	vst v2;
	v1 =	vld [tilespmem:$0x2A10]  }
0x101: {  	_ =	sdelay $0x3  }
0x102: {  	v2 =	vadd.s32 $0x4, v1;
	_ =	sdelay $0x1  }
0x103: {  	v3 =	vadd.s32 $0x8, v1;
	_ =	sdelay $0x1  }
0x104: {  	v4 =	vld.idx.msk [tilespmem:v1+s16+$0x0], $0xffff;
	v1 =	vadd.s32 $0xC, v1  }
0x105: {  	v2 =	vld.idx.msk [tilespmem:v2+s16+$0x0], $0xffff;
	_ =	sdelay $0x1  }
0x106: {  	v3 =	vld.idx.msk [tilespmem:v3+s16+$0x0], $0xffff  }
0x107: {  	v5 =	vmov s12  }
0x108: {  	v5 =	vshrl.u32 v5, $0x3;
	v1 =	vld.idx.msk [tilespmem:v1+s16+$0x0], $0xffff  }
0x109: {  	v2 =	vadd.f32 v2, v4;
	v4 =	vshll.u32 v5, v0  }
0x10a: {  	v5 =	vbroadcast v4, $0x0  }
0x10b: {  	v2 =	vadd.f32 v3, v2;
	_ =	sdelay $0x1  }
0x10c: {  	v1 =	vadd.f32 v1, v2;
	_ =	sdelay $0x1  }
0x10d: {  	[tilespmem:s11+$0x2210] =	vst v1  }
0x10e: {  	s11 =	simm.s32 $0x0;
	v1 =	vld.idx.msk [tilespmem:v5+s17+$0x0], $0xffff  }
0x10f: {  	v2 =	vld [tilespmem:s11+$0x6A20]  }
0x110: {  	v3 =	vld [tilespmem:s11+$0x6A30]  }
0x111: {  	v5 =	vadd.s32 $0x1, v4  }
0x112: {  	v5 =	vbroadcast v5, $0x0;
	_ =	sdelay $0x1  }
0x113: {  	v2 =	vmul.f32 v2, v1  }
0x114: {  	v1 =	vmul.f32 v3, v1  }
0x115: {  	[tilespmem:s11+$0x6A20] =	vst v2  }
0x116: {  	[tilespmem:s11+$0x6A30] =	vst v1;
	v2 =	vld [tilespmem:s11+$0x6A40]  }
0x117: {  	v1 =	vld.idx.msk [tilespmem:v5+s17+$0x0], $0xffff  }
0x118: {  	v3 =	vld [tilespmem:s11+$0x6A50]  }
0x119: {  	v5 =	vadd.s32 $0x2, v4  }
0x11a: {  	v5 =	vbroadcast v5, $0x0;
	_ =	sdelay $0x1  }
0x11b: {  	v2 =	vmul.f32 v2, v1  }
0x11c: {  	v1 =	vmul.f32 v3, v1  }
0x11d: {  	[tilespmem:s11+$0x6A40] =	vst v2  }
0x11e: {  	[tilespmem:s11+$0x6A50] =	vst v1;
	v1 =	vld [tilespmem:s11+$0x6A70]  }
0x11f: {  	v2 =	vld.idx.msk [tilespmem:v5+s17+$0x0], $0xffff  }
0x120: {  	v3 =	vld [tilespmem:s11+$0x6A60]  }
0x121: {  	v4 =	vadd.s32 $0x3, v4  }
0x122: {  	v4 =	vbroadcast v4, $0x0;
	_ =	sdelay $0x1  }
0x123: {  	v1 =	vmul.f32 v1, v2  }
0x124: {  	v2 =	vmul.f32 v3, v2  }
0x125: {  	[tilespmem:s11+$0x6A70] =	vst v1  }
0x126: {  	[tilespmem:s11+$0x6A60] =	vst v2;
	v2 =	vld [tilespmem:s11+$0x6A90]  }
0x127: {  	s13 =	simm.s32 $0x10;
	v3 =	vld.idx.msk [tilespmem:v4+s17+$0x0], $0xffff  }
0x128: {  	v1 =	vmov s13;
	v4 =	vld [tilespmem:s11+$0x6A80]  }
0x129: {  	v1 =	vshrl.u32 v1, $0x3  }
0x12a: {  	s12 =	simm.s32 $0x200;
	s14 =	simm.s32 $0x400;
	v1 =	vshll.u32 v1, v0  }
.LBB2_9:
0x12b: {  	p1 =	sne.s32 s14, $0xFE00;
	v5 =	vbroadcast v1, $0x0;
	_ =	sdelay $0x1  }
0x12c: {  	v2 =	vmul.f32 v2, v3;
	v4 =	vmul.f32 v4, v3;
	_ =	sdelay $0x1  }
0x12d: {  	[tilespmem:s11+$0x6A80] =	vst v4  }
0x12e: {  	[tilespmem:s11+$0x6A90] =	vst v2  }
0x12f: {  	s11 =	sshra.s32 s12, $0x2;
	s12 =	smov.u32 s14;
	v2 =	vld.idx.msk [tilespmem:v5+s17+$0x0], $0xffff  }
0x130: {  	v3 =	vld [tilespmem:s11+$0x6A20]  }
0x131: {  	v4 =	vld [tilespmem:s11+$0x6A30]  }
0x132: {  	v5 =	vadd.s32 $0x1, v1  }
0x133: {  	v5 =	vbroadcast v5, $0x0;
	_ =	sdelay $0x1  }
0x134: {  	v3 =	vmul.f32 v3, v2  }
0x135: {  	v2 =	vmul.f32 v4, v2  }
0x136: {  	[tilespmem:s11+$0x6A20] =	vst v3  }
0x137: {  	[tilespmem:s11+$0x6A30] =	vst v2  }
0x138: {  	v2 =	vld.idx.msk [tilespmem:v5+s17+$0x0], $0xffff  }
0x139: {  	v3 =	vld [tilespmem:s11+$0x6A40]  }
0x13a: {  	v4 =	vld [tilespmem:s11+$0x6A50]  }
0x13b: {  	v5 =	vadd.s32 $0x2, v1  }
0x13c: {  	v5 =	vbroadcast v5, $0x0;
	_ =	sdelay $0x1  }
0x13d: {  	v3 =	vmul.f32 v3, v2  }
0x13e: {  	v2 =	vmul.f32 v4, v2  }
0x13f: {  	[tilespmem:s11+$0x6A40] =	vst v3  }
0x140: {  	[tilespmem:s11+$0x6A50] =	vst v2;
	v2 =	vld [tilespmem:s11+$0x6A70]  }
0x141: {  	v3 =	vld.idx.msk [tilespmem:v5+s17+$0x0], $0xffff  }
0x142: {  	v4 =	vld [tilespmem:s11+$0x6A60];
	_ =	sdelay $0x1  }
0x143: {  	v1 =	vadd.s32 $0x3, v1  }
0x144: {  	v1 =	vbroadcast v1, $0x0;
	_ =	sdelay $0x1  }
0x145: {  	v2 =	vmul.f32 v2, v3;
	v4 =	vmul.f32 v4, v3;
	_ =	sdelay $0x1  }
0x146: {  	[tilespmem:s11+$0x6A70] =	vst v2  }
.Ltmp5:
0x147: {  	[tilespmem:s11+$0x6A60] =	vst v4;
	v2 =	vld [tilespmem:s11+$0x6A90];
	(pc) =	sbr.rel @p1 .LBB2_9-.Ltmp5, $4  }
0x148: {  	s13 =	sadd.s32 $0x10, s13;
	v3 =	vld.idx.msk [tilespmem:v1+s17+$0x0], $0xffff  }
0x149: {  	v1 =	vmov s13;
	v4 =	vld [tilespmem:s11+$0x6A80]  }
0x14a: {  	v1 =	vshrl.u32 v1, $0x3  }
0x14b: {  	s14 =	sadd.s32 $0x200, s14;
	v1 =	vshll.u32 v1, v0  }
0x14c: {  	v5 =	vbroadcast v1, $0x0  }
0x14d: {  	v2 =	vmul.f32 v2, v3  }
0x14e: {  	v4 =	vmul.f32 v4, v3  }
0x14f: {  	[tilespmem:s11+$0x6A90] =	vst v2  }
0x150: {  	s19 =	sshra.s32 s12, $0x2;
	[tilespmem:s11+$0x6A80] =	vst v4  }
0x151: {  	v3 =	vld [tilespmem:s19+$0x6A20]  }
0x152: {  	v2 =	vld.idx.msk [tilespmem:v5+s17+$0x0], $0xffff  }
0x153: {  	v4 =	vld [tilespmem:s19+$0x6A30]  }
0x154: {  	v60 =	vadd.s32 $0x1, v1  }
0x155: {  	v5 =	vbroadcast v60, $0x0;
	_ =	sdelay $0x1  }
0x156: {  	v3 =	vmul.f32 v3, v2  }
0x157: {  	v2 =	vmul.f32 v4, v2  }
0x158: {  	[tilespmem:s19+$0x6A20] =	vst v3  }
0x159: {  	[tilespmem:s19+$0x6A30] =	vst v2;
	v3 =	vld [tilespmem:s19+$0x6A40]  }
0x15a: {  	v2 =	vld.idx.msk [tilespmem:v5+s17+$0x0], $0xffff  }
0x15b: {  	v61 =	vld [tilespmem:s19+$0x6A50]  }
0x15c: {  	v62 =	vadd.s32 $0x2, v1  }
0x15d: {  	v5 =	vbroadcast v62, $0x0;
	_ =	sdelay $0x1  }
0x15e: {  	v3 =	vmul.f32 v3, v2  }
0x15f: {  	v2 =	vmul.f32 v61, v2  }
0x160: {  	[tilespmem:s19+$0x6A40] =	vst v3  }
0x161: {  	[tilespmem:s19+$0x6A50] =	vst v2;
	v2 =	vld [tilespmem:s19+$0x6A70]  }
0x162: {  	v3 =	vld.idx.msk [tilespmem:v5+s17+$0x0], $0xffff  }
0x163: {  	v63 =	vld [tilespmem:s19+$0x6A60]  }
0x164: {  	v1 =	vadd.s32 $0x3, v1  }
0x165: {  	v1 =	vbroadcast v1, $0x0;
	_ =	sdelay $0x1  }
0x166: {  	v2 =	vmul.f32 v2, v3  }
0x167: {  	v3 =	vmul.f32 v63, v3  }
0x168: {  	[tilespmem:s19+$0x6A70] =	vst v2  }
0x169: {  	[tilespmem:s19+$0x6A60] =	vst v3;
	v2 =	vld [tilespmem:s19+$0x6A80]  }
0x16a: {  	v1 =	vld.idx.msk [tilespmem:v1+s17+$0x0], $0xffff  }
0x16b: {  	v3 =	vld [tilespmem:s19+$0x6A90];
	_ =	sdelay $0x3  }
0x16c: {  	v2 =	vmul.f32 v2, v1  }
0x16d: {  	s10 =	sadd.s32 $0x1, s10;
	v1 =	vmul.f32 v3, v1  }
0x16e: {  	p1 =	sne.s32 s10, $0x27;
	[tilespmem:s19+$0x6A80] =	vst v2  }
.Ltmp6:
0x16f: {  	[tilespmem:s19+$0x6A90] =	vst v1;
	(pc) =	sbr.rel @p1 .LBB2_2-.Ltmp6, $4  }
0x170: {  	[spmem:s3] =	stream.indirect.scatter.add.f32 [tilespmem:s1], [sflag:$0x3], $0x80, s30, s26, $0xb8;
	[tilespmem:$0x1E620] =	vst v63  }
0x171: {  	_ =	swait.ge [sflag:s23], $0x4000  }
0x172: {  	[sflag:s23] =	ssyncset.done $0x0  }
0x173: {  	[sflag:s23] =	ssyncadd.s32 $0xFFFFC000  }
.Ltmp7:
0x174: {  	(pc) =	sbr.rel @p0 .LBB2_17-.Ltmp7, $1  }
0x175: {  	_ =	sdelay $0x3  }
0x176: {  	s10 =	simm.s32 $0x0;
	s11 =	rddreg [dreg:$0x9]  }
0x177: {  	[tilespmem:s10], [sflag:$0x3] =	stream.linear.gather [hbm4b:s11+s10], $0x80, $0x38;
	[tilespmem:$0x1E620] =	vst v63  }
0x178: {  	_ =	swait.ge [sflag:s23], $0x80  }
0x179: {  	[sflag:s23] =	ssyncset.done $0x0  }
0x17a: {  	s13 =	rddreg [dreg:$0xa];
	[sflag:s23] =	ssyncadd.s32 $0xFFFFFF80  }
0x17b: {  	[tilespmem:s24], [sflag:$0x3] =	stream.linear.gather [hbm4b:s13+s10], $0x80, $0x38;
	[tilespmem:$0x1E620] =	vst v63  }
0x17c: {  	_ =	swait.ge [sflag:s23], $0x80  }
0x17d: {  	[sflag:s23] =	ssyncset.done $0x0  }
0x17e: {  	s12 =	simm.s32 $0x200;
	s14 =	rddreg [dreg:$0xb];
	[sflag:s23] =	ssyncadd.s32 $0xFFFFFF80  }
0x17f: {  	[tilespmem:s12], [sflag:$0x3] =	stream.linear.gather [hbm4b:s14+s10], $0x800, $0x38;
	[tilespmem:$0x1E620] =	vst v63  }
0x180: {  	_ =	swait.ge [sflag:s23], $0x800  }
0x181: {  	[sflag:s23] =	ssyncset.done $0x0  }
0x182: {  	s19 =	simm.s32 $0x1200;
	[sflag:s23] =	ssyncadd.s32 $0xFFFFF800  }
0x183: {  	[tilespmem:s19], [sflag:$0x3] =	stream.indirect.gather [hbm4b:s8+s26], $0x10, s24, s26, $0xb8;
	[tilespmem:$0x1E620] =	vst v63  }
0x184: {  	_ =	swait.ge [sflag:s23], $0x800  }
0x185: {  	[sflag:s23] =	ssyncset.done $0x0  }
0x186: {  	[sflag:s23] =	ssyncadd.s32 $0xFFFFF800  }
0x187: {  	[tilespmem:s29], [sflag:$0x3] =	stream.indirect.gather [hbm4b:s9+s26], $0x80, s10, s26, $0xb8;
	[tilespmem:$0x1E620] =	vst v63  }
0x188: {  	_ =	swait.ge [sflag:s23], $0x4000  }
0x189: {  	[sflag:s23] =	ssyncset.done $0x0  }
0x18a: {  	s11 =	simm.s32 $0x0;
	[sflag:s23] =	ssyncadd.s32 $0xFFFFC000  }
0x18b: {  	v1 =	vld [tilespmem:s11+$0x1200]  }
0x18c: {  	v2 =	vld [tilespmem:s11+$0x200];
	_ =	sdelay $0x4  }
0x18d: {  	v1 =	vmul.f32 v1, v2;
	_ =	sdelay $0x1  }
0x18e: {  	s12 =	simm.s32 $0x40;
	[tilespmem:$0x2200] =	vst v1;
	v1 =	vld [tilespmem:$0x2A10]  }
.LBB2_13:
0x18f: {  	p1 =	sne.s32 s12, $0x1FC0;
	_ =	sdelay $0x3  }
0x190: {  	v2 =	vadd.s32 $0x4, v1;
	_ =	sdelay $0x1  }
0x191: {  	v3 =	vadd.s32 $0x8, v1;
	_ =	sdelay $0x1  }
0x192: {  	v4 =	vld.idx.msk [tilespmem:v1+s16+$0x0], $0xffff;
	v1 =	vadd.s32 $0xC, v1  }
0x193: {  	v2 =	vld.idx.msk [tilespmem:v2+s16+$0x0], $0xffff;
	_ =	sdelay $0x1  }
0x194: {  	v3 =	vld.idx.msk [tilespmem:v3+s16+$0x0], $0xffff;
	_ =	sdelay $0x1  }
0x195: {  	s13 =	sshra.s32 s12, $0x2;
	v1 =	vld.idx.msk [tilespmem:v1+s16+$0x0], $0xffff  }
0x196: {  	v5 =	vld [tilespmem:s13+$0x1200]  }
0x197: {  	v2 =	vadd.f32 v2, v4;
	v6 =	vld [tilespmem:s13+$0x200];
	_ =	sdelay $0x1  }
0x198: {  	v2 =	vadd.f32 v3, v2  }
.Ltmp8:
0x199: {  	(pc) =	sbr.rel @p1 .LBB2_13-.Ltmp8, $4  }
0x19a: {  	v1 =	vadd.f32 v1, v2  }
0x19b: {  	v2 =	vmul.f32 v5, v6  }
0x19c: {  	[tilespmem:s11+$0x2210] =	vst v1;
	s11 =	smov.u32 s13  }
0x19d: {  	s12 =	sadd.s32 $0x40, s12;
	[tilespmem:$0x2200] =	vst v2;
	v1 =	vld [tilespmem:$0x2A10]  }
0x19e: {  	_ =	sdelay $0x3  }
0x19f: {  	v2 =	vadd.s32 $0x4, v1;
	_ =	sdelay $0x1  }
0x1a0: {  	v3 =	vadd.s32 $0x8, v1;
	_ =	sdelay $0x1  }
0x1a1: {  	v4 =	vld.idx.msk [tilespmem:v1+s16+$0x0], $0xffff;
	v1 =	vadd.s32 $0xC, v1  }
0x1a2: {  	v2 =	vld.idx.msk [tilespmem:v2+s16+$0x0], $0xffff;
	_ =	sdelay $0x1  }
0x1a3: {  	v3 =	vld.idx.msk [tilespmem:v3+s16+$0x0], $0xffff  }
0x1a4: {  	v5 =	vmov s10  }
0x1a5: {  	v5 =	vshrl.u32 v5, $0x3;
	v1 =	vld.idx.msk [tilespmem:v1+s16+$0x0], $0xffff  }
0x1a6: {  	v2 =	vadd.f32 v2, v4;
	v4 =	vshll.u32 v5, v0  }
0x1a7: {  	v5 =	vbroadcast v4, $0x0  }
0x1a8: {  	v2 =	vadd.f32 v3, v2;
	_ =	sdelay $0x1  }
0x1a9: {  	v1 =	vadd.f32 v1, v2;
	_ =	sdelay $0x1  }
0x1aa: {  	[tilespmem:s11+$0x2210] =	vst v1  }
0x1ab: {  	s10 =	simm.s32 $0x2A60;
	v1 =	vld.idx.msk [tilespmem:v5+s17+$0x0], $0xffff  }
0x1ac: {  	v2 =	vld [tilespmem:s10+$0xFFFFFFC0]  }
0x1ad: {  	v3 =	vld [tilespmem:s10+$0xFFFFFFD0]  }
0x1ae: {  	v5 =	vadd.s32 $0x1, v4  }
0x1af: {  	v5 =	vbroadcast v5, $0x0;
	_ =	sdelay $0x1  }
0x1b0: {  	v2 =	vmul.f32 v2, v1  }
0x1b1: {  	v1 =	vmul.f32 v3, v1  }
0x1b2: {  	[tilespmem:s10+$0xFFFFFFC0] =	vst v2  }
0x1b3: {  	[tilespmem:s10+$0xFFFFFFD0] =	vst v1;
	v2 =	vld [tilespmem:s10+$0xFFFFFFE0]  }
0x1b4: {  	v1 =	vld.idx.msk [tilespmem:v5+s17+$0x0], $0xffff  }
0x1b5: {  	v3 =	vld [tilespmem:s10+$0xFFFFFFF0]  }
0x1b6: {  	v5 =	vadd.s32 $0x2, v4  }
0x1b7: {  	v5 =	vbroadcast v5, $0x0;
	_ =	sdelay $0x1  }
0x1b8: {  	v2 =	vmul.f32 v2, v1  }
0x1b9: {  	v1 =	vmul.f32 v3, v1  }
0x1ba: {  	[tilespmem:s10+$0xFFFFFFE0] =	vst v2  }
0x1bb: {  	[tilespmem:s10+$0xFFFFFFF0] =	vst v1;
	v1 =	vld [tilespmem:s10+$0x10]  }
0x1bc: {  	v2 =	vld.idx.msk [tilespmem:v5+s17+$0x0], $0xffff  }
0x1bd: {  	v3 =	vld [tilespmem:s10+$0x0]  }
0x1be: {  	v4 =	vadd.s32 $0x3, v4  }
0x1bf: {  	v4 =	vbroadcast v4, $0x0;
	_ =	sdelay $0x1  }
0x1c0: {  	v1 =	vmul.f32 v1, v2  }
0x1c1: {  	v2 =	vmul.f32 v3, v2  }
0x1c2: {  	[tilespmem:s10+$0x10] =	vst v1  }
0x1c3: {  	[tilespmem:s10+$0x0] =	vst v2;
	v2 =	vld [tilespmem:s10+$0x30]  }
0x1c4: {  	s19 =	simm.s32 $0x10;
	v3 =	vld.idx.msk [tilespmem:v4+s17+$0x0], $0xffff  }
0x1c5: {  	v1 =	vmov s19;
	v4 =	vld [tilespmem:s10+$0x20]  }
0x1c6: {  	v1 =	vshrl.u32 v1, $0x3  }
0x1c7: {  	s11 =	simm.s32 $0x20;
	v1 =	vshll.u32 v1, v0  }
.LBB2_15:
0x1c8: {  	p1 =	sne.s32 s11, $0x7F0;
	v5 =	vbroadcast v1, $0x0;
	_ =	sdelay $0x1  }
0x1c9: {  	v2 =	vmul.f32 v2, v3;
	v4 =	vmul.f32 v4, v3;
	_ =	sdelay $0x1  }
0x1ca: {  	[tilespmem:s10+$0x20] =	vst v4  }
0x1cb: {  	[tilespmem:s10+$0x30] =	vst v2  }
0x1cc: {  	s10 =	sadd.s32 $0x80, s10;
	v2 =	vld.idx.msk [tilespmem:v5+s17+$0x0], $0xffff  }
0x1cd: {  	v3 =	vld [tilespmem:s10+$0xFFFFFFC0]  }
0x1ce: {  	v4 =	vld [tilespmem:s10+$0xFFFFFFD0]  }
0x1cf: {  	v5 =	vadd.s32 $0x1, v1  }
0x1d0: {  	v5 =	vbroadcast v5, $0x0;
	_ =	sdelay $0x1  }
0x1d1: {  	v3 =	vmul.f32 v3, v2  }
0x1d2: {  	v2 =	vmul.f32 v4, v2  }
0x1d3: {  	[tilespmem:s10+$0xFFFFFFC0] =	vst v3  }
0x1d4: {  	[tilespmem:s10+$0xFFFFFFD0] =	vst v2  }
0x1d5: {  	v2 =	vld.idx.msk [tilespmem:v5+s17+$0x0], $0xffff  }
0x1d6: {  	v3 =	vld [tilespmem:s10+$0xFFFFFFE0]  }
0x1d7: {  	v4 =	vld [tilespmem:s10+$0xFFFFFFF0]  }
0x1d8: {  	v5 =	vadd.s32 $0x2, v1  }
0x1d9: {  	v5 =	vbroadcast v5, $0x0;
	_ =	sdelay $0x1  }
0x1da: {  	v3 =	vmul.f32 v3, v2  }
0x1db: {  	v2 =	vmul.f32 v4, v2  }
0x1dc: {  	[tilespmem:s10+$0xFFFFFFE0] =	vst v3  }
0x1dd: {  	[tilespmem:s10+$0xFFFFFFF0] =	vst v2;
	v2 =	vld [tilespmem:s10+$0x10]  }
0x1de: {  	v3 =	vld.idx.msk [tilespmem:v5+s17+$0x0], $0xffff  }
0x1df: {  	v4 =	vld [tilespmem:s10+$0x0];
	_ =	sdelay $0x1  }
0x1e0: {  	v1 =	vadd.s32 $0x3, v1  }
0x1e1: {  	v1 =	vbroadcast v1, $0x0;
	_ =	sdelay $0x1  }
0x1e2: {  	v2 =	vmul.f32 v2, v3;
	v4 =	vmul.f32 v4, v3;
	_ =	sdelay $0x1  }
0x1e3: {  	[tilespmem:s10+$0x10] =	vst v2  }
.Ltmp9:
0x1e4: {  	[tilespmem:s10+$0x0] =	vst v4;
	v2 =	vld [tilespmem:s10+$0x30];
	(pc) =	sbr.rel @p1 .LBB2_15-.Ltmp9, $4  }
0x1e5: {  	v3 =	vld.idx.msk [tilespmem:v1+s17+$0x0], $0xffff  }
0x1e6: {  	v1 =	vmov s11;
	v4 =	vld [tilespmem:s10+$0x20]  }
0x1e7: {  	v1 =	vshrl.u32 v1, $0x3  }
0x1e8: {  	s11 =	sadd.s32 $0x10, s11;
	v1 =	vshll.u32 v1, v0  }
0x1e9: {  	v5 =	vbroadcast v1, $0x0;
	_ =	sdelay $0x1  }
0x1ea: {  	v2 =	vmul.f32 v2, v3  }
0x1eb: {  	v4 =	vmul.f32 v4, v3  }
0x1ec: {  	s19 =	sadd.s32 $0x80, s10;
	[tilespmem:s10+$0x30] =	vst v2  }
0x1ed: {  	v3 =	vld [tilespmem:s19+$0xFFFFFFC0];
	[tilespmem:s10+$0x20] =	vst v4  }
0x1ee: {  	v2 =	vld.idx.msk [tilespmem:v5+s17+$0x0], $0xffff  }
0x1ef: {  	v59 =	vld [tilespmem:s19+$0xFFFFFFD0]  }
0x1f0: {  	v60 =	vadd.s32 $0x1, v1  }
0x1f1: {  	v5 =	vbroadcast v60, $0x0;
	_ =	sdelay $0x1  }
0x1f2: {  	v3 =	vmul.f32 v3, v2  }
0x1f3: {  	v2 =	vmul.f32 v59, v2  }
0x1f4: {  	[tilespmem:s19+$0xFFFFFFC0] =	vst v3  }
0x1f5: {  	[tilespmem:s19+$0xFFFFFFD0] =	vst v2;
	v3 =	vld [tilespmem:s19+$0xFFFFFFE0]  }
0x1f6: {  	v2 =	vld.idx.msk [tilespmem:v5+s17+$0x0], $0xffff  }
0x1f7: {  	v61 =	vld [tilespmem:s19+$0xFFFFFFF0]  }
0x1f8: {  	v62 =	vadd.s32 $0x2, v1  }
0x1f9: {  	v5 =	vbroadcast v62, $0x0;
	_ =	sdelay $0x1  }
0x1fa: {  	v3 =	vmul.f32 v3, v2  }
0x1fb: {  	v2 =	vmul.f32 v61, v2  }
0x1fc: {  	[tilespmem:s19+$0xFFFFFFE0] =	vst v3  }
0x1fd: {  	[tilespmem:s19+$0xFFFFFFF0] =	vst v2;
	v2 =	vld [tilespmem:s19+$0x10]  }
0x1fe: {  	v3 =	vld.idx.msk [tilespmem:v5+s17+$0x0], $0xffff  }
0x1ff: {  	v63 =	vld [tilespmem:s19+$0x0]  }
0x200: {  	v1 =	vadd.s32 $0x3, v1  }
0x201: {  	v1 =	vbroadcast v1, $0x0;
	_ =	sdelay $0x1  }
0x202: {  	v2 =	vmul.f32 v2, v3  }
0x203: {  	v3 =	vmul.f32 v63, v3  }
0x204: {  	[tilespmem:s19+$0x10] =	vst v2  }
0x205: {  	[tilespmem:s19+$0x0] =	vst v3;
	v2 =	vld [tilespmem:s19+$0x20]  }
0x206: {  	v1 =	vld.idx.msk [tilespmem:v1+s17+$0x0], $0xffff  }
0x207: {  	v3 =	vld [tilespmem:s19+$0x30];
	_ =	sdelay $0x3  }
0x208: {  	v2 =	vmul.f32 v2, v1  }
0x209: {  	v1 =	vmul.f32 v3, v1  }
0x20a: {  	[tilespmem:s19+$0x20] =	vst v2  }
.Ltmp10:
0x20b: {  	[tilespmem:s19+$0x30] =	vst v1;
	(pc) =	sbr.rel .LBB2_17-.Ltmp10, $4  }
0x20c: {  	[spmem:s3] =	stream.indirect.scatter.add.f32 [tilespmem:s29], [sflag:$0x3], $0x80, s24, s26, $0xb8;
	[tilespmem:$0x1E620] =	vst v63  }
0x20d: {  	_ =	swait.ge [sflag:s23], $0x4000  }
0x20e: {  	[sflag:s23] =	ssyncset.done $0x0  }
0x20f: {  	[sflag:s23] =	ssyncadd.s32 $0xFFFFC000  }
.LBB2_18:
0x210: {  	_ =	sfence.sel $0x180000  }
0x211: {  	[bflag:$0x0] =	sbarrier.arrive $0xFFFF  }
0x212: {  	_ =	strace $0x9000004D  }
0x213: {  	s0 =	stileid.u32;
	[bflag:$0x2] =	sbarrier.arrive $0xFFFF  }
0x214: {  	p0 =	sne.s32 s0, $0x0;
	s0 =	rddreg [dreg:$0x3]  }
0x215: {  	s0 =	sadd.s32 @!p0 $0x100000, s0  }
0x216: {  	[sflag:s0] =	ssyncadd.tile.s32 @!p0 $0x1;
	_ =	shalt  }
.Lfunc_end2:
_tile_overlayer_lowered:
.L_overlay_start_2:
0x217: {  	(tag) =	ssettag $0x2  }
0x218: {  	s0 =	rddreg [dreg:$0x0];
	s2 =	stileid.u32  }
0x219: {  	s1 =	rddreg [dreg:$0x1];
	p0 =	sne.s32 s2, $0x0  }
0x21a: {  	s3 =	rddreg [dreg:$0x2];
	[bflag:$0x3] =	sbarrier.arrive $0xFFFF;
	s2 =	simm.s32 @!p0 $0x1C03  }
0x21b: {  	[timem:s3], [sflag:s2] =	dma.local @!p0 [hbm:s0], s1  }
0x21c: {  	s0 =	simm.s32 @!p0 $0x3  }
0x21d: {  	_ =	swait.ge @!p0 [sflag:s0], s1  }
0x21e: {  	s1 =	ssub.s32 @!p0 $0x0, s1;
	[sflag:s0] =	ssyncset.done @!p0 $0x0  }
0x21f: {  	[sflag:s0] =	ssyncadd.s32 @!p0 s1  }
0x220: {  	[bflag:$0x3] =	sbarrier.arrive $0xFFFF  }
0x221: {  	_ =	shalt  }

// kernel: kernel.7.cloned.1.call-start
scs
__scs_entry_jumppad:
0x0: {  	(pc) =	sbr.rel $0x88, $3  }
0x1: {  	(tag) =	ssettag $0x0;
	lr =	simm.s32 $0x1  }
0x2: {  	[smem:$0x3F9A] =	sst lr;
	_ =	strace $0xD0000000  }
0x3: {  	_ = 	snop  }
0x4: {  	_ = 	snop  }
0x5: {  	_ = 	snop  }
0x6: {  	_ = 	snop  }
0x7: {  	_ = 	snop  }
__scs_overlays_trampoline_lowered:
0x8: {  	[smem:$0x3FA9] =	sst s0  }
0x9: {  	[smem:$0x3FAA] =	sst s1  }
0xa: {  	[smem:$0x3FAB] =	sst s2  }
0xb: {  	[smem:$0x3FAC] =	sst s3  }
0xc: {  	[smem:$0x3FAD] =	sst s4  }
0xd: {  	[smem:$0x3FAE] =	sst s5  }
0xe: {  	[smem:$0x3FAF] =	sst s6  }
0xf: {  	[smem:$0x3FB0] =	sst s7  }
0x10: {  	[smem:$0x3FB1] =	sst s8  }
0x11: {  	[smem:$0x3FB2] =	sst s9;
	s0 =	simm.s32 @!p0 $0x0  }
0x12: {  	s1 =	sld [smem:$0x3F98];
	s0 =	simm.s32 @p0 $0x1  }
0x13: {  	[smem:$0x3FB3] =	sst s0;
	s0 =	simm.s32 @!p1 $0x0  }
0x14: {  	s2 =	sld [smem:$0x3F97];
	s0 =	simm.s32 @p1 $0x1  }
0x15: {  	[smem:$0x3FB4] =	sst s0;
	s0 =	simm.s32 @!p2 $0x0  }
0x16: {  	s3 =	sld [smem:$0x3FDB];
	s0 =	simm.s32 @p2 $0x1  }
0x17: {  	s4 =	simm.s32 $0x1BF5;
	[smem:$0x3FB6] =	sst s0  }
0x18: {  	s0 =	sld [smem:$0x3F99];
	_ =	swait.ge [sflag:s4], $0x0  }
0x19: {  	s7 =	sld [smem:$0x3F9A]  }
0x1a: {  	s8 =	sadd.s32 $0xFFFFE003, lr  }
0x1b: {  	s9 =	sadd.s32 $0xFFFFFEF7, lr;
	s5 =	simm.s32 $0xFFFFFFFF;
	p2 =	slt.u32 s8, $0xFFFFF086  }
0x1c: {  	p1 =	slt.u32 s9, $0xF7A;
	s5 =	simm.s32 @!p2 $0x0  }
0x1d: {  	s5 =	simm.s32 @p1 $0x1;
	p0 =	seq.s32 s7, s2  }
0x1e: {  	s7 =	smul.u32 @!p0 $0xF7A, s2;
	p2 =	seq.s32 @!p0 s5, $0x0  }
0x1f: {  	s9 =	smul.u32 $0xF7A, s1;
	s8 =	simm.s32 @!p0 $0x1BF5;
	p2 =	por !p2, p0  }
0x20: {  	[sflag:s8] =	ssyncset.s32 @!p0 $0xFFFFF086;
	s6 =	sadd.s32 @!p0 s3, s7;
	s7 =	simm.s32 @!p0 $0x108  }
0x21: {  	s3 =	sadd.s32 s3, s9;
	s6 =	sadd.s32 @!p0 $0x88, s6;
	s7 =	simm.s32 @p2 $0x1082  }
0x22: {  	[simem:s7], [sflag:s8] =	dma.local @!p0 [hbm:s6], $0xF7A  }
0x23: {  	s9 =	sor.u32 $0xD0000000, s2;
	s6 =	simm.s32 $0x108;
	_ =	swait.ge @!p0 [sflag:s8], $0x0  }
0x24: {  	s3 =	sadd.s32 $0x88, s3;
	s6 =	simm.s32 @!p1 $0x1082;
	[sflag:s4] =	ssyncset.s32 $0xFFFFF086  }
0x25: {  	[simem:s6], [sflag:s4] =	dma.local [hbm:s3], $0xF7A  }
0x26: {  	[smem:$0x3F9A] =	sst s1;
	(tag) =	ssettag s2;
	_ =	strace s9  }
0x27: {  	s1 =	sld [smem:$0x3FAA]  }
0x28: {  	s2 =	sld [smem:$0x3FAB]  }
0x29: {  	s4 =	sld [smem:$0x3FAD]  }
0x2a: {  	p0 =	seq.s32 s5, $0x0;
	s5 =	sld [smem:$0x3FAE]  }
0x2b: {  	s6 =	sld [smem:$0x3FAF]  }
0x2c: {  	s7 =	sld [smem:$0x3FB0]  }
0x2d: {  	s3 =	simm.s32 $0x108;
	s8 =	sld [smem:$0x3FB1]  }
0x2e: {  	s3 =	simm.s32 @!p0 $0x1082;
	s9 =	sld [smem:$0x3FB2]  }
0x2f: {  	lr =	sadd.s32 s0, s3;
	s0 =	sld [smem:$0x3FA9]  }
0x30: {  	s3 =	sld [smem:$0x3FAC]  }
0x31: {  	[smem:$0x3FB5] =	sst s10  }
0x32: {  	s10 =	sld [smem:$0x3FB3];
	_ =	sdelay $0x3  }
0x33: {  	p0 =	seq.s32 s10, $0x1;
	s10 =	sld [smem:$0x3FB5];
	_ =	sdelay $0x3  }
0x34: {  	[smem:$0x3FB5] =	sst s10  }
0x35: {  	s10 =	sld [smem:$0x3FB4];
	_ =	sdelay $0x3  }
0x36: {  	p1 =	seq.s32 s10, $0x1;
	s10 =	sld [smem:$0x3FB5];
	_ =	sdelay $0x3  }
0x37: {  	[smem:$0x3FB5] =	sst s10  }
0x38: {  	s10 =	sld [smem:$0x3FB6]  }
0x39: {  	_ = 	snop;
	(pc) =	sbr.ind lr, $3  }
0x3a: {  	_ = 	snop  }
0x3b: {  	_ = 	snop  }
0x3c: {  	p2 =	seq.s32 s10, $0x1;
	s10 =	sld [smem:$0x3FB5]  }
0x3d: {  	_ =	shalt  }
0x3e: {  	_ =	shalt  }
0x3f: {  	_ =	shalt  }
0x40: {  	_ =	shalt  }
0x41: {  	_ =	shalt  }
0x42: {  	_ =	shalt  }
0x43: {  	_ =	shalt  }
0x44: {  	_ =	shalt  }
0x45: {  	_ =	shalt  }
0x46: {  	_ =	shalt  }
0x47: {  	_ =	shalt  }
0x48: {  	_ =	shalt  }
0x49: {  	_ =	shalt  }
0x4a: {  	_ =	shalt  }
0x4b: {  	_ =	shalt  }
0x4c: {  	_ =	shalt  }
0x4d: {  	_ =	shalt  }
0x4e: {  	_ =	shalt  }
0x4f: {  	_ =	shalt  }
0x50: {  	_ =	shalt  }
0x51: {  	_ =	shalt  }
0x52: {  	_ =	shalt  }
0x53: {  	_ =	shalt  }
0x54: {  	_ =	shalt  }
0x55: {  	_ =	shalt  }
0x56: {  	_ =	shalt  }
0x57: {  	_ =	shalt  }
0x58: {  	_ =	shalt  }
0x59: {  	_ =	shalt  }
0x5a: {  	_ =	shalt  }
0x5b: {  	_ =	shalt  }
0x5c: {  	_ =	shalt  }
0x5d: {  	_ =	shalt  }
0x5e: {  	_ =	shalt  }
0x5f: {  	_ =	shalt  }
0x60: {  	_ =	shalt  }
0x61: {  	_ =	shalt  }
0x62: {  	_ =	shalt  }
0x63: {  	_ =	shalt  }
0x64: {  	_ =	shalt  }
0x65: {  	_ =	shalt  }
0x66: {  	_ =	shalt  }
0x67: {  	_ =	shalt  }
0x68: {  	_ =	shalt  }
0x69: {  	_ =	shalt  }
0x6a: {  	_ =	shalt  }
0x6b: {  	_ =	shalt  }
0x6c: {  	_ =	shalt  }
0x6d: {  	_ =	shalt  }
0x6e: {  	_ =	shalt  }
0x6f: {  	_ =	shalt  }
0x70: {  	_ =	shalt  }
0x71: {  	_ =	shalt  }
0x72: {  	_ =	shalt  }
0x73: {  	_ =	shalt  }
0x74: {  	_ =	shalt  }
0x75: {  	_ =	shalt  }
0x76: {  	_ =	shalt  }
0x77: {  	_ =	shalt  }
0x78: {  	_ =	shalt  }
0x79: {  	_ =	shalt  }
0x7a: {  	_ =	shalt  }
0x7b: {  	_ =	shalt  }
0x7c: {  	_ =	shalt  }
0x7d: {  	_ =	shalt  }
0x7e: {  	_ =	shalt  }
0x7f: {  	_ =	shalt  }
0x80: {  	_ =	shalt  }
0x81: {  	_ =	shalt  }
0x82: {  	_ =	shalt  }
0x83: {  	_ =	shalt  }
0x84: {  	_ =	shalt  }
0x85: {  	_ =	shalt  }
0x86: {  	_ =	shalt  }
0x87: {  	_ =	shalt  }
.Lfunc_end0:
.L_simem_size_0:
called_computation_lowered:
.L_overlay_start_0:
0x88: {  	s2 =	sld [smem:$0x3FD9]  }
0x89: {  	s3 =	sld [smem:$0x3FFE];
	_ =	sdelay $0x1  }
0x8a: {  	s1 =	srdreg.scid  }
0x8b: {  	s0 =	sand.u32 $0x1, s1  }
0x8c: {  	s17 =	sshll.u32 s0, $0xA;
	s2 =	sadd.s32 s3, s2  }
0x8d: {  	s2 =	sadd.s32 s2, s17  }
0x8e: {  	[smem:$0x3FC1] =	sst s2  }
0x8f: {  	_ = 	snop  }
0x90: {  	s2 =	sld [smem:$0x3FC7]  }
0x91: {  	s18 =	sld [smem:$0x3FD0];
	(tm) =	ssettm $0x1  }
0x92: {  	s4 =	sld [smem:$0x3FFB];
	_ =	sdelay $0x3  }
0x93: {  	_ =	strace s4  }
0x94: {  	s4 =	sld [smem:$0x3FFC];
	_ =	sdelay $0x3  }
0x95: {  	_ =	strace s4  }
0x96: {  	s4 =	sld [smem:$0x3FFD];
	_ =	sdelay $0x3  }
0x97: {  	_ =	strace s4  }
0x98: {  	_ =	strace $0x8FFFFFFF  }
0x99: {  	s19 =	sld [smem:$0x3FDB];
	_ =	sdelay $0x1  }
0x9a: {  	s5 =	simm.s32 $_scs_section_size  }
0x9b: {  	s6 =	simm.s32 $_size__tile_overlayer_lowered;
	s7 =	simm.s32 $_tile_overlayer_lowered  }
0x9c: {  	s22 =	simm.s32 $0x1BFF;
	s21 =	sshll.u32 s7, $0x1;
	s4 =	sadd.s32 s5, s19  }
0x9d: {  	s8 =	simm.s32 $0x0;
	s20 =	sshll.u32 s6, $0x1;
	s6 =	sadd.s32 s21, s4  }
0x9e: {  	[timem:s8], [sflag:s22] =	dma.local [hbm:s6], s20  }
0x9f: {  	_ =	swait.ge [sflag:s22], s20  }
0xa0: {  	s5 =	ssub.s32 $0x0, s20;
	[sflag:s22] =	ssyncset.done $0x0  }
0xa1: {  	[sflag:s22] =	ssyncadd.s32 s5;
	_ =	sdelay $0x1  }
0xa2: {  	s23 =	simm.s32 $0x1B8B  }
0xa3: {  	_ =	swait.ge [sflag:s23], $0x1  }
0xa4: {  	[sflag:s23] =	ssyncset.done $0x0  }
0xa5: {  	s25 =	simm.s32 $0x1B8E;
	s24 =	sld [smem:$0x3FFE];
	[sflag:s23] =	ssyncadd.s32 $0xFFFFFFFF  }
0xa6: {  	s26 =	simm.s32 $execute0_lowered;
	[smem:$0x3FD2] =	sst s25  }
0xa7: {  	s6 =	sshll.u32 s26, $0x1;
	_ =	strace $0x80000046;
	[dreg:$0x1] =	wrdreg $0xFFFFFFFF  }
0xa8: {  	s28 =	simm.s32 $_size_execute0_lowered;
	s4 =	sadd.s32 s4, s6;
	[dreg:$0x0] =	wrdreg $0x0  }
0xa9: {  	s6 =	sshll.u32 s28, $0x1;
	[dreg:$0x2] =	wrdreg s4  }
0xaa: {  	[dreg:$0x3] =	wrdreg s6  }
0xab: {  	[dreg:$0x4] =	wrdreg $0xC0  }
0xac: {  	_ =	task [dreg:s8], $0x5FFFF  }
0xad: {  	[dreg:$0x1] =	wrdreg $0xFFFFFFFF  }
0xae: {  	[dreg:$0x0] =	wrdreg $0x60  }
0xaf: {  	[dreg:$0x2] =	wrdreg s24  }
0xb0: {  	[dreg:$0x3] =	wrdreg s2  }
0xb1: {  	[dreg:$0x4] =	wrdreg s18  }
0xb2: {  	[dreg:$0x5] =	wrdreg $0x33300  }
0xb3: {  	[dreg:$0x6] =	wrdreg $0x9  }
0xb4: {  	_ =	task.clear_ibuf [dreg:s8], $0x7FFFF;
	_ =	strace $0x90000046  }
0xb5: {  	s29 =	simm.s32 $0x9;
	_ =	strace $0x80000048  }
0xb6: {  	_ =	swait.ge [sflag:s29], $0x1  }
0xb7: {  	[sflag:s29] =	ssyncadd.s32 $0xFFFFFFFF  }
0xb8: {  	_ =	strace $0x90000048  }
0xb9: {  	_ =	sfence  }
0xba: {  	s30 =	sld [smem:$0x0];
	_ =	sdelay $0x2  }
0xbb: {  	s31 =	sshll.u32 s1, $0xD;
	s1 =	sshrl.u32 s1, $0x2  }
0xbc: {  	s3 =	sand.u32 $0x4000, s31;
	s1 =	sadd.s32 s1, s30  }
0xbd: {  	s0 =	sor.u32 s3, s0;
	s1 =	sshll.u32 s1, $0x11  }
0xbe: {  	s0 =	sor.u32 s1, s0  }
0xbf: {  	s0 =	sadd.s32 $0x8F2B, s0  }
0xc0: {  	[sflag:s0] =	ssyncadd.remote.s32 $0x1  }
0xc1: {  	_ =	sfence.sel $0xFFFF  }
0xc2: {  	[dreg:$0x0] =	wrdreg $0xFFFFFFFF;
	(pc) =	sbr.abs _section_cstart, $3  }
0xc3: {  	[dreg:$0x1] =	wrdreg $0xFFFFFFFF  }
0xc4: {  	_ =	task.clear_ibuf [dreg:s8], $0x2FFFF;
	_ =	strace $0x9FFFFFFF  }
0xc5: {  	(tm) =	ssettm $0x7FFFFFFF  }
tec
execute0_lowered:
.L_overlay_start_1:
0x0: {  	(tag) =	ssettag $0x1  }
0x1: {  	s0 =	rddreg [dreg:$0x0]  }
0x2: {  	s1 =	rddreg [dreg:$0x1]  }
0x3: {  	s7 =	rddreg [dreg:$0x2]  }
0x4: {  	s2 =	rddreg [dreg:$0x3]  }
0x5: {  	s3 =	simm.s32 $0x0;
	s16 =	srdreg.scid;
	s15 =	stileid.u32  }
0x6: {  	s29 =	simm.s32 $0x80;
	s28 =	simm.s32 $0xB20;
	s30 =	simm.s32 $0x0  }
0x7: {  	[smem:$0x7FF] =	sst s3;
	s4 =	sadd.s32 $0x1C00, s0;
	s5 =	sadd.s32 $0xBA00, s0  }
0x8: {  	s6 =	sadd.s32 $0xB1C00, s0;
	s8 =	sadd.s32 $0xB6C00, s0;
	s9 =	sadd.s32 $0xBBC00, s0  }
0x9: {  	s10 =	sadd.s32 $0xBBE00, s0;
	s13 =	smul.u32 $0x2780, s15;
	s0 =	sadd.s32 $0xBC400, s0  }
0xa: {  	_ =	strace $0x80000047;
	[dreg:$0x5] =	wrdreg s9;
	s9 =	sand.u32 $0x1, s16  }
0xb: {  	[dreg:$0x6] =	wrdreg s10;
	s17 =	ssub.s32 $0x2, s9;
	s11 =	sshll.u32 s9, $0x4  }
0xc: {  	s18 =	sadd.s32 s13, s2;
	s9 =	smul.u32 $0x27800, s9;
	s12 =	sshrl.u32 s17, $0x1  }
0xd: {  	s11 =	sor.u32 s15, s11;
	[dreg:$0x7] =	wrdreg s18;
	s15 =	sshll.u32 s15, $0x7  }
0xe: {  	s18 =	simm.s32 $0x1B20;
	s10 =	ssub.s32 s17, s12;
	s12 =	sshll.u32 s11, $0x4  }
0xf: {  	s21 =	sshll.u32 s11, $0x8;
	s22 =	sor.u32 $0x4E000, s15;
	s9 =	sadd.s32 s13, s9  }
0x10: {  	p0 =	sgt.u32 s11, $0x3;
	s14 =	sadd.s32 s4, s12;
	s19 =	sadd.s32 s5, s12  }
0x11: {  	s20 =	sadd.s32 s1, s12;
	s16 =	sor.u32 $0x400, s12;
	s17 =	sadd.s32 s0, s21  }
0x12: {  	s15 =	sshrl.u32 s22, $0x3;
	s24 =	sshrl.u32 s9, $0x3;
	[dreg:$0x8] =	wrdreg s14  }
0x13: {  	s31 =	smax.u32 s10, $0x1;
	s21 =	simm.s32 $0x2;
	[dreg:$0x9] =	wrdreg s19  }
0x14: {  	[dreg:$0xa] =	wrdreg s20;
	s14 =	sshll.u32 s22, $0x1;
	s23 =	sadd.s32 s4, s15  }
0x15: {  	s25 =	sadd.s32 s5, s15;
	s26 =	sadd.s32 s1, s15;
	[dreg:$0x10] =	wrdreg s31  }
.Ltmp0:
0x16: {  	s19 =	simm.s32 $0x1;
	[dreg:$0xb] =	wrdreg s23;
	(pc) =	sbr.rel .LBB2_1-.Ltmp0, $4  }
0x17: {  	s20 =	simm.s32 $0x2320;
	s0 =	sadd.s32 s0, s14;
	[dreg:$0xd] =	wrdreg s25  }
0x18: {  	[dreg:$0xe] =	wrdreg s26;
	s25 =	simm.s32 $0x3;
	s26 =	simm.s32 $0x100  }
0x19: {  	[dreg:$0xc] =	wrdreg s0;
	s0 =	sadd.s32 s7, s24;
	s24 =	simm.s32 $0x290  }
0x1a: {  	s7 =	simm.s32 $0x2B20;
	[dreg:$0xf] =	wrdreg s0;
	s0 =	simm.s32 $0x180  }
.LBB2_11:
0x1b: {  	[bflag:$0x0] =	sbarrier.arrive $0xFFFF  }
0x1c: {  	s10 =	rddreg [dreg:$0xf]  }
0x1d: {  	[hbm:s10], [sflag:s31] =	dma.local [spmem:s9], $0x4F0  }
0x1e: {  	_ =	swait.ge [sflag:s25], $0x4F0  }
0x1f: {  	s30 =	sadd.s32 $0x1, s30;
	s31 =	rddreg [dreg:$0x10]  }
0x20: {  	p1 =	sne.s32 s30, s31  }
.Ltmp1:
0x21: {  	_ = 	snop;
	(pc) =	sbr.rel @!p1 .LBB2_12-.Ltmp1, $3  }
0x22: {  	_ =	sdelay $0x1  }
0x23: {  	[sflag:s25] =	ssyncset.done $0x0  }
0x24: {  	[sflag:s25] =	ssyncadd.s32 $0xFFFFFB10  }
.LBB2_1:
0x25: {  	s9 =	rddreg [dreg:$0x5];
	s10 =	simm.s32 $0x3320;
	s23 =	stileid.u32  }
0x26: {  	[tilespmem:s10], [sflag:$0x3] =	stream.linear.gather [hbm4b:s9+s3], $0x10, $0x38;
	[tilespmem:$0x5AB0] =	vst v63  }
0x27: {  	s9 =	sshll.u32 s23, $0x6;
	_ =	swait.ge [sflag:s25], $0x10  }
0x28: {  	s31 =	sor.u32 $0x1C03, s9;
	[sflag:s25] =	ssyncset.done $0x0;
	s10 =	rddreg [dreg:$0x7]  }
0x29: {  	s11 =	rddreg [dreg:$0x6];
	[sflag:s25] =	ssyncadd.s32 $0xFFFFFFF0;
	s9 =	sshrl.u32 s10, $0x3  }
0x2a: {  	[spmem:s9], [sflag:s31] =	dma.local [hbm:s11], $0x4F0  }
0x2b: {  	_ =	swait.ge [sflag:s25], $0x4F0  }
0x2c: {  	[sflag:s25] =	ssyncset.done $0x0  }
0x2d: {  	[sflag:s25] =	ssyncadd.s32 $0xFFFFFB10  }
0x2e: {  	[bflag:$0x0] =	sbarrier.arrive $0xFFFF  }
0x2f: {  	s13 =	rddreg [dreg:$0x8]  }
0x30: {  	[tilespmem:s3], [sflag:$0x3] =	stream.linear.gather [hbm4b:s13+s3], $0x80, $0x38;
	[tilespmem:$0x5AB0] =	vst v63  }
0x31: {  	_ =	swait.ge [sflag:s25], $0x80  }
0x32: {  	[sflag:s25] =	ssyncset.done $0x0  }
0x33: {  	s14 =	rddreg [dreg:$0x9];
	[sflag:s25] =	ssyncadd.s32 $0xFFFFFF80  }
0x34: {  	[tilespmem:s26], [sflag:$0x3] =	stream.linear.gather [hbm4b:s14+s3], $0x80, $0x38;
	[tilespmem:$0x5AB0] =	vst v63  }
0x35: {  	_ =	swait.ge [sflag:s25], $0x80  }
0x36: {  	[sflag:s25] =	ssyncset.done $0x0  }
0x37: {  	s11 =	simm.s32 $0x200;
	s15 =	rddreg [dreg:$0xa];
	[sflag:s25] =	ssyncadd.s32 $0xFFFFFF80  }
0x38: {  	[tilespmem:s11], [sflag:$0x3] =	stream.linear.gather [hbm4b:s15+s3], $0x80, $0x38;
	[tilespmem:$0x5AB0] =	vst v63  }
0x39: {  	_ =	swait.ge [sflag:s25], $0x80  }
0x3a: {  	[sflag:s25] =	ssyncset.done $0x0  }
0x3b: {  	s22 =	simm.s32 $0x320;
	[sflag:s25] =	ssyncadd.s32 $0xFFFFFF80  }
0x3c: {  	[tilespmem:s22], [sflag:$0x1] =	stream.indirect.gather [hbm4b:s6+s29], $0x10, s3, s29, $0xb8;
	[tilespmem:$0x5AB0] =	vst v63  }
0x3d: {  	s23 =	simm.s32 $0x1320;
	s10 =	simm.s32 $0x0  }
0x3e: {  	[tilespmem:s23], [sflag:$0x1] =	stream.indirect.gather [hbm4b:s8+s29], $0x10, s26, s29, $0xb8;
	[tilespmem:$0x5AB0] =	vst v63  }
.LBB2_2:
0x3f: {  	s11 =	sshllo.u32 s10, $0x1  }
0x40: {  	s13 =	sshll.u32 s11, $0x9  }
0x41: {  	s13 =	sor.u32 s12, s13  }
0x42: {  	s15 =	simm.s32 $0x0;
	s14 =	sadd.s32 s4, s13  }
0x43: {  	[tilespmem:s29], [sflag:$0x3] =	stream.linear.gather [hbm4b:s14+s15], $0x80, $0x38;
	[tilespmem:$0x5AB0] =	vst v63  }
0x44: {  	_ =	swait.ge [sflag:s25], $0x80  }
0x45: {  	[sflag:s25] =	ssyncset.done $0x0  }
0x46: {  	s23 =	sadd.s32 s5, s13;
	[sflag:s25] =	ssyncadd.s32 $0xFFFFFF80  }
0x47: {  	[tilespmem:s0], [sflag:$0x3] =	stream.linear.gather [hbm4b:s23+s15], $0x80, $0x38;
	[tilespmem:$0x5AB0] =	vst v63  }
0x48: {  	_ =	swait.ge [sflag:s25], $0x80  }
0x49: {  	[sflag:s25] =	ssyncset.done $0x0  }
0x4a: {  	s13 =	sadd.s32 s1, s13;
	[sflag:s25] =	ssyncadd.s32 $0xFFFFFF80  }
0x4b: {  	[tilespmem:s24], [sflag:$0x3] =	stream.linear.gather [hbm4b:s13+s15], $0x80, $0x38;
	[tilespmem:$0x5AB0] =	vst v63  }
0x4c: {  	_ =	swait.ge [sflag:s25], $0x80  }
0x4d: {  	[sflag:s25] =	ssyncset.done $0x0  }
0x4e: {  	[sflag:s25] =	ssyncadd.s32 $0xFFFFFF80  }
0x4f: {  	[tilespmem:s28], [sflag:$0x2] =	stream.indirect.gather [hbm4b:s6+s29], $0x10, s29, s29, $0xb8;
	[tilespmem:$0x5AB0] =	vst v63  }
0x50: {  	_ = 	snop  }
0x51: {  	[tilespmem:s18], [sflag:$0x2] =	stream.indirect.gather [hbm4b:s8+s29], $0x10, s0, s29, $0xb8;
	[tilespmem:$0x5AB0] =	vst v63  }
0x52: {  	_ =	swait.ge [sflag:s19], $0x800  }
0x53: {  	[sflag:s19] =	ssyncset.done $0x0  }
0x54: {  	[sflag:s19] =	ssyncadd.s32 $0xFFFFF800  }
0x55: {  	_ =	swait.ge [sflag:s19], $0x800  }
0x56: {  	[sflag:s19] =	ssyncset.done $0x0  }
0x57: {  	s15 =	simm.s32 $0x0;
	[sflag:s19] =	ssyncadd.s32 $0xFFFFF800  }
0x58: {  	v0 =	vld [tilespmem:s15+$0x320]  }
0x59: {  	v1 =	vld [tilespmem:s15+$0x1320];
	_ =	sdelay $0x4  }
0x5a: {  	v0 =	vadd.f32 v1, v0;
	_ =	sdelay $0x1  }
0x5b: {  	s13 =	simm.s32 $0x10;
	v3 =	vmul.f32 $2.000000030e-01, v0  }
0x5c: {  	v2 =	vld [tilespmem:s13+$0x320]  }
0x5d: {  	v1 =	vld [tilespmem:s13+$0x1320];
	v3 =	vmax.f32 v0, v3  }
0x5e: {  	v3 =	vmul.f32 $1.442695020e+00, v3;
	_ =	sdelay $0x1  }
0x5f: {  	(erf) = vpow2.f32 v3;
	_ =	sdelay $0x1  }
0x60: {  	v2 =	vadd.f32 v1, v2  }
0x61: {  	s22 =	simm.s32 $0x200;
	v0 =	vld [tilespmem:$0x3320]  }
0x62: {  	s14 =	simm.s32 $0x20;
	v1 =	vld.msk [tilespmem:s22+$0x0 ss:$0x0], $0xffff;
	v4 =	vmul.f32 $2.000000030e-01, v2  }
0x63: {  	s23 =	simm.s32 $0xC0;
	v3 =	vld [tilespmem:s14+$0x320]  }
.LBB2_3:
0x64: {  	p1 =	sne.s32 s23, $0x1FC0;
	v5 =	vld [tilespmem:s14+$0x1320];
	v2 =	vmax.f32 v2, v4  }
0x65: {  	v2 =	vmul.f32 $1.442695020e+00, v2;
	_ =	sdelay $0x1  }
0x66: {  	vm0 =	veq.s32 v0, v1;
	(erf) = vpow2.f32 v2;
	v1 =	vpop (erf)  }
.Ltmp2:
0x67: {  	v1 =	vnsel vm0, $0x0, v1;
	(pc) =	sbr.rel @p1 .LBB2_3-.Ltmp2, $4  }
0x68: {  	s22 =	sadd.s32 $0x1, s22;
	v2 =	vadd.f32 v5, v3;
	[tilespmem:s15+$0x2320] =	vst v1;
	s15 =	smov.u32 s13;
	s13 =	smov.u32 s14  }
0x69: {  	v1 =	vld.msk [tilespmem:s22+$0x0 ss:$0x0], $0xffff  }
0x6a: {  	s14 =	sshra.s32 s23, $0x2;
	v4 =	vmul.f32 $2.000000030e-01, v2  }
0x6b: {  	s23 =	sadd.s32 $0x40, s23;
	v3 =	vld [tilespmem:s14+$0x320]  }
0x6c: {  	v5 =	vld [tilespmem:s14+$0x1320];
	_ =	sdelay $0x1  }
0x6d: {  	v2 =	vmax.f32 v2, v4  }
0x6e: {  	v2 =	vmul.f32 $1.442695020e+00, v2;
	_ =	sdelay $0x1  }
0x6f: {  	vm0 =	veq.s32 v0, v1;
	(erf) = vpow2.f32 v2;
	v1 =	vpop (erf);
	v2 =	vadd.f32 v5, v3  }
0x70: {  	v1 =	vnsel vm0, $0x0, v1  }
0x71: {  	[tilespmem:s15+$0x2320] =	vst v1;
	v1 =	vmul.f32 $2.000000030e-01, v2  }
0x72: {  	s23 =	sadd.s32 $0x1, s22  }
0x73: {  	v3 =	vld.msk [tilespmem:s23+$0x0 ss:$0x0], $0xffff;
	v1 =	vmax.f32 v2, v1  }
0x74: {  	v1 =	vmul.f32 $1.442695020e+00, v1;
	_ =	sdelay $0x2  }
0x75: {  	(erf) = vpow2.f32 v1  }
0x76: {  	vm14 =	veq.s32 v0, v3;
	v1 =	vpop (erf)  }
0x77: {  	v1 =	vnsel vm14, $0x0, v1  }
0x78: {  	s22 =	sadd.s32 $0x1, s23;
	[tilespmem:s13+$0x2320] =	vst v1  }
0x79: {  	v1 =	vld.msk [tilespmem:s22+$0x0 ss:$0x0], $0xffff;
	_ =	sdelay $0x4  }
0x7a: {  	vm15 =	veq.s32 v0, v1;
	v0 =	vpop (erf)  }
0x7b: {  	s23 =	sshll.u32 s10, $0xE;
	v0 =	vnsel vm15, $0x0, v0  }
0x7c: {  	s13 =	sadd.s32 s23, s17;
	[tilespmem:s14+$0x2320] =	vst v0  }
0x7d: {  	[hbm4b:s13+s3] =	stream.linear.scatter [tilespmem:s20], [sflag:$0x3], $0x800, $0x38;
	[tilespmem:$0x5AB0] =	vst v63  }
0x7e: {  	_ =	swait.ge [sflag:s25], $0x800  }
0x7f: {  	[sflag:s25] =	ssyncset.done $0x0  }
0x80: {  	p1 =	seq.s32 s10, $0x26;
	[sflag:s25] =	ssyncadd.s32 $0xFFFFF800  }
0x81: {  	[spmem:s2] =	stream.indirect.scatter.add.f32 [tilespmem:s20], [sflag:$0x3], $0x10, s26, s29, $0xb8;
	[tilespmem:$0x5AB0] =	vst v63  }
0x82: {  	s13 =	sshll.u32 @!p1 s10, $0xA;
	_ =	swait.ge [sflag:s25], $0x800  }
0x83: {  	s13 =	sadd.s32 @!p1 s16, s13;
	[sflag:s25] =	ssyncset.done $0x0  }
0x84: {  	s15 =	simm.s32 @!p1 $0x0;
	s14 =	sadd.s32 @!p1 s4, s13;
	[sflag:s25] =	ssyncadd.s32 $0xFFFFF800  }
0x85: {  	[tilespmem:s15], [sflag:$0x3] =	stream.linear.gather @!p1 [hbm4b:s14+s15], $0x80, $0x38;
	[tilespmem:$0x5AB0] =	vst v63  }
0x86: {  	s14 =	simm.s32 @!p1 $0x3  }
0x87: {  	_ =	swait.ge @!p1 [sflag:s14], $0x80  }
0x88: {  	[sflag:s14] =	ssyncset.done @!p1 $0x0  }
0x89: {  	s23 =	simm.s32 @!p1 $0x100;
	s22 =	sadd.s32 @!p1 s5, s13;
	[sflag:s14] =	ssyncadd.s32 @!p1 $0xFFFFFF80  }
0x8a: {  	[tilespmem:s23], [sflag:$0x3] =	stream.linear.gather @!p1 [hbm4b:s22+s15], $0x80, $0x38;
	[tilespmem:$0x5AB0] =	vst v63  }
0x8b: {  	_ =	swait.ge @!p1 [sflag:s14], $0x80  }
0x8c: {  	[sflag:s14] =	ssyncset.done @!p1 $0x0  }
0x8d: {  	s13 =	sadd.s32 @!p1 s1, s13;
	s22 =	simm.s32 @!p1 $0x200;
	[sflag:s14] =	ssyncadd.s32 @!p1 $0xFFFFFF80  }
0x8e: {  	[tilespmem:s22], [sflag:$0x3] =	stream.linear.gather @!p1 [hbm4b:s13+s15], $0x80, $0x38;
	[tilespmem:$0x5AB0] =	vst v63  }
0x8f: {  	_ =	swait.ge @!p1 [sflag:s14], $0x80  }
0x90: {  	[sflag:s14] =	ssyncset.done @!p1 $0x0  }
0x91: {  	s13 =	simm.s32 @!p1 $0x80;
	[sflag:s14] =	ssyncadd.s32 @!p1 $0xFFFFFF80;
	s14 =	simm.s32 @!p1 $0x320  }
0x92: {  	[tilespmem:s14], [sflag:$0x1] =	stream.indirect.gather @!p1 [hbm4b:s6+s13], $0x10, s15, s13, $0xb8;
	[tilespmem:$0x5AB0] =	vst v63  }
0x93: {  	s14 =	simm.s32 @!p1 $0x1320  }
0x94: {  	[tilespmem:s14], [sflag:$0x1] =	stream.indirect.gather @!p1 [hbm4b:s8+s13], $0x10, s23, s13, $0xb8;
	[tilespmem:$0x5AB0] =	vst v63  }
0x95: {  	_ =	swait.ge [sflag:s21], $0x800  }
0x96: {  	[sflag:s21] =	ssyncset.done $0x0  }
0x97: {  	[sflag:s21] =	ssyncadd.s32 $0xFFFFF800  }
0x98: {  	_ =	swait.ge [sflag:s21], $0x800  }
0x99: {  	[sflag:s21] =	ssyncset.done $0x0  }
0x9a: {  	s15 =	simm.s32 $0x0;
	[sflag:s21] =	ssyncadd.s32 $0xFFFFF800  }
0x9b: {  	v0 =	vld [tilespmem:s15+$0xB20]  }
0x9c: {  	v1 =	vld [tilespmem:s15+$0x1B20];
	_ =	sdelay $0x4  }
0x9d: {  	v0 =	vadd.f32 v1, v0;
	_ =	sdelay $0x1  }
0x9e: {  	s13 =	simm.s32 $0x10;
	v3 =	vmul.f32 $2.000000030e-01, v0  }
0x9f: {  	v2 =	vld [tilespmem:s13+$0xB20]  }
0xa0: {  	v1 =	vld [tilespmem:s13+$0x1B20];
	v3 =	vmax.f32 v0, v3  }
0xa1: {  	v3 =	vmul.f32 $1.442695020e+00, v3;
	_ =	sdelay $0x1  }
0xa2: {  	(erf) = vpow2.f32 v3;
	_ =	sdelay $0x1  }
0xa3: {  	v2 =	vadd.f32 v1, v2  }
0xa4: {  	s22 =	simm.s32 $0x290;
	v0 =	vld [tilespmem:$0x3320]  }
0xa5: {  	s14 =	simm.s32 $0x20;
	v1 =	vld.msk [tilespmem:s22+$0x0 ss:$0x0], $0xffff;
	v4 =	vmul.f32 $2.000000030e-01, v2  }
0xa6: {  	s23 =	simm.s32 $0xC0;
	v3 =	vld [tilespmem:s14+$0xB20]  }
.LBB2_5:
0xa7: {  	p1 =	sne.s32 s23, $0x1FC0;
	v5 =	vld [tilespmem:s14+$0x1B20];
	v2 =	vmax.f32 v2, v4  }
0xa8: {  	v2 =	vmul.f32 $1.442695020e+00, v2;
	_ =	sdelay $0x1  }
0xa9: {  	vm0 =	veq.s32 v0, v1;
	(erf) = vpow2.f32 v2;
	v1 =	vpop (erf)  }
.Ltmp3:
0xaa: {  	v1 =	vnsel vm0, $0x0, v1;
	(pc) =	sbr.rel @p1 .LBB2_5-.Ltmp3, $4  }
0xab: {  	s22 =	sadd.s32 $0x1, s22;
	v2 =	vadd.f32 v5, v3;
	[tilespmem:s15+$0x2B20] =	vst v1;
	s15 =	smov.u32 s13;
	s13 =	smov.u32 s14  }
0xac: {  	v1 =	vld.msk [tilespmem:s22+$0x0 ss:$0x0], $0xffff  }
0xad: {  	s14 =	sshra.s32 s23, $0x2;
	v4 =	vmul.f32 $2.000000030e-01, v2  }
0xae: {  	s23 =	sadd.s32 $0x40, s23;
	v3 =	vld [tilespmem:s14+$0xB20]  }
0xaf: {  	v5 =	vld [tilespmem:s14+$0x1B20]  }
0xb0: {  	v2 =	vmax.f32 v2, v4  }
0xb1: {  	v2 =	vmul.f32 $1.442695020e+00, v2;
	_ =	sdelay $0x1  }
0xb2: {  	(erf) = vpow2.f32 v2  }
0xb3: {  	vm0 =	veq.s32 v0, v1;
	v58 =	vpop (erf);
	v59 =	vadd.f32 v5, v3  }
0xb4: {  	v1 =	vnsel vm0, $0x0, v58  }
0xb5: {  	s22 =	sadd.s32 $0x1, s22;
	[tilespmem:s15+$0x2B20] =	vst v1;
	v60 =	vmul.f32 $2.000000030e-01, v59  }
0xb6: {  	v61 =	vld.msk [tilespmem:s22+$0x0 ss:$0x0], $0xffff  }
0xb7: {  	v1 =	vmax.f32 v59, v60  }
0xb8: {  	v1 =	vmul.f32 $1.442695020e+00, v1;
	_ =	sdelay $0x1  }
0xb9: {  	(erf) = vpow2.f32 v1  }
0xba: {  	vm14 =	veq.s32 v0, v61;
	v62 =	vpop (erf)  }
0xbb: {  	v1 =	vnsel vm14, $0x0, v62  }
0xbc: {  	s23 =	sadd.s32 $0x1, s22;
	[tilespmem:s13+$0x2B20] =	vst v1  }
0xbd: {  	v1 =	vld.msk [tilespmem:s23+$0x0 ss:$0x0], $0xffff;
	_ =	sdelay $0x4  }
0xbe: {  	vm15 =	veq.s32 v0, v1;
	v63 =	vpop (erf)  }
0xbf: {  	s11 =	sshll.u32 s11, $0xD;
	v0 =	vnsel vm15, $0x0, v63  }
0xc0: {  	s11 =	sadd.s32 s11, s17;
	[tilespmem:s14+$0x2B20] =	vst v0  }
0xc1: {  	[hbm4b:s11+s3] =	stream.linear.scatter [tilespmem:s7], [sflag:$0x3], $0x800, $0x38;
	[tilespmem:$0x5AB0] =	vst v63  }
0xc2: {  	s10 =	sadd.s32 $0x1, s10;
	_ =	swait.ge [sflag:s25], $0x800  }
0xc3: {  	p1 =	sne.s32 s10, $0x27;
	[sflag:s25] =	ssyncset.done $0x0  }
.Ltmp4:
0xc4: {  	[sflag:s25] =	ssyncadd.s32 $0xFFFFF800;
	(pc) =	sbr.rel @p1 .LBB2_2-.Ltmp4, $4  }
0xc5: {  	[spmem:s2] =	stream.indirect.scatter.add.f32 [tilespmem:s7], [sflag:$0x3], $0x10, s0, s29, $0xb8;
	[tilespmem:$0x5AB0] =	vst v63  }
0xc6: {  	_ =	swait.ge [sflag:s25], $0x800  }
0xc7: {  	[sflag:s25] =	ssyncset.done $0x0  }
0xc8: {  	[sflag:s25] =	ssyncadd.s32 $0xFFFFF800  }
.Ltmp5:
0xc9: {  	(pc) =	sbr.rel @p0 .LBB2_11-.Ltmp5, $1  }
0xca: {  	_ =	sdelay $0x3  }
0xcb: {  	s11 =	simm.s32 $0x0;
	s10 =	rddreg [dreg:$0xb]  }
0xcc: {  	[tilespmem:s11], [sflag:$0x3] =	stream.linear.gather [hbm4b:s10+s11], $0x80, $0x38;
	[tilespmem:$0x5AB0] =	vst v63  }
0xcd: {  	_ =	swait.ge [sflag:s25], $0x80  }
0xce: {  	[sflag:s25] =	ssyncset.done $0x0  }
0xcf: {  	s15 =	rddreg [dreg:$0xd];
	[sflag:s25] =	ssyncadd.s32 $0xFFFFFF80  }
0xd0: {  	[tilespmem:s26], [sflag:$0x3] =	stream.linear.gather [hbm4b:s15+s11], $0x80, $0x38;
	[tilespmem:$0x5AB0] =	vst v63  }
0xd1: {  	_ =	swait.ge [sflag:s25], $0x80  }
0xd2: {  	[sflag:s25] =	ssyncset.done $0x0  }
0xd3: {  	s10 =	simm.s32 $0x200;
	s13 =	rddreg [dreg:$0xe];
	[sflag:s25] =	ssyncadd.s32 $0xFFFFFF80  }
0xd4: {  	[tilespmem:s10], [sflag:$0x3] =	stream.linear.gather [hbm4b:s13+s11], $0x80, $0x38;
	[tilespmem:$0x5AB0] =	vst v63  }
0xd5: {  	_ =	swait.ge [sflag:s25], $0x80  }
0xd6: {  	[sflag:s25] =	ssyncset.done $0x0  }
0xd7: {  	s22 =	simm.s32 $0x320;
	[sflag:s25] =	ssyncadd.s32 $0xFFFFFF80  }
0xd8: {  	[tilespmem:s22], [sflag:$0x3] =	stream.indirect.gather [hbm4b:s6+s29], $0x10, s11, s29, $0xb8;
	[tilespmem:$0x5AB0] =	vst v63  }
0xd9: {  	_ =	swait.ge [sflag:s25], $0x800  }
0xda: {  	[sflag:s25] =	ssyncset.done $0x0  }
0xdb: {  	s23 =	simm.s32 $0x1320;
	[sflag:s25] =	ssyncadd.s32 $0xFFFFF800  }
0xdc: {  	[tilespmem:s23], [sflag:$0x3] =	stream.indirect.gather [hbm4b:s8+s29], $0x10, s26, s29, $0xb8;
	[tilespmem:$0x5AB0] =	vst v63  }
0xdd: {  	_ =	swait.ge [sflag:s25], $0x800  }
0xde: {  	[sflag:s25] =	ssyncset.done $0x0  }
0xdf: {  	s14 =	simm.s32 $0x0;
	[sflag:s25] =	ssyncadd.s32 $0xFFFFF800  }
0xe0: {  	v0 =	vld [tilespmem:s14+$0x320]  }
0xe1: {  	v1 =	vld [tilespmem:s14+$0x1320];
	_ =	sdelay $0x4  }
0xe2: {  	v0 =	vadd.f32 v1, v0;
	_ =	sdelay $0x1  }
0xe3: {  	s11 =	simm.s32 $0x10;
	v3 =	vmul.f32 $2.000000030e-01, v0  }
0xe4: {  	v2 =	vld [tilespmem:s11+$0x320]  }
0xe5: {  	v1 =	vld [tilespmem:s11+$0x1320];
	v3 =	vmax.f32 v0, v3  }
0xe6: {  	v3 =	vmul.f32 $1.442695020e+00, v3;
	_ =	sdelay $0x1  }
0xe7: {  	(erf) = vpow2.f32 v3;
	_ =	sdelay $0x1  }
0xe8: {  	v2 =	vadd.f32 v1, v2  }
0xe9: {  	v0 =	vld [tilespmem:$0x3320]  }
0xea: {  	s13 =	simm.s32 $0x20;
	v1 =	vld.msk [tilespmem:s10+$0x0 ss:$0x0], $0xffff;
	v4 =	vmul.f32 $2.000000030e-01, v2  }
0xeb: {  	s15 =	simm.s32 $0xC0;
	v3 =	vld [tilespmem:s13+$0x320]  }
.LBB2_9:
0xec: {  	p1 =	sne.s32 s15, $0x1FC0;
	v5 =	vld [tilespmem:s13+$0x1320];
	v2 =	vmax.f32 v2, v4  }
0xed: {  	v2 =	vmul.f32 $1.442695020e+00, v2;
	_ =	sdelay $0x1  }
0xee: {  	vm0 =	veq.s32 v0, v1;
	(erf) = vpow2.f32 v2;
	v1 =	vpop (erf)  }
.Ltmp6:
0xef: {  	v1 =	vnsel vm0, $0x0, v1;
	(pc) =	sbr.rel @p1 .LBB2_9-.Ltmp6, $4  }
0xf0: {  	s10 =	sadd.s32 $0x1, s10;
	v2 =	vadd.f32 v5, v3;
	[tilespmem:s14+$0x2320] =	vst v1;
	s14 =	smov.u32 s11;
	s11 =	smov.u32 s13  }
0xf1: {  	v1 =	vld.msk [tilespmem:s10+$0x0 ss:$0x0], $0xffff  }
0xf2: {  	s13 =	sshra.s32 s15, $0x2;
	v4 =	vmul.f32 $2.000000030e-01, v2  }
0xf3: {  	s15 =	sadd.s32 $0x40, s15;
	v3 =	vld [tilespmem:s13+$0x320]  }
0xf4: {  	v5 =	vld [tilespmem:s13+$0x1320]  }
0xf5: {  	v2 =	vmax.f32 v2, v4  }
0xf6: {  	v2 =	vmul.f32 $1.442695020e+00, v2;
	_ =	sdelay $0x1  }
0xf7: {  	(erf) = vpow2.f32 v2  }
0xf8: {  	vm0 =	veq.s32 v0, v1;
	v58 =	vpop (erf);
	v59 =	vadd.f32 v5, v3  }
0xf9: {  	v1 =	vnsel vm0, $0x0, v58  }
0xfa: {  	s10 =	sadd.s32 $0x1, s10;
	[tilespmem:s14+$0x2320] =	vst v1;
	v60 =	vmul.f32 $2.000000030e-01, v59  }
0xfb: {  	v61 =	vld.msk [tilespmem:s10+$0x0 ss:$0x0], $0xffff  }
0xfc: {  	v1 =	vmax.f32 v59, v60  }
0xfd: {  	v1 =	vmul.f32 $1.442695020e+00, v1;
	_ =	sdelay $0x1  }
0xfe: {  	(erf) = vpow2.f32 v1  }
0xff: {  	vm14 =	veq.s32 v0, v61;
	v62 =	vpop (erf)  }
0x100: {  	v1 =	vnsel vm14, $0x0, v62  }
0x101: {  	s10 =	sadd.s32 $0x1, s10;
	[tilespmem:s11+$0x2320] =	vst v1  }
0x102: {  	v1 =	vld.msk [tilespmem:s10+$0x0 ss:$0x0], $0xffff;
	_ =	sdelay $0x4  }
0x103: {  	vm15 =	veq.s32 v0, v1;
	v63 =	vpop (erf)  }
0x104: {  	v0 =	vnsel vm15, $0x0, v63  }
0x105: {  	s23 =	rddreg [dreg:$0xc];
	[tilespmem:s13+$0x2320] =	vst v0  }
0x106: {  	[hbm4b:s23+s3] =	stream.linear.scatter [tilespmem:s20], [sflag:$0x3], $0x800, $0x38;
	[tilespmem:$0x5AB0] =	vst v63  }
0x107: {  	_ =	swait.ge [sflag:s25], $0x800  }
0x108: {  	[sflag:s25] =	ssyncset.done $0x0  }
.Ltmp7:
0x109: {  	[sflag:s25] =	ssyncadd.s32 $0xFFFFF800;
	(pc) =	sbr.rel .LBB2_11-.Ltmp7, $4  }
0x10a: {  	[spmem:s2] =	stream.indirect.scatter.add.f32 [tilespmem:s20], [sflag:$0x3], $0x10, s26, s29, $0xb8;
	[tilespmem:$0x5AB0] =	vst v63  }
0x10b: {  	_ =	swait.ge [sflag:s25], $0x800  }
0x10c: {  	[sflag:s25] =	ssyncset.done $0x0  }
0x10d: {  	[sflag:s25] =	ssyncadd.s32 $0xFFFFF800  }
.LBB2_12:
0x10e: {  	_ =	sfence.sel $0x180000  }
0x10f: {  	[bflag:$0x0] =	sbarrier.arrive $0xFFFF  }
0x110: {  	_ =	strace $0x90000047  }
0x111: {  	s0 =	stileid.u32;
	[bflag:$0x2] =	sbarrier.arrive $0xFFFF  }
0x112: {  	p0 =	sne.s32 s0, $0x0;
	s0 =	rddreg [dreg:$0x4]  }
0x113: {  	s0 =	sadd.s32 @!p0 $0x100000, s0  }
0x114: {  	[sflag:s0] =	ssyncadd.tile.s32 @!p0 $0x1;
	_ =	shalt  }
.Lfunc_end2:
_tile_overlayer_lowered:
.L_overlay_start_2:
0x115: {  	(tag) =	ssettag $0x2  }
0x116: {  	s0 =	rddreg [dreg:$0x0];
	s2 =	stileid.u32  }
0x117: {  	s1 =	rddreg [dreg:$0x1];
	p0 =	sne.s32 s2, $0x0  }
0x118: {  	s3 =	rddreg [dreg:$0x2];
	[bflag:$0x3] =	sbarrier.arrive $0xFFFF;
	s2 =	simm.s32 @!p0 $0x1C03  }
0x119: {  	[timem:s3], [sflag:s2] =	dma.local @!p0 [hbm:s0], s1  }
0x11a: {  	s0 =	simm.s32 @!p0 $0x3  }
0x11b: {  	_ =	swait.ge @!p0 [sflag:s0], s1  }
0x11c: {  	s1 =	ssub.s32 @!p0 $0x0, s1;
	[sflag:s0] =	ssyncset.done @!p0 $0x0  }
0x11d: {  	[sflag:s0] =	ssyncadd.s32 @!p0 s1  }
0x11e: {  	[bflag:$0x3] =	sbarrier.arrive $0xFFFF  }
0x11f: {  	_ =	shalt  }

</sc_bundles>
